<compile_context>
chip_gen: v7x
topology: tpu7x:2x2x1
jax: 0.10.2.dev20260603
libtpu: 0.0.44.dev20260713+nightly
codegen_flags: <defaults>
</compile_context>

<pallas_src>
import jax
import jax.numpy as jnp
from jax import lax
from jax.experimental import pallas as pl
from jax.experimental.pallas import tpu as pltpu
from jax.experimental.pallas import tpu_sc as plsc

N = 100000
B = 256
D = 128
W = 64
BN = 12800
NBLK = 8
NEG = -1e30

NTILES = 32
CH = 3200
NPAD = NTILES * CH
PADID = 300
HB = 320


def _leaky(x):
    return jnp.where(x >= 0, x, 0.1 * x)



def _hist_body(ids_hbm, out_hbm, ids_v, hist_v, sum_v, shared_v):
    c = lax.axis_index("c")
    s = lax.axis_index("s")
    wid = s * 2 + c
    pltpu.sync_copy(ids_hbm.at[pl.ds(wid * CH, CH)], ids_v)
    zero = jnp.zeros((16,), jnp.float32)
    for k in range(16 * HB // 16):
        hist_v[pl.ds(k * 16, 16)] = zero
    laneoff = lax.broadcasted_iota(jnp.int32, (16,), 0) * HB
    ones = jnp.ones((16,), jnp.float32)

    def step(k, carry):
        idx = ids_v[pl.ds(k * 16, 16)] + laneoff
        plsc.addupdate_scatter(hist_v, [idx], ones)
        return carry

    lax.fori_loop(0, CH // 16, step, 0)
    for k in range(HB // 16):
        acc = hist_v[pl.ds(k * 16, 16)]
        for r in range(1, 16):
            acc = acc + hist_v[pl.ds(r * HB + k * 16, 16)]
        sum_v[pl.ds(k * 16, 16)] = acc
    pltpu.sync_copy(sum_v, shared_v.at[pl.ds(s * HB, HB)])
    plsc.subcore_barrier()

    @pl.when(s == 0)
    def _():
        pltpu.sync_copy(shared_v, hist_v)
        for k in range(B // 16):
            acc = hist_v[pl.ds(k * 16, 16)]
            for r in range(1, 16):
                acc = acc + hist_v[pl.ds(r * HB + k * 16, 16)]
            sum_v[pl.ds(k * 16, 16)] = acc
        pltpu.sync_copy(sum_v.at[pl.ds(0, B)], out_hbm.at[c])


def _sc_counts(ids_pad):
    mesh = plsc.VectorSubcoreMesh(core_axis_name="c", subcore_axis_name="s")
    return pl.kernel(
        _hist_body,
        out_type=jax.ShapeDtypeStruct((2, B), jnp.float32),
        mesh=mesh,
        scratch_types=[
            pltpu.VMEM((CH,), jnp.int32),
            pltpu.VMEM((16 * HB,), jnp.float32),
            pltpu.VMEM((HB,), jnp.float32),
            pltpu.VMEM_SHARED((16 * HB,), jnp.float32),
        ],
        compiler_params=pltpu.CompilerParams(needs_layout_passes=False),
    )(ids_pad)



def _main_body(wft_ref, ids_ref, feats_ref, w1t_ref, w2_ref,
               acc_ref, den_ref, v_ref, tmax_ref):
    i = pl.program_id(0)

    @pl.when(i == 0)
    def _():
        v_ref[...] = lax.dot_general(w2_ref[...], w1t_ref[...],
                                     (((1,), (1,)), ((), ())),
                                     preferred_element_type=jnp.float32)

    t = lax.dot_general(v_ref[...], wft_ref[...], (((1,), (0,)), ((), ())),
                        preferred_element_type=jnp.float32)
    t = _leaky(t)
    colvalid = (lax.broadcasted_iota(jnp.int32, (1, BN), 1) + i * BN) < N
    t = jnp.where(colvalid, t, NEG)
    m_old = jnp.where(i == 0, NEG, tmax_ref[0])
    m_new = jnp.maximum(m_old, jnp.max(t))
    tmax_ref[0] = m_new
    factor = jnp.exp(m_old - m_new)
    e = jnp.exp(t - m_new)
    ids = ids_ref[0, 0, :].reshape(1, BN)
    oh = lax.broadcasted_iota(jnp.int32, (B, BN), 0) == ids
    w = jnp.where(oh, e, 0.0)
    rowvalid = (lax.broadcasted_iota(jnp.int32, (BN, D), 0) + i * BN) < N
    f_bf = jnp.where(rowvalid, feats_ref[...], 0.0).astype(jnp.bfloat16)
    bacc = lax.dot_general(w.astype(jnp.bfloat16), f_bf,
                           (((1,), (0,)), ((), ())),
                           preferred_element_type=jnp.float32)
    bden = jnp.sum(w, axis=1, keepdims=True)
    first = i == 0
    acc_ref[...] = jnp.where(first, bacc, acc_ref[...] * factor + bacc)
    den_ref[...] = jnp.where(first, bden, den_ref[...] * factor + bden)



def _epi_body(acc_ref, den_ref, cnt2_ref, out_ref):
    cnt = lax.dot_general(cnt2_ref[...], jnp.ones((2, 1), jnp.float32),
                          (((0,), (0,)), ((), ())),
                          preferred_element_type=jnp.float32)
    mean_nodes = float(N) / float(B)
    scale = mean_nodes / (jnp.maximum(den_ref[...], 1e-30)
                          * jnp.maximum(cnt, 1.0))
    out_ref[...] = _leaky(acc_ref[...] * scale)


def kernel(node_feats, weights_feats, segment_ids, W1, W2):
    ids32 = segment_ids.astype(jnp.int32)
    ids_pad = jnp.concatenate(
        [ids32, jnp.full((NPAD - N,), PADID, jnp.int32)])
    cnt2 = _sc_counts(ids_pad)
    ids3 = ids_pad.reshape(NBLK, 1, BN)

    acc, den = pl.pallas_call(
        _main_body,
        grid=(NBLK,),
        in_specs=[
            pl.BlockSpec((W, BN), lambda i: (0, i)),
            pl.BlockSpec((1, 1, BN), lambda i: (i, 0, 0)),
            pl.BlockSpec((BN, D), lambda i: (i, 0)),
            pl.BlockSpec((W, 2 * W), lambda i: (0, 0)),
            pl.BlockSpec((1, 2 * W), lambda i: (0, 0)),
        ],
        out_specs=[
            pl.BlockSpec((B, D), lambda i: (0, 0)),
            pl.BlockSpec((B, 1), lambda i: (0, 0)),
        ],
        out_shape=[
            jax.ShapeDtypeStruct((B, D), jnp.float32),
            jax.ShapeDtypeStruct((B, 1), jnp.float32),
        ],
        scratch_shapes=[
            pltpu.VMEM((1, W), jnp.float32),
            pltpu.SMEM((1,), jnp.float32),
        ],
        compiler_params=pltpu.CompilerParams(
            fuse_transposed_lhs_in_matmul=True),
    )(weights_feats.T, ids3, node_feats, W1.T, W2)

    out = pl.pallas_call(
        _epi_body,
        in_specs=[
            pl.BlockSpec((B, D), lambda: (0, 0)),
            pl.BlockSpec((B, 1), lambda: (0, 0)),
            pl.BlockSpec((2, B), lambda: (0, 0)),
        ],
        out_specs=pl.BlockSpec((B, D), lambda: (0, 0)),
        out_shape=jax.ShapeDtypeStruct((B, D), jnp.float32),
    )(acc, den, cnt2)

    return out

# --- scband reference (transcript-rebuilt; emitter-appended) ---
"""Pipeline reference for scband-gatweighted-sp-21062519620285 (READ-ONLY COPY).

The authoritative reference and input builder live on the scoring server;
editing this copy changes nothing except your own understanding.
"""

import jax, jax.numpy as jnp
import numpy as np

N_NODES = 100000
N_GRAPHS = 256
D_FEAT = 128
W_DIM = 64

def leaky_relu(x, slope=0.1):
    return jnp.where(x >= 0, x, slope * x)

def setup_inputs(seed: int = 0) -> dict:
    key = jax.random.key(seed)
    k1, k2, k3, k4, k5 = jax.random.split(key, 5)
    node_feats = jax.random.normal(k1, (N_NODES, D_FEAT), dtype=jnp.float32)
    weights_feats = jax.random.normal(k2, (N_NODES, W_DIM), dtype=jnp.float32)
    segment_ids = jnp.sort(jax.random.randint(k3, (N_NODES,), 0, N_GRAPHS, dtype=jnp.int64))
    # GATNodeWeigher params: readout_fc: Linear(W_DIM, 2*W_DIM, bias=False) -> weight [2*W_DIM, W_DIM]
    W1 = jax.random.normal(k4, (2 * W_DIM, W_DIM), dtype=jnp.float32) * (1.0 / np.sqrt(W_DIM))
    # readout_attn_fc: Linear(2*W_DIM, 1, bias=False) -> weight [1, 2*W_DIM]
    W2 = jax.random.normal(k5, (1, 2 * W_DIM), dtype=jnp.float32) * (1.0 / np.sqrt(2 * W_DIM))
    return {"node_feats": node_feats, "weights_feats": weights_feats, "segment_ids": segment_ids, "W1": W1, "W2": W2}

def reference(node_feats, weights_feats, segment_ids, W1, W2):
    B = N_GRAPHS
    # --- GATNodeWeigher ---
    out = weights_feats @ W1.T                      # [N, 2*W_DIM]
    tmp = leaky_relu(out @ W2.T, 0.1)[:, 0]         # [N]
    # dgl.softmax_nodes: softmax over nodes within each graph
    seg_max = jax.ops.segment_max(tmp, segment_ids, num_segments=B)  # [B]
    z = jnp.exp(tmp - seg_max[segment_ids])
    denom = jax.ops.segment_sum(z, segment_ids, num_segments=B)
    sm = z / denom[segment_ids]                     # [N]
    counts = jax.ops.segment_sum(jnp.ones((node_feats.shape[0],), dtype=jnp.float32), segment_ids, num_segments=B)
    mean_num_nodes = jnp.mean(counts)               # mean(batch_num_nodes)
    node_weights = (sm * mean_num_nodes)[:, None]   # [N, 1]
    # --- weighted mean_nodes readout ---
    weighted = node_feats * node_weights            # [N, D_FEAT]
    summed = jax.ops.segment_sum(weighted, segment_ids, num_segments=B)  # [B, D_FEAT]
    readout = summed / jnp.maximum(counts, 1.0)[:, None]
    # LeakyReLU(0.1) then dropout(p=0) == identity
    return leaky_relu(readout, 0.1)

if __name__ == "__main__":
    import jax
    _d = setup_inputs()
    print(jax.jit(kernel)(*tuple(_d.values())))

</pallas_src>

<mosaic_0001>
#map = affine_map<(d0, d1) -> (0)>
#map1 = affine_map<(d0, d1) -> (0, 0)>
module attributes {stable_mosaic.version = 14 : i64} {
  func.func @_hist_body(%arg0: i32, %arg1: i32, %arg2: memref<102400xi32, #tpu.memory_space<hbm>>, %arg3: memref<2x256xf32, #tpu.memory_space<hbm>>, %arg4: memref<3200xi32, #tpu.memory_space<vmem>>, %arg5: memref<5120xf32, #tpu.memory_space<vmem>>, %arg6: memref<320xf32, #tpu.memory_space<vmem>>, %arg7: memref<5120xf32, #tpu.memory_space<vmem_shared>>) attributes {dimension_semantics = [#tpu.dimension_semantics<core_parallel>, #tpu.dimension_semantics<subcore_parallel>], iteration_bounds = array<i64: 2, 16>, scalar_prefetch = 0 : i64, scratch_operands = 4 : i64, tpu.core_type = #tpu.core_type<sc_vector_subcore>, window_params = [{transform_indices = #map}, {transform_indices = #map1}]} {
    %mul3A = arith.constant 2 : i32
    %mul3A_0 = arith.muli %arg1, %mul3A : i32
    %add3A = arith.addi %mul3A_0, %arg0 : i32
    %mul3A_1 = arith.constant 3200 : i32
    %mul3A_2 = arith.muli %add3A, %mul3A_1 : i32
    "tpu.region"() ({
      %run_scoped3A = tpu.sem_alloc : memref<!tpu.dma_semaphore, #tpu.memory_space<semaphore_mem>>
      %dma_start3A = tpu.memref_slice %arg2[%mul3A_2] : memref<102400xi32, #tpu.memory_space<hbm>> -> memref<3200xi32, #tpu.memory_space<hbm>>
      %dma_start3A_1636 = tpu.memref_slice %arg2[%mul3A_2] : memref<102400xi32, #tpu.memory_space<hbm>> -> memref<3200xi32, #tpu.memory_space<hbm>>
      tpu.enqueue_dma source(%dma_start3A_1636 : memref<3200xi32, #tpu.memory_space<hbm>>) target(%arg4 : memref<3200xi32, #tpu.memory_space<vmem>>) target_semaphore(%run_scoped3A : memref<!tpu.dma_semaphore, #tpu.memory_space<semaphore_mem>>)
      %dma_wait3A = tpu.memref_slice %arg2[%mul3A_2] : memref<102400xi32, #tpu.memory_space<hbm>> -> memref<3200xi32, #tpu.memory_space<hbm>>
      %dma_wait3A_1637 = tpu.memref_slice %arg2[%mul3A_2] : memref<102400xi32, #tpu.memory_space<hbm>> -> memref<3200xi32, #tpu.memory_space<hbm>>
      tpu.wait_dma2 semaphore(%run_scoped3A : memref<!tpu.dma_semaphore, #tpu.memory_space<semaphore_mem>>) src(%dma_wait3A_1637 : memref<3200xi32, #tpu.memory_space<hbm>>) dst(%arg4 : memref<3200xi32, #tpu.memory_space<vmem>>)
      tpu.yield
    }) : () -> ()
    %broadcast_in_dim3A = arith.constant 0.000000e+00 : f32
    %broadcast_in_dim3A_3 = vector.broadcast %broadcast_in_dim3A : f32 to vector<16xf32>
    %swap3A = arith.constant 0 : index
    %swap3A_4 = tpu.vector_load %arg5[%swap3A] {strides = array<i32>} : memref<5120xf32, #tpu.memory_space<vmem>>, vector<16xf32>,
    tpu.vector_store %arg5[%swap3A], %broadcast_in_dim3A_3 {strides = array<i32>} : memref<5120xf32, #tpu.memory_space<vmem>>, vector<16xf32>,
    %swap3A_5 = arith.constant 16 : index
    %swap3A_6 = tpu.vector_load %arg5[%swap3A_5] {strides = array<i32>} : memref<5120xf32, #tpu.memory_space<vmem>>, vector<16xf32>,
    tpu.vector_store %arg5[%swap3A_5], %broadcast_in_dim3A_3 {strides = array<i32>} : memref<5120xf32, #tpu.memory_space<vmem>>, vector<16xf32>,
    %swap3A_7 = arith.constant 32 : index
    %swap3A_8 = tpu.vector_load %arg5[%swap3A_7] {strides = array<i32>} : memref<5120xf32, #tpu.memory_space<vmem>>, vector<16xf32>,
    tpu.vector_store %arg5[%swap3A_7], %broadcast_in_dim3A_3 {strides = array<i32>} : memref<5120xf32, #tpu.memory_space<vmem>>, vector<16xf32>,
    %swap3A_9 = arith.constant 48 : index
    %swap3A_10 = tpu.vector_load %arg5[%swap3A_9] {strides = array<i32>} : memref<5120xf32, #tpu.memory_space<vmem>>, vector<16xf32>,
    tpu.vector_store %arg5[%swap3A_9], %broadcast_in_dim3A_3 {strides = array<i32>} : memref<5120xf32, #tpu.memory_space<vmem>>, vector<16xf32>,
    %swap3A_11 = arith.constant 64 : index
    %swap3A_12 = tpu.vector_load %arg5[%swap3A_11] {strides = array<i32>} : memref<5120xf32, #tpu.memory_space<vmem>>, vector<16xf32>,
    tpu.vector_store %arg5[%swap3A_11], %broadcast_in_dim3A_3 {strides = array<i32>} : memref<5120xf32, #tpu.memory_space<vmem>>, vector<16xf32>,
    %swap3A_13 = arith.constant 80 : index
    %swap3A_14 = tpu.vector_load %arg5[%swap3A_13] {strides = array<i32>} : memref<5120xf32, #tpu.memory_space<vmem>>, vector<16xf32>,
    tpu.vector_store %arg5[%swap3A_13], %broadcast_in_dim3A_3 {strides = array<i32>} : memref<5120xf32, #tpu.memory_space<vmem>>, vector<16xf32>,
    %swap3A_15 = arith.constant 96 : index
    %swap3A_16 = tpu.vector_load %arg5[%swap3A_15] {strides = array<i32>} : memref<5120xf32, #tpu.memory_space<vmem>>, vector<16xf32>,
    tpu.vector_store %arg5[%swap3A_15], %broadcast_in_dim3A_3 {strides = array<i32>} : memref<5120xf32, #tpu.memory_space<vmem>>, vector<16xf32>,
    %swap3A_17 = arith.constant 112 : index
    %swap3A_18 = tpu.vector_load %arg5[%swap3A_17] {strides = array<i32>} : memref<5120xf32, #tpu.memory_space<vmem>>, vector<16xf32>,
    tpu.vector_store %arg5[%swap3A_17], %broadcast_in_dim3A_3 {strides = array<i32>} : memref<5120xf32, #tpu.memory_space<vmem>>, vector<16xf32>,
    %swap3A_19 = arith.constant 128 : index
    %swap3A_20 = tpu.vector_load %arg5[%swap3A_19] {strides = array<i32>} : memref<5120xf32, #tpu.memory_space<vmem>>, vector<16xf32>,
    tpu.vector_store %arg5[%swap3A_19], %broadcast_in_dim3A_3 {strides = array<i32>} : memref<5120xf32, #tpu.memory_space<vmem>>, vector<16xf32>,
    %swap3A_21 = arith.constant 144 : index
    %swap3A_22 = tpu.vector_load %arg5[%swap3A_21] {strides = array<i32>} : memref<5120xf32, #tpu.memory_space<vmem>>, vector<16xf32>,
    tpu.vector_store %arg5[%swap3A_21], %broadcast_in_dim3A_3 {strides = array<i32>} : memref<5120xf32, #tpu.memory_space<vmem>>, vector<16xf32>,
    %swap3A_23 = arith.constant 160 : index
    %swap3A_24 = tpu.vector_load %arg5[%swap3A_23] {strides = array<i32>} : memref<5120xf32, #tpu.memory_space<vmem>>, vector<16xf32>,
    tpu.vector_store %arg5[%swap3A_23], %broadcast_in_dim3A_3 {strides = array<i32>} : memref<5120xf32, #tpu.memory_space<vmem>>, vector<16xf32>,
    %swap3A_25 = arith.constant 176 : index
    %swap3A_26 = tpu.vector_load %arg5[%swap3A_25] {strides = array<i32>} : memref<5120xf32, #tpu.memory_space<vmem>>, vector<16xf32>,
    tpu.vector_store %arg5[%swap3A_25], %broadcast_in_dim3A_3 {strides = array<i32>} : memref<5120xf32, #tpu.memory_space<vmem>>, vector<16xf32>,
    %swap3A_27 = arith.constant 192 : index
    %swap3A_28 = tpu.vector_load %arg5[%swap3A_27] {strides = array<i32>} : memref<5120xf32, #tpu.memory_space<vmem>>, vector<16xf32>,
    tpu.vector_store %arg5[%swap3A_27], %broadcast_in_dim3A_3 {strides = array<i32>} : memref<5120xf32, #tpu.memory_space<vmem>>, vector<16xf32>,
    %swap3A_29 = arith.constant 208 : index
    %swap3A_30 = tpu.vector_load %arg5[%swap3A_29] {strides = array<i32>} : memref<5120xf32, #tpu.memory_space<vmem>>, vector<16xf32>,
    tpu.vector_store %arg5[%swap3A_29], %broadcast_in_dim3A_3 {strides = array<i32>} : memref<5120xf32, #tpu.memory_space<vmem>>, vector<16xf32>,
    %swap3A_31 = arith.constant 224 : index
    %swap3A_32 = tpu.vector_load %arg5[%swap3A_31] {strides = array<i32>} : memref<5120xf32, #tpu.memory_space<vmem>>, vector<16xf32>,
    tpu.vector_store %arg5[%swap3A_31], %broadcast_in_dim3A_3 {strides = array<i32>} : memref<5120xf32, #tpu.memory_space<vmem>>, vector<16xf32>,
    %swap3A_33 = arith.constant 240 : index
    %swap3A_34 = tpu.vector_load %arg5[%swap3A_33] {strides = array<i32>} : memref<5120xf32, #tpu.memory_space<vmem>>, vector<16xf32>,
    tpu.vector_store %arg5[%swap3A_33], %broadcast_in_dim3A_3 {strides = array<i32>} : memref<5120xf32, #tpu.memory_space<vmem>>, vector<16xf32>,
    %swap3A_35 = arith.constant 256 : index
    %swap3A_36 = tpu.vector_load %arg5[%swap3A_35] {strides = array<i32>} : memref<5120xf32, #tpu.memory_space<vmem>>, vector<16xf32>,
    tpu.vector_store %arg5[%swap3A_35], %broadcast_in_dim3A_3 {strides = array<i32>} : memref<5120xf32, #tpu.memory_space<vmem>>, vector<16xf32>,
    %swap3A_37 = arith.constant 272 : index
    %swap3A_38 = tpu.vector_load %arg5[%swap3A_37] {strides = array<i32>} : memref<5120xf32, #tpu.memory_space<vmem>>, vector<16xf32>,
    tpu.vector_store %arg5[%swap3A_37], %broadcast_in_dim3A_3 {strides = array<i32>} : memref<5120xf32, #tpu.memory_space<vmem>>, vector<16xf32>,
    %swap3A_39 = arith.constant 288 : index
    %swap3A_40 = tpu.vector_load %arg5[%swap3A_39] {strides = array<i32>} : memref<5120xf32, #tpu.memory_space<vmem>>, vector<16xf32>,
    tpu.vector_store %arg5[%swap3A_39], %broadcast_in_dim3A_3 {strides = array<i32>} : memref<5120xf32, #tpu.memory_space<vmem>>, vector<16xf32>,
    %swap3A_41 = arith.constant 304 : index
    %swap3A_42 = tpu.vector_load %arg5[%swap3A_41] {strides = array<i32>} : memref<5120xf32, #tpu.memory_space<vmem>>, vector<16xf32>,
    tpu.vector_store %arg5[%swap3A_41], %broadcast_in_dim3A_3 {strides = array<i32>} : memref<5120xf32, #tpu.memory_space<vmem>>, vector<16xf32>,
    %swap3A_43 = arith.constant 320 : index
    %swap3A_44 = tpu.vector_load %arg5[%swap3A_43] {strides = array<i32>} : memref<5120xf32, #tpu.memory_space<vmem>>, vector<16xf32>,
    tpu.vector_store %arg5[%swap3A_43], %broadcast_in_dim3A_3 {strides = array<i32>} : memref<5120xf32, #tpu.memory_space<vmem>>, vector<16xf32>,
    %swap3A_45 = arith.constant 336 : index
    %swap3A_46 = tpu.vector_load %arg5[%swap3A_45] {strides = array<i32>} : memref<5120xf32, #tpu.memory_space<vmem>>, vector<16xf32>,
    tpu.vector_store %arg5[%swap3A_45], %broadcast_in_dim3A_3 {strides = array<i32>} : memref<5120xf32, #tpu.memory_space<vmem>>, vector<16xf32>,
    %swap3A_47 = arith.constant 352 : index
    %swap3A_48 = tpu.vector_load %arg5[%swap3A_47] {strides = array<i32>} : memref<5120xf32, #tpu.memory_space<vmem>>, vector<16xf32>,
    tpu.vector_store %arg5[%swap3A_47], %broadcast_in_dim3A_3 {strides = array<i32>} : memref<5120xf32, #tpu.memory_space<vmem>>, vector<16xf32>,
    %swap3A_49 = arith.constant 368 : index
    %swap3A_50 = tpu.vector_load %arg5[%swap3A_49] {strides = array<i32>} : memref<5120xf32, #tpu.memory_space<vmem>>, vector<16xf32>,
    tpu.vector_store %arg5[%swap3A_49], %broadcast_in_dim3A_3 {strides = array<i32>} : memref<5120xf32, #tpu.memory_space<vmem>>, vector<16xf32>,
    %swap3A_51 = arith.constant 384 : index
    %swap3A_52 = tpu.vector_load %arg5[%swap3A_51] {strides = array<i32>} : memref<5120xf32, #tpu.memory_space<vmem>>, vector<16xf32>,
    tpu.vector_store %arg5[%swap3A_51], %broadcast_in_dim3A_3 {strides = array<i32>} : memref<5120xf32, #tpu.memory_space<vmem>>, vector<16xf32>,
    %swap3A_53 = arith.constant 400 : index
    %swap3A_54 = tpu.vector_load %arg5[%swap3A_53] {strides = array<i32>} : memref<5120xf32, #tpu.memory_space<vmem>>, vector<16xf32>,
    tpu.vector_store %arg5[%swap3A_53], %broadcast_in_dim3A_3 {strides = array<i32>} : memref<5120xf32, #tpu.memory_space<vmem>>, vector<16xf32>,
    %swap3A_55 = arith.constant 416 : index
    %swap3A_56 = tpu.vector_load %arg5[%swap3A_55] {strides = array<i32>} : memref<5120xf32, #tpu.memory_space<vmem>>, vector<16xf32>,
    tpu.vector_store %arg5[%swap3A_55], %broadcast_in_dim3A_3 {strides = array<i32>} : memref<5120xf32, #tpu.memory_space<vmem>>, vector<16xf32>,
    %swap3A_57 = arith.constant 432 : index
    %swap3A_58 = tpu.vector_load %arg5[%swap3A_57] {strides = array<i32>} : memref<5120xf32, #tpu.memory_space<vmem>>, vector<16xf32>,
    tpu.vector_store %arg5[%swap3A_57], %broadcast_in_dim3A_3 {strides = array<i32>} : memref<5120xf32, #tpu.memory_space<vmem>>, vector<16xf32>,
    %swap3A_59 = arith.constant 448 : index
    %swap3A_60 = tpu.vector_load %arg5[%swap3A_59] {strides = array<i32>} : memref<5120xf32, #tpu.memory_space<vmem>>, vector<16xf32>,
    tpu.vector_store %arg5[%swap3A_59], %broadcast_in_dim3A_3 {strides = array<i32>} : memref<5120xf32, #tpu.memory_space<vmem>>, vector<16xf32>,
    %swap3A_61 = arith.constant 464 : index
    %swap3A_62 = tpu.vector_load %arg5[%swap3A_61] {strides = array<i32>} : memref<5120xf32, #tpu.memory_space<vmem>>, vector<16xf32>,
    tpu.vector_store %arg5[%swap3A_61], %broadcast_in_dim3A_3 {strides = array<i32>} : memref<5120xf32, #tpu.memory_space<vmem>>, vector<16xf32>,
    %swap3A_63 = arith.constant 480 : index
    %swap3A_64 = tpu.vector_load %arg5[%swap3A_63] {strides = array<i32>} : memref<5120xf32, #tpu.memory_space<vmem>>, vector<16xf32>,
    tpu.vector_store %arg5[%swap3A_63], %broadcast_in_dim3A_3 {strides = array<i32>} : memref<5120xf32, #tpu.memory_space<vmem>>, vector<16xf32>,
    %swap3A_65 = arith.constant 496 : index
    %swap3A_66 = tpu.vector_load %arg5[%swap3A_65] {strides = array<i32>} : memref<5120xf32, #tpu.memory_space<vmem>>, vector<16xf32>,
    tpu.vector_store %arg5[%swap3A_65], %broadcast_in_dim3A_3 {strides = array<i32>} : memref<5120xf32, #tpu.memory_space<vmem>>, vector<16xf32>,
    %swap3A_67 = arith.constant 512 : index
    %swap3A_68 = tpu.vector_load %arg5[%swap3A_67] {strides = array<i32>} : memref<5120xf32, #tpu.memory_space<vmem>>, vector<16xf32>,
    tpu.vector_store %arg5[%swap3A_67], %broadcast_in_dim3A_3 {strides = array<i32>} : memref<5120xf32, #tpu.memory_space<vmem>>, vector<16xf32>,
    %swap3A_69 = arith.constant 528 : index
    %swap3A_70 = tpu.vector_load %arg5[%swap3A_69] {strides = array<i32>} : memref<5120xf32, #tpu.memory_space<vmem>>, vector<16xf32>,
    tpu.vector_store %arg5[%swap3A_69], %broadcast_in_dim3A_3 {strides = array<i32>} : memref<5120xf32, #tpu.memory_space<vmem>>, vector<16xf32>,
    %swap3A_71 = arith.constant 544 : index
    %swap3A_72 = tpu.vector_load %arg5[%swap3A_71] {strides = array<i32>} : memref<5120xf32, #tpu.memory_space<vmem>>, vector<16xf32>,
    tpu.vector_store %arg5[%swap3A_71], %broadcast_in_dim3A_3 {strides = array<i32>} : memref<5120xf32, #tpu.memory_space<vmem>>, vector<16xf32>,
    %swap3A_73 = arith.constant 560 : index
    %swap3A_74 = tpu.vector_load %arg5[%swap3A_73] {strides = array<i32>} : memref<5120xf32, #tpu.memory_space<vmem>>, vector<16xf32>,
    tpu.vector_store %arg5[%swap3A_73], %broadcast_in_dim3A_3 {strides = array<i32>} : memref<5120xf32, #tpu.memory_space<vmem>>, vector<16xf32>,
    %swap3A_75 = arith.constant 576 : index
    %swap3A_76 = tpu.vector_load %arg5[%swap3A_75] {strides = array<i32>} : memref<5120xf32, #tpu.memory_space<vmem>>, vector<16xf32>,
    tpu.vector_store %arg5[%swap3A_75], %broadcast_in_dim3A_3 {strides = array<i32>} : memref<5120xf32, #tpu.memory_space<vmem>>, vector<16xf32>,
    %swap3A_77 = arith.constant 592 : index
    %swap3A_78 = tpu.vector_load %arg5[%swap3A_77] {strides = array<i32>} : memref<5120xf32, #tpu.memory_space<vmem>>, vector<16xf32>,
    tpu.vector_store %arg5[%swap3A_77], %broadcast_in_dim3A_3 {strides = array<i32>} : memref<5120xf32, #tpu.memory_space<vmem>>, vector<16xf32>,
    %swap3A_79 = arith.constant 608 : index
    %swap3A_80 = tpu.vector_load %arg5[%swap3A_79] {strides = array<i32>} : memref<5120xf32, #tpu.memory_space<vmem>>, vector<16xf32>,
    tpu.vector_store %arg5[%swap3A_79], %broadcast_in_dim3A_3 {strides = array<i32>} : memref<5120xf32, #tpu.memory_space<vmem>>, vector<16xf32>,
    %swap3A_81 = arith.constant 624 : index
    %swap3A_82 = tpu.vector_load %arg5[%swap3A_81] {strides = array<i32>} : memref<5120xf32, #tpu.memory_space<vmem>>, vector<16xf32>,
    tpu.vector_store %arg5[%swap3A_81], %broadcast_in_dim3A_3 {strides = array<i32>} : memref<5120xf32, #tpu.memory_space<vmem>>, vector<16xf32>,
    %swap3A_83 = arith.constant 640 : index
    %swap3A_84 = tpu.vector_load %arg5[%swap3A_83] {strides = array<i32>} : memref<5120xf32, #tpu.memory_space<vmem>>, vector<16xf32>,
    tpu.vector_store %arg5[%swap3A_83], %broadcast_in_dim3A_3 {strides = array<i32>} : memref<5120xf32, #tpu.memory_space<vmem>>, vector<16xf32>,
    %swap3A_85 = arith.constant 656 : index
    %swap3A_86 = tpu.vector_load %arg5[%swap3A_85] {strides = array<i32>} : memref<5120xf32, #tpu.memory_space<vmem>>, vector<16xf32>,
    tpu.vector_store %arg5[%swap3A_85], %broadcast_in_dim3A_3 {strides = array<i32>} : memref<5120xf32, #tpu.memory_space<vmem>>, vector<16xf32>,
    %swap3A_87 = arith.constant 672 : index
    %swap3A_88 = tpu.vector_load %arg5[%swap3A_87] {strides = array<i32>} : memref<5120xf32, #tpu.memory_space<vmem>>, vector<16xf32>,
    tpu.vector_store %arg5[%swap3A_87], %broadcast_in_dim3A_3 {strides = array<i32>} : memref<5120xf32, #tpu.memory_space<vmem>>, vector<16xf32>,
    %swap3A_89 = arith.constant 688 : index
    %swap3A_90 = tpu.vector_load %arg5[%swap3A_89] {strides = array<i32>} : memref<5120xf32, #tpu.memory_space<vmem>>, vector<16xf32>,
    tpu.vector_store %arg5[%swap3A_89], %broadcast_in_dim3A_3 {strides = array<i32>} : memref<5120xf32, #tpu.memory_space<vmem>>, vector<16xf32>,
    %swap3A_91 = arith.constant 704 : index
    %swap3A_92 = tpu.vector_load %arg5[%swap3A_91] {strides = array<i32>} : memref<5120xf32, #tpu.memory_space<vmem>>, vector<16xf32>,
    tpu.vector_store %arg5[%swap3A_91], %broadcast_in_dim3A_3 {strides = array<i32>} : memref<5120xf32, #tpu.memory_space<vmem>>, vector<16xf32>,
    %swap3A_93 = arith.constant 720 : index
    %swap3A_94 = tpu.vector_load %arg5[%swap3A_93] {strides = array<i32>} : memref<5120xf32, #tpu.memory_space<vmem>>, vector<16xf32>,
    tpu.vector_store %arg5[%swap3A_93], %broadcast_in_dim3A_3 {strides = array<i32>} : memref<5120xf32, #tpu.memory_space<vmem>>, vector<16xf32>,
    %swap3A_95 = arith.constant 736 : index
    %swap3A_96 = tpu.vector_load %arg5[%swap3A_95] {strides = array<i32>} : memref<5120xf32, #tpu.memory_space<vmem>>, vector<16xf32>,
    tpu.vector_store %arg5[%swap3A_95], %broadcast_in_dim3A_3 {strides = array<i32>} : memref<5120xf32, #tpu.memory_space<vmem>>, vector<16xf32>,
    %swap3A_97 = arith.constant 752 : index
    %swap3A_98 = tpu.vector_load %arg5[%swap3A_97] {strides = array<i32>} : memref<5120xf32, #tpu.memory_space<vmem>>, vector<16xf32>,
    tpu.vector_store %arg5[%swap3A_97], %broadcast_in_dim3A_3 {strides = array<i32>} : memref<5120xf32, #tpu.memory_space<vmem>>, vector<16xf32>,
    %swap3A_99 = arith.constant 768 : index
    %swap3A_100 = tpu.vector_load %arg5[%swap3A_99] {strides = array<i32>} : memref<5120xf32, #tpu.memory_space<vmem>>, vector<16xf32>,
    tpu.vector_store %arg5[%swap3A_99], %broadcast_in_dim3A_3 {strides = array<i32>} : memref<5120xf32, #tpu.memory_space<vmem>>, vector<16xf32>,
    %swap3A_101 = arith.constant 784 : index
    %swap3A_102 = tpu.vector_load %arg5[%swap3A_101] {strides = array<i32>} : memref<5120xf32, #tpu.memory_space<vmem>>, vector<16xf32>,
    tpu.vector_store %arg5[%swap3A_101], %broadcast_in_dim3A_3 {strides = array<i32>} : memref<5120xf32, #tpu.memory_space<vmem>>, vector<16xf32>,
    %swap3A_103 = arith.constant 800 : index
    %swap3A_104 = tpu.vector_load %arg5[%swap3A_103] {strides = array<i32>} : memref<5120xf32, #tpu.memory_space<vmem>>, vector<16xf32>,
    tpu.vector_store %arg5[%swap3A_103], %broadcast_in_dim3A_3 {strides = array<i32>} : memref<5120xf32, #tpu.memory_space<vmem>>, vector<16xf32>,
    %swap3A_105 = arith.constant 816 : index
    %swap3A_106 = tpu.vector_load %arg5[%swap3A_105] {strides = array<i32>} : memref<5120xf32, #tpu.memory_space<vmem>>, vector<16xf32>,
    tpu.vector_store %arg5[%swap3A_105], %broadcast_in_dim3A_3 {strides = array<i32>} : memref<5120xf32, #tpu.memory_space<vmem>>, vector<16xf32>,
    %swap3A_107 = arith.constant 832 : index
    %swap3A_108 = tpu.vector_load %arg5[%swap3A_107] {strides = array<i32>} : memref<5120xf32, #tpu.memory_space<vmem>>, vector<16xf32>,
    tpu.vector_store %arg5[%swap3A_107], %broadcast_in_dim3A_3 {strides = array<i32>} : memref<5120xf32, #tpu.memory_space<vmem>>, vector<16xf32>,
    %swap3A_109 = arith.constant 848 : index
    %swap3A_110 = tpu.vector_load %arg5[%swap3A_109] {strides = array<i32>} : memref<5120xf32, #tpu.memory_space<vmem>>, vector<16xf32>,
    tpu.vector_store %arg5[%swap3A_109], %broadcast_in_dim3A_3 {strides = array<i32>} : memref<5120xf32, #tpu.memory_space<vmem>>, vector<16xf32>,
    %swap3A_111 = arith.constant 864 : index
    %swap3A_112 = tpu.vector_load %arg5[%swap3A_111] {strides = array<i32>} : memref<5120xf32, #tpu.memory_space<vmem>>, vector<16xf32>,
    tpu.vector_store %arg5[%swap3A_111], %broadcast_in_dim3A_3 {strides = array<i32>} : memref<5120xf32, #tpu.memory_space<vmem>>, vector<16xf32>,
    %swap3A_113 = arith.constant 880 : index
    %swap3A_114 = tpu.vector_load %arg5[%swap3A_113] {strides = array<i32>} : memref<5120xf32, #tpu.memory_space<vmem>>, vector<16xf32>,
    tpu.vector_store %arg5[%swap3A_113], %broadcast_in_dim3A_3 {strides = array<i32>} : memref<5120xf32, #tpu.memory_space<vmem>>, vector<16xf32>,
    %swap3A_115 = arith.constant 896 : index
    %swap3A_116 = tpu.vector_load %arg5[%swap3A_115] {strides = array<i32>} : memref<5120xf32, #tpu.memory_space<vmem>>, vector<16xf32>,
    tpu.vector_store %arg5[%swap3A_115], %broadcast_in_dim3A_3 {strides = array<i32>} : memref<5120xf32, #tpu.memory_space<vmem>>, vector<16xf32>,
    %swap3A_117 = arith.constant 912 : index
    %swap3A_118 = tpu.vector_load %arg5[%swap3A_117] {strides = array<i32>} : memref<5120xf32, #tpu.memory_space<vmem>>, vector<16xf32>,
    tpu.vector_store %arg5[%swap3A_117], %broadcast_in_dim3A_3 {strides = array<i32>} : memref<5120xf32, #tpu.memory_space<vmem>>, vector<16xf32>,
    %swap3A_119 = arith.constant 928 : index
    %swap3A_120 = tpu.vector_load %arg5[%swap3A_119] {strides = array<i32>} : memref<5120xf32, #tpu.memory_space<vmem>>, vector<16xf32>,
    tpu.vector_store %arg5[%swap3A_119], %broadcast_in_dim3A_3 {strides = array<i32>} : memref<5120xf32, #tpu.memory_space<vmem>>, vector<16xf32>,
    %swap3A_121 = arith.constant 944 : index
    %swap3A_122 = tpu.vector_load %arg5[%swap3A_121] {strides = array<i32>} : memref<5120xf32, #tpu.memory_space<vmem>>, vector<16xf32>,
    tpu.vector_store %arg5[%swap3A_121], %broadcast_in_dim3A_3 {strides = array<i32>} : memref<5120xf32, #tpu.memory_space<vmem>>, vector<16xf32>,
    %swap3A_123 = arith.constant 960 : index
    %swap3A_124 = tpu.vector_load %arg5[%swap3A_123] {strides = array<i32>} : memref<5120xf32, #tpu.memory_space<vmem>>, vector<16xf32>,
    tpu.vector_store %arg5[%swap3A_123], %broadcast_in_dim3A_3 {strides = array<i32>} : memref<5120xf32, #tpu.memory_space<vmem>>, vector<16xf32>,
    %swap3A_125 = arith.constant 976 : index
    %swap3A_126 = tpu.vector_load %arg5[%swap3A_125] {strides = array<i32>} : memref<5120xf32, #tpu.memory_space<vmem>>, vector<16xf32>,
    tpu.vector_store %arg5[%swap3A_125], %broadcast_in_dim3A_3 {strides = array<i32>} : memref<5120xf32, #tpu.memory_space<vmem>>, vector<16xf32>,
    %swap3A_127 = arith.constant 992 : index
    %swap3A_128 = tpu.vector_load %arg5[%swap3A_127] {strides = array<i32>} : memref<5120xf32, #tpu.memory_space<vmem>>, vector<16xf32>,
    tpu.vector_store %arg5[%swap3A_127], %broadcast_in_dim3A_3 {strides = array<i32>} : memref<5120xf32, #tpu.memory_space<vmem>>, vector<16xf32>,
    %swap3A_129 = arith.constant 1008 : index
    %swap3A_130 = tpu.vector_load %arg5[%swap3A_129] {strides = array<i32>} : memref<5120xf32, #tpu.memory_space<vmem>>, vector<16xf32>,
    tpu.vector_store %arg5[%swap3A_129], %broadcast_in_dim3A_3 {strides = array<i32>} : memref<5120xf32, #tpu.memory_space<vmem>>, vector<16xf32>,
    %swap3A_131 = arith.constant 1024 : index
    %swap3A_132 = tpu.vector_load %arg5[%swap3A_131] {strides = array<i32>} : memref<5120xf32, #tpu.memory_space<vmem>>, vector<16xf32>,
    tpu.vector_store %arg5[%swap3A_131], %broadcast_in_dim3A_3 {strides = array<i32>} : memref<5120xf32, #tpu.memory_space<vmem>>, vector<16xf32>,
    %swap3A_133 = arith.constant 1040 : index
    %swap3A_134 = tpu.vector_load %arg5[%swap3A_133] {strides = array<i32>} : memref<5120xf32, #tpu.memory_space<vmem>>, vector<16xf32>,
    tpu.vector_store %arg5[%swap3A_133], %broadcast_in_dim3A_3 {strides = array<i32>} : memref<5120xf32, #tpu.memory_space<vmem>>, vector<16xf32>,
    %swap3A_135 = arith.constant 1056 : index
    %swap3A_136 = tpu.vector_load %arg5[%swap3A_135] {strides = array<i32>} : memref<5120xf32, #tpu.memory_space<vmem>>, vector<16xf32>,
    tpu.vector_store %arg5[%swap3A_135], %broadcast_in_dim3A_3 {strides = array<i32>} : memref<5120xf32, #tpu.memory_space<vmem>>, vector<16xf32>,
    %swap3A_137 = arith.constant 1072 : index
    %swap3A_138 = tpu.vector_load %arg5[%swap3A_137] {strides = array<i32>} : memref<5120xf32, #tpu.memory_space<vmem>>, vector<16xf32>,
    tpu.vector_store %arg5[%swap3A_137], %broadcast_in_dim3A_3 {strides = array<i32>} : memref<5120xf32, #tpu.memory_space<vmem>>, vector<16xf32>,
    %swap3A_139 = arith.constant 1088 : index
    %swap3A_140 = tpu.vector_load %arg5[%swap3A_139] {strides = array<i32>} : memref<5120xf32, #tpu.memory_space<vmem>>, vector<16xf32>,
    tpu.vector_store %arg5[%swap3A_139], %broadcast_in_dim3A_3 {strides = array<i32>} : memref<5120xf32, #tpu.memory_space<vmem>>, vector<16xf32>,
    %swap3A_141 = arith.constant 1104 : index
    %swap3A_142 = tpu.vector_load %arg5[%swap3A_141] {strides = array<i32>} : memref<5120xf32, #tpu.memory_space<vmem>>, vector<16xf32>,
    tpu.vector_store %arg5[%swap3A_141], %broadcast_in_dim3A_3 {strides = array<i32>} : memref<5120xf32, #tpu.memory_space<vmem>>, vector<16xf32>,
    %swap3A_143 = arith.constant 1120 : index
    %swap3A_144 = tpu.vector_load %arg5[%swap3A_143] {strides = array<i32>} : memref<5120xf32, #tpu.memory_space<vmem>>, vector<16xf32>,
    tpu.vector_store %arg5[%swap3A_143], %broadcast_in_dim3A_3 {strides = array<i32>} : memref<5120xf32, #tpu.memory_space<vmem>>, vector<16xf32>,
    %swap3A_145 = arith.constant 1136 : index
    %swap3A_146 = tpu.vector_load %arg5[%swap3A_145] {strides = array<i32>} : memref<5120xf32, #tpu.memory_space<vmem>>, vector<16xf32>,
    tpu.vector_store %arg5[%swap3A_145], %broadcast_in_dim3A_3 {strides = array<i32>} : memref<5120xf32, #tpu.memory_space<vmem>>, vector<16xf32>,
    %swap3A_147 = arith.constant 1152 : index
    %swap3A_148 = tpu.vector_load %arg5[%swap3A_147] {strides = array<i32>} : memref<5120xf32, #tpu.memory_space<vmem>>, vector<16xf32>,
    tpu.vector_store %arg5[%swap3A_147], %broadcast_in_dim3A_3 {strides = array<i32>} : memref<5120xf32, #tpu.memory_space<vmem>>, vector<16xf32>,
    %swap3A_149 = arith.constant 1168 : index
    %swap3A_150 = tpu.vector_load %arg5[%swap3A_149] {strides = array<i32>} : memref<5120xf32, #tpu.memory_space<vmem>>, vector<16xf32>,
    tpu.vector_store %arg5[%swap3A_149], %broadcast_in_dim3A_3 {strides = array<i32>} : memref<5120xf32, #tpu.memory_space<vmem>>, vector<16xf32>,
    %swap3A_151 = arith.constant 1184 : index
    %swap3A_152 = tpu.vector_load %arg5[%swap3A_151] {strides = array<i32>} : memref<5120xf32, #tpu.memory_space<vmem>>, vector<16xf32>,
    tpu.vector_store %arg5[%swap3A_151], %broadcast_in_dim3A_3 {strides = array<i32>} : memref<5120xf32, #tpu.memory_space<vmem>>, vector<16xf32>,
    %swap3A_153 = arith.constant 1200 : index
    %swap3A_154 = tpu.vector_load %arg5[%swap3A_153] {strides = array<i32>} : memref<5120xf32, #tpu.memory_space<vmem>>, vector<16xf32>,
    tpu.vector_store %arg5[%swap3A_153], %broadcast_in_dim3A_3 {strides = array<i32>} : memref<5120xf32, #tpu.memory_space<vmem>>, vector<16xf32>,
    %swap3A_155 = arith.constant 1216 : index
    %swap3A_156 = tpu.vector_load %arg5[%swap3A_155] {strides = array<i32>} : memref<5120xf32, #tpu.memory_space<vmem>>, vector<16xf32>,
    tpu.vector_store %arg5[%swap3A_155], %broadcast_in_dim3A_3 {strides = array<i32>} : memref<5120xf32, #tpu.memory_space<vmem>>, vector<16xf32>,
    %swap3A_157 = arith.constant 1232 : index
    %swap3A_158 = tpu.vector_load %arg5[%swap3A_157] {strides = array<i32>} : memref<5120xf32, #tpu.memory_space<vmem>>, vector<16xf32>,
    tpu.vector_store %arg5[%swap3A_157], %broadcast_in_dim3A_3 {strides = array<i32>} : memref<5120xf32, #tpu.memory_space<vmem>>, vector<16xf32>,
    %swap3A_159 = arith.constant 1248 : index
    %swap3A_160 = tpu.vector_load %arg5[%swap3A_159] {strides = array<i32>} : memref<5120xf32, #tpu.memory_space<vmem>>, vector<16xf32>,
    tpu.vector_store %arg5[%swap3A_159], %broadcast_in_dim3A_3 {strides = array<i32>} : memref<5120xf32, #tpu.memory_space<vmem>>, vector<16xf32>,
    %swap3A_161 = arith.constant 1264 : index
    %swap3A_162 = tpu.vector_load %arg5[%swap3A_161] {strides = array<i32>} : memref<5120xf32, #tpu.memory_space<vmem>>, vector<16xf32>,
    tpu.vector_store %arg5[%swap3A_161], %broadcast_in_dim3A_3 {strides = array<i32>} : memref<5120xf32, #tpu.memory_space<vmem>>, vector<16xf32>,
    %swap3A_163 = arith.constant 1280 : index
    %swap3A_164 = tpu.vector_load %arg5[%swap3A_163] {strides = array<i32>} : memref<5120xf32, #tpu.memory_space<vmem>>, vector<16xf32>,
    tpu.vector_store %arg5[%swap3A_163], %broadcast_in_dim3A_3 {strides = array<i32>} : memref<5120xf32, #tpu.memory_space<vmem>>, vector<16xf32>,
    %swap3A_165 = arith.constant 1296 : index
    %swap3A_166 = tpu.vector_load %arg5[%swap3A_165] {strides = array<i32>} : memref<5120xf32, #tpu.memory_space<vmem>>, vector<16xf32>,
    tpu.vector_store %arg5[%swap3A_165], %broadcast_in_dim3A_3 {strides = array<i32>} : memref<5120xf32, #tpu.memory_space<vmem>>, vector<16xf32>,
    %swap3A_167 = arith.constant 1312 : index
    %swap3A_168 = tpu.vector_load %arg5[%swap3A_167] {strides = array<i32>} : memref<5120xf32, #tpu.memory_space<vmem>>, vector<16xf32>,
    tpu.vector_store %arg5[%swap3A_167], %broadcast_in_dim3A_3 {strides = array<i32>} : memref<5120xf32, #tpu.memory_space<vmem>>, vector<16xf32>,
    %swap3A_169 = arith.constant 1328 : index
    %swap3A_170 = tpu.vector_load %arg5[%swap3A_169] {strides = array<i32>} : memref<5120xf32, #tpu.memory_space<vmem>>, vector<16xf32>,
    tpu.vector_store %arg5[%swap3A_169], %broadcast_in_dim3A_3 {strides = array<i32>} : memref<5120xf32, #tpu.memory_space<vmem>>, vector<16xf32>,
    %swap3A_171 = arith.constant 1344 : index
    %swap3A_172 = tpu.vector_load %arg5[%swap3A_171] {strides = array<i32>} : memref<5120xf32, #tpu.memory_space<vmem>>, vector<16xf32>,
    tpu.vector_store %arg5[%swap3A_171], %broadcast_in_dim3A_3 {strides = array<i32>} : memref<5120xf32, #tpu.memory_space<vmem>>, vector<16xf32>,
    %swap3A_173 = arith.constant 1360 : index
    %swap3A_174 = tpu.vector_load %arg5[%swap3A_173] {strides = array<i32>} : memref<5120xf32, #tpu.memory_space<vmem>>, vector<16xf32>,
    tpu.vector_store %arg5[%swap3A_173], %broadcast_in_dim3A_3 {strides = array<i32>} : memref<5120xf32, #tpu.memory_space<vmem>>, vector<16xf32>,
    %swap3A_175 = arith.constant 1376 : index
    %swap3A_176 = tpu.vector_load %arg5[%swap3A_175] {strides = array<i32>} : memref<5120xf32, #tpu.memory_space<vmem>>, vector<16xf32>,
    tpu.vector_store %arg5[%swap3A_175], %broadcast_in_dim3A_3 {strides = array<i32>} : memref<5120xf32, #tpu.memory_space<vmem>>, vector<16xf32>,
    %swap3A_177 = arith.constant 1392 : index
    %swap3A_178 = tpu.vector_load %arg5[%swap3A_177] {strides = array<i32>} : memref<5120xf32, #tpu.memory_space<vmem>>, vector<16xf32>,
    tpu.vector_store %arg5[%swap3A_177], %broadcast_in_dim3A_3 {strides = array<i32>} : memref<5120xf32, #tpu.memory_space<vmem>>, vector<16xf32>,
    %swap3A_179 = arith.constant 1408 : index
    %swap3A_180 = tpu.vector_load %arg5[%swap3A_179] {strides = array<i32>} : memref<5120xf32, #tpu.memory_space<vmem>>, vector<16xf32>,
    tpu.vector_store %arg5[%swap3A_179], %broadcast_in_dim3A_3 {strides = array<i32>} : memref<5120xf32, #tpu.memory_space<vmem>>, vector<16xf32>,
    %swap3A_181 = arith.constant 1424 : index
    %swap3A_182 = tpu.vector_load %arg5[%swap3A_181] {strides = array<i32>} : memref<5120xf32, #tpu.memory_space<vmem>>, vector<16xf32>,
    tpu.vector_store %arg5[%swap3A_181], %broadcast_in_dim3A_3 {strides = array<i32>} : memref<5120xf32, #tpu.memory_space<vmem>>, vector<16xf32>,
    %swap3A_183 = arith.constant 1440 : index
    %swap3A_184 = tpu.vector_load %arg5[%swap3A_183] {strides = array<i32>} : memref<5120xf32, #tpu.memory_space<vmem>>, vector<16xf32>,
    tpu.vector_store %arg5[%swap3A_183], %broadcast_in_dim3A_3 {strides = array<i32>} : memref<5120xf32, #tpu.memory_space<vmem>>, vector<16xf32>,
    %swap3A_185 = arith.constant 1456 : index
    %swap3A_186 = tpu.vector_load %arg5[%swap3A_185] {strides = array<i32>} : memref<5120xf32, #tpu.memory_space<vmem>>, vector<16xf32>,
    tpu.vector_store %arg5[%swap3A_185], %broadcast_in_dim3A_3 {strides = array<i32>} : memref<5120xf32, #tpu.memory_space<vmem>>, vector<16xf32>,
    %swap3A_187 = arith.constant 1472 : index
    %swap3A_188 = tpu.vector_load %arg5[%swap3A_187] {strides = array<i32>} : memref<5120xf32, #tpu.memory_space<vmem>>, vector<16xf32>,
    tpu.vector_store %arg5[%swap3A_187], %broadcast_in_dim3A_3 {strides = array<i32>} : memref<5120xf32, #tpu.memory_space<vmem>>, vector<16xf32>,
    %swap3A_189 = arith.constant 1488 : index
    %swap3A_190 = tpu.vector_load %arg5[%swap3A_189] {strides = array<i32>} : memref<5120xf32, #tpu.memory_space<vmem>>, vector<16xf32>,
    tpu.vector_store %arg5[%swap3A_189], %broadcast_in_dim3A_3 {strides = array<i32>} : memref<5120xf32, #tpu.memory_space<vmem>>, vector<16xf32>,
    %swap3A_191 = arith.constant 1504 : index
    %swap3A_192 = tpu.vector_load %arg5[%swap3A_191] {strides = array<i32>} : memref<5120xf32, #tpu.memory_space<vmem>>, vector<16xf32>,
    tpu.vector_store %arg5[%swap3A_191], %broadcast_in_dim3A_3 {strides = array<i32>} : memref<5120xf32, #tpu.memory_space<vmem>>, vector<16xf32>,
    %swap3A_193 = arith.constant 1520 : index
    %swap3A_194 = tpu.vector_load %arg5[%swap3A_193] {strides = array<i32>} : memref<5120xf32, #tpu.memory_space<vmem>>, vector<16xf32>,
    tpu.vector_store %arg5[%swap3A_193], %broadcast_in_dim3A_3 {strides = array<i32>} : memref<5120xf32, #tpu.memory_space<vmem>>, vector<16xf32>,
    %swap3A_195 = arith.constant 1536 : index
    %swap3A_196 = tpu.vector_load %arg5[%swap3A_195] {strides = array<i32>} : memref<5120xf32, #tpu.memory_space<vmem>>, vector<16xf32>,
    tpu.vector_store %arg5[%swap3A_195], %broadcast_in_dim3A_3 {strides = array<i32>} : memref<5120xf32, #tpu.memory_space<vmem>>, vector<16xf32>,
    %swap3A_197 = arith.constant 1552 : index
    %swap3A_198 = tpu.vector_load %arg5[%swap3A_197] {strides = array<i32>} : memref<5120xf32, #tpu.memory_space<vmem>>, vector<16xf32>,
    tpu.vector_store %arg5[%swap3A_197], %broadcast_in_dim3A_3 {strides = array<i32>} : memref<5120xf32, #tpu.memory_space<vmem>>, vector<16xf32>,
    %swap3A_199 = arith.constant 1568 : index
    %swap3A_200 = tpu.vector_load %arg5[%swap3A_199] {strides = array<i32>} : memref<5120xf32, #tpu.memory_space<vmem>>, vector<16xf32>,
    tpu.vector_store %arg5[%swap3A_199], %broadcast_in_dim3A_3 {strides = array<i32>} : memref<5120xf32, #tpu.memory_space<vmem>>, vector<16xf32>,
    %swap3A_201 = arith.constant 1584 : index
    %swap3A_202 = tpu.vector_load %arg5[%swap3A_201] {strides = array<i32>} : memref<5120xf32, #tpu.memory_space<vmem>>, vector<16xf32>,
    tpu.vector_store %arg5[%swap3A_201], %broadcast_in_dim3A_3 {strides = array<i32>} : memref<5120xf32, #tpu.memory_space<vmem>>, vector<16xf32>,
    %swap3A_203 = arith.constant 1600 : index
    %swap3A_204 = tpu.vector_load %arg5[%swap3A_203] {strides = array<i32>} : memref<5120xf32, #tpu.memory_space<vmem>>, vector<16xf32>,
    tpu.vector_store %arg5[%swap3A_203], %broadcast_in_dim3A_3 {strides = array<i32>} : memref<5120xf32, #tpu.memory_space<vmem>>, vector<16xf32>,
    %swap3A_205 = arith.constant 1616 : index
    %swap3A_206 = tpu.vector_load %arg5[%swap3A_205] {strides = array<i32>} : memref<5120xf32, #tpu.memory_space<vmem>>, vector<16xf32>,
    tpu.vector_store %arg5[%swap3A_205], %broadcast_in_dim3A_3 {strides = array<i32>} : memref<5120xf32, #tpu.memory_space<vmem>>, vector<16xf32>,
    %swap3A_207 = arith.constant 1632 : index
    %swap3A_208 = tpu.vector_load %arg5[%swap3A_207] {strides = array<i32>} : memref<5120xf32, #tpu.memory_space<vmem>>, vector<16xf32>,
    tpu.vector_store %arg5[%swap3A_207], %broadcast_in_dim3A_3 {strides = array<i32>} : memref<5120xf32, #tpu.memory_space<vmem>>, vector<16xf32>,
    %swap3A_209 = arith.constant 1648 : index
    %swap3A_210 = tpu.vector_load %arg5[%swap3A_209] {strides = array<i32>} : memref<5120xf32, #tpu.memory_space<vmem>>, vector<16xf32>,
    tpu.vector_store %arg5[%swap3A_209], %broadcast_in_dim3A_3 {strides = array<i32>} : memref<5120xf32, #tpu.memory_space<vmem>>, vector<16xf32>,
    %swap3A_211 = arith.constant 1664 : index
    %swap3A_212 = tpu.vector_load %arg5[%swap3A_211] {strides = array<i32>} : memref<5120xf32, #tpu.memory_space<vmem>>, vector<16xf32>,
    tpu.vector_store %arg5[%swap3A_211], %broadcast_in_dim3A_3 {strides = array<i32>} : memref<5120xf32, #tpu.memory_space<vmem>>, vector<16xf32>,
    %swap3A_213 = arith.constant 1680 : index
    %swap3A_214 = tpu.vector_load %arg5[%swap3A_213] {strides = array<i32>} : memref<5120xf32, #tpu.memory_space<vmem>>, vector<16xf32>,
    tpu.vector_store %arg5[%swap3A_213], %broadcast_in_dim3A_3 {strides = array<i32>} : memref<5120xf32, #tpu.memory_space<vmem>>, vector<16xf32>,
    %swap3A_215 = arith.constant 1696 : index
    %swap3A_216 = tpu.vector_load %arg5[%swap3A_215] {strides = array<i32>} : memref<5120xf32, #tpu.memory_space<vmem>>, vector<16xf32>,
    tpu.vector_store %arg5[%swap3A_215], %broadcast_in_dim3A_3 {strides = array<i32>} : memref<5120xf32, #tpu.memory_space<vmem>>, vector<16xf32>,
    %swap3A_217 = arith.constant 1712 : index
    %swap3A_218 = tpu.vector_load %arg5[%swap3A_217] {strides = array<i32>} : memref<5120xf32, #tpu.memory_space<vmem>>, vector<16xf32>,
    tpu.vector_store %arg5[%swap3A_217], %broadcast_in_dim3A_3 {strides = array<i32>} : memref<5120xf32, #tpu.memory_space<vmem>>, vector<16xf32>,
    %swap3A_219 = arith.constant 1728 : index
    %swap3A_220 = tpu.vector_load %arg5[%swap3A_219] {strides = array<i32>} : memref<5120xf32, #tpu.memory_space<vmem>>, vector<16xf32>,
    tpu.vector_store %arg5[%swap3A_219], %broadcast_in_dim3A_3 {strides = array<i32>} : memref<5120xf32, #tpu.memory_space<vmem>>, vector<16xf32>,
    %swap3A_221 = arith.constant 1744 : index
    %swap3A_222 = tpu.vector_load %arg5[%swap3A_221] {strides = array<i32>} : memref<5120xf32, #tpu.memory_space<vmem>>, vector<16xf32>,
    tpu.vector_store %arg5[%swap3A_221], %broadcast_in_dim3A_3 {strides = array<i32>} : memref<5120xf32, #tpu.memory_space<vmem>>, vector<16xf32>,
    %swap3A_223 = arith.constant 1760 : index
    %swap3A_224 = tpu.vector_load %arg5[%swap3A_223] {strides = array<i32>} : memref<5120xf32, #tpu.memory_space<vmem>>, vector<16xf32>,
    tpu.vector_store %arg5[%swap3A_223], %broadcast_in_dim3A_3 {strides = array<i32>} : memref<5120xf32, #tpu.memory_space<vmem>>, vector<16xf32>,
    %swap3A_225 = arith.constant 1776 : index
    %swap3A_226 = tpu.vector_load %arg5[%swap3A_225] {strides = array<i32>} : memref<5120xf32, #tpu.memory_space<vmem>>, vector<16xf32>,
    tpu.vector_store %arg5[%swap3A_225], %broadcast_in_dim3A_3 {strides = array<i32>} : memref<5120xf32, #tpu.memory_space<vmem>>, vector<16xf32>,
    %swap3A_227 = arith.constant 1792 : index
    %swap3A_228 = tpu.vector_load %arg5[%swap3A_227] {strides = array<i32>} : memref<5120xf32, #tpu.memory_space<vmem>>, vector<16xf32>,
    tpu.vector_store %arg5[%swap3A_227], %broadcast_in_dim3A_3 {strides = array<i32>} : memref<5120xf32, #tpu.memory_space<vmem>>, vector<16xf32>,
    %swap3A_229 = arith.constant 1808 : index
    %swap3A_230 = tpu.vector_load %arg5[%swap3A_229] {strides = array<i32>} : memref<5120xf32, #tpu.memory_space<vmem>>, vector<16xf32>,
    tpu.vector_store %arg5[%swap3A_229], %broadcast_in_dim3A_3 {strides = array<i32>} : memref<5120xf32, #tpu.memory_space<vmem>>, vector<16xf32>,
    %swap3A_231 = arith.constant 1824 : index
    %swap3A_232 = tpu.vector_load %arg5[%swap3A_231] {strides = array<i32>} : memref<5120xf32, #tpu.memory_space<vmem>>, vector<16xf32>,
    tpu.vector_store %arg5[%swap3A_231], %broadcast_in_dim3A_3 {strides = array<i32>} : memref<5120xf32, #tpu.memory_space<vmem>>, vector<16xf32>,
    %swap3A_233 = arith.constant 1840 : index
    %swap3A_234 = tpu.vector_load %arg5[%swap3A_233] {strides = array<i32>} : memref<5120xf32, #tpu.memory_space<vmem>>, vector<16xf32>,
    tpu.vector_store %arg5[%swap3A_233], %broadcast_in_dim3A_3 {strides = array<i32>} : memref<5120xf32, #tpu.memory_space<vmem>>, vector<16xf32>,
    %swap3A_235 = arith.constant 1856 : index
    %swap3A_236 = tpu.vector_load %arg5[%swap3A_235] {strides = array<i32>} : memref<5120xf32, #tpu.memory_space<vmem>>, vector<16xf32>,
    tpu.vector_store %arg5[%swap3A_235], %broadcast_in_dim3A_3 {strides = array<i32>} : memref<5120xf32, #tpu.memory_space<vmem>>, vector<16xf32>,
    %swap3A_237 = arith.constant 1872 : index
    %swap3A_238 = tpu.vector_load %arg5[%swap3A_237] {strides = array<i32>} : memref<5120xf32, #tpu.memory_space<vmem>>, vector<16xf32>,
    tpu.vector_store %arg5[%swap3A_237], %broadcast_in_dim3A_3 {strides = array<i32>} : memref<5120xf32, #tpu.memory_space<vmem>>, vector<16xf32>,
    %swap3A_239 = arith.constant 1888 : index
    %swap3A_240 = tpu.vector_load %arg5[%swap3A_239] {strides = array<i32>} : memref<5120xf32, #tpu.memory_space<vmem>>, vector<16xf32>,
    tpu.vector_store %arg5[%swap3A_239], %broadcast_in_dim3A_3 {strides = array<i32>} : memref<5120xf32, #tpu.memory_space<vmem>>, vector<16xf32>,
    %swap3A_241 = arith.constant 1904 : index
    %swap3A_242 = tpu.vector_load %arg5[%swap3A_241] {strides = array<i32>} : memref<5120xf32, #tpu.memory_space<vmem>>, vector<16xf32>,
    tpu.vector_store %arg5[%swap3A_241], %broadcast_in_dim3A_3 {strides = array<i32>} : memref<5120xf32, #tpu.memory_space<vmem>>, vector<16xf32>,
    %swap3A_243 = arith.constant 1920 : index
    %swap3A_244 = tpu.vector_load %arg5[%swap3A_243] {strides = array<i32>} : memref<5120xf32, #tpu.memory_space<vmem>>, vector<16xf32>,
    tpu.vector_store %arg5[%swap3A_243], %broadcast_in_dim3A_3 {strides = array<i32>} : memref<5120xf32, #tpu.memory_space<vmem>>, vector<16xf32>,
    %swap3A_245 = arith.constant 1936 : index
    %swap3A_246 = tpu.vector_load %arg5[%swap3A_245] {strides = array<i32>} : memref<5120xf32, #tpu.memory_space<vmem>>, vector<16xf32>,
    tpu.vector_store %arg5[%swap3A_245], %broadcast_in_dim3A_3 {strides = array<i32>} : memref<5120xf32, #tpu.memory_space<vmem>>, vector<16xf32>,
    %swap3A_247 = arith.constant 1952 : index
    %swap3A_248 = tpu.vector_load %arg5[%swap3A_247] {strides = array<i32>} : memref<5120xf32, #tpu.memory_space<vmem>>, vector<16xf32>,
    tpu.vector_store %arg5[%swap3A_247], %broadcast_in_dim3A_3 {strides = array<i32>} : memref<5120xf32, #tpu.memory_space<vmem>>, vector<16xf32>,
    %swap3A_249 = arith.constant 1968 : index
    %swap3A_250 = tpu.vector_load %arg5[%swap3A_249] {strides = array<i32>} : memref<5120xf32, #tpu.memory_space<vmem>>, vector<16xf32>,
    tpu.vector_store %arg5[%swap3A_249], %broadcast_in_dim3A_3 {strides = array<i32>} : memref<5120xf32, #tpu.memory_space<vmem>>, vector<16xf32>,
    %swap3A_251 = arith.constant 1984 : index
    %swap3A_252 = tpu.vector_load %arg5[%swap3A_251] {strides = array<i32>} : memref<5120xf32, #tpu.memory_space<vmem>>, vector<16xf32>,
    tpu.vector_store %arg5[%swap3A_251], %broadcast_in_dim3A_3 {strides = array<i32>} : memref<5120xf32, #tpu.memory_space<vmem>>, vector<16xf32>,
    %swap3A_253 = arith.constant 2000 : index
    %swap3A_254 = tpu.vector_load %arg5[%swap3A_253] {strides = array<i32>} : memref<5120xf32, #tpu.memory_space<vmem>>, vector<16xf32>,
    tpu.vector_store %arg5[%swap3A_253], %broadcast_in_dim3A_3 {strides = array<i32>} : memref<5120xf32, #tpu.memory_space<vmem>>, vector<16xf32>,
    %swap3A_255 = arith.constant 2016 : index
    %swap3A_256 = tpu.vector_load %arg5[%swap3A_255] {strides = array<i32>} : memref<5120xf32, #tpu.memory_space<vmem>>, vector<16xf32>,
    tpu.vector_store %arg5[%swap3A_255], %broadcast_in_dim3A_3 {strides = array<i32>} : memref<5120xf32, #tpu.memory_space<vmem>>, vector<16xf32>,
    %swap3A_257 = arith.constant 2032 : index
    %swap3A_258 = tpu.vector_load %arg5[%swap3A_257] {strides = array<i32>} : memref<5120xf32, #tpu.memory_space<vmem>>, vector<16xf32>,
    tpu.vector_store %arg5[%swap3A_257], %broadcast_in_dim3A_3 {strides = array<i32>} : memref<5120xf32, #tpu.memory_space<vmem>>, vector<16xf32>,
    %swap3A_259 = arith.constant 2048 : index
    %swap3A_260 = tpu.vector_load %arg5[%swap3A_259] {strides = array<i32>} : memref<5120xf32, #tpu.memory_space<vmem>>, vector<16xf32>,
    tpu.vector_store %arg5[%swap3A_259], %broadcast_in_dim3A_3 {strides = array<i32>} : memref<5120xf32, #tpu.memory_space<vmem>>, vector<16xf32>,
    %swap3A_261 = arith.constant 2064 : index
    %swap3A_262 = tpu.vector_load %arg5[%swap3A_261] {strides = array<i32>} : memref<5120xf32, #tpu.memory_space<vmem>>, vector<16xf32>,
    tpu.vector_store %arg5[%swap3A_261], %broadcast_in_dim3A_3 {strides = array<i32>} : memref<5120xf32, #tpu.memory_space<vmem>>, vector<16xf32>,
    %swap3A_263 = arith.constant 2080 : index
    %swap3A_264 = tpu.vector_load %arg5[%swap3A_263] {strides = array<i32>} : memref<5120xf32, #tpu.memory_space<vmem>>, vector<16xf32>,
    tpu.vector_store %arg5[%swap3A_263], %broadcast_in_dim3A_3 {strides = array<i32>} : memref<5120xf32, #tpu.memory_space<vmem>>, vector<16xf32>,
    %swap3A_265 = arith.constant 2096 : index
    %swap3A_266 = tpu.vector_load %arg5[%swap3A_265] {strides = array<i32>} : memref<5120xf32, #tpu.memory_space<vmem>>, vector<16xf32>,
    tpu.vector_store %arg5[%swap3A_265], %broadcast_in_dim3A_3 {strides = array<i32>} : memref<5120xf32, #tpu.memory_space<vmem>>, vector<16xf32>,
    %swap3A_267 = arith.constant 2112 : index
    %swap3A_268 = tpu.vector_load %arg5[%swap3A_267] {strides = array<i32>} : memref<5120xf32, #tpu.memory_space<vmem>>, vector<16xf32>,
    tpu.vector_store %arg5[%swap3A_267], %broadcast_in_dim3A_3 {strides = array<i32>} : memref<5120xf32, #tpu.memory_space<vmem>>, vector<16xf32>,
    %swap3A_269 = arith.constant 2128 : index
    %swap3A_270 = tpu.vector_load %arg5[%swap3A_269] {strides = array<i32>} : memref<5120xf32, #tpu.memory_space<vmem>>, vector<16xf32>,
    tpu.vector_store %arg5[%swap3A_269], %broadcast_in_dim3A_3 {strides = array<i32>} : memref<5120xf32, #tpu.memory_space<vmem>>, vector<16xf32>,
    %swap3A_271 = arith.constant 2144 : index
    %swap3A_272 = tpu.vector_load %arg5[%swap3A_271] {strides = array<i32>} : memref<5120xf32, #tpu.memory_space<vmem>>, vector<16xf32>,
    tpu.vector_store %arg5[%swap3A_271], %broadcast_in_dim3A_3 {strides = array<i32>} : memref<5120xf32, #tpu.memory_space<vmem>>, vector<16xf32>,
    %swap3A_273 = arith.constant 2160 : index
    %swap3A_274 = tpu.vector_load %arg5[%swap3A_273] {strides = array<i32>} : memref<5120xf32, #tpu.memory_space<vmem>>, vector<16xf32>,
    tpu.vector_store %arg5[%swap3A_273], %broadcast_in_dim3A_3 {strides = array<i32>} : memref<5120xf32, #tpu.memory_space<vmem>>, vector<16xf32>,
    %swap3A_275 = arith.constant 2176 : index
    %swap3A_276 = tpu.vector_load %arg5[%swap3A_275] {strides = array<i32>} : memref<5120xf32, #tpu.memory_space<vmem>>, vector<16xf32>,
    tpu.vector_store %arg5[%swap3A_275], %broadcast_in_dim3A_3 {strides = array<i32>} : memref<5120xf32, #tpu.memory_space<vmem>>, vector<16xf32>,
    %swap3A_277 = arith.constant 2192 : index
    %swap3A_278 = tpu.vector_load %arg5[%swap3A_277] {strides = array<i32>} : memref<5120xf32, #tpu.memory_space<vmem>>, vector<16xf32>,
    tpu.vector_store %arg5[%swap3A_277], %broadcast_in_dim3A_3 {strides = array<i32>} : memref<5120xf32, #tpu.memory_space<vmem>>, vector<16xf32>,
    %swap3A_279 = arith.constant 2208 : index
    %swap3A_280 = tpu.vector_load %arg5[%swap3A_279] {strides = array<i32>} : memref<5120xf32, #tpu.memory_space<vmem>>, vector<16xf32>,
    tpu.vector_store %arg5[%swap3A_279], %broadcast_in_dim3A_3 {strides = array<i32>} : memref<5120xf32, #tpu.memory_space<vmem>>, vector<16xf32>,
    %swap3A_281 = arith.constant 2224 : index
    %swap3A_282 = tpu.vector_load %arg5[%swap3A_281] {strides = array<i32>} : memref<5120xf32, #tpu.memory_space<vmem>>, vector<16xf32>,
    tpu.vector_store %arg5[%swap3A_281], %broadcast_in_dim3A_3 {strides = array<i32>} : memref<5120xf32, #tpu.memory_space<vmem>>, vector<16xf32>,
    %swap3A_283 = arith.constant 2240 : index
    %swap3A_284 = tpu.vector_load %arg5[%swap3A_283] {strides = array<i32>} : memref<5120xf32, #tpu.memory_space<vmem>>, vector<16xf32>,
    tpu.vector_store %arg5[%swap3A_283], %broadcast_in_dim3A_3 {strides = array<i32>} : memref<5120xf32, #tpu.memory_space<vmem>>, vector<16xf32>,
    %swap3A_285 = arith.constant 2256 : index
    %swap3A_286 = tpu.vector_load %arg5[%swap3A_285] {strides = array<i32>} : memref<5120xf32, #tpu.memory_space<vmem>>, vector<16xf32>,
    tpu.vector_store %arg5[%swap3A_285], %broadcast_in_dim3A_3 {strides = array<i32>} : memref<5120xf32, #tpu.memory_space<vmem>>, vector<16xf32>,
    %swap3A_287 = arith.constant 2272 : index
    %swap3A_288 = tpu.vector_load %arg5[%swap3A_287] {strides = array<i32>} : memref<5120xf32, #tpu.memory_space<vmem>>, vector<16xf32>,
    tpu.vector_store %arg5[%swap3A_287], %broadcast_in_dim3A_3 {strides = array<i32>} : memref<5120xf32, #tpu.memory_space<vmem>>, vector<16xf32>,
    %swap3A_289 = arith.constant 2288 : index
    %swap3A_290 = tpu.vector_load %arg5[%swap3A_289] {strides = array<i32>} : memref<5120xf32, #tpu.memory_space<vmem>>, vector<16xf32>,
    tpu.vector_store %arg5[%swap3A_289], %broadcast_in_dim3A_3 {strides = array<i32>} : memref<5120xf32, #tpu.memory_space<vmem>>, vector<16xf32>,
    %swap3A_291 = arith.constant 2304 : index
    %swap3A_292 = tpu.vector_load %arg5[%swap3A_291] {strides = array<i32>} : memref<5120xf32, #tpu.memory_space<vmem>>, vector<16xf32>,
    tpu.vector_store %arg5[%swap3A_291], %broadcast_in_dim3A_3 {strides = array<i32>} : memref<5120xf32, #tpu.memory_space<vmem>>, vector<16xf32>,
    %swap3A_293 = arith.constant 2320 : index
    %swap3A_294 = tpu.vector_load %arg5[%swap3A_293] {strides = array<i32>} : memref<5120xf32, #tpu.memory_space<vmem>>, vector<16xf32>,
    tpu.vector_store %arg5[%swap3A_293], %broadcast_in_dim3A_3 {strides = array<i32>} : memref<5120xf32, #tpu.memory_space<vmem>>, vector<16xf32>,
    %swap3A_295 = arith.constant 2336 : index
    %swap3A_296 = tpu.vector_load %arg5[%swap3A_295] {strides = array<i32>} : memref<5120xf32, #tpu.memory_space<vmem>>, vector<16xf32>,
    tpu.vector_store %arg5[%swap3A_295], %broadcast_in_dim3A_3 {strides = array<i32>} : memref<5120xf32, #tpu.memory_space<vmem>>, vector<16xf32>,
    %swap3A_297 = arith.constant 2352 : index
    %swap3A_298 = tpu.vector_load %arg5[%swap3A_297] {strides = array<i32>} : memref<5120xf32, #tpu.memory_space<vmem>>, vector<16xf32>,
    tpu.vector_store %arg5[%swap3A_297], %broadcast_in_dim3A_3 {strides = array<i32>} : memref<5120xf32, #tpu.memory_space<vmem>>, vector<16xf32>,
    %swap3A_299 = arith.constant 2368 : index
    %swap3A_300 = tpu.vector_load %arg5[%swap3A_299] {strides = array<i32>} : memref<5120xf32, #tpu.memory_space<vmem>>, vector<16xf32>,
    tpu.vector_store %arg5[%swap3A_299], %broadcast_in_dim3A_3 {strides = array<i32>} : memref<5120xf32, #tpu.memory_space<vmem>>, vector<16xf32>,
    %swap3A_301 = arith.constant 2384 : index
    %swap3A_302 = tpu.vector_load %arg5[%swap3A_301] {strides = array<i32>} : memref<5120xf32, #tpu.memory_space<vmem>>, vector<16xf32>,
    tpu.vector_store %arg5[%swap3A_301], %broadcast_in_dim3A_3 {strides = array<i32>} : memref<5120xf32, #tpu.memory_space<vmem>>, vector<16xf32>,
    %swap3A_303 = arith.constant 2400 : index
    %swap3A_304 = tpu.vector_load %arg5[%swap3A_303] {strides = array<i32>} : memref<5120xf32, #tpu.memory_space<vmem>>, vector<16xf32>,
    tpu.vector_store %arg5[%swap3A_303], %broadcast_in_dim3A_3 {strides = array<i32>} : memref<5120xf32, #tpu.memory_space<vmem>>, vector<16xf32>,
    %swap3A_305 = arith.constant 2416 : index
    %swap3A_306 = tpu.vector_load %arg5[%swap3A_305] {strides = array<i32>} : memref<5120xf32, #tpu.memory_space<vmem>>, vector<16xf32>,
    tpu.vector_store %arg5[%swap3A_305], %broadcast_in_dim3A_3 {strides = array<i32>} : memref<5120xf32, #tpu.memory_space<vmem>>, vector<16xf32>,
    %swap3A_307 = arith.constant 2432 : index
    %swap3A_308 = tpu.vector_load %arg5[%swap3A_307] {strides = array<i32>} : memref<5120xf32, #tpu.memory_space<vmem>>, vector<16xf32>,
    tpu.vector_store %arg5[%swap3A_307], %broadcast_in_dim3A_3 {strides = array<i32>} : memref<5120xf32, #tpu.memory_space<vmem>>, vector<16xf32>,
    %swap3A_309 = arith.constant 2448 : index
    %swap3A_310 = tpu.vector_load %arg5[%swap3A_309] {strides = array<i32>} : memref<5120xf32, #tpu.memory_space<vmem>>, vector<16xf32>,
    tpu.vector_store %arg5[%swap3A_309], %broadcast_in_dim3A_3 {strides = array<i32>} : memref<5120xf32, #tpu.memory_space<vmem>>, vector<16xf32>,
    %swap3A_311 = arith.constant 2464 : index
    %swap3A_312 = tpu.vector_load %arg5[%swap3A_311] {strides = array<i32>} : memref<5120xf32, #tpu.memory_space<vmem>>, vector<16xf32>,
    tpu.vector_store %arg5[%swap3A_311], %broadcast_in_dim3A_3 {strides = array<i32>} : memref<5120xf32, #tpu.memory_space<vmem>>, vector<16xf32>,
    %swap3A_313 = arith.constant 2480 : index
    %swap3A_314 = tpu.vector_load %arg5[%swap3A_313] {strides = array<i32>} : memref<5120xf32, #tpu.memory_space<vmem>>, vector<16xf32>,
    tpu.vector_store %arg5[%swap3A_313], %broadcast_in_dim3A_3 {strides = array<i32>} : memref<5120xf32, #tpu.memory_space<vmem>>, vector<16xf32>,
    %swap3A_315 = arith.constant 2496 : index
    %swap3A_316 = tpu.vector_load %arg5[%swap3A_315] {strides = array<i32>} : memref<5120xf32, #tpu.memory_space<vmem>>, vector<16xf32>,
    tpu.vector_store %arg5[%swap3A_315], %broadcast_in_dim3A_3 {strides = array<i32>} : memref<5120xf32, #tpu.memory_space<vmem>>, vector<16xf32>,
    %swap3A_317 = arith.constant 2512 : index
    %swap3A_318 = tpu.vector_load %arg5[%swap3A_317] {strides = array<i32>} : memref<5120xf32, #tpu.memory_space<vmem>>, vector<16xf32>,
    tpu.vector_store %arg5[%swap3A_317], %broadcast_in_dim3A_3 {strides = array<i32>} : memref<5120xf32, #tpu.memory_space<vmem>>, vector<16xf32>,
    %swap3A_319 = arith.constant 2528 : index
    %swap3A_320 = tpu.vector_load %arg5[%swap3A_319] {strides = array<i32>} : memref<5120xf32, #tpu.memory_space<vmem>>, vector<16xf32>,
    tpu.vector_store %arg5[%swap3A_319], %broadcast_in_dim3A_3 {strides = array<i32>} : memref<5120xf32, #tpu.memory_space<vmem>>, vector<16xf32>,
    %swap3A_321 = arith.constant 2544 : index
    %swap3A_322 = tpu.vector_load %arg5[%swap3A_321] {strides = array<i32>} : memref<5120xf32, #tpu.memory_space<vmem>>, vector<16xf32>,
    tpu.vector_store %arg5[%swap3A_321], %broadcast_in_dim3A_3 {strides = array<i32>} : memref<5120xf32, #tpu.memory_space<vmem>>, vector<16xf32>,
    %swap3A_323 = arith.constant 2560 : index
    %swap3A_324 = tpu.vector_load %arg5[%swap3A_323] {strides = array<i32>} : memref<5120xf32, #tpu.memory_space<vmem>>, vector<16xf32>,
    tpu.vector_store %arg5[%swap3A_323], %broadcast_in_dim3A_3 {strides = array<i32>} : memref<5120xf32, #tpu.memory_space<vmem>>, vector<16xf32>,
    %swap3A_325 = arith.constant 2576 : index
    %swap3A_326 = tpu.vector_load %arg5[%swap3A_325] {strides = array<i32>} : memref<5120xf32, #tpu.memory_space<vmem>>, vector<16xf32>,
    tpu.vector_store %arg5[%swap3A_325], %broadcast_in_dim3A_3 {strides = array<i32>} : memref<5120xf32, #tpu.memory_space<vmem>>, vector<16xf32>,
    %swap3A_327 = arith.constant 2592 : index
    %swap3A_328 = tpu.vector_load %arg5[%swap3A_327] {strides = array<i32>} : memref<5120xf32, #tpu.memory_space<vmem>>, vector<16xf32>,
    tpu.vector_store %arg5[%swap3A_327], %broadcast_in_dim3A_3 {strides = array<i32>} : memref<5120xf32, #tpu.memory_space<vmem>>, vector<16xf32>,
    %swap3A_329 = arith.constant 2608 : index
    %swap3A_330 = tpu.vector_load %arg5[%swap3A_329] {strides = array<i32>} : memref<5120xf32, #tpu.memory_space<vmem>>, vector<16xf32>,
    tpu.vector_store %arg5[%swap3A_329], %broadcast_in_dim3A_3 {strides = array<i32>} : memref<5120xf32, #tpu.memory_space<vmem>>, vector<16xf32>,
    %swap3A_331 = arith.constant 2624 : index
    %swap3A_332 = tpu.vector_load %arg5[%swap3A_331] {strides = array<i32>} : memref<5120xf32, #tpu.memory_space<vmem>>, vector<16xf32>,
    tpu.vector_store %arg5[%swap3A_331], %broadcast_in_dim3A_3 {strides = array<i32>} : memref<5120xf32, #tpu.memory_space<vmem>>, vector<16xf32>,
    %swap3A_333 = arith.constant 2640 : index
    %swap3A_334 = tpu.vector_load %arg5[%swap3A_333] {strides = array<i32>} : memref<5120xf32, #tpu.memory_space<vmem>>, vector<16xf32>,
    tpu.vector_store %arg5[%swap3A_333], %broadcast_in_dim3A_3 {strides = array<i32>} : memref<5120xf32, #tpu.memory_space<vmem>>, vector<16xf32>,
    %swap3A_335 = arith.constant 2656 : index
    %swap3A_336 = tpu.vector_load %arg5[%swap3A_335] {strides = array<i32>} : memref<5120xf32, #tpu.memory_space<vmem>>, vector<16xf32>,
    tpu.vector_store %arg5[%swap3A_335], %broadcast_in_dim3A_3 {strides = array<i32>} : memref<5120xf32, #tpu.memory_space<vmem>>, vector<16xf32>,
    %swap3A_337 = arith.constant 2672 : index
    %swap3A_338 = tpu.vector_load %arg5[%swap3A_337] {strides = array<i32>} : memref<5120xf32, #tpu.memory_space<vmem>>, vector<16xf32>,
    tpu.vector_store %arg5[%swap3A_337], %broadcast_in_dim3A_3 {strides = array<i32>} : memref<5120xf32, #tpu.memory_space<vmem>>, vector<16xf32>,
    %swap3A_339 = arith.constant 2688 : index
    %swap3A_340 = tpu.vector_load %arg5[%swap3A_339] {strides = array<i32>} : memref<5120xf32, #tpu.memory_space<vmem>>, vector<16xf32>,
    tpu.vector_store %arg5[%swap3A_339], %broadcast_in_dim3A_3 {strides = array<i32>} : memref<5120xf32, #tpu.memory_space<vmem>>, vector<16xf32>,
    %swap3A_341 = arith.constant 2704 : index
    %swap3A_342 = tpu.vector_load %arg5[%swap3A_341] {strides = array<i32>} : memref<5120xf32, #tpu.memory_space<vmem>>, vector<16xf32>,
    tpu.vector_store %arg5[%swap3A_341], %broadcast_in_dim3A_3 {strides = array<i32>} : memref<5120xf32, #tpu.memory_space<vmem>>, vector<16xf32>,
    %swap3A_343 = arith.constant 2720 : index
    %swap3A_344 = tpu.vector_load %arg5[%swap3A_343] {strides = array<i32>} : memref<5120xf32, #tpu.memory_space<vmem>>, vector<16xf32>,
    tpu.vector_store %arg5[%swap3A_343], %broadcast_in_dim3A_3 {strides = array<i32>} : memref<5120xf32, #tpu.memory_space<vmem>>, vector<16xf32>,
    %swap3A_345 = arith.constant 2736 : index
    %swap3A_346 = tpu.vector_load %arg5[%swap3A_345] {strides = array<i32>} : memref<5120xf32, #tpu.memory_space<vmem>>, vector<16xf32>,
    tpu.vector_store %arg5[%swap3A_345], %broadcast_in_dim3A_3 {strides = array<i32>} : memref<5120xf32, #tpu.memory_space<vmem>>, vector<16xf32>,
    %swap3A_347 = arith.constant 2752 : index
    %swap3A_348 = tpu.vector_load %arg5[%swap3A_347] {strides = array<i32>} : memref<5120xf32, #tpu.memory_space<vmem>>, vector<16xf32>,
    tpu.vector_store %arg5[%swap3A_347], %broadcast_in_dim3A_3 {strides = array<i32>} : memref<5120xf32, #tpu.memory_space<vmem>>, vector<16xf32>,
    %swap3A_349 = arith.constant 2768 : index
    %swap3A_350 = tpu.vector_load %arg5[%swap3A_349] {strides = array<i32>} : memref<5120xf32, #tpu.memory_space<vmem>>, vector<16xf32>,
    tpu.vector_store %arg5[%swap3A_349], %broadcast_in_dim3A_3 {strides = array<i32>} : memref<5120xf32, #tpu.memory_space<vmem>>, vector<16xf32>,
    %swap3A_351 = arith.constant 2784 : index
    %swap3A_352 = tpu.vector_load %arg5[%swap3A_351] {strides = array<i32>} : memref<5120xf32, #tpu.memory_space<vmem>>, vector<16xf32>,
    tpu.vector_store %arg5[%swap3A_351], %broadcast_in_dim3A_3 {strides = array<i32>} : memref<5120xf32, #tpu.memory_space<vmem>>, vector<16xf32>,
    %swap3A_353 = arith.constant 2800 : index
    %swap3A_354 = tpu.vector_load %arg5[%swap3A_353] {strides = array<i32>} : memref<5120xf32, #tpu.memory_space<vmem>>, vector<16xf32>,
    tpu.vector_store %arg5[%swap3A_353], %broadcast_in_dim3A_3 {strides = array<i32>} : memref<5120xf32, #tpu.memory_space<vmem>>, vector<16xf32>,
    %swap3A_355 = arith.constant 2816 : index
    %swap3A_356 = tpu.vector_load %arg5[%swap3A_355] {strides = array<i32>} : memref<5120xf32, #tpu.memory_space<vmem>>, vector<16xf32>,
    tpu.vector_store %arg5[%swap3A_355], %broadcast_in_dim3A_3 {strides = array<i32>} : memref<5120xf32, #tpu.memory_space<vmem>>, vector<16xf32>,
    %swap3A_357 = arith.constant 2832 : index
    %swap3A_358 = tpu.vector_load %arg5[%swap3A_357] {strides = array<i32>} : memref<5120xf32, #tpu.memory_space<vmem>>, vector<16xf32>,
    tpu.vector_store %arg5[%swap3A_357], %broadcast_in_dim3A_3 {strides = array<i32>} : memref<5120xf32, #tpu.memory_space<vmem>>, vector<16xf32>,
    %swap3A_359 = arith.constant 2848 : index
    %swap3A_360 = tpu.vector_load %arg5[%swap3A_359] {strides = array<i32>} : memref<5120xf32, #tpu.memory_space<vmem>>, vector<16xf32>,
    tpu.vector_store %arg5[%swap3A_359], %broadcast_in_dim3A_3 {strides = array<i32>} : memref<5120xf32, #tpu.memory_space<vmem>>, vector<16xf32>,
    %swap3A_361 = arith.constant 2864 : index
    %swap3A_362 = tpu.vector_load %arg5[%swap3A_361] {strides = array<i32>} : memref<5120xf32, #tpu.memory_space<vmem>>, vector<16xf32>,
    tpu.vector_store %arg5[%swap3A_361], %broadcast_in_dim3A_3 {strides = array<i32>} : memref<5120xf32, #tpu.memory_space<vmem>>, vector<16xf32>,
    %swap3A_363 = arith.constant 2880 : index
    %swap3A_364 = tpu.vector_load %arg5[%swap3A_363] {strides = array<i32>} : memref<5120xf32, #tpu.memory_space<vmem>>, vector<16xf32>,
    tpu.vector_store %arg5[%swap3A_363], %broadcast_in_dim3A_3 {strides = array<i32>} : memref<5120xf32, #tpu.memory_space<vmem>>, vector<16xf32>,
    %swap3A_365 = arith.constant 2896 : index
    %swap3A_366 = tpu.vector_load %arg5[%swap3A_365] {strides = array<i32>} : memref<5120xf32, #tpu.memory_space<vmem>>, vector<16xf32>,
    tpu.vector_store %arg5[%swap3A_365], %broadcast_in_dim3A_3 {strides = array<i32>} : memref<5120xf32, #tpu.memory_space<vmem>>, vector<16xf32>,
    %swap3A_367 = arith.constant 2912 : index
    %swap3A_368 = tpu.vector_load %arg5[%swap3A_367] {strides = array<i32>} : memref<5120xf32, #tpu.memory_space<vmem>>, vector<16xf32>,
    tpu.vector_store %arg5[%swap3A_367], %broadcast_in_dim3A_3 {strides = array<i32>} : memref<5120xf32, #tpu.memory_space<vmem>>, vector<16xf32>,
    %swap3A_369 = arith.constant 2928 : index
    %swap3A_370 = tpu.vector_load %arg5[%swap3A_369] {strides = array<i32>} : memref<5120xf32, #tpu.memory_space<vmem>>, vector<16xf32>,
    tpu.vector_store %arg5[%swap3A_369], %broadcast_in_dim3A_3 {strides = array<i32>} : memref<5120xf32, #tpu.memory_space<vmem>>, vector<16xf32>,
    %swap3A_371 = arith.constant 2944 : index
    %swap3A_372 = tpu.vector_load %arg5[%swap3A_371] {strides = array<i32>} : memref<5120xf32, #tpu.memory_space<vmem>>, vector<16xf32>,
    tpu.vector_store %arg5[%swap3A_371], %broadcast_in_dim3A_3 {strides = array<i32>} : memref<5120xf32, #tpu.memory_space<vmem>>, vector<16xf32>,
    %swap3A_373 = arith.constant 2960 : index
    %swap3A_374 = tpu.vector_load %arg5[%swap3A_373] {strides = array<i32>} : memref<5120xf32, #tpu.memory_space<vmem>>, vector<16xf32>,
    tpu.vector_store %arg5[%swap3A_373], %broadcast_in_dim3A_3 {strides = array<i32>} : memref<5120xf32, #tpu.memory_space<vmem>>, vector<16xf32>,
    %swap3A_375 = arith.constant 2976 : index
    %swap3A_376 = tpu.vector_load %arg5[%swap3A_375] {strides = array<i32>} : memref<5120xf32, #tpu.memory_space<vmem>>, vector<16xf32>,
    tpu.vector_store %arg5[%swap3A_375], %broadcast_in_dim3A_3 {strides = array<i32>} : memref<5120xf32, #tpu.memory_space<vmem>>, vector<16xf32>,
    %swap3A_377 = arith.constant 2992 : index
    %swap3A_378 = tpu.vector_load %arg5[%swap3A_377] {strides = array<i32>} : memref<5120xf32, #tpu.memory_space<vmem>>, vector<16xf32>,
    tpu.vector_store %arg5[%swap3A_377], %broadcast_in_dim3A_3 {strides = array<i32>} : memref<5120xf32, #tpu.memory_space<vmem>>, vector<16xf32>,
    %swap3A_379 = arith.constant 3008 : index
    %swap3A_380 = tpu.vector_load %arg5[%swap3A_379] {strides = array<i32>} : memref<5120xf32, #tpu.memory_space<vmem>>, vector<16xf32>,
    tpu.vector_store %arg5[%swap3A_379], %broadcast_in_dim3A_3 {strides = array<i32>} : memref<5120xf32, #tpu.memory_space<vmem>>, vector<16xf32>,
    %swap3A_381 = arith.constant 3024 : index
    %swap3A_382 = tpu.vector_load %arg5[%swap3A_381] {strides = array<i32>} : memref<5120xf32, #tpu.memory_space<vmem>>, vector<16xf32>,
    tpu.vector_store %arg5[%swap3A_381], %broadcast_in_dim3A_3 {strides = array<i32>} : memref<5120xf32, #tpu.memory_space<vmem>>, vector<16xf32>,
    %swap3A_383 = arith.constant 3040 : index
    %swap3A_384 = tpu.vector_load %arg5[%swap3A_383] {strides = array<i32>} : memref<5120xf32, #tpu.memory_space<vmem>>, vector<16xf32>,
    tpu.vector_store %arg5[%swap3A_383], %broadcast_in_dim3A_3 {strides = array<i32>} : memref<5120xf32, #tpu.memory_space<vmem>>, vector<16xf32>,
    %swap3A_385 = arith.constant 3056 : index
    %swap3A_386 = tpu.vector_load %arg5[%swap3A_385] {strides = array<i32>} : memref<5120xf32, #tpu.memory_space<vmem>>, vector<16xf32>,
    tpu.vector_store %arg5[%swap3A_385], %broadcast_in_dim3A_3 {strides = array<i32>} : memref<5120xf32, #tpu.memory_space<vmem>>, vector<16xf32>,
    %swap3A_387 = arith.constant 3072 : index
    %swap3A_388 = tpu.vector_load %arg5[%swap3A_387] {strides = array<i32>} : memref<5120xf32, #tpu.memory_space<vmem>>, vector<16xf32>,
    tpu.vector_store %arg5[%swap3A_387], %broadcast_in_dim3A_3 {strides = array<i32>} : memref<5120xf32, #tpu.memory_space<vmem>>, vector<16xf32>,
    %swap3A_389 = arith.constant 3088 : index
    %swap3A_390 = tpu.vector_load %arg5[%swap3A_389] {strides = array<i32>} : memref<5120xf32, #tpu.memory_space<vmem>>, vector<16xf32>,
    tpu.vector_store %arg5[%swap3A_389], %broadcast_in_dim3A_3 {strides = array<i32>} : memref<5120xf32, #tpu.memory_space<vmem>>, vector<16xf32>,
    %swap3A_391 = arith.constant 3104 : index
    %swap3A_392 = tpu.vector_load %arg5[%swap3A_391] {strides = array<i32>} : memref<5120xf32, #tpu.memory_space<vmem>>, vector<16xf32>,
    tpu.vector_store %arg5[%swap3A_391], %broadcast_in_dim3A_3 {strides = array<i32>} : memref<5120xf32, #tpu.memory_space<vmem>>, vector<16xf32>,
    %swap3A_393 = arith.constant 3120 : index
    %swap3A_394 = tpu.vector_load %arg5[%swap3A_393] {strides = array<i32>} : memref<5120xf32, #tpu.memory_space<vmem>>, vector<16xf32>,
    tpu.vector_store %arg5[%swap3A_393], %broadcast_in_dim3A_3 {strides = array<i32>} : memref<5120xf32, #tpu.memory_space<vmem>>, vector<16xf32>,
    %swap3A_395 = arith.constant 3136 : index
    %swap3A_396 = tpu.vector_load %arg5[%swap3A_395] {strides = array<i32>} : memref<5120xf32, #tpu.memory_space<vmem>>, vector<16xf32>,
    tpu.vector_store %arg5[%swap3A_395], %broadcast_in_dim3A_3 {strides = array<i32>} : memref<5120xf32, #tpu.memory_space<vmem>>, vector<16xf32>,
    %swap3A_397 = arith.constant 3152 : index
    %swap3A_398 = tpu.vector_load %arg5[%swap3A_397] {strides = array<i32>} : memref<5120xf32, #tpu.memory_space<vmem>>, vector<16xf32>,
    tpu.vector_store %arg5[%swap3A_397], %broadcast_in_dim3A_3 {strides = array<i32>} : memref<5120xf32, #tpu.memory_space<vmem>>, vector<16xf32>,
    %swap3A_399 = arith.constant 3168 : index
    %swap3A_400 = tpu.vector_load %arg5[%swap3A_399] {strides = array<i32>} : memref<5120xf32, #tpu.memory_space<vmem>>, vector<16xf32>,
    tpu.vector_store %arg5[%swap3A_399], %broadcast_in_dim3A_3 {strides = array<i32>} : memref<5120xf32, #tpu.memory_space<vmem>>, vector<16xf32>,
    %swap3A_401 = arith.constant 3184 : index
    %swap3A_402 = tpu.vector_load %arg5[%swap3A_401] {strides = array<i32>} : memref<5120xf32, #tpu.memory_space<vmem>>, vector<16xf32>,
    tpu.vector_store %arg5[%swap3A_401], %broadcast_in_dim3A_3 {strides = array<i32>} : memref<5120xf32, #tpu.memory_space<vmem>>, vector<16xf32>,
    %swap3A_403 = arith.constant 3200 : index
    %swap3A_404 = tpu.vector_load %arg5[%swap3A_403] {strides = array<i32>} : memref<5120xf32, #tpu.memory_space<vmem>>, vector<16xf32>,
    tpu.vector_store %arg5[%swap3A_403], %broadcast_in_dim3A_3 {strides = array<i32>} : memref<5120xf32, #tpu.memory_space<vmem>>, vector<16xf32>,
    %swap3A_405 = arith.constant 3216 : index
    %swap3A_406 = tpu.vector_load %arg5[%swap3A_405] {strides = array<i32>} : memref<5120xf32, #tpu.memory_space<vmem>>, vector<16xf32>,
    tpu.vector_store %arg5[%swap3A_405], %broadcast_in_dim3A_3 {strides = array<i32>} : memref<5120xf32, #tpu.memory_space<vmem>>, vector<16xf32>,
    %swap3A_407 = arith.constant 3232 : index
    %swap3A_408 = tpu.vector_load %arg5[%swap3A_407] {strides = array<i32>} : memref<5120xf32, #tpu.memory_space<vmem>>, vector<16xf32>,
    tpu.vector_store %arg5[%swap3A_407], %broadcast_in_dim3A_3 {strides = array<i32>} : memref<5120xf32, #tpu.memory_space<vmem>>, vector<16xf32>,
    %swap3A_409 = arith.constant 3248 : index
    %swap3A_410 = tpu.vector_load %arg5[%swap3A_409] {strides = array<i32>} : memref<5120xf32, #tpu.memory_space<vmem>>, vector<16xf32>,
    tpu.vector_store %arg5[%swap3A_409], %broadcast_in_dim3A_3 {strides = array<i32>} : memref<5120xf32, #tpu.memory_space<vmem>>, vector<16xf32>,
    %swap3A_411 = arith.constant 3264 : index
    %swap3A_412 = tpu.vector_load %arg5[%swap3A_411] {strides = array<i32>} : memref<5120xf32, #tpu.memory_space<vmem>>, vector<16xf32>,
    tpu.vector_store %arg5[%swap3A_411], %broadcast_in_dim3A_3 {strides = array<i32>} : memref<5120xf32, #tpu.memory_space<vmem>>, vector<16xf32>,
    %swap3A_413 = arith.constant 3280 : index
    %swap3A_414 = tpu.vector_load %arg5[%swap3A_413] {strides = array<i32>} : memref<5120xf32, #tpu.memory_space<vmem>>, vector<16xf32>,
    tpu.vector_store %arg5[%swap3A_413], %broadcast_in_dim3A_3 {strides = array<i32>} : memref<5120xf32, #tpu.memory_space<vmem>>, vector<16xf32>,
    %swap3A_415 = arith.constant 3296 : index
    %swap3A_416 = tpu.vector_load %arg5[%swap3A_415] {strides = array<i32>} : memref<5120xf32, #tpu.memory_space<vmem>>, vector<16xf32>,
    tpu.vector_store %arg5[%swap3A_415], %broadcast_in_dim3A_3 {strides = array<i32>} : memref<5120xf32, #tpu.memory_space<vmem>>, vector<16xf32>,
    %swap3A_417 = arith.constant 3312 : index
    %swap3A_418 = tpu.vector_load %arg5[%swap3A_417] {strides = array<i32>} : memref<5120xf32, #tpu.memory_space<vmem>>, vector<16xf32>,
    tpu.vector_store %arg5[%swap3A_417], %broadcast_in_dim3A_3 {strides = array<i32>} : memref<5120xf32, #tpu.memory_space<vmem>>, vector<16xf32>,
    %swap3A_419 = arith.constant 3328 : index
    %swap3A_420 = tpu.vector_load %arg5[%swap3A_419] {strides = array<i32>} : memref<5120xf32, #tpu.memory_space<vmem>>, vector<16xf32>,
    tpu.vector_store %arg5[%swap3A_419], %broadcast_in_dim3A_3 {strides = array<i32>} : memref<5120xf32, #tpu.memory_space<vmem>>, vector<16xf32>,
    %swap3A_421 = arith.constant 3344 : index
    %swap3A_422 = tpu.vector_load %arg5[%swap3A_421] {strides = array<i32>} : memref<5120xf32, #tpu.memory_space<vmem>>, vector<16xf32>,
    tpu.vector_store %arg5[%swap3A_421], %broadcast_in_dim3A_3 {strides = array<i32>} : memref<5120xf32, #tpu.memory_space<vmem>>, vector<16xf32>,
    %swap3A_423 = arith.constant 3360 : index
    %swap3A_424 = tpu.vector_load %arg5[%swap3A_423] {strides = array<i32>} : memref<5120xf32, #tpu.memory_space<vmem>>, vector<16xf32>,
    tpu.vector_store %arg5[%swap3A_423], %broadcast_in_dim3A_3 {strides = array<i32>} : memref<5120xf32, #tpu.memory_space<vmem>>, vector<16xf32>,
    %swap3A_425 = arith.constant 3376 : index
    %swap3A_426 = tpu.vector_load %arg5[%swap3A_425] {strides = array<i32>} : memref<5120xf32, #tpu.memory_space<vmem>>, vector<16xf32>,
    tpu.vector_store %arg5[%swap3A_425], %broadcast_in_dim3A_3 {strides = array<i32>} : memref<5120xf32, #tpu.memory_space<vmem>>, vector<16xf32>,
    %swap3A_427 = arith.constant 3392 : index
    %swap3A_428 = tpu.vector_load %arg5[%swap3A_427] {strides = array<i32>} : memref<5120xf32, #tpu.memory_space<vmem>>, vector<16xf32>,
    tpu.vector_store %arg5[%swap3A_427], %broadcast_in_dim3A_3 {strides = array<i32>} : memref<5120xf32, #tpu.memory_space<vmem>>, vector<16xf32>,
    %swap3A_429 = arith.constant 3408 : index
    %swap3A_430 = tpu.vector_load %arg5[%swap3A_429] {strides = array<i32>} : memref<5120xf32, #tpu.memory_space<vmem>>, vector<16xf32>,
    tpu.vector_store %arg5[%swap3A_429], %broadcast_in_dim3A_3 {strides = array<i32>} : memref<5120xf32, #tpu.memory_space<vmem>>, vector<16xf32>,
    %swap3A_431 = arith.constant 3424 : index
    %swap3A_432 = tpu.vector_load %arg5[%swap3A_431] {strides = array<i32>} : memref<5120xf32, #tpu.memory_space<vmem>>, vector<16xf32>,
    tpu.vector_store %arg5[%swap3A_431], %broadcast_in_dim3A_3 {strides = array<i32>} : memref<5120xf32, #tpu.memory_space<vmem>>, vector<16xf32>,
    %swap3A_433 = arith.constant 3440 : index
    %swap3A_434 = tpu.vector_load %arg5[%swap3A_433] {strides = array<i32>} : memref<5120xf32, #tpu.memory_space<vmem>>, vector<16xf32>,
    tpu.vector_store %arg5[%swap3A_433], %broadcast_in_dim3A_3 {strides = array<i32>} : memref<5120xf32, #tpu.memory_space<vmem>>, vector<16xf32>,
    %swap3A_435 = arith.constant 3456 : index
    %swap3A_436 = tpu.vector_load %arg5[%swap3A_435] {strides = array<i32>} : memref<5120xf32, #tpu.memory_space<vmem>>, vector<16xf32>,
    tpu.vector_store %arg5[%swap3A_435], %broadcast_in_dim3A_3 {strides = array<i32>} : memref<5120xf32, #tpu.memory_space<vmem>>, vector<16xf32>,
    %swap3A_437 = arith.constant 3472 : index
    %swap3A_438 = tpu.vector_load %arg5[%swap3A_437] {strides = array<i32>} : memref<5120xf32, #tpu.memory_space<vmem>>, vector<16xf32>,
    tpu.vector_store %arg5[%swap3A_437], %broadcast_in_dim3A_3 {strides = array<i32>} : memref<5120xf32, #tpu.memory_space<vmem>>, vector<16xf32>,
    %swap3A_439 = arith.constant 3488 : index
    %swap3A_440 = tpu.vector_load %arg5[%swap3A_439] {strides = array<i32>} : memref<5120xf32, #tpu.memory_space<vmem>>, vector<16xf32>,
    tpu.vector_store %arg5[%swap3A_439], %broadcast_in_dim3A_3 {strides = array<i32>} : memref<5120xf32, #tpu.memory_space<vmem>>, vector<16xf32>,
    %swap3A_441 = arith.constant 3504 : index
    %swap3A_442 = tpu.vector_load %arg5[%swap3A_441] {strides = array<i32>} : memref<5120xf32, #tpu.memory_space<vmem>>, vector<16xf32>,
    tpu.vector_store %arg5[%swap3A_441], %broadcast_in_dim3A_3 {strides = array<i32>} : memref<5120xf32, #tpu.memory_space<vmem>>, vector<16xf32>,
    %swap3A_443 = arith.constant 3520 : index
    %swap3A_444 = tpu.vector_load %arg5[%swap3A_443] {strides = array<i32>} : memref<5120xf32, #tpu.memory_space<vmem>>, vector<16xf32>,
    tpu.vector_store %arg5[%swap3A_443], %broadcast_in_dim3A_3 {strides = array<i32>} : memref<5120xf32, #tpu.memory_space<vmem>>, vector<16xf32>,
    %swap3A_445 = arith.constant 3536 : index
    %swap3A_446 = tpu.vector_load %arg5[%swap3A_445] {strides = array<i32>} : memref<5120xf32, #tpu.memory_space<vmem>>, vector<16xf32>,
    tpu.vector_store %arg5[%swap3A_445], %broadcast_in_dim3A_3 {strides = array<i32>} : memref<5120xf32, #tpu.memory_space<vmem>>, vector<16xf32>,
    %swap3A_447 = arith.constant 3552 : index
    %swap3A_448 = tpu.vector_load %arg5[%swap3A_447] {strides = array<i32>} : memref<5120xf32, #tpu.memory_space<vmem>>, vector<16xf32>,
    tpu.vector_store %arg5[%swap3A_447], %broadcast_in_dim3A_3 {strides = array<i32>} : memref<5120xf32, #tpu.memory_space<vmem>>, vector<16xf32>,
    %swap3A_449 = arith.constant 3568 : index
    %swap3A_450 = tpu.vector_load %arg5[%swap3A_449] {strides = array<i32>} : memref<5120xf32, #tpu.memory_space<vmem>>, vector<16xf32>,
    tpu.vector_store %arg5[%swap3A_449], %broadcast_in_dim3A_3 {strides = array<i32>} : memref<5120xf32, #tpu.memory_space<vmem>>, vector<16xf32>,
    %swap3A_451 = arith.constant 3584 : index
    %swap3A_452 = tpu.vector_load %arg5[%swap3A_451] {strides = array<i32>} : memref<5120xf32, #tpu.memory_space<vmem>>, vector<16xf32>,
    tpu.vector_store %arg5[%swap3A_451], %broadcast_in_dim3A_3 {strides = array<i32>} : memref<5120xf32, #tpu.memory_space<vmem>>, vector<16xf32>,
    %swap3A_453 = arith.constant 3600 : index
    %swap3A_454 = tpu.vector_load %arg5[%swap3A_453] {strides = array<i32>} : memref<5120xf32, #tpu.memory_space<vmem>>, vector<16xf32>,
    tpu.vector_store %arg5[%swap3A_453], %broadcast_in_dim3A_3 {strides = array<i32>} : memref<5120xf32, #tpu.memory_space<vmem>>, vector<16xf32>,
    %swap3A_455 = arith.constant 3616 : index
    %swap3A_456 = tpu.vector_load %arg5[%swap3A_455] {strides = array<i32>} : memref<5120xf32, #tpu.memory_space<vmem>>, vector<16xf32>,
    tpu.vector_store %arg5[%swap3A_455], %broadcast_in_dim3A_3 {strides = array<i32>} : memref<5120xf32, #tpu.memory_space<vmem>>, vector<16xf32>,
    %swap3A_457 = arith.constant 3632 : index
    %swap3A_458 = tpu.vector_load %arg5[%swap3A_457] {strides = array<i32>} : memref<5120xf32, #tpu.memory_space<vmem>>, vector<16xf32>,
    tpu.vector_store %arg5[%swap3A_457], %broadcast_in_dim3A_3 {strides = array<i32>} : memref<5120xf32, #tpu.memory_space<vmem>>, vector<16xf32>,
    %swap3A_459 = arith.constant 3648 : index
    %swap3A_460 = tpu.vector_load %arg5[%swap3A_459] {strides = array<i32>} : memref<5120xf32, #tpu.memory_space<vmem>>, vector<16xf32>,
    tpu.vector_store %arg5[%swap3A_459], %broadcast_in_dim3A_3 {strides = array<i32>} : memref<5120xf32, #tpu.memory_space<vmem>>, vector<16xf32>,
    %swap3A_461 = arith.constant 3664 : index
    %swap3A_462 = tpu.vector_load %arg5[%swap3A_461] {strides = array<i32>} : memref<5120xf32, #tpu.memory_space<vmem>>, vector<16xf32>,
    tpu.vector_store %arg5[%swap3A_461], %broadcast_in_dim3A_3 {strides = array<i32>} : memref<5120xf32, #tpu.memory_space<vmem>>, vector<16xf32>,
    %swap3A_463 = arith.constant 3680 : index
    %swap3A_464 = tpu.vector_load %arg5[%swap3A_463] {strides = array<i32>} : memref<5120xf32, #tpu.memory_space<vmem>>, vector<16xf32>,
    tpu.vector_store %arg5[%swap3A_463], %broadcast_in_dim3A_3 {strides = array<i32>} : memref<5120xf32, #tpu.memory_space<vmem>>, vector<16xf32>,
    %swap3A_465 = arith.constant 3696 : index
    %swap3A_466 = tpu.vector_load %arg5[%swap3A_465] {strides = array<i32>} : memref<5120xf32, #tpu.memory_space<vmem>>, vector<16xf32>,
    tpu.vector_store %arg5[%swap3A_465], %broadcast_in_dim3A_3 {strides = array<i32>} : memref<5120xf32, #tpu.memory_space<vmem>>, vector<16xf32>,
    %swap3A_467 = arith.constant 3712 : index
    %swap3A_468 = tpu.vector_load %arg5[%swap3A_467] {strides = array<i32>} : memref<5120xf32, #tpu.memory_space<vmem>>, vector<16xf32>,
    tpu.vector_store %arg5[%swap3A_467], %broadcast_in_dim3A_3 {strides = array<i32>} : memref<5120xf32, #tpu.memory_space<vmem>>, vector<16xf32>,
    %swap3A_469 = arith.constant 3728 : index
    %swap3A_470 = tpu.vector_load %arg5[%swap3A_469] {strides = array<i32>} : memref<5120xf32, #tpu.memory_space<vmem>>, vector<16xf32>,
    tpu.vector_store %arg5[%swap3A_469], %broadcast_in_dim3A_3 {strides = array<i32>} : memref<5120xf32, #tpu.memory_space<vmem>>, vector<16xf32>,
    %swap3A_471 = arith.constant 3744 : index
    %swap3A_472 = tpu.vector_load %arg5[%swap3A_471] {strides = array<i32>} : memref<5120xf32, #tpu.memory_space<vmem>>, vector<16xf32>,
    tpu.vector_store %arg5[%swap3A_471], %broadcast_in_dim3A_3 {strides = array<i32>} : memref<5120xf32, #tpu.memory_space<vmem>>, vector<16xf32>,
    %swap3A_473 = arith.constant 3760 : index
    %swap3A_474 = tpu.vector_load %arg5[%swap3A_473] {strides = array<i32>} : memref<5120xf32, #tpu.memory_space<vmem>>, vector<16xf32>,
    tpu.vector_store %arg5[%swap3A_473], %broadcast_in_dim3A_3 {strides = array<i32>} : memref<5120xf32, #tpu.memory_space<vmem>>, vector<16xf32>,
    %swap3A_475 = arith.constant 3776 : index
    %swap3A_476 = tpu.vector_load %arg5[%swap3A_475] {strides = array<i32>} : memref<5120xf32, #tpu.memory_space<vmem>>, vector<16xf32>,
    tpu.vector_store %arg5[%swap3A_475], %broadcast_in_dim3A_3 {strides = array<i32>} : memref<5120xf32, #tpu.memory_space<vmem>>, vector<16xf32>,
    %swap3A_477 = arith.constant 3792 : index
    %swap3A_478 = tpu.vector_load %arg5[%swap3A_477] {strides = array<i32>} : memref<5120xf32, #tpu.memory_space<vmem>>, vector<16xf32>,
    tpu.vector_store %arg5[%swap3A_477], %broadcast_in_dim3A_3 {strides = array<i32>} : memref<5120xf32, #tpu.memory_space<vmem>>, vector<16xf32>,
    %swap3A_479 = arith.constant 3808 : index
    %swap3A_480 = tpu.vector_load %arg5[%swap3A_479] {strides = array<i32>} : memref<5120xf32, #tpu.memory_space<vmem>>, vector<16xf32>,
    tpu.vector_store %arg5[%swap3A_479], %broadcast_in_dim3A_3 {strides = array<i32>} : memref<5120xf32, #tpu.memory_space<vmem>>, vector<16xf32>,
    %swap3A_481 = arith.constant 3824 : index
    %swap3A_482 = tpu.vector_load %arg5[%swap3A_481] {strides = array<i32>} : memref<5120xf32, #tpu.memory_space<vmem>>, vector<16xf32>,
    tpu.vector_store %arg5[%swap3A_481], %broadcast_in_dim3A_3 {strides = array<i32>} : memref<5120xf32, #tpu.memory_space<vmem>>, vector<16xf32>,
    %swap3A_483 = arith.constant 3840 : index
    %swap3A_484 = tpu.vector_load %arg5[%swap3A_483] {strides = array<i32>} : memref<5120xf32, #tpu.memory_space<vmem>>, vector<16xf32>,
    tpu.vector_store %arg5[%swap3A_483], %broadcast_in_dim3A_3 {strides = array<i32>} : memref<5120xf32, #tpu.memory_space<vmem>>, vector<16xf32>,
    %swap3A_485 = arith.constant 3856 : index
    %swap3A_486 = tpu.vector_load %arg5[%swap3A_485] {strides = array<i32>} : memref<5120xf32, #tpu.memory_space<vmem>>, vector<16xf32>,
    tpu.vector_store %arg5[%swap3A_485], %broadcast_in_dim3A_3 {strides = array<i32>} : memref<5120xf32, #tpu.memory_space<vmem>>, vector<16xf32>,
    %swap3A_487 = arith.constant 3872 : index
    %swap3A_488 = tpu.vector_load %arg5[%swap3A_487] {strides = array<i32>} : memref<5120xf32, #tpu.memory_space<vmem>>, vector<16xf32>,
    tpu.vector_store %arg5[%swap3A_487], %broadcast_in_dim3A_3 {strides = array<i32>} : memref<5120xf32, #tpu.memory_space<vmem>>, vector<16xf32>,
    %swap3A_489 = arith.constant 3888 : index
    %swap3A_490 = tpu.vector_load %arg5[%swap3A_489] {strides = array<i32>} : memref<5120xf32, #tpu.memory_space<vmem>>, vector<16xf32>,
    tpu.vector_store %arg5[%swap3A_489], %broadcast_in_dim3A_3 {strides = array<i32>} : memref<5120xf32, #tpu.memory_space<vmem>>, vector<16xf32>,
    %swap3A_491 = arith.constant 3904 : index
    %swap3A_492 = tpu.vector_load %arg5[%swap3A_491] {strides = array<i32>} : memref<5120xf32, #tpu.memory_space<vmem>>, vector<16xf32>,
    tpu.vector_store %arg5[%swap3A_491], %broadcast_in_dim3A_3 {strides = array<i32>} : memref<5120xf32, #tpu.memory_space<vmem>>, vector<16xf32>,
    %swap3A_493 = arith.constant 3920 : index
    %swap3A_494 = tpu.vector_load %arg5[%swap3A_493] {strides = array<i32>} : memref<5120xf32, #tpu.memory_space<vmem>>, vector<16xf32>,
    tpu.vector_store %arg5[%swap3A_493], %broadcast_in_dim3A_3 {strides = array<i32>} : memref<5120xf32, #tpu.memory_space<vmem>>, vector<16xf32>,
    %swap3A_495 = arith.constant 3936 : index
    %swap3A_496 = tpu.vector_load %arg5[%swap3A_495] {strides = array<i32>} : memref<5120xf32, #tpu.memory_space<vmem>>, vector<16xf32>,
    tpu.vector_store %arg5[%swap3A_495], %broadcast_in_dim3A_3 {strides = array<i32>} : memref<5120xf32, #tpu.memory_space<vmem>>, vector<16xf32>,
    %swap3A_497 = arith.constant 3952 : index
    %swap3A_498 = tpu.vector_load %arg5[%swap3A_497] {strides = array<i32>} : memref<5120xf32, #tpu.memory_space<vmem>>, vector<16xf32>,
    tpu.vector_store %arg5[%swap3A_497], %broadcast_in_dim3A_3 {strides = array<i32>} : memref<5120xf32, #tpu.memory_space<vmem>>, vector<16xf32>,
    %swap3A_499 = arith.constant 3968 : index
    %swap3A_500 = tpu.vector_load %arg5[%swap3A_499] {strides = array<i32>} : memref<5120xf32, #tpu.memory_space<vmem>>, vector<16xf32>,
    tpu.vector_store %arg5[%swap3A_499], %broadcast_in_dim3A_3 {strides = array<i32>} : memref<5120xf32, #tpu.memory_space<vmem>>, vector<16xf32>,
    %swap3A_501 = arith.constant 3984 : index
    %swap3A_502 = tpu.vector_load %arg5[%swap3A_501] {strides = array<i32>} : memref<5120xf32, #tpu.memory_space<vmem>>, vector<16xf32>,
    tpu.vector_store %arg5[%swap3A_501], %broadcast_in_dim3A_3 {strides = array<i32>} : memref<5120xf32, #tpu.memory_space<vmem>>, vector<16xf32>,
    %swap3A_503 = arith.constant 4000 : index
    %swap3A_504 = tpu.vector_load %arg5[%swap3A_503] {strides = array<i32>} : memref<5120xf32, #tpu.memory_space<vmem>>, vector<16xf32>,
    tpu.vector_store %arg5[%swap3A_503], %broadcast_in_dim3A_3 {strides = array<i32>} : memref<5120xf32, #tpu.memory_space<vmem>>, vector<16xf32>,
    %swap3A_505 = arith.constant 4016 : index
    %swap3A_506 = tpu.vector_load %arg5[%swap3A_505] {strides = array<i32>} : memref<5120xf32, #tpu.memory_space<vmem>>, vector<16xf32>,
    tpu.vector_store %arg5[%swap3A_505], %broadcast_in_dim3A_3 {strides = array<i32>} : memref<5120xf32, #tpu.memory_space<vmem>>, vector<16xf32>,
    %swap3A_507 = arith.constant 4032 : index
    %swap3A_508 = tpu.vector_load %arg5[%swap3A_507] {strides = array<i32>} : memref<5120xf32, #tpu.memory_space<vmem>>, vector<16xf32>,
    tpu.vector_store %arg5[%swap3A_507], %broadcast_in_dim3A_3 {strides = array<i32>} : memref<5120xf32, #tpu.memory_space<vmem>>, vector<16xf32>,
    %swap3A_509 = arith.constant 4048 : index
    %swap3A_510 = tpu.vector_load %arg5[%swap3A_509] {strides = array<i32>} : memref<5120xf32, #tpu.memory_space<vmem>>, vector<16xf32>,
    tpu.vector_store %arg5[%swap3A_509], %broadcast_in_dim3A_3 {strides = array<i32>} : memref<5120xf32, #tpu.memory_space<vmem>>, vector<16xf32>,
    %swap3A_511 = arith.constant 4064 : index
    %swap3A_512 = tpu.vector_load %arg5[%swap3A_511] {strides = array<i32>} : memref<5120xf32, #tpu.memory_space<vmem>>, vector<16xf32>,
    tpu.vector_store %arg5[%swap3A_511], %broadcast_in_dim3A_3 {strides = array<i32>} : memref<5120xf32, #tpu.memory_space<vmem>>, vector<16xf32>,
    %swap3A_513 = arith.constant 4080 : index
    %swap3A_514 = tpu.vector_load %arg5[%swap3A_513] {strides = array<i32>} : memref<5120xf32, #tpu.memory_space<vmem>>, vector<16xf32>,
    tpu.vector_store %arg5[%swap3A_513], %broadcast_in_dim3A_3 {strides = array<i32>} : memref<5120xf32, #tpu.memory_space<vmem>>, vector<16xf32>,
    %swap3A_515 = arith.constant 4096 : index
    %swap3A_516 = tpu.vector_load %arg5[%swap3A_515] {strides = array<i32>} : memref<5120xf32, #tpu.memory_space<vmem>>, vector<16xf32>,
    tpu.vector_store %arg5[%swap3A_515], %broadcast_in_dim3A_3 {strides = array<i32>} : memref<5120xf32, #tpu.memory_space<vmem>>, vector<16xf32>,
    %swap3A_517 = arith.constant 4112 : index
    %swap3A_518 = tpu.vector_load %arg5[%swap3A_517] {strides = array<i32>} : memref<5120xf32, #tpu.memory_space<vmem>>, vector<16xf32>,
    tpu.vector_store %arg5[%swap3A_517], %broadcast_in_dim3A_3 {strides = array<i32>} : memref<5120xf32, #tpu.memory_space<vmem>>, vector<16xf32>,
    %swap3A_519 = arith.constant 4128 : index
    %swap3A_520 = tpu.vector_load %arg5[%swap3A_519] {strides = array<i32>} : memref<5120xf32, #tpu.memory_space<vmem>>, vector<16xf32>,
    tpu.vector_store %arg5[%swap3A_519], %broadcast_in_dim3A_3 {strides = array<i32>} : memref<5120xf32, #tpu.memory_space<vmem>>, vector<16xf32>,
    %swap3A_521 = arith.constant 4144 : index
    %swap3A_522 = tpu.vector_load %arg5[%swap3A_521] {strides = array<i32>} : memref<5120xf32, #tpu.memory_space<vmem>>, vector<16xf32>,
    tpu.vector_store %arg5[%swap3A_521], %broadcast_in_dim3A_3 {strides = array<i32>} : memref<5120xf32, #tpu.memory_space<vmem>>, vector<16xf32>,
    %swap3A_523 = arith.constant 4160 : index
    %swap3A_524 = tpu.vector_load %arg5[%swap3A_523] {strides = array<i32>} : memref<5120xf32, #tpu.memory_space<vmem>>, vector<16xf32>,
    tpu.vector_store %arg5[%swap3A_523], %broadcast_in_dim3A_3 {strides = array<i32>} : memref<5120xf32, #tpu.memory_space<vmem>>, vector<16xf32>,
    %swap3A_525 = arith.constant 4176 : index
    %swap3A_526 = tpu.vector_load %arg5[%swap3A_525] {strides = array<i32>} : memref<5120xf32, #tpu.memory_space<vmem>>, vector<16xf32>,
    tpu.vector_store %arg5[%swap3A_525], %broadcast_in_dim3A_3 {strides = array<i32>} : memref<5120xf32, #tpu.memory_space<vmem>>, vector<16xf32>,
    %swap3A_527 = arith.constant 4192 : index
    %swap3A_528 = tpu.vector_load %arg5[%swap3A_527] {strides = array<i32>} : memref<5120xf32, #tpu.memory_space<vmem>>, vector<16xf32>,
    tpu.vector_store %arg5[%swap3A_527], %broadcast_in_dim3A_3 {strides = array<i32>} : memref<5120xf32, #tpu.memory_space<vmem>>, vector<16xf32>,
    %swap3A_529 = arith.constant 4208 : index
    %swap3A_530 = tpu.vector_load %arg5[%swap3A_529] {strides = array<i32>} : memref<5120xf32, #tpu.memory_space<vmem>>, vector<16xf32>,
    tpu.vector_store %arg5[%swap3A_529], %broadcast_in_dim3A_3 {strides = array<i32>} : memref<5120xf32, #tpu.memory_space<vmem>>, vector<16xf32>,
    %swap3A_531 = arith.constant 4224 : index
    %swap3A_532 = tpu.vector_load %arg5[%swap3A_531] {strides = array<i32>} : memref<5120xf32, #tpu.memory_space<vmem>>, vector<16xf32>,
    tpu.vector_store %arg5[%swap3A_531], %broadcast_in_dim3A_3 {strides = array<i32>} : memref<5120xf32, #tpu.memory_space<vmem>>, vector<16xf32>,
    %swap3A_533 = arith.constant 4240 : index
    %swap3A_534 = tpu.vector_load %arg5[%swap3A_533] {strides = array<i32>} : memref<5120xf32, #tpu.memory_space<vmem>>, vector<16xf32>,
    tpu.vector_store %arg5[%swap3A_533], %broadcast_in_dim3A_3 {strides = array<i32>} : memref<5120xf32, #tpu.memory_space<vmem>>, vector<16xf32>,
    %swap3A_535 = arith.constant 4256 : index
    %swap3A_536 = tpu.vector_load %arg5[%swap3A_535] {strides = array<i32>} : memref<5120xf32, #tpu.memory_space<vmem>>, vector<16xf32>,
    tpu.vector_store %arg5[%swap3A_535], %broadcast_in_dim3A_3 {strides = array<i32>} : memref<5120xf32, #tpu.memory_space<vmem>>, vector<16xf32>,
    %swap3A_537 = arith.constant 4272 : index
    %swap3A_538 = tpu.vector_load %arg5[%swap3A_537] {strides = array<i32>} : memref<5120xf32, #tpu.memory_space<vmem>>, vector<16xf32>,
    tpu.vector_store %arg5[%swap3A_537], %broadcast_in_dim3A_3 {strides = array<i32>} : memref<5120xf32, #tpu.memory_space<vmem>>, vector<16xf32>,
    %swap3A_539 = arith.constant 4288 : index
    %swap3A_540 = tpu.vector_load %arg5[%swap3A_539] {strides = array<i32>} : memref<5120xf32, #tpu.memory_space<vmem>>, vector<16xf32>,
    tpu.vector_store %arg5[%swap3A_539], %broadcast_in_dim3A_3 {strides = array<i32>} : memref<5120xf32, #tpu.memory_space<vmem>>, vector<16xf32>,
    %swap3A_541 = arith.constant 4304 : index
    %swap3A_542 = tpu.vector_load %arg5[%swap3A_541] {strides = array<i32>} : memref<5120xf32, #tpu.memory_space<vmem>>, vector<16xf32>,
    tpu.vector_store %arg5[%swap3A_541], %broadcast_in_dim3A_3 {strides = array<i32>} : memref<5120xf32, #tpu.memory_space<vmem>>, vector<16xf32>,
    %swap3A_543 = arith.constant 4320 : index
    %swap3A_544 = tpu.vector_load %arg5[%swap3A_543] {strides = array<i32>} : memref<5120xf32, #tpu.memory_space<vmem>>, vector<16xf32>,
    tpu.vector_store %arg5[%swap3A_543], %broadcast_in_dim3A_3 {strides = array<i32>} : memref<5120xf32, #tpu.memory_space<vmem>>, vector<16xf32>,
    %swap3A_545 = arith.constant 4336 : index
    %swap3A_546 = tpu.vector_load %arg5[%swap3A_545] {strides = array<i32>} : memref<5120xf32, #tpu.memory_space<vmem>>, vector<16xf32>,
    tpu.vector_store %arg5[%swap3A_545], %broadcast_in_dim3A_3 {strides = array<i32>} : memref<5120xf32, #tpu.memory_space<vmem>>, vector<16xf32>,
    %swap3A_547 = arith.constant 4352 : index
    %swap3A_548 = tpu.vector_load %arg5[%swap3A_547] {strides = array<i32>} : memref<5120xf32, #tpu.memory_space<vmem>>, vector<16xf32>,
    tpu.vector_store %arg5[%swap3A_547], %broadcast_in_dim3A_3 {strides = array<i32>} : memref<5120xf32, #tpu.memory_space<vmem>>, vector<16xf32>,
    %swap3A_549 = arith.constant 4368 : index
    %swap3A_550 = tpu.vector_load %arg5[%swap3A_549] {strides = array<i32>} : memref<5120xf32, #tpu.memory_space<vmem>>, vector<16xf32>,
    tpu.vector_store %arg5[%swap3A_549], %broadcast_in_dim3A_3 {strides = array<i32>} : memref<5120xf32, #tpu.memory_space<vmem>>, vector<16xf32>,
    %swap3A_551 = arith.constant 4384 : index
    %swap3A_552 = tpu.vector_load %arg5[%swap3A_551] {strides = array<i32>} : memref<5120xf32, #tpu.memory_space<vmem>>, vector<16xf32>,
    tpu.vector_store %arg5[%swap3A_551], %broadcast_in_dim3A_3 {strides = array<i32>} : memref<5120xf32, #tpu.memory_space<vmem>>, vector<16xf32>,
    %swap3A_553 = arith.constant 4400 : index
    %swap3A_554 = tpu.vector_load %arg5[%swap3A_553] {strides = array<i32>} : memref<5120xf32, #tpu.memory_space<vmem>>, vector<16xf32>,
    tpu.vector_store %arg5[%swap3A_553], %broadcast_in_dim3A_3 {strides = array<i32>} : memref<5120xf32, #tpu.memory_space<vmem>>, vector<16xf32>,
    %swap3A_555 = arith.constant 4416 : index
    %swap3A_556 = tpu.vector_load %arg5[%swap3A_555] {strides = array<i32>} : memref<5120xf32, #tpu.memory_space<vmem>>, vector<16xf32>,
    tpu.vector_store %arg5[%swap3A_555], %broadcast_in_dim3A_3 {strides = array<i32>} : memref<5120xf32, #tpu.memory_space<vmem>>, vector<16xf32>,
    %swap3A_557 = arith.constant 4432 : index
    %swap3A_558 = tpu.vector_load %arg5[%swap3A_557] {strides = array<i32>} : memref<5120xf32, #tpu.memory_space<vmem>>, vector<16xf32>,
    tpu.vector_store %arg5[%swap3A_557], %broadcast_in_dim3A_3 {strides = array<i32>} : memref<5120xf32, #tpu.memory_space<vmem>>, vector<16xf32>,
    %swap3A_559 = arith.constant 4448 : index
    %swap3A_560 = tpu.vector_load %arg5[%swap3A_559] {strides = array<i32>} : memref<5120xf32, #tpu.memory_space<vmem>>, vector<16xf32>,
    tpu.vector_store %arg5[%swap3A_559], %broadcast_in_dim3A_3 {strides = array<i32>} : memref<5120xf32, #tpu.memory_space<vmem>>, vector<16xf32>,
    %swap3A_561 = arith.constant 4464 : index
    %swap3A_562 = tpu.vector_load %arg5[%swap3A_561] {strides = array<i32>} : memref<5120xf32, #tpu.memory_space<vmem>>, vector<16xf32>,
    tpu.vector_store %arg5[%swap3A_561], %broadcast_in_dim3A_3 {strides = array<i32>} : memref<5120xf32, #tpu.memory_space<vmem>>, vector<16xf32>,
    %swap3A_563 = arith.constant 4480 : index
    %swap3A_564 = tpu.vector_load %arg5[%swap3A_563] {strides = array<i32>} : memref<5120xf32, #tpu.memory_space<vmem>>, vector<16xf32>,
    tpu.vector_store %arg5[%swap3A_563], %broadcast_in_dim3A_3 {strides = array<i32>} : memref<5120xf32, #tpu.memory_space<vmem>>, vector<16xf32>,
    %swap3A_565 = arith.constant 4496 : index
    %swap3A_566 = tpu.vector_load %arg5[%swap3A_565] {strides = array<i32>} : memref<5120xf32, #tpu.memory_space<vmem>>, vector<16xf32>,
    tpu.vector_store %arg5[%swap3A_565], %broadcast_in_dim3A_3 {strides = array<i32>} : memref<5120xf32, #tpu.memory_space<vmem>>, vector<16xf32>,
    %swap3A_567 = arith.constant 4512 : index
    %swap3A_568 = tpu.vector_load %arg5[%swap3A_567] {strides = array<i32>} : memref<5120xf32, #tpu.memory_space<vmem>>, vector<16xf32>,
    tpu.vector_store %arg5[%swap3A_567], %broadcast_in_dim3A_3 {strides = array<i32>} : memref<5120xf32, #tpu.memory_space<vmem>>, vector<16xf32>,
    %swap3A_569 = arith.constant 4528 : index
    %swap3A_570 = tpu.vector_load %arg5[%swap3A_569] {strides = array<i32>} : memref<5120xf32, #tpu.memory_space<vmem>>, vector<16xf32>,
    tpu.vector_store %arg5[%swap3A_569], %broadcast_in_dim3A_3 {strides = array<i32>} : memref<5120xf32, #tpu.memory_space<vmem>>, vector<16xf32>,
    %swap3A_571 = arith.constant 4544 : index
    %swap3A_572 = tpu.vector_load %arg5[%swap3A_571] {strides = array<i32>} : memref<5120xf32, #tpu.memory_space<vmem>>, vector<16xf32>,
    tpu.vector_store %arg5[%swap3A_571], %broadcast_in_dim3A_3 {strides = array<i32>} : memref<5120xf32, #tpu.memory_space<vmem>>, vector<16xf32>,
    %swap3A_573 = arith.constant 4560 : index
    %swap3A_574 = tpu.vector_load %arg5[%swap3A_573] {strides = array<i32>} : memref<5120xf32, #tpu.memory_space<vmem>>, vector<16xf32>,
    tpu.vector_store %arg5[%swap3A_573], %broadcast_in_dim3A_3 {strides = array<i32>} : memref<5120xf32, #tpu.memory_space<vmem>>, vector<16xf32>,
    %swap3A_575 = arith.constant 4576 : index
    %swap3A_576 = tpu.vector_load %arg5[%swap3A_575] {strides = array<i32>} : memref<5120xf32, #tpu.memory_space<vmem>>, vector<16xf32>,
    tpu.vector_store %arg5[%swap3A_575], %broadcast_in_dim3A_3 {strides = array<i32>} : memref<5120xf32, #tpu.memory_space<vmem>>, vector<16xf32>,
    %swap3A_577 = arith.constant 4592 : index
    %swap3A_578 = tpu.vector_load %arg5[%swap3A_577] {strides = array<i32>} : memref<5120xf32, #tpu.memory_space<vmem>>, vector<16xf32>,
    tpu.vector_store %arg5[%swap3A_577], %broadcast_in_dim3A_3 {strides = array<i32>} : memref<5120xf32, #tpu.memory_space<vmem>>, vector<16xf32>,
    %swap3A_579 = arith.constant 4608 : index
    %swap3A_580 = tpu.vector_load %arg5[%swap3A_579] {strides = array<i32>} : memref<5120xf32, #tpu.memory_space<vmem>>, vector<16xf32>,
    tpu.vector_store %arg5[%swap3A_579], %broadcast_in_dim3A_3 {strides = array<i32>} : memref<5120xf32, #tpu.memory_space<vmem>>, vector<16xf32>,
    %swap3A_581 = arith.constant 4624 : index
    %swap3A_582 = tpu.vector_load %arg5[%swap3A_581] {strides = array<i32>} : memref<5120xf32, #tpu.memory_space<vmem>>, vector<16xf32>,
    tpu.vector_store %arg5[%swap3A_581], %broadcast_in_dim3A_3 {strides = array<i32>} : memref<5120xf32, #tpu.memory_space<vmem>>, vector<16xf32>,
    %swap3A_583 = arith.constant 4640 : index
    %swap3A_584 = tpu.vector_load %arg5[%swap3A_583] {strides = array<i32>} : memref<5120xf32, #tpu.memory_space<vmem>>, vector<16xf32>,
    tpu.vector_store %arg5[%swap3A_583], %broadcast_in_dim3A_3 {strides = array<i32>} : memref<5120xf32, #tpu.memory_space<vmem>>, vector<16xf32>,
    %swap3A_585 = arith.constant 4656 : index
    %swap3A_586 = tpu.vector_load %arg5[%swap3A_585] {strides = array<i32>} : memref<5120xf32, #tpu.memory_space<vmem>>, vector<16xf32>,
    tpu.vector_store %arg5[%swap3A_585], %broadcast_in_dim3A_3 {strides = array<i32>} : memref<5120xf32, #tpu.memory_space<vmem>>, vector<16xf32>,
    %swap3A_587 = arith.constant 4672 : index
    %swap3A_588 = tpu.vector_load %arg5[%swap3A_587] {strides = array<i32>} : memref<5120xf32, #tpu.memory_space<vmem>>, vector<16xf32>,
    tpu.vector_store %arg5[%swap3A_587], %broadcast_in_dim3A_3 {strides = array<i32>} : memref<5120xf32, #tpu.memory_space<vmem>>, vector<16xf32>,
    %swap3A_589 = arith.constant 4688 : index
    %swap3A_590 = tpu.vector_load %arg5[%swap3A_589] {strides = array<i32>} : memref<5120xf32, #tpu.memory_space<vmem>>, vector<16xf32>,
    tpu.vector_store %arg5[%swap3A_589], %broadcast_in_dim3A_3 {strides = array<i32>} : memref<5120xf32, #tpu.memory_space<vmem>>, vector<16xf32>,
    %swap3A_591 = arith.constant 4704 : index
    %swap3A_592 = tpu.vector_load %arg5[%swap3A_591] {strides = array<i32>} : memref<5120xf32, #tpu.memory_space<vmem>>, vector<16xf32>,
    tpu.vector_store %arg5[%swap3A_591], %broadcast_in_dim3A_3 {strides = array<i32>} : memref<5120xf32, #tpu.memory_space<vmem>>, vector<16xf32>,
    %swap3A_593 = arith.constant 4720 : index
    %swap3A_594 = tpu.vector_load %arg5[%swap3A_593] {strides = array<i32>} : memref<5120xf32, #tpu.memory_space<vmem>>, vector<16xf32>,
    tpu.vector_store %arg5[%swap3A_593], %broadcast_in_dim3A_3 {strides = array<i32>} : memref<5120xf32, #tpu.memory_space<vmem>>, vector<16xf32>,
    %swap3A_595 = arith.constant 4736 : index
    %swap3A_596 = tpu.vector_load %arg5[%swap3A_595] {strides = array<i32>} : memref<5120xf32, #tpu.memory_space<vmem>>, vector<16xf32>,
    tpu.vector_store %arg5[%swap3A_595], %broadcast_in_dim3A_3 {strides = array<i32>} : memref<5120xf32, #tpu.memory_space<vmem>>, vector<16xf32>,
    %swap3A_597 = arith.constant 4752 : index
    %swap3A_598 = tpu.vector_load %arg5[%swap3A_597] {strides = array<i32>} : memref<5120xf32, #tpu.memory_space<vmem>>, vector<16xf32>,
    tpu.vector_store %arg5[%swap3A_597], %broadcast_in_dim3A_3 {strides = array<i32>} : memref<5120xf32, #tpu.memory_space<vmem>>, vector<16xf32>,
    %swap3A_599 = arith.constant 4768 : index
    %swap3A_600 = tpu.vector_load %arg5[%swap3A_599] {strides = array<i32>} : memref<5120xf32, #tpu.memory_space<vmem>>, vector<16xf32>,
    tpu.vector_store %arg5[%swap3A_599], %broadcast_in_dim3A_3 {strides = array<i32>} : memref<5120xf32, #tpu.memory_space<vmem>>, vector<16xf32>,
    %swap3A_601 = arith.constant 4784 : index
    %swap3A_602 = tpu.vector_load %arg5[%swap3A_601] {strides = array<i32>} : memref<5120xf32, #tpu.memory_space<vmem>>, vector<16xf32>,
    tpu.vector_store %arg5[%swap3A_601], %broadcast_in_dim3A_3 {strides = array<i32>} : memref<5120xf32, #tpu.memory_space<vmem>>, vector<16xf32>,
    %swap3A_603 = arith.constant 4800 : index
    %swap3A_604 = tpu.vector_load %arg5[%swap3A_603] {strides = array<i32>} : memref<5120xf32, #tpu.memory_space<vmem>>, vector<16xf32>,
    tpu.vector_store %arg5[%swap3A_603], %broadcast_in_dim3A_3 {strides = array<i32>} : memref<5120xf32, #tpu.memory_space<vmem>>, vector<16xf32>,
    %swap3A_605 = arith.constant 4816 : index
    %swap3A_606 = tpu.vector_load %arg5[%swap3A_605] {strides = array<i32>} : memref<5120xf32, #tpu.memory_space<vmem>>, vector<16xf32>,
    tpu.vector_store %arg5[%swap3A_605], %broadcast_in_dim3A_3 {strides = array<i32>} : memref<5120xf32, #tpu.memory_space<vmem>>, vector<16xf32>,
    %swap3A_607 = arith.constant 4832 : index
    %swap3A_608 = tpu.vector_load %arg5[%swap3A_607] {strides = array<i32>} : memref<5120xf32, #tpu.memory_space<vmem>>, vector<16xf32>,
    tpu.vector_store %arg5[%swap3A_607], %broadcast_in_dim3A_3 {strides = array<i32>} : memref<5120xf32, #tpu.memory_space<vmem>>, vector<16xf32>,
    %swap3A_609 = arith.constant 4848 : index
    %swap3A_610 = tpu.vector_load %arg5[%swap3A_609] {strides = array<i32>} : memref<5120xf32, #tpu.memory_space<vmem>>, vector<16xf32>,
    tpu.vector_store %arg5[%swap3A_609], %broadcast_in_dim3A_3 {strides = array<i32>} : memref<5120xf32, #tpu.memory_space<vmem>>, vector<16xf32>,
    %swap3A_611 = arith.constant 4864 : index
    %swap3A_612 = tpu.vector_load %arg5[%swap3A_611] {strides = array<i32>} : memref<5120xf32, #tpu.memory_space<vmem>>, vector<16xf32>,
    tpu.vector_store %arg5[%swap3A_611], %broadcast_in_dim3A_3 {strides = array<i32>} : memref<5120xf32, #tpu.memory_space<vmem>>, vector<16xf32>,
    %swap3A_613 = arith.constant 4880 : index
    %swap3A_614 = tpu.vector_load %arg5[%swap3A_613] {strides = array<i32>} : memref<5120xf32, #tpu.memory_space<vmem>>, vector<16xf32>,
    tpu.vector_store %arg5[%swap3A_613], %broadcast_in_dim3A_3 {strides = array<i32>} : memref<5120xf32, #tpu.memory_space<vmem>>, vector<16xf32>,
    %swap3A_615 = arith.constant 4896 : index
    %swap3A_616 = tpu.vector_load %arg5[%swap3A_615] {strides = array<i32>} : memref<5120xf32, #tpu.memory_space<vmem>>, vector<16xf32>,
    tpu.vector_store %arg5[%swap3A_615], %broadcast_in_dim3A_3 {strides = array<i32>} : memref<5120xf32, #tpu.memory_space<vmem>>, vector<16xf32>,
    %swap3A_617 = arith.constant 4912 : index
    %swap3A_618 = tpu.vector_load %arg5[%swap3A_617] {strides = array<i32>} : memref<5120xf32, #tpu.memory_space<vmem>>, vector<16xf32>,
    tpu.vector_store %arg5[%swap3A_617], %broadcast_in_dim3A_3 {strides = array<i32>} : memref<5120xf32, #tpu.memory_space<vmem>>, vector<16xf32>,
    %swap3A_619 = arith.constant 4928 : index
    %swap3A_620 = tpu.vector_load %arg5[%swap3A_619] {strides = array<i32>} : memref<5120xf32, #tpu.memory_space<vmem>>, vector<16xf32>,
    tpu.vector_store %arg5[%swap3A_619], %broadcast_in_dim3A_3 {strides = array<i32>} : memref<5120xf32, #tpu.memory_space<vmem>>, vector<16xf32>,
    %swap3A_621 = arith.constant 4944 : index
    %swap3A_622 = tpu.vector_load %arg5[%swap3A_621] {strides = array<i32>} : memref<5120xf32, #tpu.memory_space<vmem>>, vector<16xf32>,
    tpu.vector_store %arg5[%swap3A_621], %broadcast_in_dim3A_3 {strides = array<i32>} : memref<5120xf32, #tpu.memory_space<vmem>>, vector<16xf32>,
    %swap3A_623 = arith.constant 4960 : index
    %swap3A_624 = tpu.vector_load %arg5[%swap3A_623] {strides = array<i32>} : memref<5120xf32, #tpu.memory_space<vmem>>, vector<16xf32>,
    tpu.vector_store %arg5[%swap3A_623], %broadcast_in_dim3A_3 {strides = array<i32>} : memref<5120xf32, #tpu.memory_space<vmem>>, vector<16xf32>,
    %swap3A_625 = arith.constant 4976 : index
    %swap3A_626 = tpu.vector_load %arg5[%swap3A_625] {strides = array<i32>} : memref<5120xf32, #tpu.memory_space<vmem>>, vector<16xf32>,
    tpu.vector_store %arg5[%swap3A_625], %broadcast_in_dim3A_3 {strides = array<i32>} : memref<5120xf32, #tpu.memory_space<vmem>>, vector<16xf32>,
    %swap3A_627 = arith.constant 4992 : index
    %swap3A_628 = tpu.vector_load %arg5[%swap3A_627] {strides = array<i32>} : memref<5120xf32, #tpu.memory_space<vmem>>, vector<16xf32>,
    tpu.vector_store %arg5[%swap3A_627], %broadcast_in_dim3A_3 {strides = array<i32>} : memref<5120xf32, #tpu.memory_space<vmem>>, vector<16xf32>,
    %swap3A_629 = arith.constant 5008 : index
    %swap3A_630 = tpu.vector_load %arg5[%swap3A_629] {strides = array<i32>} : memref<5120xf32, #tpu.memory_space<vmem>>, vector<16xf32>,
    tpu.vector_store %arg5[%swap3A_629], %broadcast_in_dim3A_3 {strides = array<i32>} : memref<5120xf32, #tpu.memory_space<vmem>>, vector<16xf32>,
    %swap3A_631 = arith.constant 5024 : index
    %swap3A_632 = tpu.vector_load %arg5[%swap3A_631] {strides = array<i32>} : memref<5120xf32, #tpu.memory_space<vmem>>, vector<16xf32>,
    tpu.vector_store %arg5[%swap3A_631], %broadcast_in_dim3A_3 {strides = array<i32>} : memref<5120xf32, #tpu.memory_space<vmem>>, vector<16xf32>,
    %swap3A_633 = arith.constant 5040 : index
    %swap3A_634 = tpu.vector_load %arg5[%swap3A_633] {strides = array<i32>} : memref<5120xf32, #tpu.memory_space<vmem>>, vector<16xf32>,
    tpu.vector_store %arg5[%swap3A_633], %broadcast_in_dim3A_3 {strides = array<i32>} : memref<5120xf32, #tpu.memory_space<vmem>>, vector<16xf32>,
    %swap3A_635 = arith.constant 5056 : index
    %swap3A_636 = tpu.vector_load %arg5[%swap3A_635] {strides = array<i32>} : memref<5120xf32, #tpu.memory_space<vmem>>, vector<16xf32>,
    tpu.vector_store %arg5[%swap3A_635], %broadcast_in_dim3A_3 {strides = array<i32>} : memref<5120xf32, #tpu.memory_space<vmem>>, vector<16xf32>,
    %swap3A_637 = arith.constant 5072 : index
    %swap3A_638 = tpu.vector_load %arg5[%swap3A_637] {strides = array<i32>} : memref<5120xf32, #tpu.memory_space<vmem>>, vector<16xf32>,
    tpu.vector_store %arg5[%swap3A_637], %broadcast_in_dim3A_3 {strides = array<i32>} : memref<5120xf32, #tpu.memory_space<vmem>>, vector<16xf32>,
    %swap3A_639 = arith.constant 5088 : index
    %swap3A_640 = tpu.vector_load %arg5[%swap3A_639] {strides = array<i32>} : memref<5120xf32, #tpu.memory_space<vmem>>, vector<16xf32>,
    tpu.vector_store %arg5[%swap3A_639], %broadcast_in_dim3A_3 {strides = array<i32>} : memref<5120xf32, #tpu.memory_space<vmem>>, vector<16xf32>,
    %swap3A_641 = arith.constant 5104 : index
    %swap3A_642 = tpu.vector_load %arg5[%swap3A_641] {strides = array<i32>} : memref<5120xf32, #tpu.memory_space<vmem>>, vector<16xf32>,
    tpu.vector_store %arg5[%swap3A_641], %broadcast_in_dim3A_3 {strides = array<i32>} : memref<5120xf32, #tpu.memory_space<vmem>>, vector<16xf32>,
    %iota3A = tpu.iota {dimensions = array<i32: 0>} : vector<16xi32>
    %mul3A_643 = arith.constant 320 : i32
    %mul3A_644 = vector.broadcast %mul3A_643 : i32 to vector<16xi32>
    %mul3A_645 = arith.muli %iota3A, %mul3A_644 : vector<16xi32>
    %broadcast_in_dim3A_646 = arith.constant 1.000000e+00 : f32
    %broadcast_in_dim3A_647 = vector.broadcast %broadcast_in_dim3A_646 : f32 to vector<16xf32>
    %scan3A = arith.constant 0 : i32
    %scan3A_648 = arith.constant 0 : i32
    %scan3A_649 = arith.constant 200 : i32
    %scan3A_650 = arith.addi %scan3A_648, %scan3A_649 : i32
    %scan3A_651 = arith.constant 1 : i32
    scf.for %scan3A_1636 = %scan3A_648 to %scan3A_650 step %scan3A_651  : i32 {
      %mul3A_1637 = arith.constant 16 : i32
      %mul3A_1638 = arith.muli %scan3A_1636, %mul3A_1637 : i32
      %get3A_1639 = arith.index_cast %mul3A_1638 : i32 to index
      %get3A_1640 = tpu.vector_load %arg4[%get3A_1639] {strides = array<i32>} : memref<3200xi32, #tpu.memory_space<vmem>>, vector<16xi32>,
      %add3A_1641 = arith.addi %get3A_1640, %mul3A_645 : vector<16xi32>
      tpu.vector_store_idx %arg5[%add3A_1641], %broadcast_in_dim3A_647 {add = true} : memref<5120xf32, #tpu.memory_space<vmem>>[vector<16xi32>], vector<16xf32>,
    }
    %scan3A_652 = arith.constant 200 : i32
    %get3A = arith.constant 0 : index
    %get3A_653 = tpu.vector_load %arg5[%get3A] {strides = array<i32>} : memref<5120xf32, #tpu.memory_space<vmem>>, vector<16xf32>,
    %get3A_654 = arith.constant 320 : index
    %get3A_655 = tpu.vector_load %arg5[%get3A_654] {strides = array<i32>} : memref<5120xf32, #tpu.memory_space<vmem>>, vector<16xf32>,
    %add3A_656 = arith.addf %get3A_653, %get3A_655 : vector<16xf32>
    %get3A_657 = arith.constant 640 : index
    %get3A_658 = tpu.vector_load %arg5[%get3A_657] {strides = array<i32>} : memref<5120xf32, #tpu.memory_space<vmem>>, vector<16xf32>,
    %add3A_659 = arith.addf %add3A_656, %get3A_658 : vector<16xf32>
    %get3A_660 = arith.constant 960 : index
    %get3A_661 = tpu.vector_load %arg5[%get3A_660] {strides = array<i32>} : memref<5120xf32, #tpu.memory_space<vmem>>, vector<16xf32>,
    %add3A_662 = arith.addf %add3A_659, %get3A_661 : vector<16xf32>
    %get3A_663 = arith.constant 1280 : index
    %get3A_664 = tpu.vector_load %arg5[%get3A_663] {strides = array<i32>} : memref<5120xf32, #tpu.memory_space<vmem>>, vector<16xf32>,
    %add3A_665 = arith.addf %add3A_662, %get3A_664 : vector<16xf32>
    %get3A_666 = arith.constant 1600 : index
    %get3A_667 = tpu.vector_load %arg5[%get3A_666] {strides = array<i32>} : memref<5120xf32, #tpu.memory_space<vmem>>, vector<16xf32>,
    %add3A_668 = arith.addf %add3A_665, %get3A_667 : vector<16xf32>
    %get3A_669 = arith.constant 1920 : index
    %get3A_670 = tpu.vector_load %arg5[%get3A_669] {strides = array<i32>} : memref<5120xf32, #tpu.memory_space<vmem>>, vector<16xf32>,
    %add3A_671 = arith.addf %add3A_668, %get3A_670 : vector<16xf32>
    %get3A_672 = arith.constant 2240 : index
    %get3A_673 = tpu.vector_load %arg5[%get3A_672] {strides = array<i32>} : memref<5120xf32, #tpu.memory_space<vmem>>, vector<16xf32>,
    %add3A_674 = arith.addf %add3A_671, %get3A_673 : vector<16xf32>
    %get3A_675 = arith.constant 2560 : index
    %get3A_676 = tpu.vector_load %arg5[%get3A_675] {strides = array<i32>} : memref<5120xf32, #tpu.memory_space<vmem>>, vector<16xf32>,
    %add3A_677 = arith.addf %add3A_674, %get3A_676 : vector<16xf32>
    %get3A_678 = arith.constant 2880 : index
    %get3A_679 = tpu.vector_load %arg5[%get3A_678] {strides = array<i32>} : memref<5120xf32, #tpu.memory_space<vmem>>, vector<16xf32>,
    %add3A_680 = arith.addf %add3A_677, %get3A_679 : vector<16xf32>
    %get3A_681 = arith.constant 3200 : index
    %get3A_682 = tpu.vector_load %arg5[%get3A_681] {strides = array<i32>} : memref<5120xf32, #tpu.memory_space<vmem>>, vector<16xf32>,
    %add3A_683 = arith.addf %add3A_680, %get3A_682 : vector<16xf32>
    %get3A_684 = arith.constant 3520 : index
    %get3A_685 = tpu.vector_load %arg5[%get3A_684] {strides = array<i32>} : memref<5120xf32, #tpu.memory_space<vmem>>, vector<16xf32>,
    %add3A_686 = arith.addf %add3A_683, %get3A_685 : vector<16xf32>
    %get3A_687 = arith.constant 3840 : index
    %get3A_688 = tpu.vector_load %arg5[%get3A_687] {strides = array<i32>} : memref<5120xf32, #tpu.memory_space<vmem>>, vector<16xf32>,
    %add3A_689 = arith.addf %add3A_686, %get3A_688 : vector<16xf32>
    %get3A_690 = arith.constant 4160 : index
    %get3A_691 = tpu.vector_load %arg5[%get3A_690] {strides = array<i32>} : memref<5120xf32, #tpu.memory_space<vmem>>, vector<16xf32>,
    %add3A_692 = arith.addf %add3A_689, %get3A_691 : vector<16xf32>
    %get3A_693 = arith.constant 4480 : index
    %get3A_694 = tpu.vector_load %arg5[%get3A_693] {strides = array<i32>} : memref<5120xf32, #tpu.memory_space<vmem>>, vector<16xf32>,
    %add3A_695 = arith.addf %add3A_692, %get3A_694 : vector<16xf32>
    %get3A_696 = arith.constant 4800 : index
    %get3A_697 = tpu.vector_load %arg5[%get3A_696] {strides = array<i32>} : memref<5120xf32, #tpu.memory_space<vmem>>, vector<16xf32>,
    %add3A_698 = arith.addf %add3A_695, %get3A_697 : vector<16xf32>
    %swap3A_699 = arith.constant 0 : index
    %swap3A_700 = tpu.vector_load %arg6[%swap3A_699] {strides = array<i32>} : memref<320xf32, #tpu.memory_space<vmem>>, vector<16xf32>,
    tpu.vector_store %arg6[%swap3A_699], %add3A_698 {strides = array<i32>} : memref<320xf32, #tpu.memory_space<vmem>>, vector<16xf32>,
    %get3A_701 = arith.constant 16 : index
    %get3A_702 = tpu.vector_load %arg5[%get3A_701] {strides = array<i32>} : memref<5120xf32, #tpu.memory_space<vmem>>, vector<16xf32>,
    %get3A_703 = arith.constant 336 : index
    %get3A_704 = tpu.vector_load %arg5[%get3A_703] {strides = array<i32>} : memref<5120xf32, #tpu.memory_space<vmem>>, vector<16xf32>,
    %add3A_705 = arith.addf %get3A_702, %get3A_704 : vector<16xf32>
    %get3A_706 = arith.constant 656 : index
    %get3A_707 = tpu.vector_load %arg5[%get3A_706] {strides = array<i32>} : memref<5120xf32, #tpu.memory_space<vmem>>, vector<16xf32>,
    %add3A_708 = arith.addf %add3A_705, %get3A_707 : vector<16xf32>
    %get3A_709 = arith.constant 976 : index
    %get3A_710 = tpu.vector_load %arg5[%get3A_709] {strides = array<i32>} : memref<5120xf32, #tpu.memory_space<vmem>>, vector<16xf32>,
    %add3A_711 = arith.addf %add3A_708, %get3A_710 : vector<16xf32>
    %get3A_712 = arith.constant 1296 : index
    %get3A_713 = tpu.vector_load %arg5[%get3A_712] {strides = array<i32>} : memref<5120xf32, #tpu.memory_space<vmem>>, vector<16xf32>,
    %add3A_714 = arith.addf %add3A_711, %get3A_713 : vector<16xf32>
    %get3A_715 = arith.constant 1616 : index
    %get3A_716 = tpu.vector_load %arg5[%get3A_715] {strides = array<i32>} : memref<5120xf32, #tpu.memory_space<vmem>>, vector<16xf32>,
    %add3A_717 = arith.addf %add3A_714, %get3A_716 : vector<16xf32>
    %get3A_718 = arith.constant 1936 : index
    %get3A_719 = tpu.vector_load %arg5[%get3A_718] {strides = array<i32>} : memref<5120xf32, #tpu.memory_space<vmem>>, vector<16xf32>,
    %add3A_720 = arith.addf %add3A_717, %get3A_719 : vector<16xf32>
    %get3A_721 = arith.constant 2256 : index
    %get3A_722 = tpu.vector_load %arg5[%get3A_721] {strides = array<i32>} : memref<5120xf32, #tpu.memory_space<vmem>>, vector<16xf32>,
    %add3A_723 = arith.addf %add3A_720, %get3A_722 : vector<16xf32>
    %get3A_724 = arith.constant 2576 : index
    %get3A_725 = tpu.vector_load %arg5[%get3A_724] {strides = array<i32>} : memref<5120xf32, #tpu.memory_space<vmem>>, vector<16xf32>,
    %add3A_726 = arith.addf %add3A_723, %get3A_725 : vector<16xf32>
    %get3A_727 = arith.constant 2896 : index
    %get3A_728 = tpu.vector_load %arg5[%get3A_727] {strides = array<i32>} : memref<5120xf32, #tpu.memory_space<vmem>>, vector<16xf32>,
    %add3A_729 = arith.addf %add3A_726, %get3A_728 : vector<16xf32>
    %get3A_730 = arith.constant 3216 : index
    %get3A_731 = tpu.vector_load %arg5[%get3A_730] {strides = array<i32>} : memref<5120xf32, #tpu.memory_space<vmem>>, vector<16xf32>,
    %add3A_732 = arith.addf %add3A_729, %get3A_731 : vector<16xf32>
    %get3A_733 = arith.constant 3536 : index
    %get3A_734 = tpu.vector_load %arg5[%get3A_733] {strides = array<i32>} : memref<5120xf32, #tpu.memory_space<vmem>>, vector<16xf32>,
    %add3A_735 = arith.addf %add3A_732, %get3A_734 : vector<16xf32>
    %get3A_736 = arith.constant 3856 : index
    %get3A_737 = tpu.vector_load %arg5[%get3A_736] {strides = array<i32>} : memref<5120xf32, #tpu.memory_space<vmem>>, vector<16xf32>,
    %add3A_738 = arith.addf %add3A_735, %get3A_737 : vector<16xf32>
    %get3A_739 = arith.constant 4176 : index
    %get3A_740 = tpu.vector_load %arg5[%get3A_739] {strides = array<i32>} : memref<5120xf32, #tpu.memory_space<vmem>>, vector<16xf32>,
    %add3A_741 = arith.addf %add3A_738, %get3A_740 : vector<16xf32>
    %get3A_742 = arith.constant 4496 : index
    %get3A_743 = tpu.vector_load %arg5[%get3A_742] {strides = array<i32>} : memref<5120xf32, #tpu.memory_space<vmem>>, vector<16xf32>,
    %add3A_744 = arith.addf %add3A_741, %get3A_743 : vector<16xf32>
    %get3A_745 = arith.constant 4816 : index
    %get3A_746 = tpu.vector_load %arg5[%get3A_745] {strides = array<i32>} : memref<5120xf32, #tpu.memory_space<vmem>>, vector<16xf32>,
    %add3A_747 = arith.addf %add3A_744, %get3A_746 : vector<16xf32>
    %swap3A_748 = arith.constant 16 : index
    %swap3A_749 = tpu.vector_load %arg6[%swap3A_748] {strides = array<i32>} : memref<320xf32, #tpu.memory_space<vmem>>, vector<16xf32>,
    tpu.vector_store %arg6[%swap3A_748], %add3A_747 {strides = array<i32>} : memref<320xf32, #tpu.memory_space<vmem>>, vector<16xf32>,
    %get3A_750 = arith.constant 32 : index
    %get3A_751 = tpu.vector_load %arg5[%get3A_750] {strides = array<i32>} : memref<5120xf32, #tpu.memory_space<vmem>>, vector<16xf32>,
    %get3A_752 = arith.constant 352 : index
    %get3A_753 = tpu.vector_load %arg5[%get3A_752] {strides = array<i32>} : memref<5120xf32, #tpu.memory_space<vmem>>, vector<16xf32>,
    %add3A_754 = arith.addf %get3A_751, %get3A_753 : vector<16xf32>
    %get3A_755 = arith.constant 672 : index
    %get3A_756 = tpu.vector_load %arg5[%get3A_755] {strides = array<i32>} : memref<5120xf32, #tpu.memory_space<vmem>>, vector<16xf32>,
    %add3A_757 = arith.addf %add3A_754, %get3A_756 : vector<16xf32>
    %get3A_758 = arith.constant 992 : index
    %get3A_759 = tpu.vector_load %arg5[%get3A_758] {strides = array<i32>} : memref<5120xf32, #tpu.memory_space<vmem>>, vector<16xf32>,
    %add3A_760 = arith.addf %add3A_757, %get3A_759 : vector<16xf32>
    %get3A_761 = arith.constant 1312 : index
    %get3A_762 = tpu.vector_load %arg5[%get3A_761] {strides = array<i32>} : memref<5120xf32, #tpu.memory_space<vmem>>, vector<16xf32>,
    %add3A_763 = arith.addf %add3A_760, %get3A_762 : vector<16xf32>
    %get3A_764 = arith.constant 1632 : index
    %get3A_765 = tpu.vector_load %arg5[%get3A_764] {strides = array<i32>} : memref<5120xf32, #tpu.memory_space<vmem>>, vector<16xf32>,
    %add3A_766 = arith.addf %add3A_763, %get3A_765 : vector<16xf32>
    %get3A_767 = arith.constant 1952 : index
    %get3A_768 = tpu.vector_load %arg5[%get3A_767] {strides = array<i32>} : memref<5120xf32, #tpu.memory_space<vmem>>, vector<16xf32>,
    %add3A_769 = arith.addf %add3A_766, %get3A_768 : vector<16xf32>
    %get3A_770 = arith.constant 2272 : index
    %get3A_771 = tpu.vector_load %arg5[%get3A_770] {strides = array<i32>} : memref<5120xf32, #tpu.memory_space<vmem>>, vector<16xf32>,
    %add3A_772 = arith.addf %add3A_769, %get3A_771 : vector<16xf32>
    %get3A_773 = arith.constant 2592 : index
    %get3A_774 = tpu.vector_load %arg5[%get3A_773] {strides = array<i32>} : memref<5120xf32, #tpu.memory_space<vmem>>, vector<16xf32>,
    %add3A_775 = arith.addf %add3A_772, %get3A_774 : vector<16xf32>
    %get3A_776 = arith.constant 2912 : index
    %get3A_777 = tpu.vector_load %arg5[%get3A_776] {strides = array<i32>} : memref<5120xf32, #tpu.memory_space<vmem>>, vector<16xf32>,
    %add3A_778 = arith.addf %add3A_775, %get3A_777 : vector<16xf32>
    %get3A_779 = arith.constant 3232 : index
    %get3A_780 = tpu.vector_load %arg5[%get3A_779] {strides = array<i32>} : memref<5120xf32, #tpu.memory_space<vmem>>, vector<16xf32>,
    %add3A_781 = arith.addf %add3A_778, %get3A_780 : vector<16xf32>
    %get3A_782 = arith.constant 3552 : index
    %get3A_783 = tpu.vector_load %arg5[%get3A_782] {strides = array<i32>} : memref<5120xf32, #tpu.memory_space<vmem>>, vector<16xf32>,
    %add3A_784 = arith.addf %add3A_781, %get3A_783 : vector<16xf32>
    %get3A_785 = arith.constant 3872 : index
    %get3A_786 = tpu.vector_load %arg5[%get3A_785] {strides = array<i32>} : memref<5120xf32, #tpu.memory_space<vmem>>, vector<16xf32>,
    %add3A_787 = arith.addf %add3A_784, %get3A_786 : vector<16xf32>
    %get3A_788 = arith.constant 4192 : index
    %get3A_789 = tpu.vector_load %arg5[%get3A_788] {strides = array<i32>} : memref<5120xf32, #tpu.memory_space<vmem>>, vector<16xf32>,
    %add3A_790 = arith.addf %add3A_787, %get3A_789 : vector<16xf32>
    %get3A_791 = arith.constant 4512 : index
    %get3A_792 = tpu.vector_load %arg5[%get3A_791] {strides = array<i32>} : memref<5120xf32, #tpu.memory_space<vmem>>, vector<16xf32>,
    %add3A_793 = arith.addf %add3A_790, %get3A_792 : vector<16xf32>
    %get3A_794 = arith.constant 4832 : index
    %get3A_795 = tpu.vector_load %arg5[%get3A_794] {strides = array<i32>} : memref<5120xf32, #tpu.memory_space<vmem>>, vector<16xf32>,
    %add3A_796 = arith.addf %add3A_793, %get3A_795 : vector<16xf32>
    %swap3A_797 = arith.constant 32 : index
    %swap3A_798 = tpu.vector_load %arg6[%swap3A_797] {strides = array<i32>} : memref<320xf32, #tpu.memory_space<vmem>>, vector<16xf32>,
    tpu.vector_store %arg6[%swap3A_797], %add3A_796 {strides = array<i32>} : memref<320xf32, #tpu.memory_space<vmem>>, vector<16xf32>,
    %get3A_799 = arith.constant 48 : index
    %get3A_800 = tpu.vector_load %arg5[%get3A_799] {strides = array<i32>} : memref<5120xf32, #tpu.memory_space<vmem>>, vector<16xf32>,
    %get3A_801 = arith.constant 368 : index
    %get3A_802 = tpu.vector_load %arg5[%get3A_801] {strides = array<i32>} : memref<5120xf32, #tpu.memory_space<vmem>>, vector<16xf32>,
    %add3A_803 = arith.addf %get3A_800, %get3A_802 : vector<16xf32>
    %get3A_804 = arith.constant 688 : index
    %get3A_805 = tpu.vector_load %arg5[%get3A_804] {strides = array<i32>} : memref<5120xf32, #tpu.memory_space<vmem>>, vector<16xf32>,
    %add3A_806 = arith.addf %add3A_803, %get3A_805 : vector<16xf32>
    %get3A_807 = arith.constant 1008 : index
    %get3A_808 = tpu.vector_load %arg5[%get3A_807] {strides = array<i32>} : memref<5120xf32, #tpu.memory_space<vmem>>, vector<16xf32>,
    %add3A_809 = arith.addf %add3A_806, %get3A_808 : vector<16xf32>
    %get3A_810 = arith.constant 1328 : index
    %get3A_811 = tpu.vector_load %arg5[%get3A_810] {strides = array<i32>} : memref<5120xf32, #tpu.memory_space<vmem>>, vector<16xf32>,
    %add3A_812 = arith.addf %add3A_809, %get3A_811 : vector<16xf32>
    %get3A_813 = arith.constant 1648 : index
    %get3A_814 = tpu.vector_load %arg5[%get3A_813] {strides = array<i32>} : memref<5120xf32, #tpu.memory_space<vmem>>, vector<16xf32>,
    %add3A_815 = arith.addf %add3A_812, %get3A_814 : vector<16xf32>
    %get3A_816 = arith.constant 1968 : index
    %get3A_817 = tpu.vector_load %arg5[%get3A_816] {strides = array<i32>} : memref<5120xf32, #tpu.memory_space<vmem>>, vector<16xf32>,
    %add3A_818 = arith.addf %add3A_815, %get3A_817 : vector<16xf32>
    %get3A_819 = arith.constant 2288 : index
    %get3A_820 = tpu.vector_load %arg5[%get3A_819] {strides = array<i32>} : memref<5120xf32, #tpu.memory_space<vmem>>, vector<16xf32>,
    %add3A_821 = arith.addf %add3A_818, %get3A_820 : vector<16xf32>
    %get3A_822 = arith.constant 2608 : index
    %get3A_823 = tpu.vector_load %arg5[%get3A_822] {strides = array<i32>} : memref<5120xf32, #tpu.memory_space<vmem>>, vector<16xf32>,
    %add3A_824 = arith.addf %add3A_821, %get3A_823 : vector<16xf32>
    %get3A_825 = arith.constant 2928 : index
    %get3A_826 = tpu.vector_load %arg5[%get3A_825] {strides = array<i32>} : memref<5120xf32, #tpu.memory_space<vmem>>, vector<16xf32>,
    %add3A_827 = arith.addf %add3A_824, %get3A_826 : vector<16xf32>
    %get3A_828 = arith.constant 3248 : index
    %get3A_829 = tpu.vector_load %arg5[%get3A_828] {strides = array<i32>} : memref<5120xf32, #tpu.memory_space<vmem>>, vector<16xf32>,
    %add3A_830 = arith.addf %add3A_827, %get3A_829 : vector<16xf32>
    %get3A_831 = arith.constant 3568 : index
    %get3A_832 = tpu.vector_load %arg5[%get3A_831] {strides = array<i32>} : memref<5120xf32, #tpu.memory_space<vmem>>, vector<16xf32>,
    %add3A_833 = arith.addf %add3A_830, %get3A_832 : vector<16xf32>
    %get3A_834 = arith.constant 3888 : index
    %get3A_835 = tpu.vector_load %arg5[%get3A_834] {strides = array<i32>} : memref<5120xf32, #tpu.memory_space<vmem>>, vector<16xf32>,
    %add3A_836 = arith.addf %add3A_833, %get3A_835 : vector<16xf32>
    %get3A_837 = arith.constant 4208 : index
    %get3A_838 = tpu.vector_load %arg5[%get3A_837] {strides = array<i32>} : memref<5120xf32, #tpu.memory_space<vmem>>, vector<16xf32>,
    %add3A_839 = arith.addf %add3A_836, %get3A_838 : vector<16xf32>
    %get3A_840 = arith.constant 4528 : index
    %get3A_841 = tpu.vector_load %arg5[%get3A_840] {strides = array<i32>} : memref<5120xf32, #tpu.memory_space<vmem>>, vector<16xf32>,
    %add3A_842 = arith.addf %add3A_839, %get3A_841 : vector<16xf32>
    %get3A_843 = arith.constant 4848 : index
    %get3A_844 = tpu.vector_load %arg5[%get3A_843] {strides = array<i32>} : memref<5120xf32, #tpu.memory_space<vmem>>, vector<16xf32>,
    %add3A_845 = arith.addf %add3A_842, %get3A_844 : vector<16xf32>
    %swap3A_846 = arith.constant 48 : index
    %swap3A_847 = tpu.vector_load %arg6[%swap3A_846] {strides = array<i32>} : memref<320xf32, #tpu.memory_space<vmem>>, vector<16xf32>,
    tpu.vector_store %arg6[%swap3A_846], %add3A_845 {strides = array<i32>} : memref<320xf32, #tpu.memory_space<vmem>>, vector<16xf32>,
    %get3A_848 = arith.constant 64 : index
    %get3A_849 = tpu.vector_load %arg5[%get3A_848] {strides = array<i32>} : memref<5120xf32, #tpu.memory_space<vmem>>, vector<16xf32>,
    %get3A_850 = arith.constant 384 : index
    %get3A_851 = tpu.vector_load %arg5[%get3A_850] {strides = array<i32>} : memref<5120xf32, #tpu.memory_space<vmem>>, vector<16xf32>,
    %add3A_852 = arith.addf %get3A_849, %get3A_851 : vector<16xf32>
    %get3A_853 = arith.constant 704 : index
    %get3A_854 = tpu.vector_load %arg5[%get3A_853] {strides = array<i32>} : memref<5120xf32, #tpu.memory_space<vmem>>, vector<16xf32>,
    %add3A_855 = arith.addf %add3A_852, %get3A_854 : vector<16xf32>
    %get3A_856 = arith.constant 1024 : index
    %get3A_857 = tpu.vector_load %arg5[%get3A_856] {strides = array<i32>} : memref<5120xf32, #tpu.memory_space<vmem>>, vector<16xf32>,
    %add3A_858 = arith.addf %add3A_855, %get3A_857 : vector<16xf32>
    %get3A_859 = arith.constant 1344 : index
    %get3A_860 = tpu.vector_load %arg5[%get3A_859] {strides = array<i32>} : memref<5120xf32, #tpu.memory_space<vmem>>, vector<16xf32>,
    %add3A_861 = arith.addf %add3A_858, %get3A_860 : vector<16xf32>
    %get3A_862 = arith.constant 1664 : index
    %get3A_863 = tpu.vector_load %arg5[%get3A_862] {strides = array<i32>} : memref<5120xf32, #tpu.memory_space<vmem>>, vector<16xf32>,
    %add3A_864 = arith.addf %add3A_861, %get3A_863 : vector<16xf32>
    %get3A_865 = arith.constant 1984 : index
    %get3A_866 = tpu.vector_load %arg5[%get3A_865] {strides = array<i32>} : memref<5120xf32, #tpu.memory_space<vmem>>, vector<16xf32>,
    %add3A_867 = arith.addf %add3A_864, %get3A_866 : vector<16xf32>
    %get3A_868 = arith.constant 2304 : index
    %get3A_869 = tpu.vector_load %arg5[%get3A_868] {strides = array<i32>} : memref<5120xf32, #tpu.memory_space<vmem>>, vector<16xf32>,
    %add3A_870 = arith.addf %add3A_867, %get3A_869 : vector<16xf32>
    %get3A_871 = arith.constant 2624 : index
    %get3A_872 = tpu.vector_load %arg5[%get3A_871] {strides = array<i32>} : memref<5120xf32, #tpu.memory_space<vmem>>, vector<16xf32>,
    %add3A_873 = arith.addf %add3A_870, %get3A_872 : vector<16xf32>
    %get3A_874 = arith.constant 2944 : index
    %get3A_875 = tpu.vector_load %arg5[%get3A_874] {strides = array<i32>} : memref<5120xf32, #tpu.memory_space<vmem>>, vector<16xf32>,
    %add3A_876 = arith.addf %add3A_873, %get3A_875 : vector<16xf32>
    %get3A_877 = arith.constant 3264 : index
    %get3A_878 = tpu.vector_load %arg5[%get3A_877] {strides = array<i32>} : memref<5120xf32, #tpu.memory_space<vmem>>, vector<16xf32>,
    %add3A_879 = arith.addf %add3A_876, %get3A_878 : vector<16xf32>
    %get3A_880 = arith.constant 3584 : index
    %get3A_881 = tpu.vector_load %arg5[%get3A_880] {strides = array<i32>} : memref<5120xf32, #tpu.memory_space<vmem>>, vector<16xf32>,
    %add3A_882 = arith.addf %add3A_879, %get3A_881 : vector<16xf32>
    %get3A_883 = arith.constant 3904 : index
    %get3A_884 = tpu.vector_load %arg5[%get3A_883] {strides = array<i32>} : memref<5120xf32, #tpu.memory_space<vmem>>, vector<16xf32>,
    %add3A_885 = arith.addf %add3A_882, %get3A_884 : vector<16xf32>
    %get3A_886 = arith.constant 4224 : index
    %get3A_887 = tpu.vector_load %arg5[%get3A_886] {strides = array<i32>} : memref<5120xf32, #tpu.memory_space<vmem>>, vector<16xf32>,
    %add3A_888 = arith.addf %add3A_885, %get3A_887 : vector<16xf32>
    %get3A_889 = arith.constant 4544 : index
    %get3A_890 = tpu.vector_load %arg5[%get3A_889] {strides = array<i32>} : memref<5120xf32, #tpu.memory_space<vmem>>, vector<16xf32>,
    %add3A_891 = arith.addf %add3A_888, %get3A_890 : vector<16xf32>
    %get3A_892 = arith.constant 4864 : index
    %get3A_893 = tpu.vector_load %arg5[%get3A_892] {strides = array<i32>} : memref<5120xf32, #tpu.memory_space<vmem>>, vector<16xf32>,
    %add3A_894 = arith.addf %add3A_891, %get3A_893 : vector<16xf32>
    %swap3A_895 = arith.constant 64 : index
    %swap3A_896 = tpu.vector_load %arg6[%swap3A_895] {strides = array<i32>} : memref<320xf32, #tpu.memory_space<vmem>>, vector<16xf32>,
    tpu.vector_store %arg6[%swap3A_895], %add3A_894 {strides = array<i32>} : memref<320xf32, #tpu.memory_space<vmem>>, vector<16xf32>,
    %get3A_897 = arith.constant 80 : index
    %get3A_898 = tpu.vector_load %arg5[%get3A_897] {strides = array<i32>} : memref<5120xf32, #tpu.memory_space<vmem>>, vector<16xf32>,
    %get3A_899 = arith.constant 400 : index
    %get3A_900 = tpu.vector_load %arg5[%get3A_899] {strides = array<i32>} : memref<5120xf32, #tpu.memory_space<vmem>>, vector<16xf32>,
    %add3A_901 = arith.addf %get3A_898, %get3A_900 : vector<16xf32>
    %get3A_902 = arith.constant 720 : index
    %get3A_903 = tpu.vector_load %arg5[%get3A_902] {strides = array<i32>} : memref<5120xf32, #tpu.memory_space<vmem>>, vector<16xf32>,
    %add3A_904 = arith.addf %add3A_901, %get3A_903 : vector<16xf32>
    %get3A_905 = arith.constant 1040 : index
    %get3A_906 = tpu.vector_load %arg5[%get3A_905] {strides = array<i32>} : memref<5120xf32, #tpu.memory_space<vmem>>, vector<16xf32>,
    %add3A_907 = arith.addf %add3A_904, %get3A_906 : vector<16xf32>
    %get3A_908 = arith.constant 1360 : index
    %get3A_909 = tpu.vector_load %arg5[%get3A_908] {strides = array<i32>} : memref<5120xf32, #tpu.memory_space<vmem>>, vector<16xf32>,
    %add3A_910 = arith.addf %add3A_907, %get3A_909 : vector<16xf32>
    %get3A_911 = arith.constant 1680 : index
    %get3A_912 = tpu.vector_load %arg5[%get3A_911] {strides = array<i32>} : memref<5120xf32, #tpu.memory_space<vmem>>, vector<16xf32>,
    %add3A_913 = arith.addf %add3A_910, %get3A_912 : vector<16xf32>
    %get3A_914 = arith.constant 2000 : index
    %get3A_915 = tpu.vector_load %arg5[%get3A_914] {strides = array<i32>} : memref<5120xf32, #tpu.memory_space<vmem>>, vector<16xf32>,
    %add3A_916 = arith.addf %add3A_913, %get3A_915 : vector<16xf32>
    %get3A_917 = arith.constant 2320 : index
    %get3A_918 = tpu.vector_load %arg5[%get3A_917] {strides = array<i32>} : memref<5120xf32, #tpu.memory_space<vmem>>, vector<16xf32>,
    %add3A_919 = arith.addf %add3A_916, %get3A_918 : vector<16xf32>
    %get3A_920 = arith.constant 2640 : index
    %get3A_921 = tpu.vector_load %arg5[%get3A_920] {strides = array<i32>} : memref<5120xf32, #tpu.memory_space<vmem>>, vector<16xf32>,
    %add3A_922 = arith.addf %add3A_919, %get3A_921 : vector<16xf32>
    %get3A_923 = arith.constant 2960 : index
    %get3A_924 = tpu.vector_load %arg5[%get3A_923] {strides = array<i32>} : memref<5120xf32, #tpu.memory_space<vmem>>, vector<16xf32>,
    %add3A_925 = arith.addf %add3A_922, %get3A_924 : vector<16xf32>
    %get3A_926 = arith.constant 3280 : index
    %get3A_927 = tpu.vector_load %arg5[%get3A_926] {strides = array<i32>} : memref<5120xf32, #tpu.memory_space<vmem>>, vector<16xf32>,
    %add3A_928 = arith.addf %add3A_925, %get3A_927 : vector<16xf32>
    %get3A_929 = arith.constant 3600 : index
    %get3A_930 = tpu.vector_load %arg5[%get3A_929] {strides = array<i32>} : memref<5120xf32, #tpu.memory_space<vmem>>, vector<16xf32>,
    %add3A_931 = arith.addf %add3A_928, %get3A_930 : vector<16xf32>
    %get3A_932 = arith.constant 3920 : index
    %get3A_933 = tpu.vector_load %arg5[%get3A_932] {strides = array<i32>} : memref<5120xf32, #tpu.memory_space<vmem>>, vector<16xf32>,
    %add3A_934 = arith.addf %add3A_931, %get3A_933 : vector<16xf32>
    %get3A_935 = arith.constant 4240 : index
    %get3A_936 = tpu.vector_load %arg5[%get3A_935] {strides = array<i32>} : memref<5120xf32, #tpu.memory_space<vmem>>, vector<16xf32>,
    %add3A_937 = arith.addf %add3A_934, %get3A_936 : vector<16xf32>
    %get3A_938 = arith.constant 4560 : index
    %get3A_939 = tpu.vector_load %arg5[%get3A_938] {strides = array<i32>} : memref<5120xf32, #tpu.memory_space<vmem>>, vector<16xf32>,
    %add3A_940 = arith.addf %add3A_937, %get3A_939 : vector<16xf32>
    %get3A_941 = arith.constant 4880 : index
    %get3A_942 = tpu.vector_load %arg5[%get3A_941] {strides = array<i32>} : memref<5120xf32, #tpu.memory_space<vmem>>, vector<16xf32>,
    %add3A_943 = arith.addf %add3A_940, %get3A_942 : vector<16xf32>
    %swap3A_944 = arith.constant 80 : index
    %swap3A_945 = tpu.vector_load %arg6[%swap3A_944] {strides = array<i32>} : memref<320xf32, #tpu.memory_space<vmem>>, vector<16xf32>,
    tpu.vector_store %arg6[%swap3A_944], %add3A_943 {strides = array<i32>} : memref<320xf32, #tpu.memory_space<vmem>>, vector<16xf32>,
    %get3A_946 = arith.constant 96 : index
    %get3A_947 = tpu.vector_load %arg5[%get3A_946] {strides = array<i32>} : memref<5120xf32, #tpu.memory_space<vmem>>, vector<16xf32>,
    %get3A_948 = arith.constant 416 : index
    %get3A_949 = tpu.vector_load %arg5[%get3A_948] {strides = array<i32>} : memref<5120xf32, #tpu.memory_space<vmem>>, vector<16xf32>,
    %add3A_950 = arith.addf %get3A_947, %get3A_949 : vector<16xf32>
    %get3A_951 = arith.constant 736 : index
    %get3A_952 = tpu.vector_load %arg5[%get3A_951] {strides = array<i32>} : memref<5120xf32, #tpu.memory_space<vmem>>, vector<16xf32>,
    %add3A_953 = arith.addf %add3A_950, %get3A_952 : vector<16xf32>
    %get3A_954 = arith.constant 1056 : index
    %get3A_955 = tpu.vector_load %arg5[%get3A_954] {strides = array<i32>} : memref<5120xf32, #tpu.memory_space<vmem>>, vector<16xf32>,
    %add3A_956 = arith.addf %add3A_953, %get3A_955 : vector<16xf32>
    %get3A_957 = arith.constant 1376 : index
    %get3A_958 = tpu.vector_load %arg5[%get3A_957] {strides = array<i32>} : memref<5120xf32, #tpu.memory_space<vmem>>, vector<16xf32>,
    %add3A_959 = arith.addf %add3A_956, %get3A_958 : vector<16xf32>
    %get3A_960 = arith.constant 1696 : index
    %get3A_961 = tpu.vector_load %arg5[%get3A_960] {strides = array<i32>} : memref<5120xf32, #tpu.memory_space<vmem>>, vector<16xf32>,
    %add3A_962 = arith.addf %add3A_959, %get3A_961 : vector<16xf32>
    %get3A_963 = arith.constant 2016 : index
    %get3A_964 = tpu.vector_load %arg5[%get3A_963] {strides = array<i32>} : memref<5120xf32, #tpu.memory_space<vmem>>, vector<16xf32>,
    %add3A_965 = arith.addf %add3A_962, %get3A_964 : vector<16xf32>
    %get3A_966 = arith.constant 2336 : index
    %get3A_967 = tpu.vector_load %arg5[%get3A_966] {strides = array<i32>} : memref<5120xf32, #tpu.memory_space<vmem>>, vector<16xf32>,
    %add3A_968 = arith.addf %add3A_965, %get3A_967 : vector<16xf32>
    %get3A_969 = arith.constant 2656 : index
    %get3A_970 = tpu.vector_load %arg5[%get3A_969] {strides = array<i32>} : memref<5120xf32, #tpu.memory_space<vmem>>, vector<16xf32>,
    %add3A_971 = arith.addf %add3A_968, %get3A_970 : vector<16xf32>
    %get3A_972 = arith.constant 2976 : index
    %get3A_973 = tpu.vector_load %arg5[%get3A_972] {strides = array<i32>} : memref<5120xf32, #tpu.memory_space<vmem>>, vector<16xf32>,
    %add3A_974 = arith.addf %add3A_971, %get3A_973 : vector<16xf32>
    %get3A_975 = arith.constant 3296 : index
    %get3A_976 = tpu.vector_load %arg5[%get3A_975] {strides = array<i32>} : memref<5120xf32, #tpu.memory_space<vmem>>, vector<16xf32>,
    %add3A_977 = arith.addf %add3A_974, %get3A_976 : vector<16xf32>
    %get3A_978 = arith.constant 3616 : index
    %get3A_979 = tpu.vector_load %arg5[%get3A_978] {strides = array<i32>} : memref<5120xf32, #tpu.memory_space<vmem>>, vector<16xf32>,
    %add3A_980 = arith.addf %add3A_977, %get3A_979 : vector<16xf32>
    %get3A_981 = arith.constant 3936 : index
    %get3A_982 = tpu.vector_load %arg5[%get3A_981] {strides = array<i32>} : memref<5120xf32, #tpu.memory_space<vmem>>, vector<16xf32>,
    %add3A_983 = arith.addf %add3A_980, %get3A_982 : vector<16xf32>
    %get3A_984 = arith.constant 4256 : index
    %get3A_985 = tpu.vector_load %arg5[%get3A_984] {strides = array<i32>} : memref<5120xf32, #tpu.memory_space<vmem>>, vector<16xf32>,
    %add3A_986 = arith.addf %add3A_983, %get3A_985 : vector<16xf32>
    %get3A_987 = arith.constant 4576 : index
    %get3A_988 = tpu.vector_load %arg5[%get3A_987] {strides = array<i32>} : memref<5120xf32, #tpu.memory_space<vmem>>, vector<16xf32>,
    %add3A_989 = arith.addf %add3A_986, %get3A_988 : vector<16xf32>
    %get3A_990 = arith.constant 4896 : index
    %get3A_991 = tpu.vector_load %arg5[%get3A_990] {strides = array<i32>} : memref<5120xf32, #tpu.memory_space<vmem>>, vector<16xf32>,
    %add3A_992 = arith.addf %add3A_989, %get3A_991 : vector<16xf32>
    %swap3A_993 = arith.constant 96 : index
    %swap3A_994 = tpu.vector_load %arg6[%swap3A_993] {strides = array<i32>} : memref<320xf32, #tpu.memory_space<vmem>>, vector<16xf32>,
    tpu.vector_store %arg6[%swap3A_993], %add3A_992 {strides = array<i32>} : memref<320xf32, #tpu.memory_space<vmem>>, vector<16xf32>,
    %get3A_995 = arith.constant 112 : index
    %get3A_996 = tpu.vector_load %arg5[%get3A_995] {strides = array<i32>} : memref<5120xf32, #tpu.memory_space<vmem>>, vector<16xf32>,
    %get3A_997 = arith.constant 432 : index
    %get3A_998 = tpu.vector_load %arg5[%get3A_997] {strides = array<i32>} : memref<5120xf32, #tpu.memory_space<vmem>>, vector<16xf32>,
    %add3A_999 = arith.addf %get3A_996, %get3A_998 : vector<16xf32>
    %get3A_1000 = arith.constant 752 : index
    %get3A_1001 = tpu.vector_load %arg5[%get3A_1000] {strides = array<i32>} : memref<5120xf32, #tpu.memory_space<vmem>>, vector<16xf32>,
    %add3A_1002 = arith.addf %add3A_999, %get3A_1001 : vector<16xf32>
    %get3A_1003 = arith.constant 1072 : index
    %get3A_1004 = tpu.vector_load %arg5[%get3A_1003] {strides = array<i32>} : memref<5120xf32, #tpu.memory_space<vmem>>, vector<16xf32>,
    %add3A_1005 = arith.addf %add3A_1002, %get3A_1004 : vector<16xf32>
    %get3A_1006 = arith.constant 1392 : index
    %get3A_1007 = tpu.vector_load %arg5[%get3A_1006] {strides = array<i32>} : memref<5120xf32, #tpu.memory_space<vmem>>, vector<16xf32>,
    %add3A_1008 = arith.addf %add3A_1005, %get3A_1007 : vector<16xf32>
    %get3A_1009 = arith.constant 1712 : index
    %get3A_1010 = tpu.vector_load %arg5[%get3A_1009] {strides = array<i32>} : memref<5120xf32, #tpu.memory_space<vmem>>, vector<16xf32>,
    %add3A_1011 = arith.addf %add3A_1008, %get3A_1010 : vector<16xf32>
    %get3A_1012 = arith.constant 2032 : index
    %get3A_1013 = tpu.vector_load %arg5[%get3A_1012] {strides = array<i32>} : memref<5120xf32, #tpu.memory_space<vmem>>, vector<16xf32>,
    %add3A_1014 = arith.addf %add3A_1011, %get3A_1013 : vector<16xf32>
    %get3A_1015 = arith.constant 2352 : index
    %get3A_1016 = tpu.vector_load %arg5[%get3A_1015] {strides = array<i32>} : memref<5120xf32, #tpu.memory_space<vmem>>, vector<16xf32>,
    %add3A_1017 = arith.addf %add3A_1014, %get3A_1016 : vector<16xf32>
    %get3A_1018 = arith.constant 2672 : index
    %get3A_1019 = tpu.vector_load %arg5[%get3A_1018] {strides = array<i32>} : memref<5120xf32, #tpu.memory_space<vmem>>, vector<16xf32>,
    %add3A_1020 = arith.addf %add3A_1017, %get3A_1019 : vector<16xf32>
    %get3A_1021 = arith.constant 2992 : index
    %get3A_1022 = tpu.vector_load %arg5[%get3A_1021] {strides = array<i32>} : memref<5120xf32, #tpu.memory_space<vmem>>, vector<16xf32>,
    %add3A_1023 = arith.addf %add3A_1020, %get3A_1022 : vector<16xf32>
    %get3A_1024 = arith.constant 3312 : index
    %get3A_1025 = tpu.vector_load %arg5[%get3A_1024] {strides = array<i32>} : memref<5120xf32, #tpu.memory_space<vmem>>, vector<16xf32>,
    %add3A_1026 = arith.addf %add3A_1023, %get3A_1025 : vector<16xf32>
    %get3A_1027 = arith.constant 3632 : index
    %get3A_1028 = tpu.vector_load %arg5[%get3A_1027] {strides = array<i32>} : memref<5120xf32, #tpu.memory_space<vmem>>, vector<16xf32>,
    %add3A_1029 = arith.addf %add3A_1026, %get3A_1028 : vector<16xf32>
    %get3A_1030 = arith.constant 3952 : index
    %get3A_1031 = tpu.vector_load %arg5[%get3A_1030] {strides = array<i32>} : memref<5120xf32, #tpu.memory_space<vmem>>, vector<16xf32>,
    %add3A_1032 = arith.addf %add3A_1029, %get3A_1031 : vector<16xf32>
    %get3A_1033 = arith.constant 4272 : index
    %get3A_1034 = tpu.vector_load %arg5[%get3A_1033] {strides = array<i32>} : memref<5120xf32, #tpu.memory_space<vmem>>, vector<16xf32>,
    %add3A_1035 = arith.addf %add3A_1032, %get3A_1034 : vector<16xf32>
    %get3A_1036 = arith.constant 4592 : index
    %get3A_1037 = tpu.vector_load %arg5[%get3A_1036] {strides = array<i32>} : memref<5120xf32, #tpu.memory_space<vmem>>, vector<16xf32>,
    %add3A_1038 = arith.addf %add3A_1035, %get3A_1037 : vector<16xf32>
    %get3A_1039 = arith.constant 4912 : index
    %get3A_1040 = tpu.vector_load %arg5[%get3A_1039] {strides = array<i32>} : memref<5120xf32, #tpu.memory_space<vmem>>, vector<16xf32>,
    %add3A_1041 = arith.addf %add3A_1038, %get3A_1040 : vector<16xf32>
    %swap3A_1042 = arith.constant 112 : index
    %swap3A_1043 = tpu.vector_load %arg6[%swap3A_1042] {strides = array<i32>} : memref<320xf32, #tpu.memory_space<vmem>>, vector<16xf32>,
    tpu.vector_store %arg6[%swap3A_1042], %add3A_1041 {strides = array<i32>} : memref<320xf32, #tpu.memory_space<vmem>>, vector<16xf32>,
    %get3A_1044 = arith.constant 128 : index
    %get3A_1045 = tpu.vector_load %arg5[%get3A_1044] {strides = array<i32>} : memref<5120xf32, #tpu.memory_space<vmem>>, vector<16xf32>,
    %get3A_1046 = arith.constant 448 : index
    %get3A_1047 = tpu.vector_load %arg5[%get3A_1046] {strides = array<i32>} : memref<5120xf32, #tpu.memory_space<vmem>>, vector<16xf32>,
    %add3A_1048 = arith.addf %get3A_1045, %get3A_1047 : vector<16xf32>
    %get3A_1049 = arith.constant 768 : index
    %get3A_1050 = tpu.vector_load %arg5[%get3A_1049] {strides = array<i32>} : memref<5120xf32, #tpu.memory_space<vmem>>, vector<16xf32>,
    %add3A_1051 = arith.addf %add3A_1048, %get3A_1050 : vector<16xf32>
    %get3A_1052 = arith.constant 1088 : index
    %get3A_1053 = tpu.vector_load %arg5[%get3A_1052] {strides = array<i32>} : memref<5120xf32, #tpu.memory_space<vmem>>, vector<16xf32>,
    %add3A_1054 = arith.addf %add3A_1051, %get3A_1053 : vector<16xf32>
    %get3A_1055 = arith.constant 1408 : index
    %get3A_1056 = tpu.vector_load %arg5[%get3A_1055] {strides = array<i32>} : memref<5120xf32, #tpu.memory_space<vmem>>, vector<16xf32>,
    %add3A_1057 = arith.addf %add3A_1054, %get3A_1056 : vector<16xf32>
    %get3A_1058 = arith.constant 1728 : index
    %get3A_1059 = tpu.vector_load %arg5[%get3A_1058] {strides = array<i32>} : memref<5120xf32, #tpu.memory_space<vmem>>, vector<16xf32>,
    %add3A_1060 = arith.addf %add3A_1057, %get3A_1059 : vector<16xf32>
    %get3A_1061 = arith.constant 2048 : index
    %get3A_1062 = tpu.vector_load %arg5[%get3A_1061] {strides = array<i32>} : memref<5120xf32, #tpu.memory_space<vmem>>, vector<16xf32>,
    %add3A_1063 = arith.addf %add3A_1060, %get3A_1062 : vector<16xf32>
    %get3A_1064 = arith.constant 2368 : index
    %get3A_1065 = tpu.vector_load %arg5[%get3A_1064] {strides = array<i32>} : memref<5120xf32, #tpu.memory_space<vmem>>, vector<16xf32>,
    %add3A_1066 = arith.addf %add3A_1063, %get3A_1065 : vector<16xf32>
    %get3A_1067 = arith.constant 2688 : index
    %get3A_1068 = tpu.vector_load %arg5[%get3A_1067] {strides = array<i32>} : memref<5120xf32, #tpu.memory_space<vmem>>, vector<16xf32>,
    %add3A_1069 = arith.addf %add3A_1066, %get3A_1068 : vector<16xf32>
    %get3A_1070 = arith.constant 3008 : index
    %get3A_1071 = tpu.vector_load %arg5[%get3A_1070] {strides = array<i32>} : memref<5120xf32, #tpu.memory_space<vmem>>, vector<16xf32>,
    %add3A_1072 = arith.addf %add3A_1069, %get3A_1071 : vector<16xf32>
    %get3A_1073 = arith.constant 3328 : index
    %get3A_1074 = tpu.vector_load %arg5[%get3A_1073] {strides = array<i32>} : memref<5120xf32, #tpu.memory_space<vmem>>, vector<16xf32>,
    %add3A_1075 = arith.addf %add3A_1072, %get3A_1074 : vector<16xf32>
    %get3A_1076 = arith.constant 3648 : index
    %get3A_1077 = tpu.vector_load %arg5[%get3A_1076] {strides = array<i32>} : memref<5120xf32, #tpu.memory_space<vmem>>, vector<16xf32>,
    %add3A_1078 = arith.addf %add3A_1075, %get3A_1077 : vector<16xf32>
    %get3A_1079 = arith.constant 3968 : index
    %get3A_1080 = tpu.vector_load %arg5[%get3A_1079] {strides = array<i32>} : memref<5120xf32, #tpu.memory_space<vmem>>, vector<16xf32>,
    %add3A_1081 = arith.addf %add3A_1078, %get3A_1080 : vector<16xf32>
    %get3A_1082 = arith.constant 4288 : index
    %get3A_1083 = tpu.vector_load %arg5[%get3A_1082] {strides = array<i32>} : memref<5120xf32, #tpu.memory_space<vmem>>, vector<16xf32>,
    %add3A_1084 = arith.addf %add3A_1081, %get3A_1083 : vector<16xf32>
    %get3A_1085 = arith.constant 4608 : index
    %get3A_1086 = tpu.vector_load %arg5[%get3A_1085] {strides = array<i32>} : memref<5120xf32, #tpu.memory_space<vmem>>, vector<16xf32>,
    %add3A_1087 = arith.addf %add3A_1084, %get3A_1086 : vector<16xf32>
    %get3A_1088 = arith.constant 4928 : index
    %get3A_1089 = tpu.vector_load %arg5[%get3A_1088] {strides = array<i32>} : memref<5120xf32, #tpu.memory_space<vmem>>, vector<16xf32>,
    %add3A_1090 = arith.addf %add3A_1087, %get3A_1089 : vector<16xf32>
    %swap3A_1091 = arith.constant 128 : index
    %swap3A_1092 = tpu.vector_load %arg6[%swap3A_1091] {strides = array<i32>} : memref<320xf32, #tpu.memory_space<vmem>>, vector<16xf32>,
    tpu.vector_store %arg6[%swap3A_1091], %add3A_1090 {strides = array<i32>} : memref<320xf32, #tpu.memory_space<vmem>>, vector<16xf32>,
    %get3A_1093 = arith.constant 144 : index
    %get3A_1094 = tpu.vector_load %arg5[%get3A_1093] {strides = array<i32>} : memref<5120xf32, #tpu.memory_space<vmem>>, vector<16xf32>,
    %get3A_1095 = arith.constant 464 : index
    %get3A_1096 = tpu.vector_load %arg5[%get3A_1095] {strides = array<i32>} : memref<5120xf32, #tpu.memory_space<vmem>>, vector<16xf32>,
    %add3A_1097 = arith.addf %get3A_1094, %get3A_1096 : vector<16xf32>
    %get3A_1098 = arith.constant 784 : index
    %get3A_1099 = tpu.vector_load %arg5[%get3A_1098] {strides = array<i32>} : memref<5120xf32, #tpu.memory_space<vmem>>, vector<16xf32>,
    %add3A_1100 = arith.addf %add3A_1097, %get3A_1099 : vector<16xf32>
    %get3A_1101 = arith.constant 1104 : index
    %get3A_1102 = tpu.vector_load %arg5[%get3A_1101] {strides = array<i32>} : memref<5120xf32, #tpu.memory_space<vmem>>, vector<16xf32>,
    %add3A_1103 = arith.addf %add3A_1100, %get3A_1102 : vector<16xf32>
    %get3A_1104 = arith.constant 1424 : index
    %get3A_1105 = tpu.vector_load %arg5[%get3A_1104] {strides = array<i32>} : memref<5120xf32, #tpu.memory_space<vmem>>, vector<16xf32>,
    %add3A_1106 = arith.addf %add3A_1103, %get3A_1105 : vector<16xf32>
    %get3A_1107 = arith.constant 1744 : index
    %get3A_1108 = tpu.vector_load %arg5[%get3A_1107] {strides = array<i32>} : memref<5120xf32, #tpu.memory_space<vmem>>, vector<16xf32>,
    %add3A_1109 = arith.addf %add3A_1106, %get3A_1108 : vector<16xf32>
    %get3A_1110 = arith.constant 2064 : index
    %get3A_1111 = tpu.vector_load %arg5[%get3A_1110] {strides = array<i32>} : memref<5120xf32, #tpu.memory_space<vmem>>, vector<16xf32>,
    %add3A_1112 = arith.addf %add3A_1109, %get3A_1111 : vector<16xf32>
    %get3A_1113 = arith.constant 2384 : index
    %get3A_1114 = tpu.vector_load %arg5[%get3A_1113] {strides = array<i32>} : memref<5120xf32, #tpu.memory_space<vmem>>, vector<16xf32>,
    %add3A_1115 = arith.addf %add3A_1112, %get3A_1114 : vector<16xf32>
    %get3A_1116 = arith.constant 2704 : index
    %get3A_1117 = tpu.vector_load %arg5[%get3A_1116] {strides = array<i32>} : memref<5120xf32, #tpu.memory_space<vmem>>, vector<16xf32>,
    %add3A_1118 = arith.addf %add3A_1115, %get3A_1117 : vector<16xf32>
    %get3A_1119 = arith.constant 3024 : index
    %get3A_1120 = tpu.vector_load %arg5[%get3A_1119] {strides = array<i32>} : memref<5120xf32, #tpu.memory_space<vmem>>, vector<16xf32>,
    %add3A_1121 = arith.addf %add3A_1118, %get3A_1120 : vector<16xf32>
    %get3A_1122 = arith.constant 3344 : index
    %get3A_1123 = tpu.vector_load %arg5[%get3A_1122] {strides = array<i32>} : memref<5120xf32, #tpu.memory_space<vmem>>, vector<16xf32>,
    %add3A_1124 = arith.addf %add3A_1121, %get3A_1123 : vector<16xf32>
    %get3A_1125 = arith.constant 3664 : index
    %get3A_1126 = tpu.vector_load %arg5[%get3A_1125] {strides = array<i32>} : memref<5120xf32, #tpu.memory_space<vmem>>, vector<16xf32>,
    %add3A_1127 = arith.addf %add3A_1124, %get3A_1126 : vector<16xf32>
    %get3A_1128 = arith.constant 3984 : index
    %get3A_1129 = tpu.vector_load %arg5[%get3A_1128] {strides = array<i32>} : memref<5120xf32, #tpu.memory_space<vmem>>, vector<16xf32>,
    %add3A_1130 = arith.addf %add3A_1127, %get3A_1129 : vector<16xf32>
    %get3A_1131 = arith.constant 4304 : index
    %get3A_1132 = tpu.vector_load %arg5[%get3A_1131] {strides = array<i32>} : memref<5120xf32, #tpu.memory_space<vmem>>, vector<16xf32>,
    %add3A_1133 = arith.addf %add3A_1130, %get3A_1132 : vector<16xf32>
    %get3A_1134 = arith.constant 4624 : index
    %get3A_1135 = tpu.vector_load %arg5[%get3A_1134] {strides = array<i32>} : memref<5120xf32, #tpu.memory_space<vmem>>, vector<16xf32>,
    %add3A_1136 = arith.addf %add3A_1133, %get3A_1135 : vector<16xf32>
    %get3A_1137 = arith.constant 4944 : index
    %get3A_1138 = tpu.vector_load %arg5[%get3A_1137] {strides = array<i32>} : memref<5120xf32, #tpu.memory_space<vmem>>, vector<16xf32>,
    %add3A_1139 = arith.addf %add3A_1136, %get3A_1138 : vector<16xf32>
    %swap3A_1140 = arith.constant 144 : index
    %swap3A_1141 = tpu.vector_load %arg6[%swap3A_1140] {strides = array<i32>} : memref<320xf32, #tpu.memory_space<vmem>>, vector<16xf32>,
    tpu.vector_store %arg6[%swap3A_1140], %add3A_1139 {strides = array<i32>} : memref<320xf32, #tpu.memory_space<vmem>>, vector<16xf32>,
    %get3A_1142 = arith.constant 160 : index
    %get3A_1143 = tpu.vector_load %arg5[%get3A_1142] {strides = array<i32>} : memref<5120xf32, #tpu.memory_space<vmem>>, vector<16xf32>,
    %get3A_1144 = arith.constant 480 : index
    %get3A_1145 = tpu.vector_load %arg5[%get3A_1144] {strides = array<i32>} : memref<5120xf32, #tpu.memory_space<vmem>>, vector<16xf32>,
    %add3A_1146 = arith.addf %get3A_1143, %get3A_1145 : vector<16xf32>
    %get3A_1147 = arith.constant 800 : index
    %get3A_1148 = tpu.vector_load %arg5[%get3A_1147] {strides = array<i32>} : memref<5120xf32, #tpu.memory_space<vmem>>, vector<16xf32>,
    %add3A_1149 = arith.addf %add3A_1146, %get3A_1148 : vector<16xf32>
    %get3A_1150 = arith.constant 1120 : index
    %get3A_1151 = tpu.vector_load %arg5[%get3A_1150] {strides = array<i32>} : memref<5120xf32, #tpu.memory_space<vmem>>, vector<16xf32>,
    %add3A_1152 = arith.addf %add3A_1149, %get3A_1151 : vector<16xf32>
    %get3A_1153 = arith.constant 1440 : index
    %get3A_1154 = tpu.vector_load %arg5[%get3A_1153] {strides = array<i32>} : memref<5120xf32, #tpu.memory_space<vmem>>, vector<16xf32>,
    %add3A_1155 = arith.addf %add3A_1152, %get3A_1154 : vector<16xf32>
    %get3A_1156 = arith.constant 1760 : index
    %get3A_1157 = tpu.vector_load %arg5[%get3A_1156] {strides = array<i32>} : memref<5120xf32, #tpu.memory_space<vmem>>, vector<16xf32>,
    %add3A_1158 = arith.addf %add3A_1155, %get3A_1157 : vector<16xf32>
    %get3A_1159 = arith.constant 2080 : index
    %get3A_1160 = tpu.vector_load %arg5[%get3A_1159] {strides = array<i32>} : memref<5120xf32, #tpu.memory_space<vmem>>, vector<16xf32>,
    %add3A_1161 = arith.addf %add3A_1158, %get3A_1160 : vector<16xf32>
    %get3A_1162 = arith.constant 2400 : index
    %get3A_1163 = tpu.vector_load %arg5[%get3A_1162] {strides = array<i32>} : memref<5120xf32, #tpu.memory_space<vmem>>, vector<16xf32>,
    %add3A_1164 = arith.addf %add3A_1161, %get3A_1163 : vector<16xf32>
    %get3A_1165 = arith.constant 2720 : index
    %get3A_1166 = tpu.vector_load %arg5[%get3A_1165] {strides = array<i32>} : memref<5120xf32, #tpu.memory_space<vmem>>, vector<16xf32>,
    %add3A_1167 = arith.addf %add3A_1164, %get3A_1166 : vector<16xf32>
    %get3A_1168 = arith.constant 3040 : index
    %get3A_1169 = tpu.vector_load %arg5[%get3A_1168] {strides = array<i32>} : memref<5120xf32, #tpu.memory_space<vmem>>, vector<16xf32>,
    %add3A_1170 = arith.addf %add3A_1167, %get3A_1169 : vector<16xf32>
    %get3A_1171 = arith.constant 3360 : index
    %get3A_1172 = tpu.vector_load %arg5[%get3A_1171] {strides = array<i32>} : memref<5120xf32, #tpu.memory_space<vmem>>, vector<16xf32>,
    %add3A_1173 = arith.addf %add3A_1170, %get3A_1172 : vector<16xf32>
    %get3A_1174 = arith.constant 3680 : index
    %get3A_1175 = tpu.vector_load %arg5[%get3A_1174] {strides = array<i32>} : memref<5120xf32, #tpu.memory_space<vmem>>, vector<16xf32>,
    %add3A_1176 = arith.addf %add3A_1173, %get3A_1175 : vector<16xf32>
    %get3A_1177 = arith.constant 4000 : index
    %get3A_1178 = tpu.vector_load %arg5[%get3A_1177] {strides = array<i32>} : memref<5120xf32, #tpu.memory_space<vmem>>, vector<16xf32>,
    %add3A_1179 = arith.addf %add3A_1176, %get3A_1178 : vector<16xf32>
    %get3A_1180 = arith.constant 4320 : index
    %get3A_1181 = tpu.vector_load %arg5[%get3A_1180] {strides = array<i32>} : memref<5120xf32, #tpu.memory_space<vmem>>, vector<16xf32>,
    %add3A_1182 = arith.addf %add3A_1179, %get3A_1181 : vector<16xf32>
    %get3A_1183 = arith.constant 4640 : index
    %get3A_1184 = tpu.vector_load %arg5[%get3A_1183] {strides = array<i32>} : memref<5120xf32, #tpu.memory_space<vmem>>, vector<16xf32>,
    %add3A_1185 = arith.addf %add3A_1182, %get3A_1184 : vector<16xf32>
    %get3A_1186 = arith.constant 4960 : index
    %get3A_1187 = tpu.vector_load %arg5[%get3A_1186] {strides = array<i32>} : memref<5120xf32, #tpu.memory_space<vmem>>, vector<16xf32>,
    %add3A_1188 = arith.addf %add3A_1185, %get3A_1187 : vector<16xf32>
    %swap3A_1189 = arith.constant 160 : index
    %swap3A_1190 = tpu.vector_load %arg6[%swap3A_1189] {strides = array<i32>} : memref<320xf32, #tpu.memory_space<vmem>>, vector<16xf32>,
    tpu.vector_store %arg6[%swap3A_1189], %add3A_1188 {strides = array<i32>} : memref<320xf32, #tpu.memory_space<vmem>>, vector<16xf32>,
    %get3A_1191 = arith.constant 176 : index
    %get3A_1192 = tpu.vector_load %arg5[%get3A_1191] {strides = array<i32>} : memref<5120xf32, #tpu.memory_space<vmem>>, vector<16xf32>,
    %get3A_1193 = arith.constant 496 : index
    %get3A_1194 = tpu.vector_load %arg5[%get3A_1193] {strides = array<i32>} : memref<5120xf32, #tpu.memory_space<vmem>>, vector<16xf32>,
    %add3A_1195 = arith.addf %get3A_1192, %get3A_1194 : vector<16xf32>
    %get3A_1196 = arith.constant 816 : index
    %get3A_1197 = tpu.vector_load %arg5[%get3A_1196] {strides = array<i32>} : memref<5120xf32, #tpu.memory_space<vmem>>, vector<16xf32>,
    %add3A_1198 = arith.addf %add3A_1195, %get3A_1197 : vector<16xf32>
    %get3A_1199 = arith.constant 1136 : index
    %get3A_1200 = tpu.vector_load %arg5[%get3A_1199] {strides = array<i32>} : memref<5120xf32, #tpu.memory_space<vmem>>, vector<16xf32>,
    %add3A_1201 = arith.addf %add3A_1198, %get3A_1200 : vector<16xf32>
    %get3A_1202 = arith.constant 1456 : index
    %get3A_1203 = tpu.vector_load %arg5[%get3A_1202] {strides = array<i32>} : memref<5120xf32, #tpu.memory_space<vmem>>, vector<16xf32>,
    %add3A_1204 = arith.addf %add3A_1201, %get3A_1203 : vector<16xf32>
    %get3A_1205 = arith.constant 1776 : index
    %get3A_1206 = tpu.vector_load %arg5[%get3A_1205] {strides = array<i32>} : memref<5120xf32, #tpu.memory_space<vmem>>, vector<16xf32>,
    %add3A_1207 = arith.addf %add3A_1204, %get3A_1206 : vector<16xf32>
    %get3A_1208 = arith.constant 2096 : index
    %get3A_1209 = tpu.vector_load %arg5[%get3A_1208] {strides = array<i32>} : memref<5120xf32, #tpu.memory_space<vmem>>, vector<16xf32>,
    %add3A_1210 = arith.addf %add3A_1207, %get3A_1209 : vector<16xf32>
    %get3A_1211 = arith.constant 2416 : index
    %get3A_1212 = tpu.vector_load %arg5[%get3A_1211] {strides = array<i32>} : memref<5120xf32, #tpu.memory_space<vmem>>, vector<16xf32>,
    %add3A_1213 = arith.addf %add3A_1210, %get3A_1212 : vector<16xf32>
    %get3A_1214 = arith.constant 2736 : index
    %get3A_1215 = tpu.vector_load %arg5[%get3A_1214] {strides = array<i32>} : memref<5120xf32, #tpu.memory_space<vmem>>, vector<16xf32>,
    %add3A_1216 = arith.addf %add3A_1213, %get3A_1215 : vector<16xf32>
    %get3A_1217 = arith.constant 3056 : index
    %get3A_1218 = tpu.vector_load %arg5[%get3A_1217] {strides = array<i32>} : memref<5120xf32, #tpu.memory_space<vmem>>, vector<16xf32>,
    %add3A_1219 = arith.addf %add3A_1216, %get3A_1218 : vector<16xf32>
    %get3A_1220 = arith.constant 3376 : index
    %get3A_1221 = tpu.vector_load %arg5[%get3A_1220] {strides = array<i32>} : memref<5120xf32, #tpu.memory_space<vmem>>, vector<16xf32>,
    %add3A_1222 = arith.addf %add3A_1219, %get3A_1221 : vector<16xf32>
    %get3A_1223 = arith.constant 3696 : index
    %get3A_1224 = tpu.vector_load %arg5[%get3A_1223] {strides = array<i32>} : memref<5120xf32, #tpu.memory_space<vmem>>, vector<16xf32>,
    %add3A_1225 = arith.addf %add3A_1222, %get3A_1224 : vector<16xf32>
    %get3A_1226 = arith.constant 4016 : index
    %get3A_1227 = tpu.vector_load %arg5[%get3A_1226] {strides = array<i32>} : memref<5120xf32, #tpu.memory_space<vmem>>, vector<16xf32>,
    %add3A_1228 = arith.addf %add3A_1225, %get3A_1227 : vector<16xf32>
    %get3A_1229 = arith.constant 4336 : index
    %get3A_1230 = tpu.vector_load %arg5[%get3A_1229] {strides = array<i32>} : memref<5120xf32, #tpu.memory_space<vmem>>, vector<16xf32>,
    %add3A_1231 = arith.addf %add3A_1228, %get3A_1230 : vector<16xf32>
    %get3A_1232 = arith.constant 4656 : index
    %get3A_1233 = tpu.vector_load %arg5[%get3A_1232] {strides = array<i32>} : memref<5120xf32, #tpu.memory_space<vmem>>, vector<16xf32>,
    %add3A_1234 = arith.addf %add3A_1231, %get3A_1233 : vector<16xf32>
    %get3A_1235 = arith.constant 4976 : index
    %get3A_1236 = tpu.vector_load %arg5[%get3A_1235] {strides = array<i32>} : memref<5120xf32, #tpu.memory_space<vmem>>, vector<16xf32>,
    %add3A_1237 = arith.addf %add3A_1234, %get3A_1236 : vector<16xf32>
    %swap3A_1238 = arith.constant 176 : index
    %swap3A_1239 = tpu.vector_load %arg6[%swap3A_1238] {strides = array<i32>} : memref<320xf32, #tpu.memory_space<vmem>>, vector<16xf32>,
    tpu.vector_store %arg6[%swap3A_1238], %add3A_1237 {strides = array<i32>} : memref<320xf32, #tpu.memory_space<vmem>>, vector<16xf32>,
    %get3A_1240 = arith.constant 192 : index
    %get3A_1241 = tpu.vector_load %arg5[%get3A_1240] {strides = array<i32>} : memref<5120xf32, #tpu.memory_space<vmem>>, vector<16xf32>,
    %get3A_1242 = arith.constant 512 : index
    %get3A_1243 = tpu.vector_load %arg5[%get3A_1242] {strides = array<i32>} : memref<5120xf32, #tpu.memory_space<vmem>>, vector<16xf32>,
    %add3A_1244 = arith.addf %get3A_1241, %get3A_1243 : vector<16xf32>
    %get3A_1245 = arith.constant 832 : index
    %get3A_1246 = tpu.vector_load %arg5[%get3A_1245] {strides = array<i32>} : memref<5120xf32, #tpu.memory_space<vmem>>, vector<16xf32>,
    %add3A_1247 = arith.addf %add3A_1244, %get3A_1246 : vector<16xf32>
    %get3A_1248 = arith.constant 1152 : index
    %get3A_1249 = tpu.vector_load %arg5[%get3A_1248] {strides = array<i32>} : memref<5120xf32, #tpu.memory_space<vmem>>, vector<16xf32>,
    %add3A_1250 = arith.addf %add3A_1247, %get3A_1249 : vector<16xf32>
    %get3A_1251 = arith.constant 1472 : index
    %get3A_1252 = tpu.vector_load %arg5[%get3A_1251] {strides = array<i32>} : memref<5120xf32, #tpu.memory_space<vmem>>, vector<16xf32>,
    %add3A_1253 = arith.addf %add3A_1250, %get3A_1252 : vector<16xf32>
    %get3A_1254 = arith.constant 1792 : index
    %get3A_1255 = tpu.vector_load %arg5[%get3A_1254] {strides = array<i32>} : memref<5120xf32, #tpu.memory_space<vmem>>, vector<16xf32>,
    %add3A_1256 = arith.addf %add3A_1253, %get3A_1255 : vector<16xf32>
    %get3A_1257 = arith.constant 2112 : index
    %get3A_1258 = tpu.vector_load %arg5[%get3A_1257] {strides = array<i32>} : memref<5120xf32, #tpu.memory_space<vmem>>, vector<16xf32>,
    %add3A_1259 = arith.addf %add3A_1256, %get3A_1258 : vector<16xf32>
    %get3A_1260 = arith.constant 2432 : index
    %get3A_1261 = tpu.vector_load %arg5[%get3A_1260] {strides = array<i32>} : memref<5120xf32, #tpu.memory_space<vmem>>, vector<16xf32>,
    %add3A_1262 = arith.addf %add3A_1259, %get3A_1261 : vector<16xf32>
    %get3A_1263 = arith.constant 2752 : index
    %get3A_1264 = tpu.vector_load %arg5[%get3A_1263] {strides = array<i32>} : memref<5120xf32, #tpu.memory_space<vmem>>, vector<16xf32>,
    %add3A_1265 = arith.addf %add3A_1262, %get3A_1264 : vector<16xf32>
    %get3A_1266 = arith.constant 3072 : index
    %get3A_1267 = tpu.vector_load %arg5[%get3A_1266] {strides = array<i32>} : memref<5120xf32, #tpu.memory_space<vmem>>, vector<16xf32>,
    %add3A_1268 = arith.addf %add3A_1265, %get3A_1267 : vector<16xf32>
    %get3A_1269 = arith.constant 3392 : index
    %get3A_1270 = tpu.vector_load %arg5[%get3A_1269] {strides = array<i32>} : memref<5120xf32, #tpu.memory_space<vmem>>, vector<16xf32>,
    %add3A_1271 = arith.addf %add3A_1268, %get3A_1270 : vector<16xf32>
    %get3A_1272 = arith.constant 3712 : index
    %get3A_1273 = tpu.vector_load %arg5[%get3A_1272] {strides = array<i32>} : memref<5120xf32, #tpu.memory_space<vmem>>, vector<16xf32>,
    %add3A_1274 = arith.addf %add3A_1271, %get3A_1273 : vector<16xf32>
    %get3A_1275 = arith.constant 4032 : index
    %get3A_1276 = tpu.vector_load %arg5[%get3A_1275] {strides = array<i32>} : memref<5120xf32, #tpu.memory_space<vmem>>, vector<16xf32>,
    %add3A_1277 = arith.addf %add3A_1274, %get3A_1276 : vector<16xf32>
    %get3A_1278 = arith.constant 4352 : index
    %get3A_1279 = tpu.vector_load %arg5[%get3A_1278] {strides = array<i32>} : memref<5120xf32, #tpu.memory_space<vmem>>, vector<16xf32>,
    %add3A_1280 = arith.addf %add3A_1277, %get3A_1279 : vector<16xf32>
    %get3A_1281 = arith.constant 4672 : index
    %get3A_1282 = tpu.vector_load %arg5[%get3A_1281] {strides = array<i32>} : memref<5120xf32, #tpu.memory_space<vmem>>, vector<16xf32>,
    %add3A_1283 = arith.addf %add3A_1280, %get3A_1282 : vector<16xf32>
    %get3A_1284 = arith.constant 4992 : index
    %get3A_1285 = tpu.vector_load %arg5[%get3A_1284] {strides = array<i32>} : memref<5120xf32, #tpu.memory_space<vmem>>, vector<16xf32>,
    %add3A_1286 = arith.addf %add3A_1283, %get3A_1285 : vector<16xf32>
    %swap3A_1287 = arith.constant 192 : index
    %swap3A_1288 = tpu.vector_load %arg6[%swap3A_1287] {strides = array<i32>} : memref<320xf32, #tpu.memory_space<vmem>>, vector<16xf32>,
    tpu.vector_store %arg6[%swap3A_1287], %add3A_1286 {strides = array<i32>} : memref<320xf32, #tpu.memory_space<vmem>>, vector<16xf32>,
    %get3A_1289 = arith.constant 208 : index
    %get3A_1290 = tpu.vector_load %arg5[%get3A_1289] {strides = array<i32>} : memref<5120xf32, #tpu.memory_space<vmem>>, vector<16xf32>,
    %get3A_1291 = arith.constant 528 : index
    %get3A_1292 = tpu.vector_load %arg5[%get3A_1291] {strides = array<i32>} : memref<5120xf32, #tpu.memory_space<vmem>>, vector<16xf32>,
    %add3A_1293 = arith.addf %get3A_1290, %get3A_1292 : vector<16xf32>
    %get3A_1294 = arith.constant 848 : index
    %get3A_1295 = tpu.vector_load %arg5[%get3A_1294] {strides = array<i32>} : memref<5120xf32, #tpu.memory_space<vmem>>, vector<16xf32>,
    %add3A_1296 = arith.addf %add3A_1293, %get3A_1295 : vector<16xf32>
    %get3A_1297 = arith.constant 1168 : index
    %get3A_1298 = tpu.vector_load %arg5[%get3A_1297] {strides = array<i32>} : memref<5120xf32, #tpu.memory_space<vmem>>, vector<16xf32>,
    %add3A_1299 = arith.addf %add3A_1296, %get3A_1298 : vector<16xf32>
    %get3A_1300 = arith.constant 1488 : index
    %get3A_1301 = tpu.vector_load %arg5[%get3A_1300] {strides = array<i32>} : memref<5120xf32, #tpu.memory_space<vmem>>, vector<16xf32>,
    %add3A_1302 = arith.addf %add3A_1299, %get3A_1301 : vector<16xf32>
    %get3A_1303 = arith.constant 1808 : index
    %get3A_1304 = tpu.vector_load %arg5[%get3A_1303] {strides = array<i32>} : memref<5120xf32, #tpu.memory_space<vmem>>, vector<16xf32>,
    %add3A_1305 = arith.addf %add3A_1302, %get3A_1304 : vector<16xf32>
    %get3A_1306 = arith.constant 2128 : index
    %get3A_1307 = tpu.vector_load %arg5[%get3A_1306] {strides = array<i32>} : memref<5120xf32, #tpu.memory_space<vmem>>, vector<16xf32>,
    %add3A_1308 = arith.addf %add3A_1305, %get3A_1307 : vector<16xf32>
    %get3A_1309 = arith.constant 2448 : index
    %get3A_1310 = tpu.vector_load %arg5[%get3A_1309] {strides = array<i32>} : memref<5120xf32, #tpu.memory_space<vmem>>, vector<16xf32>,
    %add3A_1311 = arith.addf %add3A_1308, %get3A_1310 : vector<16xf32>
    %get3A_1312 = arith.constant 2768 : index
    %get3A_1313 = tpu.vector_load %arg5[%get3A_1312] {strides = array<i32>} : memref<5120xf32, #tpu.memory_space<vmem>>, vector<16xf32>,
    %add3A_1314 = arith.addf %add3A_1311, %get3A_1313 : vector<16xf32>
    %get3A_1315 = arith.constant 3088 : index
    %get3A_1316 = tpu.vector_load %arg5[%get3A_1315] {strides = array<i32>} : memref<5120xf32, #tpu.memory_space<vmem>>, vector<16xf32>,
    %add3A_1317 = arith.addf %add3A_1314, %get3A_1316 : vector<16xf32>
    %get3A_1318 = arith.constant 3408 : index
    %get3A_1319 = tpu.vector_load %arg5[%get3A_1318] {strides = array<i32>} : memref<5120xf32, #tpu.memory_space<vmem>>, vector<16xf32>,
    %add3A_1320 = arith.addf %add3A_1317, %get3A_1319 : vector<16xf32>
    %get3A_1321 = arith.constant 3728 : index
    %get3A_1322 = tpu.vector_load %arg5[%get3A_1321] {strides = array<i32>} : memref<5120xf32, #tpu.memory_space<vmem>>, vector<16xf32>,
    %add3A_1323 = arith.addf %add3A_1320, %get3A_1322 : vector<16xf32>
    %get3A_1324 = arith.constant 4048 : index
    %get3A_1325 = tpu.vector_load %arg5[%get3A_1324] {strides = array<i32>} : memref<5120xf32, #tpu.memory_space<vmem>>, vector<16xf32>,
    %add3A_1326 = arith.addf %add3A_1323, %get3A_1325 : vector<16xf32>
    %get3A_1327 = arith.constant 4368 : index
    %get3A_1328 = tpu.vector_load %arg5[%get3A_1327] {strides = array<i32>} : memref<5120xf32, #tpu.memory_space<vmem>>, vector<16xf32>,
    %add3A_1329 = arith.addf %add3A_1326, %get3A_1328 : vector<16xf32>
    %get3A_1330 = arith.constant 4688 : index
    %get3A_1331 = tpu.vector_load %arg5[%get3A_1330] {strides = array<i32>} : memref<5120xf32, #tpu.memory_space<vmem>>, vector<16xf32>,
    %add3A_1332 = arith.addf %add3A_1329, %get3A_1331 : vector<16xf32>
    %get3A_1333 = arith.constant 5008 : index
    %get3A_1334 = tpu.vector_load %arg5[%get3A_1333] {strides = array<i32>} : memref<5120xf32, #tpu.memory_space<vmem>>, vector<16xf32>,
    %add3A_1335 = arith.addf %add3A_1332, %get3A_1334 : vector<16xf32>
    %swap3A_1336 = arith.constant 208 : index
    %swap3A_1337 = tpu.vector_load %arg6[%swap3A_1336] {strides = array<i32>} : memref<320xf32, #tpu.memory_space<vmem>>, vector<16xf32>,
    tpu.vector_store %arg6[%swap3A_1336], %add3A_1335 {strides = array<i32>} : memref<320xf32, #tpu.memory_space<vmem>>, vector<16xf32>,
    %get3A_1338 = arith.constant 224 : index
    %get3A_1339 = tpu.vector_load %arg5[%get3A_1338] {strides = array<i32>} : memref<5120xf32, #tpu.memory_space<vmem>>, vector<16xf32>,
    %get3A_1340 = arith.constant 544 : index
    %get3A_1341 = tpu.vector_load %arg5[%get3A_1340] {strides = array<i32>} : memref<5120xf32, #tpu.memory_space<vmem>>, vector<16xf32>,
    %add3A_1342 = arith.addf %get3A_1339, %get3A_1341 : vector<16xf32>
    %get3A_1343 = arith.constant 864 : index
    %get3A_1344 = tpu.vector_load %arg5[%get3A_1343] {strides = array<i32>} : memref<5120xf32, #tpu.memory_space<vmem>>, vector<16xf32>,
    %add3A_1345 = arith.addf %add3A_1342, %get3A_1344 : vector<16xf32>
    %get3A_1346 = arith.constant 1184 : index
    %get3A_1347 = tpu.vector_load %arg5[%get3A_1346] {strides = array<i32>} : memref<5120xf32, #tpu.memory_space<vmem>>, vector<16xf32>,
    %add3A_1348 = arith.addf %add3A_1345, %get3A_1347 : vector<16xf32>
    %get3A_1349 = arith.constant 1504 : index
    %get3A_1350 = tpu.vector_load %arg5[%get3A_1349] {strides = array<i32>} : memref<5120xf32, #tpu.memory_space<vmem>>, vector<16xf32>,
    %add3A_1351 = arith.addf %add3A_1348, %get3A_1350 : vector<16xf32>
    %get3A_1352 = arith.constant 1824 : index
    %get3A_1353 = tpu.vector_load %arg5[%get3A_1352] {strides = array<i32>} : memref<5120xf32, #tpu.memory_space<vmem>>, vector<16xf32>,
    %add3A_1354 = arith.addf %add3A_1351, %get3A_1353 : vector<16xf32>
    %get3A_1355 = arith.constant 2144 : index
    %get3A_1356 = tpu.vector_load %arg5[%get3A_1355] {strides = array<i32>} : memref<5120xf32, #tpu.memory_space<vmem>>, vector<16xf32>,
    %add3A_1357 = arith.addf %add3A_1354, %get3A_1356 : vector<16xf32>
    %get3A_1358 = arith.constant 2464 : index
    %get3A_1359 = tpu.vector_load %arg5[%get3A_1358] {strides = array<i32>} : memref<5120xf32, #tpu.memory_space<vmem>>, vector<16xf32>,
    %add3A_1360 = arith.addf %add3A_1357, %get3A_1359 : vector<16xf32>
    %get3A_1361 = arith.constant 2784 : index
    %get3A_1362 = tpu.vector_load %arg5[%get3A_1361] {strides = array<i32>} : memref<5120xf32, #tpu.memory_space<vmem>>, vector<16xf32>,
    %add3A_1363 = arith.addf %add3A_1360, %get3A_1362 : vector<16xf32>
    %get3A_1364 = arith.constant 3104 : index
    %get3A_1365 = tpu.vector_load %arg5[%get3A_1364] {strides = array<i32>} : memref<5120xf32, #tpu.memory_space<vmem>>, vector<16xf32>,
    %add3A_1366 = arith.addf %add3A_1363, %get3A_1365 : vector<16xf32>
    %get3A_1367 = arith.constant 3424 : index
    %get3A_1368 = tpu.vector_load %arg5[%get3A_1367] {strides = array<i32>} : memref<5120xf32, #tpu.memory_space<vmem>>, vector<16xf32>,
    %add3A_1369 = arith.addf %add3A_1366, %get3A_1368 : vector<16xf32>
    %get3A_1370 = arith.constant 3744 : index
    %get3A_1371 = tpu.vector_load %arg5[%get3A_1370] {strides = array<i32>} : memref<5120xf32, #tpu.memory_space<vmem>>, vector<16xf32>,
    %add3A_1372 = arith.addf %add3A_1369, %get3A_1371 : vector<16xf32>
    %get3A_1373 = arith.constant 4064 : index
    %get3A_1374 = tpu.vector_load %arg5[%get3A_1373] {strides = array<i32>} : memref<5120xf32, #tpu.memory_space<vmem>>, vector<16xf32>,
    %add3A_1375 = arith.addf %add3A_1372, %get3A_1374 : vector<16xf32>
    %get3A_1376 = arith.constant 4384 : index
    %get3A_1377 = tpu.vector_load %arg5[%get3A_1376] {strides = array<i32>} : memref<5120xf32, #tpu.memory_space<vmem>>, vector<16xf32>,
    %add3A_1378 = arith.addf %add3A_1375, %get3A_1377 : vector<16xf32>
    %get3A_1379 = arith.constant 4704 : index
    %get3A_1380 = tpu.vector_load %arg5[%get3A_1379] {strides = array<i32>} : memref<5120xf32, #tpu.memory_space<vmem>>, vector<16xf32>,
    %add3A_1381 = arith.addf %add3A_1378, %get3A_1380 : vector<16xf32>
    %get3A_1382 = arith.constant 5024 : index
    %get3A_1383 = tpu.vector_load %arg5[%get3A_1382] {strides = array<i32>} : memref<5120xf32, #tpu.memory_space<vmem>>, vector<16xf32>,
    %add3A_1384 = arith.addf %add3A_1381, %get3A_1383 : vector<16xf32>
    %swap3A_1385 = arith.constant 224 : index
    %swap3A_1386 = tpu.vector_load %arg6[%swap3A_1385] {strides = array<i32>} : memref<320xf32, #tpu.memory_space<vmem>>, vector<16xf32>,
    tpu.vector_store %arg6[%swap3A_1385], %add3A_1384 {strides = array<i32>} : memref<320xf32, #tpu.memory_space<vmem>>, vector<16xf32>,
    %get3A_1387 = arith.constant 240 : index
    %get3A_1388 = tpu.vector_load %arg5[%get3A_1387] {strides = array<i32>} : memref<5120xf32, #tpu.memory_space<vmem>>, vector<16xf32>,
    %get3A_1389 = arith.constant 560 : index
    %get3A_1390 = tpu.vector_load %arg5[%get3A_1389] {strides = array<i32>} : memref<5120xf32, #tpu.memory_space<vmem>>, vector<16xf32>,
    %add3A_1391 = arith.addf %get3A_1388, %get3A_1390 : vector<16xf32>
    %get3A_1392 = arith.constant 880 : index
    %get3A_1393 = tpu.vector_load %arg5[%get3A_1392] {strides = array<i32>} : memref<5120xf32, #tpu.memory_space<vmem>>, vector<16xf32>,
    %add3A_1394 = arith.addf %add3A_1391, %get3A_1393 : vector<16xf32>
    %get3A_1395 = arith.constant 1200 : index
    %get3A_1396 = tpu.vector_load %arg5[%get3A_1395] {strides = array<i32>} : memref<5120xf32, #tpu.memory_space<vmem>>, vector<16xf32>,
    %add3A_1397 = arith.addf %add3A_1394, %get3A_1396 : vector<16xf32>
    %get3A_1398 = arith.constant 1520 : index
    %get3A_1399 = tpu.vector_load %arg5[%get3A_1398] {strides = array<i32>} : memref<5120xf32, #tpu.memory_space<vmem>>, vector<16xf32>,
    %add3A_1400 = arith.addf %add3A_1397, %get3A_1399 : vector<16xf32>
    %get3A_1401 = arith.constant 1840 : index
    %get3A_1402 = tpu.vector_load %arg5[%get3A_1401] {strides = array<i32>} : memref<5120xf32, #tpu.memory_space<vmem>>, vector<16xf32>,
    %add3A_1403 = arith.addf %add3A_1400, %get3A_1402 : vector<16xf32>
    %get3A_1404 = arith.constant 2160 : index
    %get3A_1405 = tpu.vector_load %arg5[%get3A_1404] {strides = array<i32>} : memref<5120xf32, #tpu.memory_space<vmem>>, vector<16xf32>,
    %add3A_1406 = arith.addf %add3A_1403, %get3A_1405 : vector<16xf32>
    %get3A_1407 = arith.constant 2480 : index
    %get3A_1408 = tpu.vector_load %arg5[%get3A_1407] {strides = array<i32>} : memref<5120xf32, #tpu.memory_space<vmem>>, vector<16xf32>,
    %add3A_1409 = arith.addf %add3A_1406, %get3A_1408 : vector<16xf32>
    %get3A_1410 = arith.constant 2800 : index
    %get3A_1411 = tpu.vector_load %arg5[%get3A_1410] {strides = array<i32>} : memref<5120xf32, #tpu.memory_space<vmem>>, vector<16xf32>,
    %add3A_1412 = arith.addf %add3A_1409, %get3A_1411 : vector<16xf32>
    %get3A_1413 = arith.constant 3120 : index
    %get3A_1414 = tpu.vector_load %arg5[%get3A_1413] {strides = array<i32>} : memref<5120xf32, #tpu.memory_space<vmem>>, vector<16xf32>,
    %add3A_1415 = arith.addf %add3A_1412, %get3A_1414 : vector<16xf32>
    %get3A_1416 = arith.constant 3440 : index
    %get3A_1417 = tpu.vector_load %arg5[%get3A_1416] {strides = array<i32>} : memref<5120xf32, #tpu.memory_space<vmem>>, vector<16xf32>,
    %add3A_1418 = arith.addf %add3A_1415, %get3A_1417 : vector<16xf32>
    %get3A_1419 = arith.constant 3760 : index
    %get3A_1420 = tpu.vector_load %arg5[%get3A_1419] {strides = array<i32>} : memref<5120xf32, #tpu.memory_space<vmem>>, vector<16xf32>,
    %add3A_1421 = arith.addf %add3A_1418, %get3A_1420 : vector<16xf32>
    %get3A_1422 = arith.constant 4080 : index
    %get3A_1423 = tpu.vector_load %arg5[%get3A_1422] {strides = array<i32>} : memref<5120xf32, #tpu.memory_space<vmem>>, vector<16xf32>,
    %add3A_1424 = arith.addf %add3A_1421, %get3A_1423 : vector<16xf32>
    %get3A_1425 = arith.constant 4400 : index
    %get3A_1426 = tpu.vector_load %arg5[%get3A_1425] {strides = array<i32>} : memref<5120xf32, #tpu.memory_space<vmem>>, vector<16xf32>,
    %add3A_1427 = arith.addf %add3A_1424, %get3A_1426 : vector<16xf32>
    %get3A_1428 = arith.constant 4720 : index
    %get3A_1429 = tpu.vector_load %arg5[%get3A_1428] {strides = array<i32>} : memref<5120xf32, #tpu.memory_space<vmem>>, vector<16xf32>,
    %add3A_1430 = arith.addf %add3A_1427, %get3A_1429 : vector<16xf32>
    %get3A_1431 = arith.constant 5040 : index
    %get3A_1432 = tpu.vector_load %arg5[%get3A_1431] {strides = array<i32>} : memref<5120xf32, #tpu.memory_space<vmem>>, vector<16xf32>,
    %add3A_1433 = arith.addf %add3A_1430, %get3A_1432 : vector<16xf32>
    %swap3A_1434 = arith.constant 240 : index
    %swap3A_1435 = tpu.vector_load %arg6[%swap3A_1434] {strides = array<i32>} : memref<320xf32, #tpu.memory_space<vmem>>, vector<16xf32>,
    tpu.vector_store %arg6[%swap3A_1434], %add3A_1433 {strides = array<i32>} : memref<320xf32, #tpu.memory_space<vmem>>, vector<16xf32>,
    %get3A_1436 = arith.constant 256 : index
    %get3A_1437 = tpu.vector_load %arg5[%get3A_1436] {strides = array<i32>} : memref<5120xf32, #tpu.memory_space<vmem>>, vector<16xf32>,
    %get3A_1438 = arith.constant 576 : index
    %get3A_1439 = tpu.vector_load %arg5[%get3A_1438] {strides = array<i32>} : memref<5120xf32, #tpu.memory_space<vmem>>, vector<16xf32>,
    %add3A_1440 = arith.addf %get3A_1437, %get3A_1439 : vector<16xf32>
    %get3A_1441 = arith.constant 896 : index
    %get3A_1442 = tpu.vector_load %arg5[%get3A_1441] {strides = array<i32>} : memref<5120xf32, #tpu.memory_space<vmem>>, vector<16xf32>,
    %add3A_1443 = arith.addf %add3A_1440, %get3A_1442 : vector<16xf32>
    %get3A_1444 = arith.constant 1216 : index
    %get3A_1445 = tpu.vector_load %arg5[%get3A_1444] {strides = array<i32>} : memref<5120xf32, #tpu.memory_space<vmem>>, vector<16xf32>,
    %add3A_1446 = arith.addf %add3A_1443, %get3A_1445 : vector<16xf32>
    %get3A_1447 = arith.constant 1536 : index
    %get3A_1448 = tpu.vector_load %arg5[%get3A_1447] {strides = array<i32>} : memref<5120xf32, #tpu.memory_space<vmem>>, vector<16xf32>,
    %add3A_1449 = arith.addf %add3A_1446, %get3A_1448 : vector<16xf32>
    %get3A_1450 = arith.constant 1856 : index
    %get3A_1451 = tpu.vector_load %arg5[%get3A_1450] {strides = array<i32>} : memref<5120xf32, #tpu.memory_space<vmem>>, vector<16xf32>,
    %add3A_1452 = arith.addf %add3A_1449, %get3A_1451 : vector<16xf32>
    %get3A_1453 = arith.constant 2176 : index
    %get3A_1454 = tpu.vector_load %arg5[%get3A_1453] {strides = array<i32>} : memref<5120xf32, #tpu.memory_space<vmem>>, vector<16xf32>,
    %add3A_1455 = arith.addf %add3A_1452, %get3A_1454 : vector<16xf32>
    %get3A_1456 = arith.constant 2496 : index
    %get3A_1457 = tpu.vector_load %arg5[%get3A_1456] {strides = array<i32>} : memref<5120xf32, #tpu.memory_space<vmem>>, vector<16xf32>,
    %add3A_1458 = arith.addf %add3A_1455, %get3A_1457 : vector<16xf32>
    %get3A_1459 = arith.constant 2816 : index
    %get3A_1460 = tpu.vector_load %arg5[%get3A_1459] {strides = array<i32>} : memref<5120xf32, #tpu.memory_space<vmem>>, vector<16xf32>,
    %add3A_1461 = arith.addf %add3A_1458, %get3A_1460 : vector<16xf32>
    %get3A_1462 = arith.constant 3136 : index
    %get3A_1463 = tpu.vector_load %arg5[%get3A_1462] {strides = array<i32>} : memref<5120xf32, #tpu.memory_space<vmem>>, vector<16xf32>,
    %add3A_1464 = arith.addf %add3A_1461, %get3A_1463 : vector<16xf32>
    %get3A_1465 = arith.constant 3456 : index
    %get3A_1466 = tpu.vector_load %arg5[%get3A_1465] {strides = array<i32>} : memref<5120xf32, #tpu.memory_space<vmem>>, vector<16xf32>,
    %add3A_1467 = arith.addf %add3A_1464, %get3A_1466 : vector<16xf32>
    %get3A_1468 = arith.constant 3776 : index
    %get3A_1469 = tpu.vector_load %arg5[%get3A_1468] {strides = array<i32>} : memref<5120xf32, #tpu.memory_space<vmem>>, vector<16xf32>,
    %add3A_1470 = arith.addf %add3A_1467, %get3A_1469 : vector<16xf32>
    %get3A_1471 = arith.constant 4096 : index
    %get3A_1472 = tpu.vector_load %arg5[%get3A_1471] {strides = array<i32>} : memref<5120xf32, #tpu.memory_space<vmem>>, vector<16xf32>,
    %add3A_1473 = arith.addf %add3A_1470, %get3A_1472 : vector<16xf32>
    %get3A_1474 = arith.constant 4416 : index
    %get3A_1475 = tpu.vector_load %arg5[%get3A_1474] {strides = array<i32>} : memref<5120xf32, #tpu.memory_space<vmem>>, vector<16xf32>,
    %add3A_1476 = arith.addf %add3A_1473, %get3A_1475 : vector<16xf32>
    %get3A_1477 = arith.constant 4736 : index
    %get3A_1478 = tpu.vector_load %arg5[%get3A_1477] {strides = array<i32>} : memref<5120xf32, #tpu.memory_space<vmem>>, vector<16xf32>,
    %add3A_1479 = arith.addf %add3A_1476, %get3A_1478 : vector<16xf32>
    %get3A_1480 = arith.constant 5056 : index
    %get3A_1481 = tpu.vector_load %arg5[%get3A_1480] {strides = array<i32>} : memref<5120xf32, #tpu.memory_space<vmem>>, vector<16xf32>,
    %add3A_1482 = arith.addf %add3A_1479, %get3A_1481 : vector<16xf32>
    %swap3A_1483 = arith.constant 256 : index
    %swap3A_1484 = tpu.vector_load %arg6[%swap3A_1483] {strides = array<i32>} : memref<320xf32, #tpu.memory_space<vmem>>, vector<16xf32>,
    tpu.vector_store %arg6[%swap3A_1483], %add3A_1482 {strides = array<i32>} : memref<320xf32, #tpu.memory_space<vmem>>, vector<16xf32>,
    %get3A_1485 = arith.constant 272 : index
    %get3A_1486 = tpu.vector_load %arg5[%get3A_1485] {strides = array<i32>} : memref<5120xf32, #tpu.memory_space<vmem>>, vector<16xf32>,
    %get3A_1487 = arith.constant 592 : index
    %get3A_1488 = tpu.vector_load %arg5[%get3A_1487] {strides = array<i32>} : memref<5120xf32, #tpu.memory_space<vmem>>, vector<16xf32>,
    %add3A_1489 = arith.addf %get3A_1486, %get3A_1488 : vector<16xf32>
    %get3A_1490 = arith.constant 912 : index
    %get3A_1491 = tpu.vector_load %arg5[%get3A_1490] {strides = array<i32>} : memref<5120xf32, #tpu.memory_space<vmem>>, vector<16xf32>,
    %add3A_1492 = arith.addf %add3A_1489, %get3A_1491 : vector<16xf32>
    %get3A_1493 = arith.constant 1232 : index
    %get3A_1494 = tpu.vector_load %arg5[%get3A_1493] {strides = array<i32>} : memref<5120xf32, #tpu.memory_space<vmem>>, vector<16xf32>,
    %add3A_1495 = arith.addf %add3A_1492, %get3A_1494 : vector<16xf32>
    %get3A_1496 = arith.constant 1552 : index
    %get3A_1497 = tpu.vector_load %arg5[%get3A_1496] {strides = array<i32>} : memref<5120xf32, #tpu.memory_space<vmem>>, vector<16xf32>,
    %add3A_1498 = arith.addf %add3A_1495, %get3A_1497 : vector<16xf32>
    %get3A_1499 = arith.constant 1872 : index
    %get3A_1500 = tpu.vector_load %arg5[%get3A_1499] {strides = array<i32>} : memref<5120xf32, #tpu.memory_space<vmem>>, vector<16xf32>,
    %add3A_1501 = arith.addf %add3A_1498, %get3A_1500 : vector<16xf32>
    %get3A_1502 = arith.constant 2192 : index
    %get3A_1503 = tpu.vector_load %arg5[%get3A_1502] {strides = array<i32>} : memref<5120xf32, #tpu.memory_space<vmem>>, vector<16xf32>,
    %add3A_1504 = arith.addf %add3A_1501, %get3A_1503 : vector<16xf32>
    %get3A_1505 = arith.constant 2512 : index
    %get3A_1506 = tpu.vector_load %arg5[%get3A_1505] {strides = array<i32>} : memref<5120xf32, #tpu.memory_space<vmem>>, vector<16xf32>,
    %add3A_1507 = arith.addf %add3A_1504, %get3A_1506 : vector<16xf32>
    %get3A_1508 = arith.constant 2832 : index
    %get3A_1509 = tpu.vector_load %arg5[%get3A_1508] {strides = array<i32>} : memref<5120xf32, #tpu.memory_space<vmem>>, vector<16xf32>,
    %add3A_1510 = arith.addf %add3A_1507, %get3A_1509 : vector<16xf32>
    %get3A_1511 = arith.constant 3152 : index
    %get3A_1512 = tpu.vector_load %arg5[%get3A_1511] {strides = array<i32>} : memref<5120xf32, #tpu.memory_space<vmem>>, vector<16xf32>,
    %add3A_1513 = arith.addf %add3A_1510, %get3A_1512 : vector<16xf32>
    %get3A_1514 = arith.constant 3472 : index
    %get3A_1515 = tpu.vector_load %arg5[%get3A_1514] {strides = array<i32>} : memref<5120xf32, #tpu.memory_space<vmem>>, vector<16xf32>,
    %add3A_1516 = arith.addf %add3A_1513, %get3A_1515 : vector<16xf32>
    %get3A_1517 = arith.constant 3792 : index
    %get3A_1518 = tpu.vector_load %arg5[%get3A_1517] {strides = array<i32>} : memref<5120xf32, #tpu.memory_space<vmem>>, vector<16xf32>,
    %add3A_1519 = arith.addf %add3A_1516, %get3A_1518 : vector<16xf32>
    %get3A_1520 = arith.constant 4112 : index
    %get3A_1521 = tpu.vector_load %arg5[%get3A_1520] {strides = array<i32>} : memref<5120xf32, #tpu.memory_space<vmem>>, vector<16xf32>,
    %add3A_1522 = arith.addf %add3A_1519, %get3A_1521 : vector<16xf32>
    %get3A_1523 = arith.constant 4432 : index
    %get3A_1524 = tpu.vector_load %arg5[%get3A_1523] {strides = array<i32>} : memref<5120xf32, #tpu.memory_space<vmem>>, vector<16xf32>,
    %add3A_1525 = arith.addf %add3A_1522, %get3A_1524 : vector<16xf32>
    %get3A_1526 = arith.constant 4752 : index
    %get3A_1527 = tpu.vector_load %arg5[%get3A_1526] {strides = array<i32>} : memref<5120xf32, #tpu.memory_space<vmem>>, vector<16xf32>,
    %add3A_1528 = arith.addf %add3A_1525, %get3A_1527 : vector<16xf32>
    %get3A_1529 = arith.constant 5072 : index
    %get3A_1530 = tpu.vector_load %arg5[%get3A_1529] {strides = array<i32>} : memref<5120xf32, #tpu.memory_space<vmem>>, vector<16xf32>,
    %add3A_1531 = arith.addf %add3A_1528, %get3A_1530 : vector<16xf32>
    %swap3A_1532 = arith.constant 272 : index
    %swap3A_1533 = tpu.vector_load %arg6[%swap3A_1532] {strides = array<i32>} : memref<320xf32, #tpu.memory_space<vmem>>, vector<16xf32>,
    tpu.vector_store %arg6[%swap3A_1532], %add3A_1531 {strides = array<i32>} : memref<320xf32, #tpu.memory_space<vmem>>, vector<16xf32>,
    %get3A_1534 = arith.constant 288 : index
    %get3A_1535 = tpu.vector_load %arg5[%get3A_1534] {strides = array<i32>} : memref<5120xf32, #tpu.memory_space<vmem>>, vector<16xf32>,
    %get3A_1536 = arith.constant 608 : index
    %get3A_1537 = tpu.vector_load %arg5[%get3A_1536] {strides = array<i32>} : memref<5120xf32, #tpu.memory_space<vmem>>, vector<16xf32>,
    %add3A_1538 = arith.addf %get3A_1535, %get3A_1537 : vector<16xf32>
    %get3A_1539 = arith.constant 928 : index
    %get3A_1540 = tpu.vector_load %arg5[%get3A_1539] {strides = array<i32>} : memref<5120xf32, #tpu.memory_space<vmem>>, vector<16xf32>,
    %add3A_1541 = arith.addf %add3A_1538, %get3A_1540 : vector<16xf32>
    %get3A_1542 = arith.constant 1248 : index
    %get3A_1543 = tpu.vector_load %arg5[%get3A_1542] {strides = array<i32>} : memref<5120xf32, #tpu.memory_space<vmem>>, vector<16xf32>,
    %add3A_1544 = arith.addf %add3A_1541, %get3A_1543 : vector<16xf32>
    %get3A_1545 = arith.constant 1568 : index
    %get3A_1546 = tpu.vector_load %arg5[%get3A_1545] {strides = array<i32>} : memref<5120xf32, #tpu.memory_space<vmem>>, vector<16xf32>,
    %add3A_1547 = arith.addf %add3A_1544, %get3A_1546 : vector<16xf32>
    %get3A_1548 = arith.constant 1888 : index
    %get3A_1549 = tpu.vector_load %arg5[%get3A_1548] {strides = array<i32>} : memref<5120xf32, #tpu.memory_space<vmem>>, vector<16xf32>,
    %add3A_1550 = arith.addf %add3A_1547, %get3A_1549 : vector<16xf32>
    %get3A_1551 = arith.constant 2208 : index
    %get3A_1552 = tpu.vector_load %arg5[%get3A_1551] {strides = array<i32>} : memref<5120xf32, #tpu.memory_space<vmem>>, vector<16xf32>,
    %add3A_1553 = arith.addf %add3A_1550, %get3A_1552 : vector<16xf32>
    %get3A_1554 = arith.constant 2528 : index
    %get3A_1555 = tpu.vector_load %arg5[%get3A_1554] {strides = array<i32>} : memref<5120xf32, #tpu.memory_space<vmem>>, vector<16xf32>,
    %add3A_1556 = arith.addf %add3A_1553, %get3A_1555 : vector<16xf32>
    %get3A_1557 = arith.constant 2848 : index
    %get3A_1558 = tpu.vector_load %arg5[%get3A_1557] {strides = array<i32>} : memref<5120xf32, #tpu.memory_space<vmem>>, vector<16xf32>,
    %add3A_1559 = arith.addf %add3A_1556, %get3A_1558 : vector<16xf32>
    %get3A_1560 = arith.constant 3168 : index
    %get3A_1561 = tpu.vector_load %arg5[%get3A_1560] {strides = array<i32>} : memref<5120xf32, #tpu.memory_space<vmem>>, vector<16xf32>,
    %add3A_1562 = arith.addf %add3A_1559, %get3A_1561 : vector<16xf32>
    %get3A_1563 = arith.constant 3488 : index
    %get3A_1564 = tpu.vector_load %arg5[%get3A_1563] {strides = array<i32>} : memref<5120xf32, #tpu.memory_space<vmem>>, vector<16xf32>,
    %add3A_1565 = arith.addf %add3A_1562, %get3A_1564 : vector<16xf32>
    %get3A_1566 = arith.constant 3808 : index
    %get3A_1567 = tpu.vector_load %arg5[%get3A_1566] {strides = array<i32>} : memref<5120xf32, #tpu.memory_space<vmem>>, vector<16xf32>,
    %add3A_1568 = arith.addf %add3A_1565, %get3A_1567 : vector<16xf32>
    %get3A_1569 = arith.constant 4128 : index
    %get3A_1570 = tpu.vector_load %arg5[%get3A_1569] {strides = array<i32>} : memref<5120xf32, #tpu.memory_space<vmem>>, vector<16xf32>,
    %add3A_1571 = arith.addf %add3A_1568, %get3A_1570 : vector<16xf32>
    %get3A_1572 = arith.constant 4448 : index
    %get3A_1573 = tpu.vector_load %arg5[%get3A_1572] {strides = array<i32>} : memref<5120xf32, #tpu.memory_space<vmem>>, vector<16xf32>,
    %add3A_1574 = arith.addf %add3A_1571, %get3A_1573 : vector<16xf32>
    %get3A_1575 = arith.constant 4768 : index
    %get3A_1576 = tpu.vector_load %arg5[%get3A_1575] {strides = array<i32>} : memref<5120xf32, #tpu.memory_space<vmem>>, vector<16xf32>,
    %add3A_1577 = arith.addf %add3A_1574, %get3A_1576 : vector<16xf32>
    %get3A_1578 = arith.constant 5088 : index
    %get3A_1579 = tpu.vector_load %arg5[%get3A_1578] {strides = array<i32>} : memref<5120xf32, #tpu.memory_space<vmem>>, vector<16xf32>,
    %add3A_1580 = arith.addf %add3A_1577, %get3A_1579 : vector<16xf32>
    %swap3A_1581 = arith.constant 288 : index
    %swap3A_1582 = tpu.vector_load %arg6[%swap3A_1581] {strides = array<i32>} : memref<320xf32, #tpu.memory_space<vmem>>, vector<16xf32>,
    tpu.vector_store %arg6[%swap3A_1581], %add3A_1580 {strides = array<i32>} : memref<320xf32, #tpu.memory_space<vmem>>, vector<16xf32>,
    %get3A_1583 = arith.constant 304 : index
    %get3A_1584 = tpu.vector_load %arg5[%get3A_1583] {strides = array<i32>} : memref<5120xf32, #tpu.memory_space<vmem>>, vector<16xf32>,
    %get3A_1585 = arith.constant 624 : index
    %get3A_1586 = tpu.vector_load %arg5[%get3A_1585] {strides = array<i32>} : memref<5120xf32, #tpu.memory_space<vmem>>, vector<16xf32>,
    %add3A_1587 = arith.addf %get3A_1584, %get3A_1586 : vector<16xf32>
    %get3A_1588 = arith.constant 944 : index
    %get3A_1589 = tpu.vector_load %arg5[%get3A_1588] {strides = array<i32>} : memref<5120xf32, #tpu.memory_space<vmem>>, vector<16xf32>,
    %add3A_1590 = arith.addf %add3A_1587, %get3A_1589 : vector<16xf32>
    %get3A_1591 = arith.constant 1264 : index
    %get3A_1592 = tpu.vector_load %arg5[%get3A_1591] {strides = array<i32>} : memref<5120xf32, #tpu.memory_space<vmem>>, vector<16xf32>,
    %add3A_1593 = arith.addf %add3A_1590, %get3A_1592 : vector<16xf32>
    %get3A_1594 = arith.constant 1584 : index
    %get3A_1595 = tpu.vector_load %arg5[%get3A_1594] {strides = array<i32>} : memref<5120xf32, #tpu.memory_space<vmem>>, vector<16xf32>,
    %add3A_1596 = arith.addf %add3A_1593, %get3A_1595 : vector<16xf32>
    %get3A_1597 = arith.constant 1904 : index
    %get3A_1598 = tpu.vector_load %arg5[%get3A_1597] {strides = array<i32>} : memref<5120xf32, #tpu.memory_space<vmem>>, vector<16xf32>,
    %add3A_1599 = arith.addf %add3A_1596, %get3A_1598 : vector<16xf32>
    %get3A_1600 = arith.constant 2224 : index
    %get3A_1601 = tpu.vector_load %arg5[%get3A_1600] {strides = array<i32>} : memref<5120xf32, #tpu.memory_space<vmem>>, vector<16xf32>,
    %add3A_1602 = arith.addf %add3A_1599, %get3A_1601 : vector<16xf32>
    %get3A_1603 = arith.constant 2544 : index
    %get3A_1604 = tpu.vector_load %arg5[%get3A_1603] {strides = array<i32>} : memref<5120xf32, #tpu.memory_space<vmem>>, vector<16xf32>,
    %add3A_1605 = arith.addf %add3A_1602, %get3A_1604 : vector<16xf32>
    %get3A_1606 = arith.constant 2864 : index
    %get3A_1607 = tpu.vector_load %arg5[%get3A_1606] {strides = array<i32>} : memref<5120xf32, #tpu.memory_space<vmem>>, vector<16xf32>,
    %add3A_1608 = arith.addf %add3A_1605, %get3A_1607 : vector<16xf32>
    %get3A_1609 = arith.constant 3184 : index
    %get3A_1610 = tpu.vector_load %arg5[%get3A_1609] {strides = array<i32>} : memref<5120xf32, #tpu.memory_space<vmem>>, vector<16xf32>,
    %add3A_1611 = arith.addf %add3A_1608, %get3A_1610 : vector<16xf32>
    %get3A_1612 = arith.constant 3504 : index
    %get3A_1613 = tpu.vector_load %arg5[%get3A_1612] {strides = array<i32>} : memref<5120xf32, #tpu.memory_space<vmem>>, vector<16xf32>,
    %add3A_1614 = arith.addf %add3A_1611, %get3A_1613 : vector<16xf32>
    %get3A_1615 = arith.constant 3824 : index
    %get3A_1616 = tpu.vector_load %arg5[%get3A_1615] {strides = array<i32>} : memref<5120xf32, #tpu.memory_space<vmem>>, vector<16xf32>,
    %add3A_1617 = arith.addf %add3A_1614, %get3A_1616 : vector<16xf32>
    %get3A_1618 = arith.constant 4144 : index
    %get3A_1619 = tpu.vector_load %arg5[%get3A_1618] {strides = array<i32>} : memref<5120xf32, #tpu.memory_space<vmem>>, vector<16xf32>,
    %add3A_1620 = arith.addf %add3A_1617, %get3A_1619 : vector<16xf32>
    %get3A_1621 = arith.constant 4464 : index
    %get3A_1622 = tpu.vector_load %arg5[%get3A_1621] {strides = array<i32>} : memref<5120xf32, #tpu.memory_space<vmem>>, vector<16xf32>,
    %add3A_1623 = arith.addf %add3A_1620, %get3A_1622 : vector<16xf32>
    %get3A_1624 = arith.constant 4784 : index
    %get3A_1625 = tpu.vector_load %arg5[%get3A_1624] {strides = array<i32>} : memref<5120xf32, #tpu.memory_space<vmem>>, vector<16xf32>,
    %add3A_1626 = arith.addf %add3A_1623, %get3A_1625 : vector<16xf32>
    %get3A_1627 = arith.constant 5104 : index
    %get3A_1628 = tpu.vector_load %arg5[%get3A_1627] {strides = array<i32>} : memref<5120xf32, #tpu.memory_space<vmem>>, vector<16xf32>,
    %add3A_1629 = arith.addf %add3A_1626, %get3A_1628 : vector<16xf32>
    %swap3A_1630 = arith.constant 304 : index
    %swap3A_1631 = tpu.vector_load %arg6[%swap3A_1630] {strides = array<i32>} : memref<320xf32, #tpu.memory_space<vmem>>, vector<16xf32>,
    tpu.vector_store %arg6[%swap3A_1630], %add3A_1629 {strides = array<i32>} : memref<320xf32, #tpu.memory_space<vmem>>, vector<16xf32>,
    %mul3A_1632 = arith.constant 320 : i32
    %mul3A_1633 = arith.muli %arg1, %mul3A_1632 : i32
    "tpu.region"() ({
      %run_scoped3A = tpu.sem_alloc : memref<!tpu.dma_semaphore, #tpu.memory_space<semaphore_mem>>
      %dma_start3A = tpu.memref_slice %arg7[%mul3A_1633] : memref<5120xf32, #tpu.memory_space<vmem_shared>> -> memref<320xf32, #tpu.memory_space<vmem_shared>>
      %dma_start3A_1636 = tpu.memref_slice %arg7[%mul3A_1633] : memref<5120xf32, #tpu.memory_space<vmem_shared>> -> memref<320xf32, #tpu.memory_space<vmem_shared>>
      tpu.enqueue_dma source(%arg6 : memref<320xf32, #tpu.memory_space<vmem>>) target(%dma_start3A_1636 : memref<320xf32, #tpu.memory_space<vmem_shared>>) target_semaphore(%run_scoped3A : memref<!tpu.dma_semaphore, #tpu.memory_space<semaphore_mem>>)
      %dma_wait3A = tpu.memref_slice %arg7[%mul3A_1633] : memref<5120xf32, #tpu.memory_space<vmem_shared>> -> memref<320xf32, #tpu.memory_space<vmem_shared>>
      %dma_wait3A_1637 = tpu.memref_slice %arg7[%mul3A_1633] : memref<5120xf32, #tpu.memory_space<vmem_shared>> -> memref<320xf32, #tpu.memory_space<vmem_shared>>
      tpu.wait_dma2 semaphore(%run_scoped3A : memref<!tpu.dma_semaphore, #tpu.memory_space<semaphore_mem>>) src(%arg6 : memref<320xf32, #tpu.memory_space<vmem>>) dst(%dma_wait3A_1637 : memref<320xf32, #tpu.memory_space<vmem_shared>>)
      tpu.yield
    }) : () -> ()
    %barrier3A = arith.constant 0 : index
    tpu.barrier barrier_id(%barrier3A)
    %eq3A = arith.constant 0 : i32
    %eq3A_1634 = arith.cmpi eq, %arg1, %eq3A : i32
    %convert_element_type3A = arith.extui %eq3A_1634 : i1 to i32
    %cond3A = arith.constant 0 : i32
    %cond3A_1635 = arith.cmpi ne, %convert_element_type3A, %cond3A : i32
    scf.if %cond3A_1635 {
      "tpu.region"() ({
        %run_scoped3A = tpu.sem_alloc : memref<!tpu.dma_semaphore, #tpu.memory_space<semaphore_mem>>
        tpu.enqueue_dma source(%arg7 : memref<5120xf32, #tpu.memory_space<vmem_shared>>) target(%arg5 : memref<5120xf32, #tpu.memory_space<vmem>>) target_semaphore(%run_scoped3A : memref<!tpu.dma_semaphore, #tpu.memory_space<semaphore_mem>>)
        tpu.wait_dma2 semaphore(%run_scoped3A : memref<!tpu.dma_semaphore, #tpu.memory_space<semaphore_mem>>) src(%arg7 : memref<5120xf32, #tpu.memory_space<vmem_shared>>) dst(%arg5 : memref<5120xf32, #tpu.memory_space<vmem>>)
        tpu.yield
      }) : () -> ()
      %get3A_1636 = arith.constant 0 : index
      %get3A_1637 = tpu.vector_load %arg5[%get3A_1636] {strides = array<i32>} : memref<5120xf32, #tpu.memory_space<vmem>>, vector<16xf32>,
      %get3A_1638 = arith.constant 320 : index
      %get3A_1639 = tpu.vector_load %arg5[%get3A_1638] {strides = array<i32>} : memref<5120xf32, #tpu.memory_space<vmem>>, vector<16xf32>,
      %add3A_1640 = arith.addf %get3A_1637, %get3A_1639 : vector<16xf32>
      %get3A_1641 = arith.constant 640 : index
      %get3A_1642 = tpu.vector_load %arg5[%get3A_1641] {strides = array<i32>} : memref<5120xf32, #tpu.memory_space<vmem>>, vector<16xf32>,
      %add3A_1643 = arith.addf %add3A_1640, %get3A_1642 : vector<16xf32>
      %get3A_1644 = arith.constant 960 : index
      %get3A_1645 = tpu.vector_load %arg5[%get3A_1644] {strides = array<i32>} : memref<5120xf32, #tpu.memory_space<vmem>>, vector<16xf32>,
      %add3A_1646 = arith.addf %add3A_1643, %get3A_1645 : vector<16xf32>
      %get3A_1647 = arith.constant 1280 : index
      %get3A_1648 = tpu.vector_load %arg5[%get3A_1647] {strides = array<i32>} : memref<5120xf32, #tpu.memory_space<vmem>>, vector<16xf32>,
      %add3A_1649 = arith.addf %add3A_1646, %get3A_1648 : vector<16xf32>
      %get3A_1650 = arith.constant 1600 : index
      %get3A_1651 = tpu.vector_load %arg5[%get3A_1650] {strides = array<i32>} : memref<5120xf32, #tpu.memory_space<vmem>>, vector<16xf32>,
      %add3A_1652 = arith.addf %add3A_1649, %get3A_1651 : vector<16xf32>
      %get3A_1653 = arith.constant 1920 : index
      %get3A_1654 = tpu.vector_load %arg5[%get3A_1653] {strides = array<i32>} : memref<5120xf32, #tpu.memory_space<vmem>>, vector<16xf32>,
      %add3A_1655 = arith.addf %add3A_1652, %get3A_1654 : vector<16xf32>
      %get3A_1656 = arith.constant 2240 : index
      %get3A_1657 = tpu.vector_load %arg5[%get3A_1656] {strides = array<i32>} : memref<5120xf32, #tpu.memory_space<vmem>>, vector<16xf32>,
      %add3A_1658 = arith.addf %add3A_1655, %get3A_1657 : vector<16xf32>
      %get3A_1659 = arith.constant 2560 : index
      %get3A_1660 = tpu.vector_load %arg5[%get3A_1659] {strides = array<i32>} : memref<5120xf32, #tpu.memory_space<vmem>>, vector<16xf32>,
      %add3A_1661 = arith.addf %add3A_1658, %get3A_1660 : vector<16xf32>
      %get3A_1662 = arith.constant 2880 : index
      %get3A_1663 = tpu.vector_load %arg5[%get3A_1662] {strides = array<i32>} : memref<5120xf32, #tpu.memory_space<vmem>>, vector<16xf32>,
      %add3A_1664 = arith.addf %add3A_1661, %get3A_1663 : vector<16xf32>
      %get3A_1665 = arith.constant 3200 : index
      %get3A_1666 = tpu.vector_load %arg5[%get3A_1665] {strides = array<i32>} : memref<5120xf32, #tpu.memory_space<vmem>>, vector<16xf32>,
      %add3A_1667 = arith.addf %add3A_1664, %get3A_1666 : vector<16xf32>
      %get3A_1668 = arith.constant 3520 : index
      %get3A_1669 = tpu.vector_load %arg5[%get3A_1668] {strides = array<i32>} : memref<5120xf32, #tpu.memory_space<vmem>>, vector<16xf32>,
      %add3A_1670 = arith.addf %add3A_1667, %get3A_1669 : vector<16xf32>
      %get3A_1671 = arith.constant 3840 : index
      %get3A_1672 = tpu.vector_load %arg5[%get3A_1671] {strides = array<i32>} : memref<5120xf32, #tpu.memory_space<vmem>>, vector<16xf32>,
      %add3A_1673 = arith.addf %add3A_1670, %get3A_1672 : vector<16xf32>
      %get3A_1674 = arith.constant 4160 : index
      %get3A_1675 = tpu.vector_load %arg5[%get3A_1674] {strides = array<i32>} : memref<5120xf32, #tpu.memory_space<vmem>>, vector<16xf32>,
      %add3A_1676 = arith.addf %add3A_1673, %get3A_1675 : vector<16xf32>
      %get3A_1677 = arith.constant 4480 : index
      %get3A_1678 = tpu.vector_load %arg5[%get3A_1677] {strides = array<i32>} : memref<5120xf32, #tpu.memory_space<vmem>>, vector<16xf32>,
      %add3A_1679 = arith.addf %add3A_1676, %get3A_1678 : vector<16xf32>
      %get3A_1680 = arith.constant 4800 : index
      %get3A_1681 = tpu.vector_load %arg5[%get3A_1680] {strides = array<i32>} : memref<5120xf32, #tpu.memory_space<vmem>>, vector<16xf32>,
      %add3A_1682 = arith.addf %add3A_1679, %get3A_1681 : vector<16xf32>
      %swap3A_1683 = arith.constant 0 : index
      %swap3A_1684 = tpu.vector_load %arg6[%swap3A_1683] {strides = array<i32>} : memref<320xf32, #tpu.memory_space<vmem>>, vector<16xf32>,
      tpu.vector_store %arg6[%swap3A_1683], %add3A_1682 {strides = array<i32>} : memref<320xf32, #tpu.memory_space<vmem>>, vector<16xf32>,
      %get3A_1685 = arith.constant 16 : index
      %get3A_1686 = tpu.vector_load %arg5[%get3A_1685] {strides = array<i32>} : memref<5120xf32, #tpu.memory_space<vmem>>, vector<16xf32>,
      %get3A_1687 = arith.constant 336 : index
      %get3A_1688 = tpu.vector_load %arg5[%get3A_1687] {strides = array<i32>} : memref<5120xf32, #tpu.memory_space<vmem>>, vector<16xf32>,
      %add3A_1689 = arith.addf %get3A_1686, %get3A_1688 : vector<16xf32>
      %get3A_1690 = arith.constant 656 : index
      %get3A_1691 = tpu.vector_load %arg5[%get3A_1690] {strides = array<i32>} : memref<5120xf32, #tpu.memory_space<vmem>>, vector<16xf32>,
      %add3A_1692 = arith.addf %add3A_1689, %get3A_1691 : vector<16xf32>
      %get3A_1693 = arith.constant 976 : index
      %get3A_1694 = tpu.vector_load %arg5[%get3A_1693] {strides = array<i32>} : memref<5120xf32, #tpu.memory_space<vmem>>, vector<16xf32>,
      %add3A_1695 = arith.addf %add3A_1692, %get3A_1694 : vector<16xf32>
      %get3A_1696 = arith.constant 1296 : index
      %get3A_1697 = tpu.vector_load %arg5[%get3A_1696] {strides = array<i32>} : memref<5120xf32, #tpu.memory_space<vmem>>, vector<16xf32>,
      %add3A_1698 = arith.addf %add3A_1695, %get3A_1697 : vector<16xf32>
      %get3A_1699 = arith.constant 1616 : index
      %get3A_1700 = tpu.vector_load %arg5[%get3A_1699] {strides = array<i32>} : memref<5120xf32, #tpu.memory_space<vmem>>, vector<16xf32>,
      %add3A_1701 = arith.addf %add3A_1698, %get3A_1700 : vector<16xf32>
      %get3A_1702 = arith.constant 1936 : index
      %get3A_1703 = tpu.vector_load %arg5[%get3A_1702] {strides = array<i32>} : memref<5120xf32, #tpu.memory_space<vmem>>, vector<16xf32>,
      %add3A_1704 = arith.addf %add3A_1701, %get3A_1703 : vector<16xf32>
      %get3A_1705 = arith.constant 2256 : index
      %get3A_1706 = tpu.vector_load %arg5[%get3A_1705] {strides = array<i32>} : memref<5120xf32, #tpu.memory_space<vmem>>, vector<16xf32>,
      %add3A_1707 = arith.addf %add3A_1704, %get3A_1706 : vector<16xf32>
      %get3A_1708 = arith.constant 2576 : index
      %get3A_1709 = tpu.vector_load %arg5[%get3A_1708] {strides = array<i32>} : memref<5120xf32, #tpu.memory_space<vmem>>, vector<16xf32>,
      %add3A_1710 = arith.addf %add3A_1707, %get3A_1709 : vector<16xf32>
      %get3A_1711 = arith.constant 2896 : index
      %get3A_1712 = tpu.vector_load %arg5[%get3A_1711] {strides = array<i32>} : memref<5120xf32, #tpu.memory_space<vmem>>, vector<16xf32>,
      %add3A_1713 = arith.addf %add3A_1710, %get3A_1712 : vector<16xf32>
      %get3A_1714 = arith.constant 3216 : index
      %get3A_1715 = tpu.vector_load %arg5[%get3A_1714] {strides = array<i32>} : memref<5120xf32, #tpu.memory_space<vmem>>, vector<16xf32>,
      %add3A_1716 = arith.addf %add3A_1713, %get3A_1715 : vector<16xf32>
      %get3A_1717 = arith.constant 3536 : index
      %get3A_1718 = tpu.vector_load %arg5[%get3A_1717] {strides = array<i32>} : memref<5120xf32, #tpu.memory_space<vmem>>, vector<16xf32>,
      %add3A_1719 = arith.addf %add3A_1716, %get3A_1718 : vector<16xf32>
      %get3A_1720 = arith.constant 3856 : index
      %get3A_1721 = tpu.vector_load %arg5[%get3A_1720] {strides = array<i32>} : memref<5120xf32, #tpu.memory_space<vmem>>, vector<16xf32>,
      %add3A_1722 = arith.addf %add3A_1719, %get3A_1721 : vector<16xf32>
      %get3A_1723 = arith.constant 4176 : index
      %get3A_1724 = tpu.vector_load %arg5[%get3A_1723] {strides = array<i32>} : memref<5120xf32, #tpu.memory_space<vmem>>, vector<16xf32>,
      %add3A_1725 = arith.addf %add3A_1722, %get3A_1724 : vector<16xf32>
      %get3A_1726 = arith.constant 4496 : index
      %get3A_1727 = tpu.vector_load %arg5[%get3A_1726] {strides = array<i32>} : memref<5120xf32, #tpu.memory_space<vmem>>, vector<16xf32>,
      %add3A_1728 = arith.addf %add3A_1725, %get3A_1727 : vector<16xf32>
      %get3A_1729 = arith.constant 4816 : index
      %get3A_1730 = tpu.vector_load %arg5[%get3A_1729] {strides = array<i32>} : memref<5120xf32, #tpu.memory_space<vmem>>, vector<16xf32>,
      %add3A_1731 = arith.addf %add3A_1728, %get3A_1730 : vector<16xf32>
      %swap3A_1732 = arith.constant 16 : index
      %swap3A_1733 = tpu.vector_load %arg6[%swap3A_1732] {strides = array<i32>} : memref<320xf32, #tpu.memory_space<vmem>>, vector<16xf32>,
      tpu.vector_store %arg6[%swap3A_1732], %add3A_1731 {strides = array<i32>} : memref<320xf32, #tpu.memory_space<vmem>>, vector<16xf32>,
      %get3A_1734 = arith.constant 32 : index
      %get3A_1735 = tpu.vector_load %arg5[%get3A_1734] {strides = array<i32>} : memref<5120xf32, #tpu.memory_space<vmem>>, vector<16xf32>,
      %get3A_1736 = arith.constant 352 : index
      %get3A_1737 = tpu.vector_load %arg5[%get3A_1736] {strides = array<i32>} : memref<5120xf32, #tpu.memory_space<vmem>>, vector<16xf32>,
      %add3A_1738 = arith.addf %get3A_1735, %get3A_1737 : vector<16xf32>
      %get3A_1739 = arith.constant 672 : index
      %get3A_1740 = tpu.vector_load %arg5[%get3A_1739] {strides = array<i32>} : memref<5120xf32, #tpu.memory_space<vmem>>, vector<16xf32>,
      %add3A_1741 = arith.addf %add3A_1738, %get3A_1740 : vector<16xf32>
      %get3A_1742 = arith.constant 992 : index
      %get3A_1743 = tpu.vector_load %arg5[%get3A_1742] {strides = array<i32>} : memref<5120xf32, #tpu.memory_space<vmem>>, vector<16xf32>,
      %add3A_1744 = arith.addf %add3A_1741, %get3A_1743 : vector<16xf32>
      %get3A_1745 = arith.constant 1312 : index
      %get3A_1746 = tpu.vector_load %arg5[%get3A_1745] {strides = array<i32>} : memref<5120xf32, #tpu.memory_space<vmem>>, vector<16xf32>,
      %add3A_1747 = arith.addf %add3A_1744, %get3A_1746 : vector<16xf32>
      %get3A_1748 = arith.constant 1632 : index
      %get3A_1749 = tpu.vector_load %arg5[%get3A_1748] {strides = array<i32>} : memref<5120xf32, #tpu.memory_space<vmem>>, vector<16xf32>,
      %add3A_1750 = arith.addf %add3A_1747, %get3A_1749 : vector<16xf32>
      %get3A_1751 = arith.constant 1952 : index
      %get3A_1752 = tpu.vector_load %arg5[%get3A_1751] {strides = array<i32>} : memref<5120xf32, #tpu.memory_space<vmem>>, vector<16xf32>,
      %add3A_1753 = arith.addf %add3A_1750, %get3A_1752 : vector<16xf32>
      %get3A_1754 = arith.constant 2272 : index
      %get3A_1755 = tpu.vector_load %arg5[%get3A_1754] {strides = array<i32>} : memref<5120xf32, #tpu.memory_space<vmem>>, vector<16xf32>,
      %add3A_1756 = arith.addf %add3A_1753, %get3A_1755 : vector<16xf32>
      %get3A_1757 = arith.constant 2592 : index
      %get3A_1758 = tpu.vector_load %arg5[%get3A_1757] {strides = array<i32>} : memref<5120xf32, #tpu.memory_space<vmem>>, vector<16xf32>,
      %add3A_1759 = arith.addf %add3A_1756, %get3A_1758 : vector<16xf32>
      %get3A_1760 = arith.constant 2912 : index
      %get3A_1761 = tpu.vector_load %arg5[%get3A_1760] {strides = array<i32>} : memref<5120xf32, #tpu.memory_space<vmem>>, vector<16xf32>,
      %add3A_1762 = arith.addf %add3A_1759, %get3A_1761 : vector<16xf32>
      %get3A_1763 = arith.constant 3232 : index
      %get3A_1764 = tpu.vector_load %arg5[%get3A_1763] {strides = array<i32>} : memref<5120xf32, #tpu.memory_space<vmem>>, vector<16xf32>,
      %add3A_1765 = arith.addf %add3A_1762, %get3A_1764 : vector<16xf32>
      %get3A_1766 = arith.constant 3552 : index
      %get3A_1767 = tpu.vector_load %arg5[%get3A_1766] {strides = array<i32>} : memref<5120xf32, #tpu.memory_space<vmem>>, vector<16xf32>,
      %add3A_1768 = arith.addf %add3A_1765, %get3A_1767 : vector<16xf32>
      %get3A_1769 = arith.constant 3872 : index
      %get3A_1770 = tpu.vector_load %arg5[%get3A_1769] {strides = array<i32>} : memref<5120xf32, #tpu.memory_space<vmem>>, vector<16xf32>,
      %add3A_1771 = arith.addf %add3A_1768, %get3A_1770 : vector<16xf32>
      %get3A_1772 = arith.constant 4192 : index
      %get3A_1773 = tpu.vector_load %arg5[%get3A_1772] {strides = array<i32>} : memref<5120xf32, #tpu.memory_space<vmem>>, vector<16xf32>,
      %add3A_1774 = arith.addf %add3A_1771, %get3A_1773 : vector<16xf32>
      %get3A_1775 = arith.constant 4512 : index
      %get3A_1776 = tpu.vector_load %arg5[%get3A_1775] {strides = array<i32>} : memref<5120xf32, #tpu.memory_space<vmem>>, vector<16xf32>,
      %add3A_1777 = arith.addf %add3A_1774, %get3A_1776 : vector<16xf32>
      %get3A_1778 = arith.constant 4832 : index
      %get3A_1779 = tpu.vector_load %arg5[%get3A_1778] {strides = array<i32>} : memref<5120xf32, #tpu.memory_space<vmem>>, vector<16xf32>,
      %add3A_1780 = arith.addf %add3A_1777, %get3A_1779 : vector<16xf32>
      %swap3A_1781 = arith.constant 32 : index
      %swap3A_1782 = tpu.vector_load %arg6[%swap3A_1781] {strides = array<i32>} : memref<320xf32, #tpu.memory_space<vmem>>, vector<16xf32>,
      tpu.vector_store %arg6[%swap3A_1781], %add3A_1780 {strides = array<i32>} : memref<320xf32, #tpu.memory_space<vmem>>, vector<16xf32>,
      %get3A_1783 = arith.constant 48 : index
      %get3A_1784 = tpu.vector_load %arg5[%get3A_1783] {strides = array<i32>} : memref<5120xf32, #tpu.memory_space<vmem>>, vector<16xf32>,
      %get3A_1785 = arith.constant 368 : index
      %get3A_1786 = tpu.vector_load %arg5[%get3A_1785] {strides = array<i32>} : memref<5120xf32, #tpu.memory_space<vmem>>, vector<16xf32>,
      %add3A_1787 = arith.addf %get3A_1784, %get3A_1786 : vector<16xf32>
      %get3A_1788 = arith.constant 688 : index
      %get3A_1789 = tpu.vector_load %arg5[%get3A_1788] {strides = array<i32>} : memref<5120xf32, #tpu.memory_space<vmem>>, vector<16xf32>,
      %add3A_1790 = arith.addf %add3A_1787, %get3A_1789 : vector<16xf32>
      %get3A_1791 = arith.constant 1008 : index
      %get3A_1792 = tpu.vector_load %arg5[%get3A_1791] {strides = array<i32>} : memref<5120xf32, #tpu.memory_space<vmem>>, vector<16xf32>,
      %add3A_1793 = arith.addf %add3A_1790, %get3A_1792 : vector<16xf32>
      %get3A_1794 = arith.constant 1328 : index
      %get3A_1795 = tpu.vector_load %arg5[%get3A_1794] {strides = array<i32>} : memref<5120xf32, #tpu.memory_space<vmem>>, vector<16xf32>,
      %add3A_1796 = arith.addf %add3A_1793, %get3A_1795 : vector<16xf32>
      %get3A_1797 = arith.constant 1648 : index
      %get3A_1798 = tpu.vector_load %arg5[%get3A_1797] {strides = array<i32>} : memref<5120xf32, #tpu.memory_space<vmem>>, vector<16xf32>,
      %add3A_1799 = arith.addf %add3A_1796, %get3A_1798 : vector<16xf32>
      %get3A_1800 = arith.constant 1968 : index
      %get3A_1801 = tpu.vector_load %arg5[%get3A_1800] {strides = array<i32>} : memref<5120xf32, #tpu.memory_space<vmem>>, vector<16xf32>,
      %add3A_1802 = arith.addf %add3A_1799, %get3A_1801 : vector<16xf32>
      %get3A_1803 = arith.constant 2288 : index
      %get3A_1804 = tpu.vector_load %arg5[%get3A_1803] {strides = array<i32>} : memref<5120xf32, #tpu.memory_space<vmem>>, vector<16xf32>,
      %add3A_1805 = arith.addf %add3A_1802, %get3A_1804 : vector<16xf32>
      %get3A_1806 = arith.constant 2608 : index
      %get3A_1807 = tpu.vector_load %arg5[%get3A_1806] {strides = array<i32>} : memref<5120xf32, #tpu.memory_space<vmem>>, vector<16xf32>,
      %add3A_1808 = arith.addf %add3A_1805, %get3A_1807 : vector<16xf32>
      %get3A_1809 = arith.constant 2928 : index
      %get3A_1810 = tpu.vector_load %arg5[%get3A_1809] {strides = array<i32>} : memref<5120xf32, #tpu.memory_space<vmem>>, vector<16xf32>,
      %add3A_1811 = arith.addf %add3A_1808, %get3A_1810 : vector<16xf32>
      %get3A_1812 = arith.constant 3248 : index
      %get3A_1813 = tpu.vector_load %arg5[%get3A_1812] {strides = array<i32>} : memref<5120xf32, #tpu.memory_space<vmem>>, vector<16xf32>,
      %add3A_1814 = arith.addf %add3A_1811, %get3A_1813 : vector<16xf32>
      %get3A_1815 = arith.constant 3568 : index
      %get3A_1816 = tpu.vector_load %arg5[%get3A_1815] {strides = array<i32>} : memref<5120xf32, #tpu.memory_space<vmem>>, vector<16xf32>,
      %add3A_1817 = arith.addf %add3A_1814, %get3A_1816 : vector<16xf32>
      %get3A_1818 = arith.constant 3888 : index
      %get3A_1819 = tpu.vector_load %arg5[%get3A_1818] {strides = array<i32>} : memref<5120xf32, #tpu.memory_space<vmem>>, vector<16xf32>,
      %add3A_1820 = arith.addf %add3A_1817, %get3A_1819 : vector<16xf32>
      %get3A_1821 = arith.constant 4208 : index
      %get3A_1822 = tpu.vector_load %arg5[%get3A_1821] {strides = array<i32>} : memref<5120xf32, #tpu.memory_space<vmem>>, vector<16xf32>,
      %add3A_1823 = arith.addf %add3A_1820, %get3A_1822 : vector<16xf32>
      %get3A_1824 = arith.constant 4528 : index
      %get3A_1825 = tpu.vector_load %arg5[%get3A_1824] {strides = array<i32>} : memref<5120xf32, #tpu.memory_space<vmem>>, vector<16xf32>,
      %add3A_1826 = arith.addf %add3A_1823, %get3A_1825 : vector<16xf32>
      %get3A_1827 = arith.constant 4848 : index
      %get3A_1828 = tpu.vector_load %arg5[%get3A_1827] {strides = array<i32>} : memref<5120xf32, #tpu.memory_space<vmem>>, vector<16xf32>,
      %add3A_1829 = arith.addf %add3A_1826, %get3A_1828 : vector<16xf32>
      %swap3A_1830 = arith.constant 48 : index
      %swap3A_1831 = tpu.vector_load %arg6[%swap3A_1830] {strides = array<i32>} : memref<320xf32, #tpu.memory_space<vmem>>, vector<16xf32>,
      tpu.vector_store %arg6[%swap3A_1830], %add3A_1829 {strides = array<i32>} : memref<320xf32, #tpu.memory_space<vmem>>, vector<16xf32>,
      %get3A_1832 = arith.constant 64 : index
      %get3A_1833 = tpu.vector_load %arg5[%get3A_1832] {strides = array<i32>} : memref<5120xf32, #tpu.memory_space<vmem>>, vector<16xf32>,
      %get3A_1834 = arith.constant 384 : index
      %get3A_1835 = tpu.vector_load %arg5[%get3A_1834] {strides = array<i32>} : memref<5120xf32, #tpu.memory_space<vmem>>, vector<16xf32>,
      %add3A_1836 = arith.addf %get3A_1833, %get3A_1835 : vector<16xf32>
      %get3A_1837 = arith.constant 704 : index
      %get3A_1838 = tpu.vector_load %arg5[%get3A_1837] {strides = array<i32>} : memref<5120xf32, #tpu.memory_space<vmem>>, vector<16xf32>,
      %add3A_1839 = arith.addf %add3A_1836, %get3A_1838 : vector<16xf32>
      %get3A_1840 = arith.constant 1024 : index
      %get3A_1841 = tpu.vector_load %arg5[%get3A_1840] {strides = array<i32>} : memref<5120xf32, #tpu.memory_space<vmem>>, vector<16xf32>,
      %add3A_1842 = arith.addf %add3A_1839, %get3A_1841 : vector<16xf32>
      %get3A_1843 = arith.constant 1344 : index
      %get3A_1844 = tpu.vector_load %arg5[%get3A_1843] {strides = array<i32>} : memref<5120xf32, #tpu.memory_space<vmem>>, vector<16xf32>,
      %add3A_1845 = arith.addf %add3A_1842, %get3A_1844 : vector<16xf32>
      %get3A_1846 = arith.constant 1664 : index
      %get3A_1847 = tpu.vector_load %arg5[%get3A_1846] {strides = array<i32>} : memref<5120xf32, #tpu.memory_space<vmem>>, vector<16xf32>,
      %add3A_1848 = arith.addf %add3A_1845, %get3A_1847 : vector<16xf32>
      %get3A_1849 = arith.constant 1984 : index
      %get3A_1850 = tpu.vector_load %arg5[%get3A_1849] {strides = array<i32>} : memref<5120xf32, #tpu.memory_space<vmem>>, vector<16xf32>,
      %add3A_1851 = arith.addf %add3A_1848, %get3A_1850 : vector<16xf32>
      %get3A_1852 = arith.constant 2304 : index
      %get3A_1853 = tpu.vector_load %arg5[%get3A_1852] {strides = array<i32>} : memref<5120xf32, #tpu.memory_space<vmem>>, vector<16xf32>,
      %add3A_1854 = arith.addf %add3A_1851, %get3A_1853 : vector<16xf32>
      %get3A_1855 = arith.constant 2624 : index
      %get3A_1856 = tpu.vector_load %arg5[%get3A_1855] {strides = array<i32>} : memref<5120xf32, #tpu.memory_space<vmem>>, vector<16xf32>,
      %add3A_1857 = arith.addf %add3A_1854, %get3A_1856 : vector<16xf32>
      %get3A_1858 = arith.constant 2944 : index
      %get3A_1859 = tpu.vector_load %arg5[%get3A_1858] {strides = array<i32>} : memref<5120xf32, #tpu.memory_space<vmem>>, vector<16xf32>,
      %add3A_1860 = arith.addf %add3A_1857, %get3A_1859 : vector<16xf32>
      %get3A_1861 = arith.constant 3264 : index
      %get3A_1862 = tpu.vector_load %arg5[%get3A_1861] {strides = array<i32>} : memref<5120xf32, #tpu.memory_space<vmem>>, vector<16xf32>,
      %add3A_1863 = arith.addf %add3A_1860, %get3A_1862 : vector<16xf32>
      %get3A_1864 = arith.constant 3584 : index
      %get3A_1865 = tpu.vector_load %arg5[%get3A_1864] {strides = array<i32>} : memref<5120xf32, #tpu.memory_space<vmem>>, vector<16xf32>,
      %add3A_1866 = arith.addf %add3A_1863, %get3A_1865 : vector<16xf32>
      %get3A_1867 = arith.constant 3904 : index
      %get3A_1868 = tpu.vector_load %arg5[%get3A_1867] {strides = array<i32>} : memref<5120xf32, #tpu.memory_space<vmem>>, vector<16xf32>,
      %add3A_1869 = arith.addf %add3A_1866, %get3A_1868 : vector<16xf32>
      %get3A_1870 = arith.constant 4224 : index
      %get3A_1871 = tpu.vector_load %arg5[%get3A_1870] {strides = array<i32>} : memref<5120xf32, #tpu.memory_space<vmem>>, vector<16xf32>,
      %add3A_1872 = arith.addf %add3A_1869, %get3A_1871 : vector<16xf32>
      %get3A_1873 = arith.constant 4544 : index
      %get3A_1874 = tpu.vector_load %arg5[%get3A_1873] {strides = array<i32>} : memref<5120xf32, #tpu.memory_space<vmem>>, vector<16xf32>,
      %add3A_1875 = arith.addf %add3A_1872, %get3A_1874 : vector<16xf32>
      %get3A_1876 = arith.constant 4864 : index
      %get3A_1877 = tpu.vector_load %arg5[%get3A_1876] {strides = array<i32>} : memref<5120xf32, #tpu.memory_space<vmem>>, vector<16xf32>,
      %add3A_1878 = arith.addf %add3A_1875, %get3A_1877 : vector<16xf32>
      %swap3A_1879 = arith.constant 64 : index
      %swap3A_1880 = tpu.vector_load %arg6[%swap3A_1879] {strides = array<i32>} : memref<320xf32, #tpu.memory_space<vmem>>, vector<16xf32>,
      tpu.vector_store %arg6[%swap3A_1879], %add3A_1878 {strides = array<i32>} : memref<320xf32, #tpu.memory_space<vmem>>, vector<16xf32>,
      %get3A_1881 = arith.constant 80 : index
      %get3A_1882 = tpu.vector_load %arg5[%get3A_1881] {strides = array<i32>} : memref<5120xf32, #tpu.memory_space<vmem>>, vector<16xf32>,
      %get3A_1883 = arith.constant 400 : index
      %get3A_1884 = tpu.vector_load %arg5[%get3A_1883] {strides = array<i32>} : memref<5120xf32, #tpu.memory_space<vmem>>, vector<16xf32>,
      %add3A_1885 = arith.addf %get3A_1882, %get3A_1884 : vector<16xf32>
      %get3A_1886 = arith.constant 720 : index
      %get3A_1887 = tpu.vector_load %arg5[%get3A_1886] {strides = array<i32>} : memref<5120xf32, #tpu.memory_space<vmem>>, vector<16xf32>,
      %add3A_1888 = arith.addf %add3A_1885, %get3A_1887 : vector<16xf32>
      %get3A_1889 = arith.constant 1040 : index
      %get3A_1890 = tpu.vector_load %arg5[%get3A_1889] {strides = array<i32>} : memref<5120xf32, #tpu.memory_space<vmem>>, vector<16xf32>,
      %add3A_1891 = arith.addf %add3A_1888, %get3A_1890 : vector<16xf32>
      %get3A_1892 = arith.constant 1360 : index
      %get3A_1893 = tpu.vector_load %arg5[%get3A_1892] {strides = array<i32>} : memref<5120xf32, #tpu.memory_space<vmem>>, vector<16xf32>,
      %add3A_1894 = arith.addf %add3A_1891, %get3A_1893 : vector<16xf32>
      %get3A_1895 = arith.constant 1680 : index
      %get3A_1896 = tpu.vector_load %arg5[%get3A_1895] {strides = array<i32>} : memref<5120xf32, #tpu.memory_space<vmem>>, vector<16xf32>,
      %add3A_1897 = arith.addf %add3A_1894, %get3A_1896 : vector<16xf32>
      %get3A_1898 = arith.constant 2000 : index
      %get3A_1899 = tpu.vector_load %arg5[%get3A_1898] {strides = array<i32>} : memref<5120xf32, #tpu.memory_space<vmem>>, vector<16xf32>,
      %add3A_1900 = arith.addf %add3A_1897, %get3A_1899 : vector<16xf32>
      %get3A_1901 = arith.constant 2320 : index
      %get3A_1902 = tpu.vector_load %arg5[%get3A_1901] {strides = array<i32>} : memref<5120xf32, #tpu.memory_space<vmem>>, vector<16xf32>,
      %add3A_1903 = arith.addf %add3A_1900, %get3A_1902 : vector<16xf32>
      %get3A_1904 = arith.constant 2640 : index
      %get3A_1905 = tpu.vector_load %arg5[%get3A_1904] {strides = array<i32>} : memref<5120xf32, #tpu.memory_space<vmem>>, vector<16xf32>,
      %add3A_1906 = arith.addf %add3A_1903, %get3A_1905 : vector<16xf32>
      %get3A_1907 = arith.constant 2960 : index
      %get3A_1908 = tpu.vector_load %arg5[%get3A_1907] {strides = array<i32>} : memref<5120xf32, #tpu.memory_space<vmem>>, vector<16xf32>,
      %add3A_1909 = arith.addf %add3A_1906, %get3A_1908 : vector<16xf32>
      %get3A_1910 = arith.constant 3280 : index
      %get3A_1911 = tpu.vector_load %arg5[%get3A_1910] {strides = array<i32>} : memref<5120xf32, #tpu.memory_space<vmem>>, vector<16xf32>,
      %add3A_1912 = arith.addf %add3A_1909, %get3A_1911 : vector<16xf32>
      %get3A_1913 = arith.constant 3600 : index
      %get3A_1914 = tpu.vector_load %arg5[%get3A_1913] {strides = array<i32>} : memref<5120xf32, #tpu.memory_space<vmem>>, vector<16xf32>,
      %add3A_1915 = arith.addf %add3A_1912, %get3A_1914 : vector<16xf32>
      %get3A_1916 = arith.constant 3920 : index
      %get3A_1917 = tpu.vector_load %arg5[%get3A_1916] {strides = array<i32>} : memref<5120xf32, #tpu.memory_space<vmem>>, vector<16xf32>,
      %add3A_1918 = arith.addf %add3A_1915, %get3A_1917 : vector<16xf32>
      %get3A_1919 = arith.constant 4240 : index
      %get3A_1920 = tpu.vector_load %arg5[%get3A_1919] {strides = array<i32>} : memref<5120xf32, #tpu.memory_space<vmem>>, vector<16xf32>,
      %add3A_1921 = arith.addf %add3A_1918, %get3A_1920 : vector<16xf32>
      %get3A_1922 = arith.constant 4560 : index
      %get3A_1923 = tpu.vector_load %arg5[%get3A_1922] {strides = array<i32>} : memref<5120xf32, #tpu.memory_space<vmem>>, vector<16xf32>,
      %add3A_1924 = arith.addf %add3A_1921, %get3A_1923 : vector<16xf32>
      %get3A_1925 = arith.constant 4880 : index
      %get3A_1926 = tpu.vector_load %arg5[%get3A_1925] {strides = array<i32>} : memref<5120xf32, #tpu.memory_space<vmem>>, vector<16xf32>,
      %add3A_1927 = arith.addf %add3A_1924, %get3A_1926 : vector<16xf32>
      %swap3A_1928 = arith.constant 80 : index
      %swap3A_1929 = tpu.vector_load %arg6[%swap3A_1928] {strides = array<i32>} : memref<320xf32, #tpu.memory_space<vmem>>, vector<16xf32>,
      tpu.vector_store %arg6[%swap3A_1928], %add3A_1927 {strides = array<i32>} : memref<320xf32, #tpu.memory_space<vmem>>, vector<16xf32>,
      %get3A_1930 = arith.constant 96 : index
      %get3A_1931 = tpu.vector_load %arg5[%get3A_1930] {strides = array<i32>} : memref<5120xf32, #tpu.memory_space<vmem>>, vector<16xf32>,
      %get3A_1932 = arith.constant 416 : index
      %get3A_1933 = tpu.vector_load %arg5[%get3A_1932] {strides = array<i32>} : memref<5120xf32, #tpu.memory_space<vmem>>, vector<16xf32>,
      %add3A_1934 = arith.addf %get3A_1931, %get3A_1933 : vector<16xf32>
      %get3A_1935 = arith.constant 736 : index
      %get3A_1936 = tpu.vector_load %arg5[%get3A_1935] {strides = array<i32>} : memref<5120xf32, #tpu.memory_space<vmem>>, vector<16xf32>,
      %add3A_1937 = arith.addf %add3A_1934, %get3A_1936 : vector<16xf32>
      %get3A_1938 = arith.constant 1056 : index
      %get3A_1939 = tpu.vector_load %arg5[%get3A_1938] {strides = array<i32>} : memref<5120xf32, #tpu.memory_space<vmem>>, vector<16xf32>,
      %add3A_1940 = arith.addf %add3A_1937, %get3A_1939 : vector<16xf32>
      %get3A_1941 = arith.constant 1376 : index
      %get3A_1942 = tpu.vector_load %arg5[%get3A_1941] {strides = array<i32>} : memref<5120xf32, #tpu.memory_space<vmem>>, vector<16xf32>,
      %add3A_1943 = arith.addf %add3A_1940, %get3A_1942 : vector<16xf32>
      %get3A_1944 = arith.constant 1696 : index
      %get3A_1945 = tpu.vector_load %arg5[%get3A_1944] {strides = array<i32>} : memref<5120xf32, #tpu.memory_space<vmem>>, vector<16xf32>,
      %add3A_1946 = arith.addf %add3A_1943, %get3A_1945 : vector<16xf32>
      %get3A_1947 = arith.constant 2016 : index
      %get3A_1948 = tpu.vector_load %arg5[%get3A_1947] {strides = array<i32>} : memref<5120xf32, #tpu.memory_space<vmem>>, vector<16xf32>,
      %add3A_1949 = arith.addf %add3A_1946, %get3A_1948 : vector<16xf32>
      %get3A_1950 = arith.constant 2336 : index
      %get3A_1951 = tpu.vector_load %arg5[%get3A_1950] {strides = array<i32>} : memref<5120xf32, #tpu.memory_space<vmem>>, vector<16xf32>,
      %add3A_1952 = arith.addf %add3A_1949, %get3A_1951 : vector<16xf32>
      %get3A_1953 = arith.constant 2656 : index
      %get3A_1954 = tpu.vector_load %arg5[%get3A_1953] {strides = array<i32>} : memref<5120xf32, #tpu.memory_space<vmem>>, vector<16xf32>,
      %add3A_1955 = arith.addf %add3A_1952, %get3A_1954 : vector<16xf32>
      %get3A_1956 = arith.constant 2976 : index
      %get3A_1957 = tpu.vector_load %arg5[%get3A_1956] {strides = array<i32>} : memref<5120xf32, #tpu.memory_space<vmem>>, vector<16xf32>,
      %add3A_1958 = arith.addf %add3A_1955, %get3A_1957 : vector<16xf32>
      %get3A_1959 = arith.constant 3296 : index
      %get3A_1960 = tpu.vector_load %arg5[%get3A_1959] {strides = array<i32>} : memref<5120xf32, #tpu.memory_space<vmem>>, vector<16xf32>,
      %add3A_1961 = arith.addf %add3A_1958, %get3A_1960 : vector<16xf32>
      %get3A_1962 = arith.constant 3616 : index
      %get3A_1963 = tpu.vector_load %arg5[%get3A_1962] {strides = array<i32>} : memref<5120xf32, #tpu.memory_space<vmem>>, vector<16xf32>,
      %add3A_1964 = arith.addf %add3A_1961, %get3A_1963 : vector<16xf32>
      %get3A_1965 = arith.constant 3936 : index
      %get3A_1966 = tpu.vector_load %arg5[%get3A_1965] {strides = array<i32>} : memref<5120xf32, #tpu.memory_space<vmem>>, vector<16xf32>,
      %add3A_1967 = arith.addf %add3A_1964, %get3A_1966 : vector<16xf32>
      %get3A_1968 = arith.constant 4256 : index
      %get3A_1969 = tpu.vector_load %arg5[%get3A_1968] {strides = array<i32>} : memref<5120xf32, #tpu.memory_space<vmem>>, vector<16xf32>,
      %add3A_1970 = arith.addf %add3A_1967, %get3A_1969 : vector<16xf32>
      %get3A_1971 = arith.constant 4576 : index
      %get3A_1972 = tpu.vector_load %arg5[%get3A_1971] {strides = array<i32>} : memref<5120xf32, #tpu.memory_space<vmem>>, vector<16xf32>,
      %add3A_1973 = arith.addf %add3A_1970, %get3A_1972 : vector<16xf32>
      %get3A_1974 = arith.constant 4896 : index
      %get3A_1975 = tpu.vector_load %arg5[%get3A_1974] {strides = array<i32>} : memref<5120xf32, #tpu.memory_space<vmem>>, vector<16xf32>,
      %add3A_1976 = arith.addf %add3A_1973, %get3A_1975 : vector<16xf32>
      %swap3A_1977 = arith.constant 96 : index
      %swap3A_1978 = tpu.vector_load %arg6[%swap3A_1977] {strides = array<i32>} : memref<320xf32, #tpu.memory_space<vmem>>, vector<16xf32>,
      tpu.vector_store %arg6[%swap3A_1977], %add3A_1976 {strides = array<i32>} : memref<320xf32, #tpu.memory_space<vmem>>, vector<16xf32>,
      %get3A_1979 = arith.constant 112 : index
      %get3A_1980 = tpu.vector_load %arg5[%get3A_1979] {strides = array<i32>} : memref<5120xf32, #tpu.memory_space<vmem>>, vector<16xf32>,
      %get3A_1981 = arith.constant 432 : index
      %get3A_1982 = tpu.vector_load %arg5[%get3A_1981] {strides = array<i32>} : memref<5120xf32, #tpu.memory_space<vmem>>, vector<16xf32>,
      %add3A_1983 = arith.addf %get3A_1980, %get3A_1982 : vector<16xf32>
      %get3A_1984 = arith.constant 752 : index
      %get3A_1985 = tpu.vector_load %arg5[%get3A_1984] {strides = array<i32>} : memref<5120xf32, #tpu.memory_space<vmem>>, vector<16xf32>,
      %add3A_1986 = arith.addf %add3A_1983, %get3A_1985 : vector<16xf32>
      %get3A_1987 = arith.constant 1072 : index
      %get3A_1988 = tpu.vector_load %arg5[%get3A_1987] {strides = array<i32>} : memref<5120xf32, #tpu.memory_space<vmem>>, vector<16xf32>,
      %add3A_1989 = arith.addf %add3A_1986, %get3A_1988 : vector<16xf32>
      %get3A_1990 = arith.constant 1392 : index
      %get3A_1991 = tpu.vector_load %arg5[%get3A_1990] {strides = array<i32>} : memref<5120xf32, #tpu.memory_space<vmem>>, vector<16xf32>,
      %add3A_1992 = arith.addf %add3A_1989, %get3A_1991 : vector<16xf32>
      %get3A_1993 = arith.constant 1712 : index
      %get3A_1994 = tpu.vector_load %arg5[%get3A_1993] {strides = array<i32>} : memref<5120xf32, #tpu.memory_space<vmem>>, vector<16xf32>,
      %add3A_1995 = arith.addf %add3A_1992, %get3A_1994 : vector<16xf32>
      %get3A_1996 = arith.constant 2032 : index
      %get3A_1997 = tpu.vector_load %arg5[%get3A_1996] {strides = array<i32>} : memref<5120xf32, #tpu.memory_space<vmem>>, vector<16xf32>,
      %add3A_1998 = arith.addf %add3A_1995, %get3A_1997 : vector<16xf32>
      %get3A_1999 = arith.constant 2352 : index
      %get3A_2000 = tpu.vector_load %arg5[%get3A_1999] {strides = array<i32>} : memref<5120xf32, #tpu.memory_space<vmem>>, vector<16xf32>,
      %add3A_2001 = arith.addf %add3A_1998, %get3A_2000 : vector<16xf32>
      %get3A_2002 = arith.constant 2672 : index
      %get3A_2003 = tpu.vector_load %arg5[%get3A_2002] {strides = array<i32>} : memref<5120xf32, #tpu.memory_space<vmem>>, vector<16xf32>,
      %add3A_2004 = arith.addf %add3A_2001, %get3A_2003 : vector<16xf32>
      %get3A_2005 = arith.constant 2992 : index
      %get3A_2006 = tpu.vector_load %arg5[%get3A_2005] {strides = array<i32>} : memref<5120xf32, #tpu.memory_space<vmem>>, vector<16xf32>,
      %add3A_2007 = arith.addf %add3A_2004, %get3A_2006 : vector<16xf32>
      %get3A_2008 = arith.constant 3312 : index
      %get3A_2009 = tpu.vector_load %arg5[%get3A_2008] {strides = array<i32>} : memref<5120xf32, #tpu.memory_space<vmem>>, vector<16xf32>,
      %add3A_2010 = arith.addf %add3A_2007, %get3A_2009 : vector<16xf32>
      %get3A_2011 = arith.constant 3632 : index
      %get3A_2012 = tpu.vector_load %arg5[%get3A_2011] {strides = array<i32>} : memref<5120xf32, #tpu.memory_space<vmem>>, vector<16xf32>,
      %add3A_2013 = arith.addf %add3A_2010, %get3A_2012 : vector<16xf32>
      %get3A_2014 = arith.constant 3952 : index
      %get3A_2015 = tpu.vector_load %arg5[%get3A_2014] {strides = array<i32>} : memref<5120xf32, #tpu.memory_space<vmem>>, vector<16xf32>,
      %add3A_2016 = arith.addf %add3A_2013, %get3A_2015 : vector<16xf32>
      %get3A_2017 = arith.constant 4272 : index
      %get3A_2018 = tpu.vector_load %arg5[%get3A_2017] {strides = array<i32>} : memref<5120xf32, #tpu.memory_space<vmem>>, vector<16xf32>,
      %add3A_2019 = arith.addf %add3A_2016, %get3A_2018 : vector<16xf32>
      %get3A_2020 = arith.constant 4592 : index
      %get3A_2021 = tpu.vector_load %arg5[%get3A_2020] {strides = array<i32>} : memref<5120xf32, #tpu.memory_space<vmem>>, vector<16xf32>,
      %add3A_2022 = arith.addf %add3A_2019, %get3A_2021 : vector<16xf32>
      %get3A_2023 = arith.constant 4912 : index
      %get3A_2024 = tpu.vector_load %arg5[%get3A_2023] {strides = array<i32>} : memref<5120xf32, #tpu.memory_space<vmem>>, vector<16xf32>,
      %add3A_2025 = arith.addf %add3A_2022, %get3A_2024 : vector<16xf32>
      %swap3A_2026 = arith.constant 112 : index
      %swap3A_2027 = tpu.vector_load %arg6[%swap3A_2026] {strides = array<i32>} : memref<320xf32, #tpu.memory_space<vmem>>, vector<16xf32>,
      tpu.vector_store %arg6[%swap3A_2026], %add3A_2025 {strides = array<i32>} : memref<320xf32, #tpu.memory_space<vmem>>, vector<16xf32>,
      %get3A_2028 = arith.constant 128 : index
      %get3A_2029 = tpu.vector_load %arg5[%get3A_2028] {strides = array<i32>} : memref<5120xf32, #tpu.memory_space<vmem>>, vector<16xf32>,
      %get3A_2030 = arith.constant 448 : index
      %get3A_2031 = tpu.vector_load %arg5[%get3A_2030] {strides = array<i32>} : memref<5120xf32, #tpu.memory_space<vmem>>, vector<16xf32>,
      %add3A_2032 = arith.addf %get3A_2029, %get3A_2031 : vector<16xf32>
      %get3A_2033 = arith.constant 768 : index
      %get3A_2034 = tpu.vector_load %arg5[%get3A_2033] {strides = array<i32>} : memref<5120xf32, #tpu.memory_space<vmem>>, vector<16xf32>,
      %add3A_2035 = arith.addf %add3A_2032, %get3A_2034 : vector<16xf32>
      %get3A_2036 = arith.constant 1088 : index
      %get3A_2037 = tpu.vector_load %arg5[%get3A_2036] {strides = array<i32>} : memref<5120xf32, #tpu.memory_space<vmem>>, vector<16xf32>,
      %add3A_2038 = arith.addf %add3A_2035, %get3A_2037 : vector<16xf32>
      %get3A_2039 = arith.constant 1408 : index
      %get3A_2040 = tpu.vector_load %arg5[%get3A_2039] {strides = array<i32>} : memref<5120xf32, #tpu.memory_space<vmem>>, vector<16xf32>,
      %add3A_2041 = arith.addf %add3A_2038, %get3A_2040 : vector<16xf32>
      %get3A_2042 = arith.constant 1728 : index
      %get3A_2043 = tpu.vector_load %arg5[%get3A_2042] {strides = array<i32>} : memref<5120xf32, #tpu.memory_space<vmem>>, vector<16xf32>,
      %add3A_2044 = arith.addf %add3A_2041, %get3A_2043 : vector<16xf32>
      %get3A_2045 = arith.constant 2048 : index
      %get3A_2046 = tpu.vector_load %arg5[%get3A_2045] {strides = array<i32>} : memref<5120xf32, #tpu.memory_space<vmem>>, vector<16xf32>,
      %add3A_2047 = arith.addf %add3A_2044, %get3A_2046 : vector<16xf32>
      %get3A_2048 = arith.constant 2368 : index
      %get3A_2049 = tpu.vector_load %arg5[%get3A_2048] {strides = array<i32>} : memref<5120xf32, #tpu.memory_space<vmem>>, vector<16xf32>,
      %add3A_2050 = arith.addf %add3A_2047, %get3A_2049 : vector<16xf32>
      %get3A_2051 = arith.constant 2688 : index
      %get3A_2052 = tpu.vector_load %arg5[%get3A_2051] {strides = array<i32>} : memref<5120xf32, #tpu.memory_space<vmem>>, vector<16xf32>,
      %add3A_2053 = arith.addf %add3A_2050, %get3A_2052 : vector<16xf32>
      %get3A_2054 = arith.constant 3008 : index
      %get3A_2055 = tpu.vector_load %arg5[%get3A_2054] {strides = array<i32>} : memref<5120xf32, #tpu.memory_space<vmem>>, vector<16xf32>,
      %add3A_2056 = arith.addf %add3A_2053, %get3A_2055 : vector<16xf32>
      %get3A_2057 = arith.constant 3328 : index
      %get3A_2058 = tpu.vector_load %arg5[%get3A_2057] {strides = array<i32>} : memref<5120xf32, #tpu.memory_space<vmem>>, vector<16xf32>,
      %add3A_2059 = arith.addf %add3A_2056, %get3A_2058 : vector<16xf32>
      %get3A_2060 = arith.constant 3648 : index
      %get3A_2061 = tpu.vector_load %arg5[%get3A_2060] {strides = array<i32>} : memref<5120xf32, #tpu.memory_space<vmem>>, vector<16xf32>,
      %add3A_2062 = arith.addf %add3A_2059, %get3A_2061 : vector<16xf32>
      %get3A_2063 = arith.constant 3968 : index
      %get3A_2064 = tpu.vector_load %arg5[%get3A_2063] {strides = array<i32>} : memref<5120xf32, #tpu.memory_space<vmem>>, vector<16xf32>,
      %add3A_2065 = arith.addf %add3A_2062, %get3A_2064 : vector<16xf32>
      %get3A_2066 = arith.constant 4288 : index
      %get3A_2067 = tpu.vector_load %arg5[%get3A_2066] {strides = array<i32>} : memref<5120xf32, #tpu.memory_space<vmem>>, vector<16xf32>,
      %add3A_2068 = arith.addf %add3A_2065, %get3A_2067 : vector<16xf32>
      %get3A_2069 = arith.constant 4608 : index
      %get3A_2070 = tpu.vector_load %arg5[%get3A_2069] {strides = array<i32>} : memref<5120xf32, #tpu.memory_space<vmem>>, vector<16xf32>,
      %add3A_2071 = arith.addf %add3A_2068, %get3A_2070 : vector<16xf32>
      %get3A_2072 = arith.constant 4928 : index
      %get3A_2073 = tpu.vector_load %arg5[%get3A_2072] {strides = array<i32>} : memref<5120xf32, #tpu.memory_space<vmem>>, vector<16xf32>,
      %add3A_2074 = arith.addf %add3A_2071, %get3A_2073 : vector<16xf32>
      %swap3A_2075 = arith.constant 128 : index
      %swap3A_2076 = tpu.vector_load %arg6[%swap3A_2075] {strides = array<i32>} : memref<320xf32, #tpu.memory_space<vmem>>, vector<16xf32>,
      tpu.vector_store %arg6[%swap3A_2075], %add3A_2074 {strides = array<i32>} : memref<320xf32, #tpu.memory_space<vmem>>, vector<16xf32>,
      %get3A_2077 = arith.constant 144 : index
      %get3A_2078 = tpu.vector_load %arg5[%get3A_2077] {strides = array<i32>} : memref<5120xf32, #tpu.memory_space<vmem>>, vector<16xf32>,
      %get3A_2079 = arith.constant 464 : index
      %get3A_2080 = tpu.vector_load %arg5[%get3A_2079] {strides = array<i32>} : memref<5120xf32, #tpu.memory_space<vmem>>, vector<16xf32>,
      %add3A_2081 = arith.addf %get3A_2078, %get3A_2080 : vector<16xf32>
      %get3A_2082 = arith.constant 784 : index
      %get3A_2083 = tpu.vector_load %arg5[%get3A_2082] {strides = array<i32>} : memref<5120xf32, #tpu.memory_space<vmem>>, vector<16xf32>,
      %add3A_2084 = arith.addf %add3A_2081, %get3A_2083 : vector<16xf32>
      %get3A_2085 = arith.constant 1104 : index
      %get3A_2086 = tpu.vector_load %arg5[%get3A_2085] {strides = array<i32>} : memref<5120xf32, #tpu.memory_space<vmem>>, vector<16xf32>,
      %add3A_2087 = arith.addf %add3A_2084, %get3A_2086 : vector<16xf32>
      %get3A_2088 = arith.constant 1424 : index
      %get3A_2089 = tpu.vector_load %arg5[%get3A_2088] {strides = array<i32>} : memref<5120xf32, #tpu.memory_space<vmem>>, vector<16xf32>,
      %add3A_2090 = arith.addf %add3A_2087, %get3A_2089 : vector<16xf32>
      %get3A_2091 = arith.constant 1744 : index
      %get3A_2092 = tpu.vector_load %arg5[%get3A_2091] {strides = array<i32>} : memref<5120xf32, #tpu.memory_space<vmem>>, vector<16xf32>,
      %add3A_2093 = arith.addf %add3A_2090, %get3A_2092 : vector<16xf32>
      %get3A_2094 = arith.constant 2064 : index
      %get3A_2095 = tpu.vector_load %arg5[%get3A_2094] {strides = array<i32>} : memref<5120xf32, #tpu.memory_space<vmem>>, vector<16xf32>,
      %add3A_2096 = arith.addf %add3A_2093, %get3A_2095 : vector<16xf32>
      %get3A_2097 = arith.constant 2384 : index
      %get3A_2098 = tpu.vector_load %arg5[%get3A_2097] {strides = array<i32>} : memref<5120xf32, #tpu.memory_space<vmem>>, vector<16xf32>,
      %add3A_2099 = arith.addf %add3A_2096, %get3A_2098 : vector<16xf32>
      %get3A_2100 = arith.constant 2704 : index
      %get3A_2101 = tpu.vector_load %arg5[%get3A_2100] {strides = array<i32>} : memref<5120xf32, #tpu.memory_space<vmem>>, vector<16xf32>,
      %add3A_2102 = arith.addf %add3A_2099, %get3A_2101 : vector<16xf32>
      %get3A_2103 = arith.constant 3024 : index
      %get3A_2104 = tpu.vector_load %arg5[%get3A_2103] {strides = array<i32>} : memref<5120xf32, #tpu.memory_space<vmem>>, vector<16xf32>,
      %add3A_2105 = arith.addf %add3A_2102, %get3A_2104 : vector<16xf32>
      %get3A_2106 = arith.constant 3344 : index
      %get3A_2107 = tpu.vector_load %arg5[%get3A_2106] {strides = array<i32>} : memref<5120xf32, #tpu.memory_space<vmem>>, vector<16xf32>,
      %add3A_2108 = arith.addf %add3A_2105, %get3A_2107 : vector<16xf32>
      %get3A_2109 = arith.constant 3664 : index
      %get3A_2110 = tpu.vector_load %arg5[%get3A_2109] {strides = array<i32>} : memref<5120xf32, #tpu.memory_space<vmem>>, vector<16xf32>,
      %add3A_2111 = arith.addf %add3A_2108, %get3A_2110 : vector<16xf32>
      %get3A_2112 = arith.constant 3984 : index
      %get3A_2113 = tpu.vector_load %arg5[%get3A_2112] {strides = array<i32>} : memref<5120xf32, #tpu.memory_space<vmem>>, vector<16xf32>,
      %add3A_2114 = arith.addf %add3A_2111, %get3A_2113 : vector<16xf32>
      %get3A_2115 = arith.constant 4304 : index
      %get3A_2116 = tpu.vector_load %arg5[%get3A_2115] {strides = array<i32>} : memref<5120xf32, #tpu.memory_space<vmem>>, vector<16xf32>,
      %add3A_2117 = arith.addf %add3A_2114, %get3A_2116 : vector<16xf32>
      %get3A_2118 = arith.constant 4624 : index
      %get3A_2119 = tpu.vector_load %arg5[%get3A_2118] {strides = array<i32>} : memref<5120xf32, #tpu.memory_space<vmem>>, vector<16xf32>,
      %add3A_2120 = arith.addf %add3A_2117, %get3A_2119 : vector<16xf32>
      %get3A_2121 = arith.constant 4944 : index
      %get3A_2122 = tpu.vector_load %arg5[%get3A_2121] {strides = array<i32>} : memref<5120xf32, #tpu.memory_space<vmem>>, vector<16xf32>,
      %add3A_2123 = arith.addf %add3A_2120, %get3A_2122 : vector<16xf32>
      %swap3A_2124 = arith.constant 144 : index
      %swap3A_2125 = tpu.vector_load %arg6[%swap3A_2124] {strides = array<i32>} : memref<320xf32, #tpu.memory_space<vmem>>, vector<16xf32>,
      tpu.vector_store %arg6[%swap3A_2124], %add3A_2123 {strides = array<i32>} : memref<320xf32, #tpu.memory_space<vmem>>, vector<16xf32>,
      %get3A_2126 = arith.constant 160 : index
      %get3A_2127 = tpu.vector_load %arg5[%get3A_2126] {strides = array<i32>} : memref<5120xf32, #tpu.memory_space<vmem>>, vector<16xf32>,
      %get3A_2128 = arith.constant 480 : index
      %get3A_2129 = tpu.vector_load %arg5[%get3A_2128] {strides = array<i32>} : memref<5120xf32, #tpu.memory_space<vmem>>, vector<16xf32>,
      %add3A_2130 = arith.addf %get3A_2127, %get3A_2129 : vector<16xf32>
      %get3A_2131 = arith.constant 800 : index
      %get3A_2132 = tpu.vector_load %arg5[%get3A_2131] {strides = array<i32>} : memref<5120xf32, #tpu.memory_space<vmem>>, vector<16xf32>,
      %add3A_2133 = arith.addf %add3A_2130, %get3A_2132 : vector<16xf32>
      %get3A_2134 = arith.constant 1120 : index
      %get3A_2135 = tpu.vector_load %arg5[%get3A_2134] {strides = array<i32>} : memref<5120xf32, #tpu.memory_space<vmem>>, vector<16xf32>,
      %add3A_2136 = arith.addf %add3A_2133, %get3A_2135 : vector<16xf32>
      %get3A_2137 = arith.constant 1440 : index
      %get3A_2138 = tpu.vector_load %arg5[%get3A_2137] {strides = array<i32>} : memref<5120xf32, #tpu.memory_space<vmem>>, vector<16xf32>,
      %add3A_2139 = arith.addf %add3A_2136, %get3A_2138 : vector<16xf32>
      %get3A_2140 = arith.constant 1760 : index
      %get3A_2141 = tpu.vector_load %arg5[%get3A_2140] {strides = array<i32>} : memref<5120xf32, #tpu.memory_space<vmem>>, vector<16xf32>,
      %add3A_2142 = arith.addf %add3A_2139, %get3A_2141 : vector<16xf32>
      %get3A_2143 = arith.constant 2080 : index
      %get3A_2144 = tpu.vector_load %arg5[%get3A_2143] {strides = array<i32>} : memref<5120xf32, #tpu.memory_space<vmem>>, vector<16xf32>,
      %add3A_2145 = arith.addf %add3A_2142, %get3A_2144 : vector<16xf32>
      %get3A_2146 = arith.constant 2400 : index
      %get3A_2147 = tpu.vector_load %arg5[%get3A_2146] {strides = array<i32>} : memref<5120xf32, #tpu.memory_space<vmem>>, vector<16xf32>,
      %add3A_2148 = arith.addf %add3A_2145, %get3A_2147 : vector<16xf32>
      %get3A_2149 = arith.constant 2720 : index
      %get3A_2150 = tpu.vector_load %arg5[%get3A_2149] {strides = array<i32>} : memref<5120xf32, #tpu.memory_space<vmem>>, vector<16xf32>,
      %add3A_2151 = arith.addf %add3A_2148, %get3A_2150 : vector<16xf32>
      %get3A_2152 = arith.constant 3040 : index
      %get3A_2153 = tpu.vector_load %arg5[%get3A_2152] {strides = array<i32>} : memref<5120xf32, #tpu.memory_space<vmem>>, vector<16xf32>,
      %add3A_2154 = arith.addf %add3A_2151, %get3A_2153 : vector<16xf32>
      %get3A_2155 = arith.constant 3360 : index
      %get3A_2156 = tpu.vector_load %arg5[%get3A_2155] {strides = array<i32>} : memref<5120xf32, #tpu.memory_space<vmem>>, vector<16xf32>,
      %add3A_2157 = arith.addf %add3A_2154, %get3A_2156 : vector<16xf32>
      %get3A_2158 = arith.constant 3680 : index
      %get3A_2159 = tpu.vector_load %arg5[%get3A_2158] {strides = array<i32>} : memref<5120xf32, #tpu.memory_space<vmem>>, vector<16xf32>,
      %add3A_2160 = arith.addf %add3A_2157, %get3A_2159 : vector<16xf32>
      %get3A_2161 = arith.constant 4000 : index
      %get3A_2162 = tpu.vector_load %arg5[%get3A_2161] {strides = array<i32>} : memref<5120xf32, #tpu.memory_space<vmem>>, vector<16xf32>,
      %add3A_2163 = arith.addf %add3A_2160, %get3A_2162 : vector<16xf32>
      %get3A_2164 = arith.constant 4320 : index
      %get3A_2165 = tpu.vector_load %arg5[%get3A_2164] {strides = array<i32>} : memref<5120xf32, #tpu.memory_space<vmem>>, vector<16xf32>,
      %add3A_2166 = arith.addf %add3A_2163, %get3A_2165 : vector<16xf32>
      %get3A_2167 = arith.constant 4640 : index
      %get3A_2168 = tpu.vector_load %arg5[%get3A_2167] {strides = array<i32>} : memref<5120xf32, #tpu.memory_space<vmem>>, vector<16xf32>,
      %add3A_2169 = arith.addf %add3A_2166, %get3A_2168 : vector<16xf32>
      %get3A_2170 = arith.constant 4960 : index
      %get3A_2171 = tpu.vector_load %arg5[%get3A_2170] {strides = array<i32>} : memref<5120xf32, #tpu.memory_space<vmem>>, vector<16xf32>,
      %add3A_2172 = arith.addf %add3A_2169, %get3A_2171 : vector<16xf32>
      %swap3A_2173 = arith.constant 160 : index
      %swap3A_2174 = tpu.vector_load %arg6[%swap3A_2173] {strides = array<i32>} : memref<320xf32, #tpu.memory_space<vmem>>, vector<16xf32>,
      tpu.vector_store %arg6[%swap3A_2173], %add3A_2172 {strides = array<i32>} : memref<320xf32, #tpu.memory_space<vmem>>, vector<16xf32>,
      %get3A_2175 = arith.constant 176 : index
      %get3A_2176 = tpu.vector_load %arg5[%get3A_2175] {strides = array<i32>} : memref<5120xf32, #tpu.memory_space<vmem>>, vector<16xf32>,
      %get3A_2177 = arith.constant 496 : index
      %get3A_2178 = tpu.vector_load %arg5[%get3A_2177] {strides = array<i32>} : memref<5120xf32, #tpu.memory_space<vmem>>, vector<16xf32>,
      %add3A_2179 = arith.addf %get3A_2176, %get3A_2178 : vector<16xf32>
      %get3A_2180 = arith.constant 816 : index
      %get3A_2181 = tpu.vector_load %arg5[%get3A_2180] {strides = array<i32>} : memref<5120xf32, #tpu.memory_space<vmem>>, vector<16xf32>,
      %add3A_2182 = arith.addf %add3A_2179, %get3A_2181 : vector<16xf32>
      %get3A_2183 = arith.constant 1136 : index
      %get3A_2184 = tpu.vector_load %arg5[%get3A_2183] {strides = array<i32>} : memref<5120xf32, #tpu.memory_space<vmem>>, vector<16xf32>,
      %add3A_2185 = arith.addf %add3A_2182, %get3A_2184 : vector<16xf32>
      %get3A_2186 = arith.constant 1456 : index
      %get3A_2187 = tpu.vector_load %arg5[%get3A_2186] {strides = array<i32>} : memref<5120xf32, #tpu.memory_space<vmem>>, vector<16xf32>,
      %add3A_2188 = arith.addf %add3A_2185, %get3A_2187 : vector<16xf32>
      %get3A_2189 = arith.constant 1776 : index
      %get3A_2190 = tpu.vector_load %arg5[%get3A_2189] {strides = array<i32>} : memref<5120xf32, #tpu.memory_space<vmem>>, vector<16xf32>,
      %add3A_2191 = arith.addf %add3A_2188, %get3A_2190 : vector<16xf32>
      %get3A_2192 = arith.constant 2096 : index
      %get3A_2193 = tpu.vector_load %arg5[%get3A_2192] {strides = array<i32>} : memref<5120xf32, #tpu.memory_space<vmem>>, vector<16xf32>,
      %add3A_2194 = arith.addf %add3A_2191, %get3A_2193 : vector<16xf32>
      %get3A_2195 = arith.constant 2416 : index
      %get3A_2196 = tpu.vector_load %arg5[%get3A_2195] {strides = array<i32>} : memref<5120xf32, #tpu.memory_space<vmem>>, vector<16xf32>,
      %add3A_2197 = arith.addf %add3A_2194, %get3A_2196 : vector<16xf32>
      %get3A_2198 = arith.constant 2736 : index
      %get3A_2199 = tpu.vector_load %arg5[%get3A_2198] {strides = array<i32>} : memref<5120xf32, #tpu.memory_space<vmem>>, vector<16xf32>,
      %add3A_2200 = arith.addf %add3A_2197, %get3A_2199 : vector<16xf32>
      %get3A_2201 = arith.constant 3056 : index
      %get3A_2202 = tpu.vector_load %arg5[%get3A_2201] {strides = array<i32>} : memref<5120xf32, #tpu.memory_space<vmem>>, vector<16xf32>,
      %add3A_2203 = arith.addf %add3A_2200, %get3A_2202 : vector<16xf32>
      %get3A_2204 = arith.constant 3376 : index
      %get3A_2205 = tpu.vector_load %arg5[%get3A_2204] {strides = array<i32>} : memref<5120xf32, #tpu.memory_space<vmem>>, vector<16xf32>,
      %add3A_2206 = arith.addf %add3A_2203, %get3A_2205 : vector<16xf32>
      %get3A_2207 = arith.constant 3696 : index
      %get3A_2208 = tpu.vector_load %arg5[%get3A_2207] {strides = array<i32>} : memref<5120xf32, #tpu.memory_space<vmem>>, vector<16xf32>,
      %add3A_2209 = arith.addf %add3A_2206, %get3A_2208 : vector<16xf32>
      %get3A_2210 = arith.constant 4016 : index
      %get3A_2211 = tpu.vector_load %arg5[%get3A_2210] {strides = array<i32>} : memref<5120xf32, #tpu.memory_space<vmem>>, vector<16xf32>,
      %add3A_2212 = arith.addf %add3A_2209, %get3A_2211 : vector<16xf32>
      %get3A_2213 = arith.constant 4336 : index
      %get3A_2214 = tpu.vector_load %arg5[%get3A_2213] {strides = array<i32>} : memref<5120xf32, #tpu.memory_space<vmem>>, vector<16xf32>,
      %add3A_2215 = arith.addf %add3A_2212, %get3A_2214 : vector<16xf32>
      %get3A_2216 = arith.constant 4656 : index
      %get3A_2217 = tpu.vector_load %arg5[%get3A_2216] {strides = array<i32>} : memref<5120xf32, #tpu.memory_space<vmem>>, vector<16xf32>,
      %add3A_2218 = arith.addf %add3A_2215, %get3A_2217 : vector<16xf32>
      %get3A_2219 = arith.constant 4976 : index
      %get3A_2220 = tpu.vector_load %arg5[%get3A_2219] {strides = array<i32>} : memref<5120xf32, #tpu.memory_space<vmem>>, vector<16xf32>,
      %add3A_2221 = arith.addf %add3A_2218, %get3A_2220 : vector<16xf32>
      %swap3A_2222 = arith.constant 176 : index
      %swap3A_2223 = tpu.vector_load %arg6[%swap3A_2222] {strides = array<i32>} : memref<320xf32, #tpu.memory_space<vmem>>, vector<16xf32>,
      tpu.vector_store %arg6[%swap3A_2222], %add3A_2221 {strides = array<i32>} : memref<320xf32, #tpu.memory_space<vmem>>, vector<16xf32>,
      %get3A_2224 = arith.constant 192 : index
      %get3A_2225 = tpu.vector_load %arg5[%get3A_2224] {strides = array<i32>} : memref<5120xf32, #tpu.memory_space<vmem>>, vector<16xf32>,
      %get3A_2226 = arith.constant 512 : index
      %get3A_2227 = tpu.vector_load %arg5[%get3A_2226] {strides = array<i32>} : memref<5120xf32, #tpu.memory_space<vmem>>, vector<16xf32>,
      %add3A_2228 = arith.addf %get3A_2225, %get3A_2227 : vector<16xf32>
      %get3A_2229 = arith.constant 832 : index
      %get3A_2230 = tpu.vector_load %arg5[%get3A_2229] {strides = array<i32>} : memref<5120xf32, #tpu.memory_space<vmem>>, vector<16xf32>,
      %add3A_2231 = arith.addf %add3A_2228, %get3A_2230 : vector<16xf32>
      %get3A_2232 = arith.constant 1152 : index
      %get3A_2233 = tpu.vector_load %arg5[%get3A_2232] {strides = array<i32>} : memref<5120xf32, #tpu.memory_space<vmem>>, vector<16xf32>,
      %add3A_2234 = arith.addf %add3A_2231, %get3A_2233 : vector<16xf32>
      %get3A_2235 = arith.constant 1472 : index
      %get3A_2236 = tpu.vector_load %arg5[%get3A_2235] {strides = array<i32>} : memref<5120xf32, #tpu.memory_space<vmem>>, vector<16xf32>,
      %add3A_2237 = arith.addf %add3A_2234, %get3A_2236 : vector<16xf32>
      %get3A_2238 = arith.constant 1792 : index
      %get3A_2239 = tpu.vector_load %arg5[%get3A_2238] {strides = array<i32>} : memref<5120xf32, #tpu.memory_space<vmem>>, vector<16xf32>,
      %add3A_2240 = arith.addf %add3A_2237, %get3A_2239 : vector<16xf32>
      %get3A_2241 = arith.constant 2112 : index
      %get3A_2242 = tpu.vector_load %arg5[%get3A_2241] {strides = array<i32>} : memref<5120xf32, #tpu.memory_space<vmem>>, vector<16xf32>,
      %add3A_2243 = arith.addf %add3A_2240, %get3A_2242 : vector<16xf32>
      %get3A_2244 = arith.constant 2432 : index
      %get3A_2245 = tpu.vector_load %arg5[%get3A_2244] {strides = array<i32>} : memref<5120xf32, #tpu.memory_space<vmem>>, vector<16xf32>,
      %add3A_2246 = arith.addf %add3A_2243, %get3A_2245 : vector<16xf32>
      %get3A_2247 = arith.constant 2752 : index
      %get3A_2248 = tpu.vector_load %arg5[%get3A_2247] {strides = array<i32>} : memref<5120xf32, #tpu.memory_space<vmem>>, vector<16xf32>,
      %add3A_2249 = arith.addf %add3A_2246, %get3A_2248 : vector<16xf32>
      %get3A_2250 = arith.constant 3072 : index
      %get3A_2251 = tpu.vector_load %arg5[%get3A_2250] {strides = array<i32>} : memref<5120xf32, #tpu.memory_space<vmem>>, vector<16xf32>,
      %add3A_2252 = arith.addf %add3A_2249, %get3A_2251 : vector<16xf32>
      %get3A_2253 = arith.constant 3392 : index
      %get3A_2254 = tpu.vector_load %arg5[%get3A_2253] {strides = array<i32>} : memref<5120xf32, #tpu.memory_space<vmem>>, vector<16xf32>,
      %add3A_2255 = arith.addf %add3A_2252, %get3A_2254 : vector<16xf32>
      %get3A_2256 = arith.constant 3712 : index
      %get3A_2257 = tpu.vector_load %arg5[%get3A_2256] {strides = array<i32>} : memref<5120xf32, #tpu.memory_space<vmem>>, vector<16xf32>,
      %add3A_2258 = arith.addf %add3A_2255, %get3A_2257 : vector<16xf32>
      %get3A_2259 = arith.constant 4032 : index
      %get3A_2260 = tpu.vector_load %arg5[%get3A_2259] {strides = array<i32>} : memref<5120xf32, #tpu.memory_space<vmem>>, vector<16xf32>,
      %add3A_2261 = arith.addf %add3A_2258, %get3A_2260 : vector<16xf32>
      %get3A_2262 = arith.constant 4352 : index
      %get3A_2263 = tpu.vector_load %arg5[%get3A_2262] {strides = array<i32>} : memref<5120xf32, #tpu.memory_space<vmem>>, vector<16xf32>,
      %add3A_2264 = arith.addf %add3A_2261, %get3A_2263 : vector<16xf32>
      %get3A_2265 = arith.constant 4672 : index
      %get3A_2266 = tpu.vector_load %arg5[%get3A_2265] {strides = array<i32>} : memref<5120xf32, #tpu.memory_space<vmem>>, vector<16xf32>,
      %add3A_2267 = arith.addf %add3A_2264, %get3A_2266 : vector<16xf32>
      %get3A_2268 = arith.constant 4992 : index
      %get3A_2269 = tpu.vector_load %arg5[%get3A_2268] {strides = array<i32>} : memref<5120xf32, #tpu.memory_space<vmem>>, vector<16xf32>,
      %add3A_2270 = arith.addf %add3A_2267, %get3A_2269 : vector<16xf32>
      %swap3A_2271 = arith.constant 192 : index
      %swap3A_2272 = tpu.vector_load %arg6[%swap3A_2271] {strides = array<i32>} : memref<320xf32, #tpu.memory_space<vmem>>, vector<16xf32>,
      tpu.vector_store %arg6[%swap3A_2271], %add3A_2270 {strides = array<i32>} : memref<320xf32, #tpu.memory_space<vmem>>, vector<16xf32>,
      %get3A_2273 = arith.constant 208 : index
      %get3A_2274 = tpu.vector_load %arg5[%get3A_2273] {strides = array<i32>} : memref<5120xf32, #tpu.memory_space<vmem>>, vector<16xf32>,
      %get3A_2275 = arith.constant 528 : index
      %get3A_2276 = tpu.vector_load %arg5[%get3A_2275] {strides = array<i32>} : memref<5120xf32, #tpu.memory_space<vmem>>, vector<16xf32>,
      %add3A_2277 = arith.addf %get3A_2274, %get3A_2276 : vector<16xf32>
      %get3A_2278 = arith.constant 848 : index
      %get3A_2279 = tpu.vector_load %arg5[%get3A_2278] {strides = array<i32>} : memref<5120xf32, #tpu.memory_space<vmem>>, vector<16xf32>,
      %add3A_2280 = arith.addf %add3A_2277, %get3A_2279 : vector<16xf32>
      %get3A_2281 = arith.constant 1168 : index
      %get3A_2282 = tpu.vector_load %arg5[%get3A_2281] {strides = array<i32>} : memref<5120xf32, #tpu.memory_space<vmem>>, vector<16xf32>,
      %add3A_2283 = arith.addf %add3A_2280, %get3A_2282 : vector<16xf32>
      %get3A_2284 = arith.constant 1488 : index
      %get3A_2285 = tpu.vector_load %arg5[%get3A_2284] {strides = array<i32>} : memref<5120xf32, #tpu.memory_space<vmem>>, vector<16xf32>,
      %add3A_2286 = arith.addf %add3A_2283, %get3A_2285 : vector<16xf32>
      %get3A_2287 = arith.constant 1808 : index
      %get3A_2288 = tpu.vector_load %arg5[%get3A_2287] {strides = array<i32>} : memref<5120xf32, #tpu.memory_space<vmem>>, vector<16xf32>,
      %add3A_2289 = arith.addf %add3A_2286, %get3A_2288 : vector<16xf32>
      %get3A_2290 = arith.constant 2128 : index
      %get3A_2291 = tpu.vector_load %arg5[%get3A_2290] {strides = array<i32>} : memref<5120xf32, #tpu.memory_space<vmem>>, vector<16xf32>,
      %add3A_2292 = arith.addf %add3A_2289, %get3A_2291 : vector<16xf32>
      %get3A_2293 = arith.constant 2448 : index
      %get3A_2294 = tpu.vector_load %arg5[%get3A_2293] {strides = array<i32>} : memref<5120xf32, #tpu.memory_space<vmem>>, vector<16xf32>,
      %add3A_2295 = arith.addf %add3A_2292, %get3A_2294 : vector<16xf32>
      %get3A_2296 = arith.constant 2768 : index
      %get3A_2297 = tpu.vector_load %arg5[%get3A_2296] {strides = array<i32>} : memref<5120xf32, #tpu.memory_space<vmem>>, vector<16xf32>,
      %add3A_2298 = arith.addf %add3A_2295, %get3A_2297 : vector<16xf32>
      %get3A_2299 = arith.constant 3088 : index
      %get3A_2300 = tpu.vector_load %arg5[%get3A_2299] {strides = array<i32>} : memref<5120xf32, #tpu.memory_space<vmem>>, vector<16xf32>,
      %add3A_2301 = arith.addf %add3A_2298, %get3A_2300 : vector<16xf32>
      %get3A_2302 = arith.constant 3408 : index
      %get3A_2303 = tpu.vector_load %arg5[%get3A_2302] {strides = array<i32>} : memref<5120xf32, #tpu.memory_space<vmem>>, vector<16xf32>,
      %add3A_2304 = arith.addf %add3A_2301, %get3A_2303 : vector<16xf32>
      %get3A_2305 = arith.constant 3728 : index
      %get3A_2306 = tpu.vector_load %arg5[%get3A_2305] {strides = array<i32>} : memref<5120xf32, #tpu.memory_space<vmem>>, vector<16xf32>,
      %add3A_2307 = arith.addf %add3A_2304, %get3A_2306 : vector<16xf32>
      %get3A_2308 = arith.constant 4048 : index
      %get3A_2309 = tpu.vector_load %arg5[%get3A_2308] {strides = array<i32>} : memref<5120xf32, #tpu.memory_space<vmem>>, vector<16xf32>,
      %add3A_2310 = arith.addf %add3A_2307, %get3A_2309 : vector<16xf32>
      %get3A_2311 = arith.constant 4368 : index
      %get3A_2312 = tpu.vector_load %arg5[%get3A_2311] {strides = array<i32>} : memref<5120xf32, #tpu.memory_space<vmem>>, vector<16xf32>,
      %add3A_2313 = arith.addf %add3A_2310, %get3A_2312 : vector<16xf32>
      %get3A_2314 = arith.constant 4688 : index
      %get3A_2315 = tpu.vector_load %arg5[%get3A_2314] {strides = array<i32>} : memref<5120xf32, #tpu.memory_space<vmem>>, vector<16xf32>,
      %add3A_2316 = arith.addf %add3A_2313, %get3A_2315 : vector<16xf32>
      %get3A_2317 = arith.constant 5008 : index
      %get3A_2318 = tpu.vector_load %arg5[%get3A_2317] {strides = array<i32>} : memref<5120xf32, #tpu.memory_space<vmem>>, vector<16xf32>,
      %add3A_2319 = arith.addf %add3A_2316, %get3A_2318 : vector<16xf32>
      %swap3A_2320 = arith.constant 208 : index
      %swap3A_2321 = tpu.vector_load %arg6[%swap3A_2320] {strides = array<i32>} : memref<320xf32, #tpu.memory_space<vmem>>, vector<16xf32>,
      tpu.vector_store %arg6[%swap3A_2320], %add3A_2319 {strides = array<i32>} : memref<320xf32, #tpu.memory_space<vmem>>, vector<16xf32>,
      %get3A_2322 = arith.constant 224 : index
      %get3A_2323 = tpu.vector_load %arg5[%get3A_2322] {strides = array<i32>} : memref<5120xf32, #tpu.memory_space<vmem>>, vector<16xf32>,
      %get3A_2324 = arith.constant 544 : index
      %get3A_2325 = tpu.vector_load %arg5[%get3A_2324] {strides = array<i32>} : memref<5120xf32, #tpu.memory_space<vmem>>, vector<16xf32>,
      %add3A_2326 = arith.addf %get3A_2323, %get3A_2325 : vector<16xf32>
      %get3A_2327 = arith.constant 864 : index
      %get3A_2328 = tpu.vector_load %arg5[%get3A_2327] {strides = array<i32>} : memref<5120xf32, #tpu.memory_space<vmem>>, vector<16xf32>,
      %add3A_2329 = arith.addf %add3A_2326, %get3A_2328 : vector<16xf32>
      %get3A_2330 = arith.constant 1184 : index
      %get3A_2331 = tpu.vector_load %arg5[%get3A_2330] {strides = array<i32>} : memref<5120xf32, #tpu.memory_space<vmem>>, vector<16xf32>,
      %add3A_2332 = arith.addf %add3A_2329, %get3A_2331 : vector<16xf32>
      %get3A_2333 = arith.constant 1504 : index
      %get3A_2334 = tpu.vector_load %arg5[%get3A_2333] {strides = array<i32>} : memref<5120xf32, #tpu.memory_space<vmem>>, vector<16xf32>,
      %add3A_2335 = arith.addf %add3A_2332, %get3A_2334 : vector<16xf32>
      %get3A_2336 = arith.constant 1824 : index
      %get3A_2337 = tpu.vector_load %arg5[%get3A_2336] {strides = array<i32>} : memref<5120xf32, #tpu.memory_space<vmem>>, vector<16xf32>,
      %add3A_2338 = arith.addf %add3A_2335, %get3A_2337 : vector<16xf32>
      %get3A_2339 = arith.constant 2144 : index
      %get3A_2340 = tpu.vector_load %arg5[%get3A_2339] {strides = array<i32>} : memref<5120xf32, #tpu.memory_space<vmem>>, vector<16xf32>,
      %add3A_2341 = arith.addf %add3A_2338, %get3A_2340 : vector<16xf32>
      %get3A_2342 = arith.constant 2464 : index
      %get3A_2343 = tpu.vector_load %arg5[%get3A_2342] {strides = array<i32>} : memref<5120xf32, #tpu.memory_space<vmem>>, vector<16xf32>,
      %add3A_2344 = arith.addf %add3A_2341, %get3A_2343 : vector<16xf32>
      %get3A_2345 = arith.constant 2784 : index
      %get3A_2346 = tpu.vector_load %arg5[%get3A_2345] {strides = array<i32>} : memref<5120xf32, #tpu.memory_space<vmem>>, vector<16xf32>,
      %add3A_2347 = arith.addf %add3A_2344, %get3A_2346 : vector<16xf32>
      %get3A_2348 = arith.constant 3104 : index
      %get3A_2349 = tpu.vector_load %arg5[%get3A_2348] {strides = array<i32>} : memref<5120xf32, #tpu.memory_space<vmem>>, vector<16xf32>,
      %add3A_2350 = arith.addf %add3A_2347, %get3A_2349 : vector<16xf32>
      %get3A_2351 = arith.constant 3424 : index
      %get3A_2352 = tpu.vector_load %arg5[%get3A_2351] {strides = array<i32>} : memref<5120xf32, #tpu.memory_space<vmem>>, vector<16xf32>,
      %add3A_2353 = arith.addf %add3A_2350, %get3A_2352 : vector<16xf32>
      %get3A_2354 = arith.constant 3744 : index
      %get3A_2355 = tpu.vector_load %arg5[%get3A_2354] {strides = array<i32>} : memref<5120xf32, #tpu.memory_space<vmem>>, vector<16xf32>,
      %add3A_2356 = arith.addf %add3A_2353, %get3A_2355 : vector<16xf32>
      %get3A_2357 = arith.constant 4064 : index
      %get3A_2358 = tpu.vector_load %arg5[%get3A_2357] {strides = array<i32>} : memref<5120xf32, #tpu.memory_space<vmem>>, vector<16xf32>,
      %add3A_2359 = arith.addf %add3A_2356, %get3A_2358 : vector<16xf32>
      %get3A_2360 = arith.constant 4384 : index
      %get3A_2361 = tpu.vector_load %arg5[%get3A_2360] {strides = array<i32>} : memref<5120xf32, #tpu.memory_space<vmem>>, vector<16xf32>,
      %add3A_2362 = arith.addf %add3A_2359, %get3A_2361 : vector<16xf32>
      %get3A_2363 = arith.constant 4704 : index
      %get3A_2364 = tpu.vector_load %arg5[%get3A_2363] {strides = array<i32>} : memref<5120xf32, #tpu.memory_space<vmem>>, vector<16xf32>,
      %add3A_2365 = arith.addf %add3A_2362, %get3A_2364 : vector<16xf32>
      %get3A_2366 = arith.constant 5024 : index
      %get3A_2367 = tpu.vector_load %arg5[%get3A_2366] {strides = array<i32>} : memref<5120xf32, #tpu.memory_space<vmem>>, vector<16xf32>,
      %add3A_2368 = arith.addf %add3A_2365, %get3A_2367 : vector<16xf32>
      %swap3A_2369 = arith.constant 224 : index
      %swap3A_2370 = tpu.vector_load %arg6[%swap3A_2369] {strides = array<i32>} : memref<320xf32, #tpu.memory_space<vmem>>, vector<16xf32>,
      tpu.vector_store %arg6[%swap3A_2369], %add3A_2368 {strides = array<i32>} : memref<320xf32, #tpu.memory_space<vmem>>, vector<16xf32>,
      %get3A_2371 = arith.constant 240 : index
      %get3A_2372 = tpu.vector_load %arg5[%get3A_2371] {strides = array<i32>} : memref<5120xf32, #tpu.memory_space<vmem>>, vector<16xf32>,
      %get3A_2373 = arith.constant 560 : index
      %get3A_2374 = tpu.vector_load %arg5[%get3A_2373] {strides = array<i32>} : memref<5120xf32, #tpu.memory_space<vmem>>, vector<16xf32>,
      %add3A_2375 = arith.addf %get3A_2372, %get3A_2374 : vector<16xf32>
      %get3A_2376 = arith.constant 880 : index
      %get3A_2377 = tpu.vector_load %arg5[%get3A_2376] {strides = array<i32>} : memref<5120xf32, #tpu.memory_space<vmem>>, vector<16xf32>,
      %add3A_2378 = arith.addf %add3A_2375, %get3A_2377 : vector<16xf32>
      %get3A_2379 = arith.constant 1200 : index
      %get3A_2380 = tpu.vector_load %arg5[%get3A_2379] {strides = array<i32>} : memref<5120xf32, #tpu.memory_space<vmem>>, vector<16xf32>,
      %add3A_2381 = arith.addf %add3A_2378, %get3A_2380 : vector<16xf32>
      %get3A_2382 = arith.constant 1520 : index
      %get3A_2383 = tpu.vector_load %arg5[%get3A_2382] {strides = array<i32>} : memref<5120xf32, #tpu.memory_space<vmem>>, vector<16xf32>,
      %add3A_2384 = arith.addf %add3A_2381, %get3A_2383 : vector<16xf32>
      %get3A_2385 = arith.constant 1840 : index
      %get3A_2386 = tpu.vector_load %arg5[%get3A_2385] {strides = array<i32>} : memref<5120xf32, #tpu.memory_space<vmem>>, vector<16xf32>,
      %add3A_2387 = arith.addf %add3A_2384, %get3A_2386 : vector<16xf32>
      %get3A_2388 = arith.constant 2160 : index
      %get3A_2389 = tpu.vector_load %arg5[%get3A_2388] {strides = array<i32>} : memref<5120xf32, #tpu.memory_space<vmem>>, vector<16xf32>,
      %add3A_2390 = arith.addf %add3A_2387, %get3A_2389 : vector<16xf32>
      %get3A_2391 = arith.constant 2480 : index
      %get3A_2392 = tpu.vector_load %arg5[%get3A_2391] {strides = array<i32>} : memref<5120xf32, #tpu.memory_space<vmem>>, vector<16xf32>,
      %add3A_2393 = arith.addf %add3A_2390, %get3A_2392 : vector<16xf32>
      %get3A_2394 = arith.constant 2800 : index
      %get3A_2395 = tpu.vector_load %arg5[%get3A_2394] {strides = array<i32>} : memref<5120xf32, #tpu.memory_space<vmem>>, vector<16xf32>,
      %add3A_2396 = arith.addf %add3A_2393, %get3A_2395 : vector<16xf32>
      %get3A_2397 = arith.constant 3120 : index
      %get3A_2398 = tpu.vector_load %arg5[%get3A_2397] {strides = array<i32>} : memref<5120xf32, #tpu.memory_space<vmem>>, vector<16xf32>,
      %add3A_2399 = arith.addf %add3A_2396, %get3A_2398 : vector<16xf32>
      %get3A_2400 = arith.constant 3440 : index
      %get3A_2401 = tpu.vector_load %arg5[%get3A_2400] {strides = array<i32>} : memref<5120xf32, #tpu.memory_space<vmem>>, vector<16xf32>,
      %add3A_2402 = arith.addf %add3A_2399, %get3A_2401 : vector<16xf32>
      %get3A_2403 = arith.constant 3760 : index
      %get3A_2404 = tpu.vector_load %arg5[%get3A_2403] {strides = array<i32>} : memref<5120xf32, #tpu.memory_space<vmem>>, vector<16xf32>,
      %add3A_2405 = arith.addf %add3A_2402, %get3A_2404 : vector<16xf32>
      %get3A_2406 = arith.constant 4080 : index
      %get3A_2407 = tpu.vector_load %arg5[%get3A_2406] {strides = array<i32>} : memref<5120xf32, #tpu.memory_space<vmem>>, vector<16xf32>,
      %add3A_2408 = arith.addf %add3A_2405, %get3A_2407 : vector<16xf32>
      %get3A_2409 = arith.constant 4400 : index
      %get3A_2410 = tpu.vector_load %arg5[%get3A_2409] {strides = array<i32>} : memref<5120xf32, #tpu.memory_space<vmem>>, vector<16xf32>,
      %add3A_2411 = arith.addf %add3A_2408, %get3A_2410 : vector<16xf32>
      %get3A_2412 = arith.constant 4720 : index
      %get3A_2413 = tpu.vector_load %arg5[%get3A_2412] {strides = array<i32>} : memref<5120xf32, #tpu.memory_space<vmem>>, vector<16xf32>,
      %add3A_2414 = arith.addf %add3A_2411, %get3A_2413 : vector<16xf32>
      %get3A_2415 = arith.constant 5040 : index
      %get3A_2416 = tpu.vector_load %arg5[%get3A_2415] {strides = array<i32>} : memref<5120xf32, #tpu.memory_space<vmem>>, vector<16xf32>,
      %add3A_2417 = arith.addf %add3A_2414, %get3A_2416 : vector<16xf32>
      %swap3A_2418 = arith.constant 240 : index
      %swap3A_2419 = tpu.vector_load %arg6[%swap3A_2418] {strides = array<i32>} : memref<320xf32, #tpu.memory_space<vmem>>, vector<16xf32>,
      tpu.vector_store %arg6[%swap3A_2418], %add3A_2417 {strides = array<i32>} : memref<320xf32, #tpu.memory_space<vmem>>, vector<16xf32>,
      "tpu.region"() ({
        %run_scoped3A = tpu.sem_alloc : memref<!tpu.dma_semaphore, #tpu.memory_space<semaphore_mem>>
        %dma_start3A = arith.constant 0 : i32
        %dma_start3A_2420 = tpu.memref_slice %arg6[%dma_start3A] : memref<320xf32, #tpu.memory_space<vmem>> -> memref<256xf32, #tpu.memory_space<vmem>>
        %dma_start3A_2421 = arith.constant 0 : i32
        %dma_start3A_2422 = tpu.memref_slice %arg3[%arg0, %dma_start3A_2421] : memref<2x256xf32, #tpu.memory_space<hbm>> -> memref<1x256xf32, #tpu.memory_space<hbm>>
        %dma_start3A_2423 = tpu.memref_squeeze %dma_start3A_2422 : memref<1x256xf32, #tpu.memory_space<hbm>> -> memref<256xf32, #tpu.memory_space<hbm>>
        %dma_start3A_2424 = arith.constant 0 : i32
        %dma_start3A_2425 = tpu.memref_slice %arg3[%arg0, %dma_start3A_2424] : memref<2x256xf32, #tpu.memory_space<hbm>> -> memref<1x256xf32, #tpu.memory_space<hbm>>
        %dma_start3A_2426 = tpu.memref_squeeze %dma_start3A_2425 : memref<1x256xf32, #tpu.memory_space<hbm>> -> memref<256xf32, #tpu.memory_space<hbm>>
        %dma_start3A_2427 = arith.constant 0 : i32
        %dma_start3A_2428 = tpu.memref_slice %arg6[%dma_start3A_2427] : memref<320xf32, #tpu.memory_space<vmem>> -> memref<256xf32, #tpu.memory_space<vmem>>
        tpu.enqueue_dma source(%dma_start3A_2428 : memref<256xf32, #tpu.memory_space<vmem>>) target(%dma_start3A_2426 : memref<256xf32, #tpu.memory_space<hbm>>) target_semaphore(%run_scoped3A : memref<!tpu.dma_semaphore, #tpu.memory_space<semaphore_mem>>)
        %dma_wait3A = arith.constant 0 : i32
        %dma_wait3A_2429 = tpu.memref_slice %arg6[%dma_wait3A] : memref<320xf32, #tpu.memory_space<vmem>> -> memref<256xf32, #tpu.memory_space<vmem>>
        %dma_wait3A_2430 = arith.constant 0 : i32
        %dma_wait3A_2431 = tpu.memref_slice %arg3[%arg0, %dma_wait3A_2430] : memref<2x256xf32, #tpu.memory_space<hbm>> -> memref<1x256xf32, #tpu.memory_space<hbm>>
        %dma_wait3A_2432 = tpu.memref_squeeze %dma_wait3A_2431 : memref<1x256xf32, #tpu.memory_space<hbm>> -> memref<256xf32, #tpu.memory_space<hbm>>
        %dma_wait3A_2433 = arith.constant 0 : i32
        %dma_wait3A_2434 = tpu.memref_slice %arg3[%arg0, %dma_wait3A_2433] : memref<2x256xf32, #tpu.memory_space<hbm>> -> memref<1x256xf32, #tpu.memory_space<hbm>>
        %dma_wait3A_2435 = tpu.memref_squeeze %dma_wait3A_2434 : memref<1x256xf32, #tpu.memory_space<hbm>> -> memref<256xf32, #tpu.memory_space<hbm>>
        %dma_wait3A_2436 = arith.constant 0 : i32
        %dma_wait3A_2437 = tpu.memref_slice %arg6[%dma_wait3A_2436] : memref<320xf32, #tpu.memory_space<vmem>> -> memref<256xf32, #tpu.memory_space<vmem>>
        tpu.wait_dma2 semaphore(%run_scoped3A : memref<!tpu.dma_semaphore, #tpu.memory_space<semaphore_mem>>) src(%dma_wait3A_2437 : memref<256xf32, #tpu.memory_space<vmem>>) dst(%dma_wait3A_2435 : memref<256xf32, #tpu.memory_space<hbm>>)
        tpu.yield
      }) : () -> ()
    } else {
    }
    return
  }
}

module attributes {stable_mosaic.version = 14 : i64} {
  func.func @_main_body(%arg0: i32, %arg1: memref<64x12800xf32, #tpu.memory_space<vmem>>, %arg2: memref<1x1x12800xi32, #tpu.memory_space<vmem>>, %arg3: memref<12800x128xf32, #tpu.memory_space<vmem>>, %arg4: memref<64x128xf32, #tpu.memory_space<vmem>>, %arg5: memref<1x128xf32, #tpu.memory_space<vmem>>, %arg6: memref<256x128xf32, #tpu.memory_space<vmem>>, %arg7: memref<256x1xf32, #tpu.memory_space<vmem>>, %arg8: memref<1x64xf32, #tpu.memory_space<vmem>>, %arg9: memref<1xf32, #tpu.memory_space<smem>>) attributes {dimension_semantics = [#tpu.dimension_semantics<arbitrary>], iteration_bounds = array<i64: 8>, scalar_prefetch = 0 : i64, scratch_operands = 2 : i64, tpu.core_type = #tpu.core_type<tc>, window_params = [{transform_indices = @transform_0, window_bounds = array<i64: 64, 12800>}, {transform_indices = @transform_1, window_bounds = array<i64: 1, 1, 12800>}, {transform_indices = @transform_2, window_bounds = array<i64: 12800, 128>}, {pipeline_mode = #tpu.pipeline_mode<synchronous>, transform_indices = @transform_3, window_bounds = array<i64: 64, 128>}, {pipeline_mode = #tpu.pipeline_mode<synchronous>, transform_indices = @transform_4, window_bounds = array<i64: 1, 128>}, {pipeline_mode = #tpu.pipeline_mode<synchronous>, transform_indices = @transform_5, window_bounds = array<i64: 256, 128>}, {pipeline_mode = #tpu.pipeline_mode<synchronous>, transform_indices = @transform_6, window_bounds = array<i64: 256, 1>}]} {
    %eq3A = arith.constant 0 : i32
    %eq3A_0 = arith.cmpi eq, %arg0, %eq3A : i32
    %convert_element_type3A = arith.extui %eq3A_0 : i1 to i32
    %cond3A = arith.constant 0 : i32
    %cond3A_1 = arith.cmpi ne, %convert_element_type3A, %cond3A : i32
    scf.if %cond3A_1 {
      %get3A_87 = arith.constant 0 : index
      %get3A_88 = arith.constant 0 : index
      %get3A_89 = vector.load %arg5[%get3A_87, %get3A_88] : memref<1x128xf32, #tpu.memory_space<vmem>>, vector<1x128xf32>
      %get3A_90 = arith.constant 0 : index
      %get3A_91 = arith.constant 0 : index
      %get3A_92 = vector.load %arg4[%get3A_90, %get3A_91] : memref<64x128xf32, #tpu.memory_space<vmem>>, vector<64x128xf32>
      %dot_general3A_93 = arith.constant dense<0.000000e+00> : vector<1x64xf32>
      %dot_general3A_94 = tpu.matmul %get3A_89, %get3A_92, %dot_general3A_93 {dimension_numbers = #tpu.dot_dimension_numbers<[1], [1], [0], [0], [0, 0, 1, 0], [], []>, transpose_lhs_hint = false} : vector<1x128xf32>, vector<64x128xf32>, vector<1x64xf32> -> vector<1x64xf32>
      %swap3A_95 = arith.constant 0 : index
      %swap3A_96 = arith.constant 0 : index
      %swap3A_97 = vector.load %arg8[%swap3A_95, %swap3A_96] : memref<1x64xf32, #tpu.memory_space<vmem>>, vector<1x64xf32>
      tpu.vector_store %arg8[%swap3A_95, %swap3A_96], %dot_general3A_94 {strides = array<i32>} : memref<1x64xf32, #tpu.memory_space<vmem>>, vector<1x64xf32>,
    } else {
    }
    %get3A = arith.constant 0 : index
    %get3A_2 = arith.constant 0 : index
    %get3A_3 = vector.load %arg8[%get3A, %get3A_2] : memref<1x64xf32, #tpu.memory_space<vmem>>, vector<1x64xf32>
    %get3A_4 = arith.constant 0 : index
    %get3A_5 = arith.constant 0 : index
    %get3A_6 = vector.load %arg1[%get3A_4, %get3A_5] : memref<64x12800xf32, #tpu.memory_space<vmem>>, vector<64x12800xf32>
    %dot_general3A = arith.constant dense<0.000000e+00> : vector<1x12800xf32>
    %dot_general3A_7 = tpu.matmul %get3A_3, %get3A_6, %dot_general3A {dimension_numbers = #tpu.dot_dimension_numbers<[1], [0], [0], [1], [0, 0, 1, 1], [], []>, transpose_lhs_hint = false} : vector<1x64xf32>, vector<64x12800xf32>, vector<1x12800xf32> -> vector<1x12800xf32>
    %ge3A = arith.constant 0.000000e+00 : f32
    %ge3A_8 = vector.broadcast %ge3A : f32 to vector<1x12800xf32>
    %ge3A_9 = arith.cmpf oge, %dot_general3A_7, %ge3A_8 : vector<1x12800xf32>
    %mul3A = arith.constant 1.000000e-01 : f32
    %mul3A_10 = vector.broadcast %mul3A : f32 to vector<1x12800xf32>
    %mul3A_11 = arith.mulf %mul3A_10, %dot_general3A_7 : vector<1x12800xf32>
    %select_n3A = arith.select %ge3A_9, %dot_general3A_7, %mul3A_11 : vector<1x12800xi1>, vector<1x12800xf32>
    %iota3A = tpu.iota {dimensions = array<i32: 1>} : vector<1x12800xi32>
    %mul3A_12 = arith.constant 12800 : i32
    %mul3A_13 = arith.muli %arg0, %mul3A_12 : i32
    %add3A = vector.broadcast %mul3A_13 : i32 to vector<1x12800xi32>
    %add3A_14 = arith.addi %iota3A, %add3A : vector<1x12800xi32>
    %lt3A = arith.constant 100000 : i32
    %lt3A_15 = vector.broadcast %lt3A : i32 to vector<1x12800xi32>
    %lt3A_16 = arith.cmpi slt, %add3A_14, %lt3A_15 : vector<1x12800xi32>
    %jit3A = arith.constant -1.000000e+30 : f32
    %broadcast_in_dim3A = vector.broadcast %jit3A : f32 to vector<1x12800xf32>
    %select_n3A_17 = arith.select %lt3A_16, %select_n3A, %broadcast_in_dim3A : vector<1x12800xi1>, vector<1x12800xf32>
    %eq3A_18 = arith.constant 0 : i32
    %eq3A_19 = arith.cmpi eq, %arg0, %eq3A_18 : i32
    %get3A_20 = arith.constant 0 : index
    %get3A_21 = memref.load %arg9[%get3A_20] : memref<1xf32, #tpu.memory_space<smem>>
    %jit3A_22 = arith.constant -1.000000e+30 : f32
    %select_n3A_23 = arith.select %eq3A_19, %jit3A_22, %get3A_21 : f32
    %reduce_max3A = vector.shape_cast %select_n3A_17 : vector<1x12800xf32> to vector<1x1x12800xf32>
    %reduce_max3A_24 = arith.constant dense<0xFF800000> : vector<1xf32>
    %reduce_max3A_25 = vector.multi_reduction <maximumf>, %reduce_max3A, %reduce_max3A_24 [1, 2] : vector<1x1x12800xf32> to vector<1xf32>
    %reduce_max3A_26 = vector.shape_cast %reduce_max3A_25 : vector<1xf32> to vector<1x1x1xf32>
    %reduce_max3A_27 = vector.extract %reduce_max3A_26[0, 0, 0] : f32 from vector<1x1x1xf32>
    %max3A = arith.maximumf %select_n3A_23, %reduce_max3A_27 : f32
    %swap3A = arith.constant 0 : index
    %swap3A_28 = memref.load %arg9[%swap3A] : memref<1xf32, #tpu.memory_space<smem>>
    memref.store %max3A, %arg9[%swap3A] : memref<1xf32, #tpu.memory_space<smem>>
    %sub3A = arith.subf %select_n3A_23, %max3A : f32
    %exp3A = math.exp %sub3A : f32
    %sub3A_29 = vector.broadcast %max3A : f32 to vector<1x12800xf32>
    %sub3A_30 = arith.subf %select_n3A_17, %sub3A_29 : vector<1x12800xf32>
    %exp3A_31 = math.exp %sub3A_30 : vector<1x12800xf32>
    %get3A_32 = arith.constant 0 : index
    %get3A_33 = arith.constant 0 : index
    %get3A_34 = arith.constant 0 : index
    %get3A_35 = vector.load %arg2[%get3A_32, %get3A_33, %get3A_34] : memref<1x1x12800xi32, #tpu.memory_space<vmem>>, vector<1x1x12800xi32>
    %get3A_36 = vector.shape_cast %get3A_35 : vector<1x1x12800xi32> to vector<12800xi32>
    %reshape3A = vector.shape_cast %get3A_36 : vector<12800xi32> to vector<1x12800xi32>
    %iota3A_37 = tpu.iota {dimensions = array<i32: 0>} : vector<256x12800xi32>
    %eq3A_38 = vector.broadcast %reshape3A : vector<1x12800xi32> to vector<256x12800xi32>
    %eq3A_39 = arith.cmpi eq, %iota3A_37, %eq3A_38 : vector<256x12800xi32>
    %jit3A_40 = arith.constant 0.000000e+00 : f32
    %broadcast_in_dim3A_41 = vector.shape_cast %exp3A_31 : vector<1x12800xf32> to vector<1x12800xf32>
    %broadcast_in_dim3A_42 = vector.broadcast %broadcast_in_dim3A_41 : vector<1x12800xf32> to vector<256x12800xf32>
    %broadcast_in_dim3A_43 = vector.broadcast %jit3A_40 : f32 to vector<256x12800xf32>
    %select_n3A_44 = arith.select %eq3A_39, %broadcast_in_dim3A_42, %broadcast_in_dim3A_43 : vector<256x12800xi1>, vector<256x12800xf32>
    %iota3A_45 = tpu.iota {dimensions = array<i32: 0>} : vector<12800x128xi32>
    %mul3A_46 = arith.constant 12800 : i32
    %mul3A_47 = arith.muli %arg0, %mul3A_46 : i32
    %add3A_48 = vector.broadcast %mul3A_47 : i32 to vector<12800x128xi32>
    %add3A_49 = arith.addi %iota3A_45, %add3A_48 : vector<12800x128xi32>
    %lt3A_50 = arith.constant 100000 : i32
    %lt3A_51 = vector.broadcast %lt3A_50 : i32 to vector<12800x128xi32>
    %lt3A_52 = arith.cmpi slt, %add3A_49, %lt3A_51 : vector<12800x128xi32>
    %get3A_53 = arith.constant 0 : index
    %get3A_54 = arith.constant 0 : index
    %get3A_55 = vector.load %arg3[%get3A_53, %get3A_54] : memref<12800x128xf32, #tpu.memory_space<vmem>>, vector<12800x128xf32>
    %jit3A_56 = arith.constant 0.000000e+00 : f32
    %broadcast_in_dim3A_57 = vector.broadcast %jit3A_56 : f32 to vector<12800x128xf32>
    %select_n3A_58 = arith.select %lt3A_52, %get3A_55, %broadcast_in_dim3A_57 : vector<12800x128xi1>, vector<12800x128xf32>
    %convert_element_type3A_59 = arith.truncf %select_n3A_58 : vector<12800x128xf32> to vector<12800x128xbf16>
    %convert_element_type3A_60 = arith.truncf %select_n3A_44 : vector<256x12800xf32> to vector<256x12800xbf16>
    %dot_general3A_61 = arith.constant dense<0.000000e+00> : vector<256x128xf32>
    %dot_general3A_62 = tpu.matmul %convert_element_type3A_60, %convert_element_type3A_59, %dot_general3A_61 {dimension_numbers = #tpu.dot_dimension_numbers<[1], [0], [0], [1], [0, 0, 1, 1], [], []>, transpose_lhs_hint = false} : vector<256x12800xbf16>, vector<12800x128xbf16>, vector<256x128xf32> -> vector<256x128xf32>
    %reduce_sum3A = arith.constant dense<0.000000e+00> : vector<256xf32>
    %reduce_sum3A_63 = vector.multi_reduction <add>, %select_n3A_44, %reduce_sum3A [1] : vector<256x12800xf32> to vector<256xf32>
    %broadcast_in_dim3A_64 = vector.shape_cast %reduce_sum3A_63 : vector<256xf32> to vector<256x1xf32>
    %eq3A_65 = arith.constant 0 : i32
    %eq3A_66 = arith.cmpi eq, %arg0, %eq3A_65 : i32
    %get3A_67 = arith.constant 0 : index
    %get3A_68 = arith.constant 0 : index
    %get3A_69 = vector.load %arg6[%get3A_67, %get3A_68] : memref<256x128xf32, #tpu.memory_space<vmem>>, vector<256x128xf32>
    %mul3A_70 = vector.broadcast %exp3A : f32 to vector<256x128xf32>
    %mul3A_71 = arith.mulf %get3A_69, %mul3A_70 : vector<256x128xf32>
    %add3A_72 = arith.addf %mul3A_71, %dot_general3A_62 : vector<256x128xf32>
    %select_n3A_73 = arith.select %eq3A_66, %dot_general3A_62, %add3A_72 : vector<256x128xf32>
    %swap3A_74 = arith.constant 0 : index
    %swap3A_75 = arith.constant 0 : index
    %swap3A_76 = vector.load %arg6[%swap3A_74, %swap3A_75] : memref<256x128xf32, #tpu.memory_space<vmem>>, vector<256x128xf32>
    tpu.vector_store %arg6[%swap3A_74, %swap3A_75], %select_n3A_73 {strides = array<i32>} : memref<256x128xf32, #tpu.memory_space<vmem>>, vector<256x128xf32>,
    %get3A_77 = arith.constant 0 : index
    %get3A_78 = arith.constant 0 : index
    %get3A_79 = vector.load %arg7[%get3A_77, %get3A_78] : memref<256x1xf32, #tpu.memory_space<vmem>>, vector<256x1xf32>
    %mul3A_80 = vector.broadcast %exp3A : f32 to vector<256x1xf32>
    %mul3A_81 = arith.mulf %get3A_79, %mul3A_80 : vector<256x1xf32>
    %add3A_82 = arith.addf %mul3A_81, %broadcast_in_dim3A_64 : vector<256x1xf32>
    %select_n3A_83 = arith.select %eq3A_66, %broadcast_in_dim3A_64, %add3A_82 : vector<256x1xf32>
    %swap3A_84 = arith.constant 0 : index
    %swap3A_85 = arith.constant 0 : index
    %swap3A_86 = vector.load %arg7[%swap3A_84, %swap3A_85] : memref<256x1xf32, #tpu.memory_space<vmem>>, vector<256x1xf32>
    tpu.vector_store %arg7[%swap3A_84, %swap3A_85], %select_n3A_83 {strides = array<i32>} : memref<256x1xf32, #tpu.memory_space<vmem>>, vector<256x1xf32>,
    return
  }
  func.func @transform_0(%arg0: i32) -> (i32, i32) {
    %c0_i32 = arith.constant 0 : i32
    %c0_i32_0 = arith.constant 0 : i32
    return %c0_i32, %arg0 : i32, i32
  }
  func.func @transform_1(%arg0: i32) -> (i32, i32, i32) {
    %c0_i32 = arith.constant 0 : i32
    %c0_i32_0 = arith.constant 0 : i32
    %c0_i32_1 = arith.constant 0 : i32
    return %arg0, %c0_i32, %c0_i32_0 : i32, i32, i32
  }
  func.func @transform_2(%arg0: i32) -> (i32, i32) {
    %c0_i32 = arith.constant 0 : i32
    %c0_i32_0 = arith.constant 0 : i32
    return %arg0, %c0_i32 : i32, i32
  }
  func.func @transform_3(%arg0: i32) -> (i32, i32) {
    %c0_i32 = arith.constant 0 : i32
    %c0_i32_0 = arith.constant 0 : i32
    %c0_i32_1 = arith.constant 0 : i32
    return %c0_i32, %c0_i32_0 : i32, i32
  }
  func.func @transform_4(%arg0: i32) -> (i32, i32) {
    %c0_i32 = arith.constant 0 : i32
    %c0_i32_0 = arith.constant 0 : i32
    %c0_i32_1 = arith.constant 0 : i32
    return %c0_i32, %c0_i32_0 : i32, i32
  }
  func.func @transform_5(%arg0: i32) -> (i32, i32) {
    %c0_i32 = arith.constant 0 : i32
    %c0_i32_0 = arith.constant 0 : i32
    %c0_i32_1 = arith.constant 0 : i32
    return %c0_i32, %c0_i32_0 : i32, i32
  }
  func.func @transform_6(%arg0: i32) -> (i32, i32) {
    %c0_i32 = arith.constant 0 : i32
    %c0_i32_0 = arith.constant 0 : i32
    %c0_i32_1 = arith.constant 0 : i32
    return %c0_i32, %c0_i32_0 : i32, i32
  }
}

module attributes {stable_mosaic.version = 14 : i64} {
  func.func @_epi_body(%arg0: memref<256x128xf32, #tpu.memory_space<vmem>>, %arg1: memref<256x1xf32, #tpu.memory_space<vmem>>, %arg2: memref<2x256xf32, #tpu.memory_space<vmem>>, %arg3: memref<256x128xf32, #tpu.memory_space<vmem>>) attributes {dimension_semantics = [], scalar_prefetch = 0 : i64, scratch_operands = 0 : i64, tpu.core_type = #tpu.core_type<tc>} {
    %get3A = arith.constant 0 : index
    %get3A_0 = arith.constant 0 : index
    %get3A_1 = vector.load %arg2[%get3A, %get3A_0] : memref<2x256xf32, #tpu.memory_space<vmem>>, vector<2x256xf32>
    %broadcast_in_dim3A = arith.constant 1.000000e+00 : f32
    %broadcast_in_dim3A_2 = vector.broadcast %broadcast_in_dim3A : f32 to vector<2x1xf32>
    %dot_general3A = arith.constant dense<0.000000e+00> : vector<256x1xf32>
    %dot_general3A_3 = tpu.matmul %get3A_1, %broadcast_in_dim3A_2, %dot_general3A {dimension_numbers = #tpu.dot_dimension_numbers<[0], [0], [1], [1], [0, 1, 1, 1], [], []>, transpose_lhs_hint = false} : vector<2x256xf32>, vector<2x1xf32>, vector<256x1xf32> -> vector<256x1xf32>
    %get3A_4 = arith.constant 0 : index
    %get3A_5 = arith.constant 0 : index
    %get3A_6 = vector.load %arg1[%get3A_4, %get3A_5] : memref<256x1xf32, #tpu.memory_space<vmem>>, vector<256x1xf32>
    %max3A = arith.constant 1.000000e-30 : f32
    %max3A_7 = vector.broadcast %max3A : f32 to vector<256x1xf32>
    %max3A_8 = arith.maximumf %get3A_6, %max3A_7 : vector<256x1xf32>
    %max3A_9 = arith.constant 1.000000e+00 : f32
    %max3A_10 = vector.broadcast %max3A_9 : f32 to vector<256x1xf32>
    %max3A_11 = arith.maximumf %dot_general3A_3, %max3A_10 : vector<256x1xf32>
    %mul3A = arith.mulf %max3A_8, %max3A_11 : vector<256x1xf32>
    %div3A = arith.constant 3.906250e+02 : f32
    %div3A_12 = vector.broadcast %div3A : f32 to vector<256x1xf32>
    %div3A_13 = arith.divf %div3A_12, %mul3A : vector<256x1xf32>
    %get3A_14 = arith.constant 0 : index
    %get3A_15 = arith.constant 0 : index
    %get3A_16 = vector.load %arg0[%get3A_14, %get3A_15] : memref<256x128xf32, #tpu.memory_space<vmem>>, vector<256x128xf32>
    %mul3A_17 = vector.broadcast %div3A_13 : vector<256x1xf32> to vector<256x128xf32>
    %mul3A_18 = arith.mulf %get3A_16, %mul3A_17 : vector<256x128xf32>
    %ge3A = arith.constant 0.000000e+00 : f32
    %ge3A_19 = vector.broadcast %ge3A : f32 to vector<256x128xf32>
    %ge3A_20 = arith.cmpf oge, %mul3A_18, %ge3A_19 : vector<256x128xf32>
    %mul3A_21 = arith.constant 1.000000e-01 : f32
    %mul3A_22 = vector.broadcast %mul3A_21 : f32 to vector<256x128xf32>
    %mul3A_23 = arith.mulf %mul3A_22, %mul3A_18 : vector<256x128xf32>
    %select_n3A = arith.select %ge3A_20, %mul3A_18, %mul3A_23 : vector<256x128xi1>, vector<256x128xf32>
    %swap3A = arith.constant 0 : index
    %swap3A_24 = arith.constant 0 : index
    %swap3A_25 = vector.load %arg3[%swap3A, %swap3A_24] : memref<256x128xf32, #tpu.memory_space<vmem>>, vector<256x128xf32>
    tpu.vector_store %arg3[%swap3A, %swap3A_24], %select_n3A {strides = array<i32>} : memref<256x128xf32, #tpu.memory_space<vmem>>, vector<256x128xf32>,
    return
  }
}

</mosaic_0001>

<sc_bundles>
// kernel: kernel.5.cloned.1.call-start
scs
__scs_entry_jumppad:
0x0: {  	(pc) =	sbr.rel $0x88, $3  }
0x1: {  	(tag) =	ssettag $0x0;
	lr =	simm.s32 $0x1  }
0x2: {  	[smem:$0x3F9C] =	sst lr;
	_ =	strace $0xD0000000  }
0x3: {  	_ = 	snop  }
0x4: {  	_ = 	snop  }
0x5: {  	_ = 	snop  }
0x6: {  	_ = 	snop  }
0x7: {  	_ = 	snop  }
__scs_overlays_trampoline_lowered:
0x8: {  	[smem:$0x3FAB] =	sst s0  }
0x9: {  	[smem:$0x3FAC] =	sst s1  }
0xa: {  	[smem:$0x3FAD] =	sst s2  }
0xb: {  	[smem:$0x3FAE] =	sst s3  }
0xc: {  	[smem:$0x3FAF] =	sst s4  }
0xd: {  	[smem:$0x3FB0] =	sst s5  }
0xe: {  	[smem:$0x3FB1] =	sst s6  }
0xf: {  	[smem:$0x3FB2] =	sst s7  }
0x10: {  	[smem:$0x3FB3] =	sst s8  }
0x11: {  	[smem:$0x3FB4] =	sst s9;
	s0 =	simm.s32 @!p0 $0x0  }
0x12: {  	s1 =	sld [smem:$0x3F9A];
	s0 =	simm.s32 @p0 $0x1  }
0x13: {  	[smem:$0x3FB5] =	sst s0;
	s0 =	simm.s32 @!p1 $0x0  }
0x14: {  	s2 =	sld [smem:$0x3F99];
	s0 =	simm.s32 @p1 $0x1  }
0x15: {  	[smem:$0x3FB6] =	sst s0;
	s0 =	simm.s32 @!p2 $0x0  }
0x16: {  	s3 =	sld [smem:$0x3FDB];
	s0 =	simm.s32 @p2 $0x1  }
0x17: {  	s4 =	simm.s32 $0x1BF5;
	[smem:$0x3FB8] =	sst s0  }
0x18: {  	s0 =	sld [smem:$0x3F9B];
	_ =	swait.ge [sflag:s4], $0x0  }
0x19: {  	s7 =	sld [smem:$0x3F9C]  }
0x1a: {  	s8 =	sadd.s32 $0xFFFFE003, lr  }
0x1b: {  	s9 =	sadd.s32 $0xFFFFFEF7, lr;
	s5 =	simm.s32 $0xFFFFFFFF;
	p2 =	slt.u32 s8, $0xFFFFF086  }
0x1c: {  	p1 =	slt.u32 s9, $0xF7A;
	s5 =	simm.s32 @!p2 $0x0  }
0x1d: {  	s5 =	simm.s32 @p1 $0x1;
	p0 =	seq.s32 s7, s2  }
0x1e: {  	s7 =	smul.u32 @!p0 $0xF7A, s2;
	p2 =	seq.s32 @!p0 s5, $0x0  }
0x1f: {  	s9 =	smul.u32 $0xF7A, s1;
	s8 =	simm.s32 @!p0 $0x1BF5;
	p2 =	por !p2, p0  }
0x20: {  	[sflag:s8] =	ssyncset.s32 @!p0 $0xFFFFF086;
	s6 =	sadd.s32 @!p0 s3, s7;
	s7 =	simm.s32 @!p0 $0x108  }
0x21: {  	s3 =	sadd.s32 s3, s9;
	s6 =	sadd.s32 @!p0 $0x88, s6;
	s7 =	simm.s32 @p2 $0x1082  }
0x22: {  	[simem:s7], [sflag:s8] =	dma.local @!p0 [hbm:s6], $0xF7A  }
0x23: {  	s9 =	sor.u32 $0xD0000000, s2;
	s6 =	simm.s32 $0x108;
	_ =	swait.ge @!p0 [sflag:s8], $0x0  }
0x24: {  	s3 =	sadd.s32 $0x88, s3;
	s6 =	simm.s32 @!p1 $0x1082;
	[sflag:s4] =	ssyncset.s32 $0xFFFFF086  }
0x25: {  	[simem:s6], [sflag:s4] =	dma.local [hbm:s3], $0xF7A  }
0x26: {  	[smem:$0x3F9C] =	sst s1;
	(tag) =	ssettag s2;
	_ =	strace s9  }
0x27: {  	s1 =	sld [smem:$0x3FAC]  }
0x28: {  	s2 =	sld [smem:$0x3FAD]  }
0x29: {  	s4 =	sld [smem:$0x3FAF]  }
0x2a: {  	p0 =	seq.s32 s5, $0x0;
	s5 =	sld [smem:$0x3FB0]  }
0x2b: {  	s6 =	sld [smem:$0x3FB1]  }
0x2c: {  	s7 =	sld [smem:$0x3FB2]  }
0x2d: {  	s3 =	simm.s32 $0x108;
	s8 =	sld [smem:$0x3FB3]  }
0x2e: {  	s3 =	simm.s32 @!p0 $0x1082;
	s9 =	sld [smem:$0x3FB4]  }
0x2f: {  	lr =	sadd.s32 s0, s3;
	s0 =	sld [smem:$0x3FAB]  }
0x30: {  	s3 =	sld [smem:$0x3FAE]  }
0x31: {  	[smem:$0x3FB7] =	sst s10  }
0x32: {  	s10 =	sld [smem:$0x3FB5];
	_ =	sdelay $0x3  }
0x33: {  	p0 =	seq.s32 s10, $0x1;
	s10 =	sld [smem:$0x3FB7];
	_ =	sdelay $0x3  }
0x34: {  	[smem:$0x3FB7] =	sst s10  }
0x35: {  	s10 =	sld [smem:$0x3FB6];
	_ =	sdelay $0x3  }
0x36: {  	p1 =	seq.s32 s10, $0x1;
	s10 =	sld [smem:$0x3FB7];
	_ =	sdelay $0x3  }
0x37: {  	[smem:$0x3FB7] =	sst s10  }
0x38: {  	s10 =	sld [smem:$0x3FB8]  }
0x39: {  	_ = 	snop;
	(pc) =	sbr.ind lr, $3  }
0x3a: {  	_ = 	snop  }
0x3b: {  	_ = 	snop  }
0x3c: {  	p2 =	seq.s32 s10, $0x1;
	s10 =	sld [smem:$0x3FB7]  }
0x3d: {  	_ =	shalt  }
0x3e: {  	_ =	shalt  }
0x3f: {  	_ =	shalt  }
0x40: {  	_ =	shalt  }
0x41: {  	_ =	shalt  }
0x42: {  	_ =	shalt  }
0x43: {  	_ =	shalt  }
0x44: {  	_ =	shalt  }
0x45: {  	_ =	shalt  }
0x46: {  	_ =	shalt  }
0x47: {  	_ =	shalt  }
0x48: {  	_ =	shalt  }
0x49: {  	_ =	shalt  }
0x4a: {  	_ =	shalt  }
0x4b: {  	_ =	shalt  }
0x4c: {  	_ =	shalt  }
0x4d: {  	_ =	shalt  }
0x4e: {  	_ =	shalt  }
0x4f: {  	_ =	shalt  }
0x50: {  	_ =	shalt  }
0x51: {  	_ =	shalt  }
0x52: {  	_ =	shalt  }
0x53: {  	_ =	shalt  }
0x54: {  	_ =	shalt  }
0x55: {  	_ =	shalt  }
0x56: {  	_ =	shalt  }
0x57: {  	_ =	shalt  }
0x58: {  	_ =	shalt  }
0x59: {  	_ =	shalt  }
0x5a: {  	_ =	shalt  }
0x5b: {  	_ =	shalt  }
0x5c: {  	_ =	shalt  }
0x5d: {  	_ =	shalt  }
0x5e: {  	_ =	shalt  }
0x5f: {  	_ =	shalt  }
0x60: {  	_ =	shalt  }
0x61: {  	_ =	shalt  }
0x62: {  	_ =	shalt  }
0x63: {  	_ =	shalt  }
0x64: {  	_ =	shalt  }
0x65: {  	_ =	shalt  }
0x66: {  	_ =	shalt  }
0x67: {  	_ =	shalt  }
0x68: {  	_ =	shalt  }
0x69: {  	_ =	shalt  }
0x6a: {  	_ =	shalt  }
0x6b: {  	_ =	shalt  }
0x6c: {  	_ =	shalt  }
0x6d: {  	_ =	shalt  }
0x6e: {  	_ =	shalt  }
0x6f: {  	_ =	shalt  }
0x70: {  	_ =	shalt  }
0x71: {  	_ =	shalt  }
0x72: {  	_ =	shalt  }
0x73: {  	_ =	shalt  }
0x74: {  	_ =	shalt  }
0x75: {  	_ =	shalt  }
0x76: {  	_ =	shalt  }
0x77: {  	_ =	shalt  }
0x78: {  	_ =	shalt  }
0x79: {  	_ =	shalt  }
0x7a: {  	_ =	shalt  }
0x7b: {  	_ =	shalt  }
0x7c: {  	_ =	shalt  }
0x7d: {  	_ =	shalt  }
0x7e: {  	_ =	shalt  }
0x7f: {  	_ =	shalt  }
0x80: {  	_ =	shalt  }
0x81: {  	_ =	shalt  }
0x82: {  	_ =	shalt  }
0x83: {  	_ =	shalt  }
0x84: {  	_ =	shalt  }
0x85: {  	_ =	shalt  }
0x86: {  	_ =	shalt  }
0x87: {  	_ =	shalt  }
.Lfunc_end0:
.L_simem_size_0:
called_computation_lowered:
.L_overlay_start_0:
0x88: {  	s2 =	sld [smem:$0x3FD9]  }
0x89: {  	s3 =	sld [smem:$0x3FFE];
	_ =	sdelay $0x1  }
0x8a: {  	s1 =	srdreg.scid  }
0x8b: {  	s0 =	sand.u32 $0x1, s1  }
0x8c: {  	s17 =	sshll.u32 s0, $0xA;
	s2 =	sadd.s32 s3, s2  }
0x8d: {  	s2 =	sadd.s32 s2, s17  }
0x8e: {  	[smem:$0x3FC3] =	sst s2  }
0x8f: {  	_ = 	snop  }
0x90: {  	s2 =	sld [smem:$0x3FD0];
	(tm) =	ssettm $0x1  }
0x91: {  	s18 =	sld [smem:$0x3FFB];
	_ =	sdelay $0x3  }
0x92: {  	_ =	strace s18  }
0x93: {  	s3 =	sld [smem:$0x3FFC];
	_ =	sdelay $0x3  }
0x94: {  	_ =	strace s3  }
0x95: {  	s3 =	sld [smem:$0x3FFD];
	_ =	sdelay $0x3  }
0x96: {  	_ =	strace s3  }
0x97: {  	_ =	strace $0x8FFFFFFF  }
0x98: {  	s19 =	sld [smem:$0x3FDB];
	_ =	sdelay $0x1  }
0x99: {  	s4 =	simm.s32 $_scs_section_size  }
0x9a: {  	s5 =	simm.s32 $_size__tile_overlayer_lowered;
	s6 =	simm.s32 $_tile_overlayer_lowered  }
0x9b: {  	s22 =	simm.s32 $0x1BFF;
	s21 =	sshll.u32 s6, $0x1;
	s3 =	sadd.s32 s4, s19  }
0x9c: {  	s7 =	simm.s32 $0x0;
	s20 =	sshll.u32 s5, $0x1;
	s5 =	sadd.s32 s21, s3  }
0x9d: {  	[timem:s7], [sflag:s22] =	dma.local [hbm:s5], s20  }
0x9e: {  	_ =	swait.ge [sflag:s22], s20  }
0x9f: {  	s4 =	ssub.s32 $0x0, s20;
	[sflag:s22] =	ssyncset.done $0x0  }
0xa0: {  	[sflag:s22] =	ssyncadd.s32 s4;
	_ =	sdelay $0x1  }
0xa1: {  	s23 =	simm.s32 $0x1B8B  }
0xa2: {  	_ =	swait.ge [sflag:s23], $0x1  }
0xa3: {  	[sflag:s23] =	ssyncset.done $0x0  }
0xa4: {  	s25 =	simm.s32 $0x1B8E;
	s24 =	sld [smem:$0x3FFE];
	[sflag:s23] =	ssyncadd.s32 $0xFFFFFFFF  }
0xa5: {  	s26 =	simm.s32 $execute0_lowered;
	[smem:$0x3FD2] =	sst s25  }
0xa6: {  	s5 =	sshll.u32 s26, $0x1;
	_ =	strace $0x80000046;
	[dreg:$0x1] =	wrdreg $0xFFFFFFFF  }
0xa7: {  	s28 =	simm.s32 $_size_execute0_lowered;
	s3 =	sadd.s32 s3, s5;
	[dreg:$0x0] =	wrdreg $0x0  }
0xa8: {  	s5 =	sshll.u32 s28, $0x1;
	[dreg:$0x2] =	wrdreg s3  }
0xa9: {  	[dreg:$0x3] =	wrdreg s5  }
0xaa: {  	[dreg:$0x4] =	wrdreg $0xC0  }
0xab: {  	_ =	task [dreg:s7], $0x5FFFF  }
0xac: {  	[dreg:$0x1] =	wrdreg $0xFFFFFFFF  }
0xad: {  	[dreg:$0x0] =	wrdreg $0x60  }
0xae: {  	[dreg:$0x2] =	wrdreg s24  }
0xaf: {  	[dreg:$0x3] =	wrdreg s2  }
0xb0: {  	[dreg:$0x4] =	wrdreg $0x22000  }
0xb1: {  	[dreg:$0x5] =	wrdreg $0x9  }
0xb2: {  	_ =	task.clear_ibuf [dreg:s7], $0x6FFFF;
	_ =	strace $0x90000046  }
0xb3: {  	s29 =	simm.s32 $0x9;
	_ =	strace $0x80000048  }
0xb4: {  	_ =	swait.ge [sflag:s29], $0x1  }
0xb5: {  	[sflag:s29] =	ssyncadd.s32 $0xFFFFFFFF  }
0xb6: {  	_ =	strace $0x90000048  }
0xb7: {  	_ =	sfence  }
0xb8: {  	s30 =	sld [smem:$0x0];
	_ =	sdelay $0x2  }
0xb9: {  	s31 =	sshll.u32 s1, $0xD;
	s1 =	sshrl.u32 s1, $0x2  }
0xba: {  	s3 =	sand.u32 $0x4000, s31;
	s1 =	sadd.s32 s1, s30  }
0xbb: {  	s0 =	sor.u32 s3, s0;
	s1 =	sshll.u32 s1, $0x11  }
0xbc: {  	s0 =	sor.u32 s1, s0  }
0xbd: {  	s0 =	sadd.s32 $0x8F2B, s0  }
0xbe: {  	[sflag:s0] =	ssyncadd.remote.s32 $0x1  }
0xbf: {  	_ =	sfence.sel $0xFFFF  }
0xc0: {  	[dreg:$0x0] =	wrdreg $0xFFFFFFFF;
	(pc) =	sbr.abs _section_cstart, $3  }
0xc1: {  	[dreg:$0x1] =	wrdreg $0xFFFFFFFF  }
0xc2: {  	_ =	task.clear_ibuf [dreg:s7], $0x2FFFF;
	_ =	strace $0x9FFFFFFF  }
0xc3: {  	(tm) =	ssettm $0x7FFFFFFF  }
tec
execute0_lowered:
.L_overlay_start_1:
0x0: {  	(tag) =	ssettag $0x1  }
0x1: {  	s3 =	rddreg [dreg:$0x0]  }
0x2: {  	s0 =	srdreg.scid;
	s5 =	rddreg [dreg:$0x1]  }
0x3: {  	s9 =	stileid.u32;
	s1 =	rddreg [dreg:$0x2]  }
0x4: {  	s2 =	simm.s32 $0x0;
	s11 =	simm.s32 $0x100;
	s12 =	simm.s32 $0x0  }
0x5: {  	s6 =	sand.u32 $0x1, s0;
	s30 =	sshll.u32 s9, $0x1;
	s0 =	rddreg [dreg:$0x3]  }
0x6: {  	[smem:$0x7FF] =	sst s2;
	s8 =	smul.u32 $0x500, s9;
	p0 =	sne.s32 s9, $0x0  }
0x7: {  	s9 =	simm.s32 $0x2080;
	s4 =	sor.u32 s6, s30;
	s7 =	ssub.s32 $0x2, s6  }
.Ltmp0:
0x8: {  	_ =	strace $0x80000047;
	s6 =	sshll.u32 s6, $0x4;
	(pc) =	sbr.rel .LBB2_1-.Ltmp0, $4  }
0x9: {  	s4 =	smul.u32 $0x190, s4;
	s10 =	sshrl.u32 s7, $0x1;
	s31 =	sshrl.u32 s8, $0x2  }
0xa: {  	s5 =	sadd.s32 s5, s6;
	s8 =	simm.s32 $0xC80;
	s7 =	ssub.s32 s7, s10  }
0xb: {  	v1 =	vlaneseq.u32;
	s10 =	simm.s32 $0x80;
	s3 =	sadd.s32 s4, s3;
	s4 =	sadd.s32 s31, s1  }
0xc: {  	v0 =	vimm.f32 $0.0e+00;
	v2 =	vimm.f32 $1.000000000e+00;
	v1 =	vmul.u32 $0x140, v1;
	s6 =	smax.u32 s7, $0x1;
	s7 =	simm.s32 $0x1;
	s3 =	sadd.s32 $0xE00, s3  }
.LBB2_5:
0xd: {  	s12 =	sadd.s32 $0x1, s12  }
0xe: {  	p1 =	sne.s32 s12, s6  }
.Ltmp1:
0xf: {  	_ = 	snop;
	(pc) =	sbr.rel @!p1 .LBB2_6-.Ltmp1, $1  }
0x10: {  	_ =	sdelay $0x3  }
.LBB2_1:
0x11: {  	[tilespmem:s2], [sflag:$0x1] =	stream.linear.gather [hbm4b:s3+s2], $0xC80, $0x38;
	[tilespmem:$0x2340] =	vst v63  }
0x12: {  	_ =	swait.ge [sflag:s7], $0xC80  }
0x13: {  	[sflag:s7] =	ssyncset.done $0x0  }
0x14: {  	[sflag:s7] =	ssyncadd.s32 $0xFFFFF380  }
0x15: {  	[tilespmem:$0xC80] =	vst v0  }
0x16: {  	[tilespmem:$0xC90] =	vst v0  }
0x17: {  	[tilespmem:$0xCA0] =	vst v0  }
0x18: {  	[tilespmem:$0xCB0] =	vst v0  }
0x19: {  	[tilespmem:$0xCC0] =	vst v0  }
0x1a: {  	[tilespmem:$0xCD0] =	vst v0  }
0x1b: {  	[tilespmem:$0xCE0] =	vst v0  }
0x1c: {  	[tilespmem:$0xCF0] =	vst v0  }
0x1d: {  	[tilespmem:$0xD00] =	vst v0  }
0x1e: {  	[tilespmem:$0xD10] =	vst v0  }
0x1f: {  	[tilespmem:$0xD20] =	vst v0  }
0x20: {  	[tilespmem:$0xD30] =	vst v0  }
0x21: {  	[tilespmem:$0xD40] =	vst v0  }
0x22: {  	[tilespmem:$0xD50] =	vst v0  }
0x23: {  	[tilespmem:$0xD60] =	vst v0  }
0x24: {  	[tilespmem:$0xD70] =	vst v0  }
0x25: {  	[tilespmem:$0xD80] =	vst v0  }
0x26: {  	[tilespmem:$0xD90] =	vst v0  }
0x27: {  	[tilespmem:$0xDA0] =	vst v0  }
0x28: {  	[tilespmem:$0xDB0] =	vst v0  }
0x29: {  	[tilespmem:$0xDC0] =	vst v0  }
0x2a: {  	[tilespmem:$0xDD0] =	vst v0  }
0x2b: {  	[tilespmem:$0xDE0] =	vst v0  }
0x2c: {  	[tilespmem:$0xDF0] =	vst v0  }
0x2d: {  	[tilespmem:$0xE00] =	vst v0  }
0x2e: {  	[tilespmem:$0xE10] =	vst v0  }
0x2f: {  	[tilespmem:$0xE20] =	vst v0  }
0x30: {  	[tilespmem:$0xE30] =	vst v0  }
0x31: {  	[tilespmem:$0xE40] =	vst v0  }
0x32: {  	[tilespmem:$0xE50] =	vst v0  }
0x33: {  	[tilespmem:$0xE60] =	vst v0  }
0x34: {  	[tilespmem:$0xE70] =	vst v0  }
0x35: {  	[tilespmem:$0xE80] =	vst v0  }
0x36: {  	[tilespmem:$0xE90] =	vst v0  }
0x37: {  	[tilespmem:$0xEA0] =	vst v0  }
0x38: {  	[tilespmem:$0xEB0] =	vst v0  }
0x39: {  	[tilespmem:$0xEC0] =	vst v0  }
0x3a: {  	[tilespmem:$0xED0] =	vst v0  }
0x3b: {  	[tilespmem:$0xEE0] =	vst v0  }
0x3c: {  	[tilespmem:$0xEF0] =	vst v0  }
0x3d: {  	[tilespmem:$0xF00] =	vst v0  }
0x3e: {  	[tilespmem:$0xF10] =	vst v0  }
0x3f: {  	[tilespmem:$0xF20] =	vst v0  }
0x40: {  	[tilespmem:$0xF30] =	vst v0  }
0x41: {  	[tilespmem:$0xF40] =	vst v0  }
0x42: {  	[tilespmem:$0xF50] =	vst v0  }
0x43: {  	[tilespmem:$0xF60] =	vst v0  }
0x44: {  	[tilespmem:$0xF70] =	vst v0  }
0x45: {  	[tilespmem:$0xF80] =	vst v0  }
0x46: {  	[tilespmem:$0xF90] =	vst v0  }
0x47: {  	[tilespmem:$0xFA0] =	vst v0  }
0x48: {  	[tilespmem:$0xFB0] =	vst v0  }
0x49: {  	[tilespmem:$0xFC0] =	vst v0  }
0x4a: {  	[tilespmem:$0xFD0] =	vst v0  }
0x4b: {  	[tilespmem:$0xFE0] =	vst v0  }
0x4c: {  	[tilespmem:$0xFF0] =	vst v0  }
0x4d: {  	[tilespmem:$0x1000] =	vst v0  }
0x4e: {  	[tilespmem:$0x1010] =	vst v0  }
0x4f: {  	[tilespmem:$0x1020] =	vst v0  }
0x50: {  	[tilespmem:$0x1030] =	vst v0  }
0x51: {  	[tilespmem:$0x1040] =	vst v0  }
0x52: {  	[tilespmem:$0x1050] =	vst v0  }
0x53: {  	[tilespmem:$0x1060] =	vst v0  }
0x54: {  	[tilespmem:$0x1070] =	vst v0  }
0x55: {  	[tilespmem:$0x1080] =	vst v0  }
0x56: {  	[tilespmem:$0x1090] =	vst v0  }
0x57: {  	[tilespmem:$0x10A0] =	vst v0  }
0x58: {  	[tilespmem:$0x10B0] =	vst v0  }
0x59: {  	[tilespmem:$0x10C0] =	vst v0  }
0x5a: {  	[tilespmem:$0x10D0] =	vst v0  }
0x5b: {  	[tilespmem:$0x10E0] =	vst v0  }
0x5c: {  	[tilespmem:$0x10F0] =	vst v0  }
0x5d: {  	[tilespmem:$0x1100] =	vst v0  }
0x5e: {  	[tilespmem:$0x1110] =	vst v0  }
0x5f: {  	[tilespmem:$0x1120] =	vst v0  }
0x60: {  	[tilespmem:$0x1130] =	vst v0  }
0x61: {  	[tilespmem:$0x1140] =	vst v0  }
0x62: {  	[tilespmem:$0x1150] =	vst v0  }
0x63: {  	[tilespmem:$0x1160] =	vst v0  }
0x64: {  	[tilespmem:$0x1170] =	vst v0  }
0x65: {  	[tilespmem:$0x1180] =	vst v0  }
0x66: {  	[tilespmem:$0x1190] =	vst v0  }
0x67: {  	[tilespmem:$0x11A0] =	vst v0  }
0x68: {  	[tilespmem:$0x11B0] =	vst v0  }
0x69: {  	[tilespmem:$0x11C0] =	vst v0  }
0x6a: {  	[tilespmem:$0x11D0] =	vst v0  }
0x6b: {  	[tilespmem:$0x11E0] =	vst v0  }
0x6c: {  	[tilespmem:$0x11F0] =	vst v0  }
0x6d: {  	[tilespmem:$0x1200] =	vst v0  }
0x6e: {  	[tilespmem:$0x1210] =	vst v0  }
0x6f: {  	[tilespmem:$0x1220] =	vst v0  }
0x70: {  	[tilespmem:$0x1230] =	vst v0  }
0x71: {  	[tilespmem:$0x1240] =	vst v0  }
0x72: {  	[tilespmem:$0x1250] =	vst v0  }
0x73: {  	[tilespmem:$0x1260] =	vst v0  }
0x74: {  	[tilespmem:$0x1270] =	vst v0  }
0x75: {  	[tilespmem:$0x1280] =	vst v0  }
0x76: {  	[tilespmem:$0x1290] =	vst v0  }
0x77: {  	[tilespmem:$0x12A0] =	vst v0  }
0x78: {  	[tilespmem:$0x12B0] =	vst v0  }
0x79: {  	[tilespmem:$0x12C0] =	vst v0  }
0x7a: {  	[tilespmem:$0x12D0] =	vst v0  }
0x7b: {  	[tilespmem:$0x12E0] =	vst v0  }
0x7c: {  	[tilespmem:$0x12F0] =	vst v0  }
0x7d: {  	[tilespmem:$0x1300] =	vst v0  }
0x7e: {  	[tilespmem:$0x1310] =	vst v0  }
0x7f: {  	[tilespmem:$0x1320] =	vst v0  }
0x80: {  	[tilespmem:$0x1330] =	vst v0  }
0x81: {  	[tilespmem:$0x1340] =	vst v0  }
0x82: {  	[tilespmem:$0x1350] =	vst v0  }
0x83: {  	[tilespmem:$0x1360] =	vst v0  }
0x84: {  	[tilespmem:$0x1370] =	vst v0  }
0x85: {  	[tilespmem:$0x1380] =	vst v0  }
0x86: {  	[tilespmem:$0x1390] =	vst v0  }
0x87: {  	[tilespmem:$0x13A0] =	vst v0  }
0x88: {  	[tilespmem:$0x13B0] =	vst v0  }
0x89: {  	[tilespmem:$0x13C0] =	vst v0  }
0x8a: {  	[tilespmem:$0x13D0] =	vst v0  }
0x8b: {  	[tilespmem:$0x13E0] =	vst v0  }
0x8c: {  	[tilespmem:$0x13F0] =	vst v0  }
0x8d: {  	[tilespmem:$0x1400] =	vst v0  }
0x8e: {  	[tilespmem:$0x1410] =	vst v0  }
0x8f: {  	[tilespmem:$0x1420] =	vst v0  }
0x90: {  	[tilespmem:$0x1430] =	vst v0  }
0x91: {  	[tilespmem:$0x1440] =	vst v0  }
0x92: {  	[tilespmem:$0x1450] =	vst v0  }
0x93: {  	[tilespmem:$0x1460] =	vst v0  }
0x94: {  	[tilespmem:$0x1470] =	vst v0  }
0x95: {  	[tilespmem:$0x1480] =	vst v0  }
0x96: {  	[tilespmem:$0x1490] =	vst v0  }
0x97: {  	[tilespmem:$0x14A0] =	vst v0  }
0x98: {  	[tilespmem:$0x14B0] =	vst v0  }
0x99: {  	[tilespmem:$0x14C0] =	vst v0  }
0x9a: {  	[tilespmem:$0x14D0] =	vst v0  }
0x9b: {  	[tilespmem:$0x14E0] =	vst v0  }
0x9c: {  	[tilespmem:$0x14F0] =	vst v0  }
0x9d: {  	[tilespmem:$0x1500] =	vst v0  }
0x9e: {  	[tilespmem:$0x1510] =	vst v0  }
0x9f: {  	[tilespmem:$0x1520] =	vst v0  }
0xa0: {  	[tilespmem:$0x1530] =	vst v0  }
0xa1: {  	[tilespmem:$0x1540] =	vst v0  }
0xa2: {  	[tilespmem:$0x1550] =	vst v0  }
0xa3: {  	[tilespmem:$0x1560] =	vst v0  }
0xa4: {  	[tilespmem:$0x1570] =	vst v0  }
0xa5: {  	[tilespmem:$0x1580] =	vst v0  }
0xa6: {  	[tilespmem:$0x1590] =	vst v0  }
0xa7: {  	[tilespmem:$0x15A0] =	vst v0  }
0xa8: {  	[tilespmem:$0x15B0] =	vst v0  }
0xa9: {  	[tilespmem:$0x15C0] =	vst v0  }
0xaa: {  	[tilespmem:$0x15D0] =	vst v0  }
0xab: {  	[tilespmem:$0x15E0] =	vst v0  }
0xac: {  	[tilespmem:$0x15F0] =	vst v0  }
0xad: {  	[tilespmem:$0x1600] =	vst v0  }
0xae: {  	[tilespmem:$0x1610] =	vst v0  }
0xaf: {  	[tilespmem:$0x1620] =	vst v0  }
0xb0: {  	[tilespmem:$0x1630] =	vst v0  }
0xb1: {  	[tilespmem:$0x1640] =	vst v0  }
0xb2: {  	[tilespmem:$0x1650] =	vst v0  }
0xb3: {  	[tilespmem:$0x1660] =	vst v0  }
0xb4: {  	[tilespmem:$0x1670] =	vst v0  }
0xb5: {  	[tilespmem:$0x1680] =	vst v0  }
0xb6: {  	[tilespmem:$0x1690] =	vst v0  }
0xb7: {  	[tilespmem:$0x16A0] =	vst v0  }
0xb8: {  	[tilespmem:$0x16B0] =	vst v0  }
0xb9: {  	[tilespmem:$0x16C0] =	vst v0  }
0xba: {  	[tilespmem:$0x16D0] =	vst v0  }
0xbb: {  	[tilespmem:$0x16E0] =	vst v0  }
0xbc: {  	[tilespmem:$0x16F0] =	vst v0  }
0xbd: {  	[tilespmem:$0x1700] =	vst v0  }
0xbe: {  	[tilespmem:$0x1710] =	vst v0  }
0xbf: {  	[tilespmem:$0x1720] =	vst v0  }
0xc0: {  	[tilespmem:$0x1730] =	vst v0  }
0xc1: {  	[tilespmem:$0x1740] =	vst v0  }
0xc2: {  	[tilespmem:$0x1750] =	vst v0  }
0xc3: {  	[tilespmem:$0x1760] =	vst v0  }
0xc4: {  	[tilespmem:$0x1770] =	vst v0  }
0xc5: {  	[tilespmem:$0x1780] =	vst v0  }
0xc6: {  	[tilespmem:$0x1790] =	vst v0  }
0xc7: {  	[tilespmem:$0x17A0] =	vst v0  }
0xc8: {  	[tilespmem:$0x17B0] =	vst v0  }
0xc9: {  	[tilespmem:$0x17C0] =	vst v0  }
0xca: {  	[tilespmem:$0x17D0] =	vst v0  }
0xcb: {  	[tilespmem:$0x17E0] =	vst v0  }
0xcc: {  	[tilespmem:$0x17F0] =	vst v0  }
0xcd: {  	[tilespmem:$0x1800] =	vst v0  }
0xce: {  	[tilespmem:$0x1810] =	vst v0  }
0xcf: {  	[tilespmem:$0x1820] =	vst v0  }
0xd0: {  	[tilespmem:$0x1830] =	vst v0  }
0xd1: {  	[tilespmem:$0x1840] =	vst v0  }
0xd2: {  	[tilespmem:$0x1850] =	vst v0  }
0xd3: {  	[tilespmem:$0x1860] =	vst v0  }
0xd4: {  	[tilespmem:$0x1870] =	vst v0  }
0xd5: {  	[tilespmem:$0x1880] =	vst v0  }
0xd6: {  	[tilespmem:$0x1890] =	vst v0  }
0xd7: {  	[tilespmem:$0x18A0] =	vst v0  }
0xd8: {  	[tilespmem:$0x18B0] =	vst v0  }
0xd9: {  	[tilespmem:$0x18C0] =	vst v0  }
0xda: {  	[tilespmem:$0x18D0] =	vst v0  }
0xdb: {  	[tilespmem:$0x18E0] =	vst v0  }
0xdc: {  	[tilespmem:$0x18F0] =	vst v0  }
0xdd: {  	[tilespmem:$0x1900] =	vst v0  }
0xde: {  	[tilespmem:$0x1910] =	vst v0  }
0xdf: {  	[tilespmem:$0x1920] =	vst v0  }
0xe0: {  	[tilespmem:$0x1930] =	vst v0  }
0xe1: {  	[tilespmem:$0x1940] =	vst v0  }
0xe2: {  	[tilespmem:$0x1950] =	vst v0  }
0xe3: {  	[tilespmem:$0x1960] =	vst v0  }
0xe4: {  	[tilespmem:$0x1970] =	vst v0  }
0xe5: {  	[tilespmem:$0x1980] =	vst v0  }
0xe6: {  	[tilespmem:$0x1990] =	vst v0  }
0xe7: {  	[tilespmem:$0x19A0] =	vst v0  }
0xe8: {  	[tilespmem:$0x19B0] =	vst v0  }
0xe9: {  	[tilespmem:$0x19C0] =	vst v0  }
0xea: {  	[tilespmem:$0x19D0] =	vst v0  }
0xeb: {  	[tilespmem:$0x19E0] =	vst v0  }
0xec: {  	[tilespmem:$0x19F0] =	vst v0  }
0xed: {  	[tilespmem:$0x1A00] =	vst v0  }
0xee: {  	[tilespmem:$0x1A10] =	vst v0  }
0xef: {  	[tilespmem:$0x1A20] =	vst v0  }
0xf0: {  	[tilespmem:$0x1A30] =	vst v0  }
0xf1: {  	[tilespmem:$0x1A40] =	vst v0  }
0xf2: {  	[tilespmem:$0x1A50] =	vst v0  }
0xf3: {  	[tilespmem:$0x1A60] =	vst v0  }
0xf4: {  	[tilespmem:$0x1A70] =	vst v0  }
0xf5: {  	[tilespmem:$0x1A80] =	vst v0  }
0xf6: {  	[tilespmem:$0x1A90] =	vst v0  }
0xf7: {  	[tilespmem:$0x1AA0] =	vst v0  }
0xf8: {  	[tilespmem:$0x1AB0] =	vst v0  }
0xf9: {  	[tilespmem:$0x1AC0] =	vst v0  }
0xfa: {  	[tilespmem:$0x1AD0] =	vst v0  }
0xfb: {  	[tilespmem:$0x1AE0] =	vst v0  }
0xfc: {  	[tilespmem:$0x1AF0] =	vst v0  }
0xfd: {  	[tilespmem:$0x1B00] =	vst v0  }
0xfe: {  	[tilespmem:$0x1B10] =	vst v0  }
0xff: {  	[tilespmem:$0x1B20] =	vst v0  }
0x100: {  	[tilespmem:$0x1B30] =	vst v0  }
0x101: {  	[tilespmem:$0x1B40] =	vst v0  }
0x102: {  	[tilespmem:$0x1B50] =	vst v0  }
0x103: {  	[tilespmem:$0x1B60] =	vst v0  }
0x104: {  	[tilespmem:$0x1B70] =	vst v0  }
0x105: {  	[tilespmem:$0x1B80] =	vst v0  }
0x106: {  	[tilespmem:$0x1B90] =	vst v0  }
0x107: {  	[tilespmem:$0x1BA0] =	vst v0  }
0x108: {  	[tilespmem:$0x1BB0] =	vst v0  }
0x109: {  	[tilespmem:$0x1BC0] =	vst v0  }
0x10a: {  	[tilespmem:$0x1BD0] =	vst v0  }
0x10b: {  	[tilespmem:$0x1BE0] =	vst v0  }
0x10c: {  	[tilespmem:$0x1BF0] =	vst v0  }
0x10d: {  	[tilespmem:$0x1C00] =	vst v0  }
0x10e: {  	[tilespmem:$0x1C10] =	vst v0  }
0x10f: {  	[tilespmem:$0x1C20] =	vst v0  }
0x110: {  	[tilespmem:$0x1C30] =	vst v0  }
0x111: {  	[tilespmem:$0x1C40] =	vst v0  }
0x112: {  	[tilespmem:$0x1C50] =	vst v0  }
0x113: {  	[tilespmem:$0x1C60] =	vst v0  }
0x114: {  	[tilespmem:$0x1C70] =	vst v0  }
0x115: {  	[tilespmem:$0x1C80] =	vst v0  }
0x116: {  	[tilespmem:$0x1C90] =	vst v0  }
0x117: {  	[tilespmem:$0x1CA0] =	vst v0  }
0x118: {  	[tilespmem:$0x1CB0] =	vst v0  }
0x119: {  	[tilespmem:$0x1CC0] =	vst v0  }
0x11a: {  	[tilespmem:$0x1CD0] =	vst v0  }
0x11b: {  	[tilespmem:$0x1CE0] =	vst v0  }
0x11c: {  	[tilespmem:$0x1CF0] =	vst v0  }
0x11d: {  	[tilespmem:$0x1D00] =	vst v0  }
0x11e: {  	[tilespmem:$0x1D10] =	vst v0  }
0x11f: {  	[tilespmem:$0x1D20] =	vst v0  }
0x120: {  	[tilespmem:$0x1D30] =	vst v0  }
0x121: {  	[tilespmem:$0x1D40] =	vst v0  }
0x122: {  	[tilespmem:$0x1D50] =	vst v0  }
0x123: {  	[tilespmem:$0x1D60] =	vst v0  }
0x124: {  	[tilespmem:$0x1D70] =	vst v0  }
0x125: {  	[tilespmem:$0x1D80] =	vst v0  }
0x126: {  	[tilespmem:$0x1D90] =	vst v0  }
0x127: {  	[tilespmem:$0x1DA0] =	vst v0  }
0x128: {  	[tilespmem:$0x1DB0] =	vst v0  }
0x129: {  	[tilespmem:$0x1DC0] =	vst v0  }
0x12a: {  	[tilespmem:$0x1DD0] =	vst v0  }
0x12b: {  	[tilespmem:$0x1DE0] =	vst v0  }
0x12c: {  	[tilespmem:$0x1DF0] =	vst v0  }
0x12d: {  	[tilespmem:$0x1E00] =	vst v0  }
0x12e: {  	[tilespmem:$0x1E10] =	vst v0  }
0x12f: {  	[tilespmem:$0x1E20] =	vst v0  }
0x130: {  	[tilespmem:$0x1E30] =	vst v0  }
0x131: {  	[tilespmem:$0x1E40] =	vst v0  }
0x132: {  	[tilespmem:$0x1E50] =	vst v0  }
0x133: {  	[tilespmem:$0x1E60] =	vst v0  }
0x134: {  	[tilespmem:$0x1E70] =	vst v0  }
0x135: {  	[tilespmem:$0x1E80] =	vst v0  }
0x136: {  	[tilespmem:$0x1E90] =	vst v0  }
0x137: {  	[tilespmem:$0x1EA0] =	vst v0  }
0x138: {  	[tilespmem:$0x1EB0] =	vst v0  }
0x139: {  	[tilespmem:$0x1EC0] =	vst v0  }
0x13a: {  	[tilespmem:$0x1ED0] =	vst v0  }
0x13b: {  	[tilespmem:$0x1EE0] =	vst v0  }
0x13c: {  	[tilespmem:$0x1EF0] =	vst v0  }
0x13d: {  	[tilespmem:$0x1F00] =	vst v0  }
0x13e: {  	[tilespmem:$0x1F10] =	vst v0  }
0x13f: {  	[tilespmem:$0x1F20] =	vst v0  }
0x140: {  	[tilespmem:$0x1F30] =	vst v0  }
0x141: {  	[tilespmem:$0x1F40] =	vst v0  }
0x142: {  	[tilespmem:$0x1F50] =	vst v0  }
0x143: {  	[tilespmem:$0x1F60] =	vst v0  }
0x144: {  	[tilespmem:$0x1F70] =	vst v0  }
0x145: {  	[tilespmem:$0x1F80] =	vst v0  }
0x146: {  	[tilespmem:$0x1F90] =	vst v0  }
0x147: {  	[tilespmem:$0x1FA0] =	vst v0  }
0x148: {  	[tilespmem:$0x1FB0] =	vst v0  }
0x149: {  	[tilespmem:$0x1FC0] =	vst v0  }
0x14a: {  	[tilespmem:$0x1FD0] =	vst v0  }
0x14b: {  	[tilespmem:$0x1FE0] =	vst v0  }
0x14c: {  	[tilespmem:$0x1FF0] =	vst v0  }
0x14d: {  	[tilespmem:$0x2000] =	vst v0  }
0x14e: {  	[tilespmem:$0x2010] =	vst v0  }
0x14f: {  	[tilespmem:$0x2020] =	vst v0  }
0x150: {  	[tilespmem:$0x2030] =	vst v0  }
0x151: {  	[tilespmem:$0x2040] =	vst v0  }
0x152: {  	[tilespmem:$0x2050] =	vst v0  }
0x153: {  	[tilespmem:$0x2060] =	vst v0  }
0x154: {  	s14 =	simm.s32 $0x0;
	s13 =	simm.s32 $0x40;
	[tilespmem:$0x2070] =	vst v0  }
.LBB2_2:
0x155: {  	p1 =	sne.s32 s13, $0x31C0;
	v3 =	vld [tilespmem:s14+$0x0];
	_ =	sdelay $0x4  }
0x156: {  	v3 =	vadd.s32 v1, v3  }
.Ltmp2:
0x157: {  	(pc) =	sbr.rel @p1 .LBB2_2-.Ltmp2, $2  }
0x158: {  	_ =	sdelay $0x2  }
0x159: {  	s14 =	sshra.s32 s13, $0x2;
	s13 =	sadd.s32 $0x40, s13;
	[tilespmem:v3+s8+$0x0] =	vst.idx.add.f32.msk $0xffff, v2  }
0x15a: {  	v3 =	vld [tilespmem:s14+$0x0];
	_ =	sdelay $0x4  }
0x15b: {  	v3 =	vadd.s32 v1, v3;
	_ =	sdelay $0x4  }
0x15c: {  	[tilespmem:v3+s8+$0x0] =	vst.idx.add.f32.msk $0xffff, v2  }
0x15d: {  	v3 =	vld [tilespmem:$0x1400];
	_ =	sdelay $0x4  }
0x15e: {  	[tilespmem:$0x1F710] =	vst v3;
	v3 =	vld [tilespmem:$0x1540];
	_ =	sdelay $0x4  }
0x15f: {  	[tilespmem:$0x1F720] =	vst v3;
	v3 =	vld [tilespmem:$0x1680];
	_ =	sdelay $0x4  }
0x160: {  	[tilespmem:$0x1F730] =	vst v3;
	v3 =	vld [tilespmem:$0x17C0];
	_ =	sdelay $0x4  }
0x161: {  	[tilespmem:$0x1F740] =	vst v3;
	v3 =	vld [tilespmem:$0x1900];
	_ =	sdelay $0x3  }
0x162: {  	v32 =	vld [tilespmem:$0xC80]  }
0x163: {  	[tilespmem:$0x1F760] =	vst v3;
	v3 =	vld [tilespmem:$0x1A40]  }
0x164: {  	v31 =	vld [tilespmem:$0xDC0]  }
0x165: {  	v34 =	vld [tilespmem:$0xF00]  }
0x166: {  	v36 =	vld [tilespmem:$0x1040]  }
0x167: {  	v47 =	vld [tilespmem:$0x1180]  }
0x168: {  	[tilespmem:$0x1F780] =	vst v3;
	v3 =	vld [tilespmem:$0x1B80]  }
0x169: {  	v56 =	vld [tilespmem:$0x12C0]  }
0x16a: {  	v17 =	vld [tilespmem:$0xC90]  }
0x16b: {  	v15 =	vld [tilespmem:$0xDD0]  }
0x16c: {  	v19 =	vld [tilespmem:$0xF10]  }
0x16d: {  	[tilespmem:$0x1F7A0] =	vst v3;
	v3 =	vld [tilespmem:$0x1CC0]  }
0x16e: {  	v23 =	vld [tilespmem:$0x1050]  }
0x16f: {  	v29 =	vld [tilespmem:$0x1190]  }
0x170: {  	v38 =	vld [tilespmem:$0x12D0]  }
0x171: {  	v43 =	vld [tilespmem:$0x1410]  }
0x172: {  	[tilespmem:$0x1F7C0] =	vst v3;
	v3 =	vld [tilespmem:$0x1E00]  }
0x173: {  	v49 =	vld [tilespmem:$0x1550]  }
0x174: {  	v59 =	vld [tilespmem:$0x1690]  }
0x175: {  	v8 =	vld [tilespmem:$0xCA0]  }
0x176: {  	v7 =	vld [tilespmem:$0xDE0]  }
0x177: {  	[tilespmem:$0x1F7F0] =	vst v3;
	v3 =	vld [tilespmem:$0x1F40]  }
0x178: {  	v10 =	vld [tilespmem:$0xF20]  }
0x179: {  	v12 =	vld [tilespmem:$0x1060]  }
0x17a: {  	v18 =	vld [tilespmem:$0x11A0]  }
0x17b: {  	v22 =	vld [tilespmem:$0x12E0]  }
0x17c: {  	[tilespmem:$0x1F820] =	vst v3;
	v3 =	vld [tilespmem:$0x17D0]  }
0x17d: {  	v26 =	vld [tilespmem:$0x1420]  }
0x17e: {  	v53 =	vld [tilespmem:$0x1560]  }
0x17f: {  	v39 =	vld [tilespmem:$0x16A0]  }
0x180: {  	v51 =	vld [tilespmem:$0x17E0]  }
0x181: {  	[tilespmem:$0x1F750] =	vst v3;
	v3 =	vld [tilespmem:$0x1910]  }
0x182: {  	v55 =	vld [tilespmem:$0x1920]  }
0x183: {  	v63 =	vld [tilespmem:$0x1A60]  }
0x184: {  	v4 =	vld [tilespmem:$0xCB0]  }
0x185: {  	v5 =	vld [tilespmem:$0xF30]  }
0x186: {  	[tilespmem:$0x1F770] =	vst v3;
	v3 =	vld [tilespmem:$0x1A50]  }
0x187: {  	v6 =	vld [tilespmem:$0x1070]  }
0x188: {  	v9 =	vld [tilespmem:$0x11B0]  }
0x189: {  	v11 =	vld [tilespmem:$0x12F0]  }
0x18a: {  	v13 =	vld [tilespmem:$0x1430]  }
0x18b: {  	[tilespmem:$0x1F790] =	vst v3;
	v3 =	vld [tilespmem:$0x1B90]  }
0x18c: {  	v20 =	vld [tilespmem:$0x1570]  }
0x18d: {  	v24 =	vld [tilespmem:$0x16B0]  }
0x18e: {  	v28 =	vld [tilespmem:$0x17F0]  }
0x18f: {  	v37 =	vld [tilespmem:$0x1930]  }
0x190: {  	[tilespmem:$0x1F7B0] =	vst v3;
	v3 =	vld [tilespmem:$0x1CD0]  }
0x191: {  	v42 =	vld [tilespmem:$0x1A70]  }
0x192: {  	v50 =	vld [tilespmem:$0x1BB0]  }
0x193: {  	v58 =	vld [tilespmem:$0x1CF0]  }
0x194: {  	v14 =	vld [tilespmem:$0x1E30]  }
0x195: {  	[tilespmem:$0x1F7E0] =	vst v3;
	v3 =	vld [tilespmem:$0x1E10]  }
0x196: {  	v30 =	vld [tilespmem:$0x1F70]  }
0x197: {  	v33 =	vld [tilespmem:$0xCC0]  }
0x198: {  	v35 =	vld [tilespmem:$0xE00]  }
0x199: {  	v40 =	vld [tilespmem:$0xF40];
	[tilespmem:$0x1F850] =	vst v14  }
0x19a: {  	[tilespmem:$0x1F810] =	vst v3;
	v3 =	vld [tilespmem:$0x1F50]  }
0x19b: {  	v41 =	vld [tilespmem:$0x1080];
	[tilespmem:$0x1F890] =	vst v30  }
0x19c: {  	v44 =	vld [tilespmem:$0x11C0];
	[tilespmem:$0x1F870] =	vst v33  }
0x19d: {  	v45 =	vld [tilespmem:$0x1300];
	[tilespmem:$0x1F880] =	vst v35  }
0x19e: {  	v46 =	vld [tilespmem:$0x1440];
	[tilespmem:$0x1F8A0] =	vst v40  }
0x19f: {  	[tilespmem:$0x1F840] =	vst v3;
	v3 =	vld [tilespmem:$0x1BA0]  }
0x1a0: {  	v48 =	vld [tilespmem:$0x1580];
	[tilespmem:$0x1F8B0] =	vst v41  }
0x1a1: {  	v52 =	vld [tilespmem:$0x16C0];
	[tilespmem:$0x1F8C0] =	vst v44  }
0x1a2: {  	v54 =	vld [tilespmem:$0x1800];
	[tilespmem:$0x1F8E0] =	vst v45  }
0x1a3: {  	v57 =	vld [tilespmem:$0x1940];
	[tilespmem:$0x1F900] =	vst v46  }
0x1a4: {  	[tilespmem:$0x1F7D0] =	vst v3;
	v3 =	vld [tilespmem:$0x1CE0]  }
0x1a5: {  	v60 =	vld [tilespmem:$0x1A80];
	[tilespmem:$0x1F920] =	vst v48  }
0x1a6: {  	v61 =	vld [tilespmem:$0x1BC0];
	[tilespmem:$0x1F950] =	vst v52  }
0x1a7: {  	v62 =	vld [tilespmem:$0x1D00];
	[tilespmem:$0x1F980] =	vst v54  }
0x1a8: {  	v16 =	vld [tilespmem:$0x1E40];
	[tilespmem:$0x1F9B0] =	vst v57  }
0x1a9: {  	[tilespmem:$0x1F800] =	vst v3;
	v3 =	vld [tilespmem:$0x1E20]  }
0x1aa: {  	v21 =	vld [tilespmem:$0x1F80];
	[tilespmem:$0x1F9F0] =	vst v60  }
0x1ab: {  	v25 =	vld [tilespmem:$0x11D0];
	[tilespmem:$0x1FA30] =	vst v61  }
0x1ac: {  	v27 =	vld [tilespmem:$0x1310];
	[tilespmem:$0x1FA70] =	vst v62  }
0x1ad: {  	[tilespmem:$0x1FAB0] =	vst v16;
	v30 =	vld [tilespmem:$0x1450]  }
0x1ae: {  	[tilespmem:$0x1F830] =	vst v3;
	v3 =	vld [tilespmem:$0x1F60]  }
0x1af: {  	[tilespmem:$0x1FAF0] =	vst v21;
	v46 =	vld [tilespmem:$0xCD0]  }
0x1b0: {  	v45 =	vld [tilespmem:$0xE10];
	[tilespmem:$0x1F8D0] =	vst v25  }
0x1b1: {  	v52 =	vld [tilespmem:$0xF50];
	[tilespmem:$0x1F8F0] =	vst v27  }
0x1b2: {  	v60 =	vld [tilespmem:$0x1090];
	[tilespmem:$0x1F910] =	vst v30  }
0x1b3: {  	[tilespmem:$0x1F860] =	vst v3;
	v3 =	vld [tilespmem:$0xDF0]  }
0x1b4: {  	v14 =	vld [tilespmem:$0x1590]  }
0x1b5: {  	v62 =	vld [tilespmem:$0x15A0];
	_ =	sdelay $0x4  }
0x1b6: {  	[tilespmem:$0x1F960] =	vst v62;
	v62 =	vld [tilespmem:$0x1830];
	_ =	sdelay $0x4  }
0x1b7: {  	[tilespmem:$0x1F9E0] =	vst v62;
	v62 =	vld [tilespmem:$0x1970];
	_ =	sdelay $0x4  }
0x1b8: {  	[tilespmem:$0x1FA20] =	vst v62;
	v62 =	vld [tilespmem:$0x1AB0];
	_ =	sdelay $0x4  }
0x1b9: {  	[tilespmem:$0x1FA60] =	vst v62;
	v62 =	vld [tilespmem:$0x1BF0];
	_ =	sdelay $0x4  }
0x1ba: {  	[tilespmem:$0x1FAA0] =	vst v62;
	v62 =	vld [tilespmem:$0x1D30];
	_ =	sdelay $0x4  }
0x1bb: {  	[tilespmem:$0x1FAE0] =	vst v62;
	v62 =	vld [tilespmem:$0x1E70];
	_ =	sdelay $0x4  }
0x1bc: {  	[tilespmem:$0x1FB20] =	vst v62;
	v62 =	vld [tilespmem:$0x1FB0];
	_ =	sdelay $0x4  }
0x1bd: {  	[tilespmem:$0x1FB60] =	vst v62;
	v62 =	vld [tilespmem:$0xD00];
	_ =	sdelay $0x4  }
0x1be: {  	[tilespmem:$0x1FB40] =	vst v62;
	v62 =	vld [tilespmem:$0xE40];
	_ =	sdelay $0x4  }
0x1bf: {  	[tilespmem:$0x1FB50] =	vst v62;
	v62 =	vld [tilespmem:$0xF80];
	_ =	sdelay $0x4  }
0x1c0: {  	[tilespmem:$0x1FB90] =	vst v62;
	v62 =	vld [tilespmem:$0x10C0];
	_ =	sdelay $0x4  }
0x1c1: {  	[tilespmem:$0x1FBD0] =	vst v62;
	v62 =	vld [tilespmem:$0x1200];
	_ =	sdelay $0x4  }
0x1c2: {  	[tilespmem:$0x1FC00] =	vst v62;
	v62 =	vld [tilespmem:$0x1340];
	_ =	sdelay $0x4  }
0x1c3: {  	[tilespmem:$0x1FC30] =	vst v62;
	v62 =	vld [tilespmem:$0x1480];
	_ =	sdelay $0x4  }
0x1c4: {  	[tilespmem:$0x1FC60] =	vst v62;
	v62 =	vld [tilespmem:$0x15C0];
	_ =	sdelay $0x4  }
0x1c5: {  	[tilespmem:$0x1FC90] =	vst v62;
	v62 =	vld [tilespmem:$0x1700];
	_ =	sdelay $0x4  }
0x1c6: {  	[tilespmem:$0x1FCC0] =	vst v62;
	v62 =	vld [tilespmem:$0x1840];
	_ =	sdelay $0x4  }
0x1c7: {  	[tilespmem:$0x1FCF0] =	vst v62;
	v62 =	vld [tilespmem:$0x1980];
	_ =	sdelay $0x4  }
0x1c8: {  	[tilespmem:$0x1FD20] =	vst v62;
	v62 =	vld [tilespmem:$0x1AC0];
	_ =	sdelay $0x4  }
0x1c9: {  	[tilespmem:$0x1FD50] =	vst v62;
	v62 =	vld [tilespmem:$0x1C00];
	_ =	sdelay $0x4  }
0x1ca: {  	[tilespmem:$0x1FD80] =	vst v62;
	v62 =	vld [tilespmem:$0x1D40];
	_ =	sdelay $0x4  }
0x1cb: {  	[tilespmem:$0x1FDB0] =	vst v62;
	v62 =	vld [tilespmem:$0x1E80];
	_ =	sdelay $0x4  }
0x1cc: {  	[tilespmem:$0x1FDF0] =	vst v62;
	v62 =	vld [tilespmem:$0x1FC0];
	_ =	sdelay $0x4  }
0x1cd: {  	[tilespmem:$0x1FE30] =	vst v62;
	v62 =	vld [tilespmem:$0xD10];
	_ =	sdelay $0x4  }
0x1ce: {  	[tilespmem:$0x1FB70] =	vst v62;
	v62 =	vld [tilespmem:$0xE50];
	_ =	sdelay $0x4  }
0x1cf: {  	[tilespmem:$0x1FB80] =	vst v62;
	v62 =	vld [tilespmem:$0xF90];
	_ =	sdelay $0x4  }
0x1d0: {  	[tilespmem:$0x1FBC0] =	vst v62;
	v62 =	vld [tilespmem:$0x10D0];
	_ =	sdelay $0x4  }
0x1d1: {  	[tilespmem:$0x1FBF0] =	vst v62;
	v62 =	vld [tilespmem:$0x1210];
	_ =	sdelay $0x4  }
0x1d2: {  	[tilespmem:$0x1FC20] =	vst v62;
	v62 =	vld [tilespmem:$0x1350];
	_ =	sdelay $0x4  }
0x1d3: {  	[tilespmem:$0x1FC50] =	vst v62;
	v62 =	vld [tilespmem:$0x1490];
	_ =	sdelay $0x4  }
0x1d4: {  	[tilespmem:$0x1FC80] =	vst v62;
	v62 =	vld [tilespmem:$0x15D0];
	_ =	sdelay $0x4  }
0x1d5: {  	[tilespmem:$0x1FCB0] =	vst v62;
	v62 =	vld [tilespmem:$0x1710];
	_ =	sdelay $0x4  }
0x1d6: {  	[tilespmem:$0x1FCE0] =	vst v62;
	v62 =	vld [tilespmem:$0x1850];
	_ =	sdelay $0x4  }
0x1d7: {  	[tilespmem:$0x1FD10] =	vst v62;
	v62 =	vld [tilespmem:$0x1990];
	_ =	sdelay $0x4  }
0x1d8: {  	[tilespmem:$0x1FD40] =	vst v62;
	v62 =	vld [tilespmem:$0x1AD0];
	_ =	sdelay $0x4  }
0x1d9: {  	[tilespmem:$0x1FD70] =	vst v62;
	v62 =	vld [tilespmem:$0x1C10];
	_ =	sdelay $0x4  }
0x1da: {  	[tilespmem:$0x1FDA0] =	vst v62;
	v62 =	vld [tilespmem:$0x1D50];
	_ =	sdelay $0x4  }
0x1db: {  	[tilespmem:$0x1FDD0] =	vst v62;
	v62 =	vld [tilespmem:$0x1E90];
	_ =	sdelay $0x4  }
0x1dc: {  	[tilespmem:$0x1FE10] =	vst v62;
	v62 =	vld [tilespmem:$0x1FD0];
	_ =	sdelay $0x4  }
0x1dd: {  	[tilespmem:$0x1FE50] =	vst v62;
	v62 =	vld [tilespmem:$0xD20];
	_ =	sdelay $0x4  }
0x1de: {  	[tilespmem:$0x1FBA0] =	vst v62;
	v62 =	vld [tilespmem:$0xE60];
	_ =	sdelay $0x4  }
0x1df: {  	[tilespmem:$0x1FBB0] =	vst v62;
	v62 =	vld [tilespmem:$0xFA0];
	_ =	sdelay $0x4  }
0x1e0: {  	[tilespmem:$0x1FBE0] =	vst v62;
	v62 =	vld [tilespmem:$0x10E0];
	_ =	sdelay $0x2  }
0x1e1: {  	v33 =	vld [tilespmem:$0x16D0]  }
0x1e2: {  	v35 =	vld [tilespmem:$0x1810]  }
0x1e3: {  	[tilespmem:$0x1FC10] =	vst v62;
	v62 =	vld [tilespmem:$0x1220]  }
0x1e4: {  	v40 =	vld [tilespmem:$0x1950]  }
0x1e5: {  	v41 =	vld [tilespmem:$0x1A90]  }
0x1e6: {  	v44 =	vld [tilespmem:$0x1BD0]  }
0x1e7: {  	v48 =	vld [tilespmem:$0x1D10]  }
0x1e8: {  	[tilespmem:$0x1FC40] =	vst v62;
	v62 =	vld [tilespmem:$0x1360]  }
0x1e9: {  	v54 =	vld [tilespmem:$0x1E50]  }
0x1ea: {  	v57 =	vld [tilespmem:$0x1F90]  }
0x1eb: {  	v30 =	vld [tilespmem:$0xCE0]  }
0x1ec: {  	v27 =	vld [tilespmem:$0xE20]  }
0x1ed: {  	[tilespmem:$0x1FC70] =	vst v62;
	v62 =	vld [tilespmem:$0x14A0]  }
0x1ee: {  	v61 =	vld [tilespmem:$0x1460]  }
0x1ef: {  	v7 =	vadd.f32 v7, v8;
	v16 =	vld [tilespmem:$0x16E0]  }
0x1f0: {  	v21 =	vld [tilespmem:$0x1820]  }
0x1f1: {  	v7 =	vadd.f32 v10, v7;
	v25 =	vld [tilespmem:$0x1960]  }
0x1f2: {  	[tilespmem:$0x1FCA0] =	vst v62;
	v62 =	vld [tilespmem:$0x15E0]  }
0x1f3: {  	v31 =	vadd.f32 v31, v32;
	v7 =	vadd.f32 v12, v7;
	v32 =	vld [tilespmem:$0x1EA0]  }
0x1f4: {  	v15 =	vadd.f32 v15, v17;
	v17 =	vld [tilespmem:$0x1C30]  }
0x1f5: {  	v7 =	vadd.f32 v18, v7;
	v18 =	vld [tilespmem:$0x1F740]  }
0x1f6: {  	[tilespmem:$0x1F9A0] =	vst v35;
	v35 =	vld [tilespmem:$0xF60]  }
0x1f7: {  	[tilespmem:$0x1FCD0] =	vst v62;
	v62 =	vld [tilespmem:$0x1720]  }
0x1f8: {  	[tilespmem:$0x1FA10] =	vst v41;
	v41 =	vld [tilespmem:$0x10A0]  }
0x1f9: {  	[tilespmem:$0x1FA90] =	vst v48;
	v48 =	vld [tilespmem:$0x11E0]  }
0x1fa: {  	[tilespmem:$0x1FB10] =	vst v57;
	v57 =	vld [tilespmem:$0x1320]  }
0x1fb: {  	[tilespmem:$0x1F970] =	vst v33;
	v33 =	vld [tilespmem:$0x1AA0]  }
0x1fc: {  	[tilespmem:$0x1FD00] =	vst v62;
	v62 =	vld [tilespmem:$0x1860]  }
0x1fd: {  	[tilespmem:$0x1F9D0] =	vst v40;
	v40 =	vld [tilespmem:$0x1BE0]  }
0x1fe: {  	[tilespmem:$0x1FA50] =	vst v44;
	v44 =	vld [tilespmem:$0x1D20]  }
0x1ff: {  	[tilespmem:$0x1FAD0] =	vst v54;
	v54 =	vld [tilespmem:$0x1E60]  }
0x200: {  	[tilespmem:$0x1F930] =	vst v61;
	v61 =	vld [tilespmem:$0x1FA0]  }
0x201: {  	[tilespmem:$0x1FD30] =	vst v62;
	v62 =	vld [tilespmem:$0x19A0]  }
0x202: {  	[tilespmem:$0x1F990] =	vst v16;
	v16 =	vld [tilespmem:$0xCF0]  }
0x203: {  	v3 =	vadd.f32 v3, v4;
	[tilespmem:$0x1F940] =	vst v14;
	v14 =	vld [tilespmem:$0xE30]  }
0x204: {  	[tilespmem:$0x1F9C0] =	vst v21;
	v21 =	vld [tilespmem:$0xF70]  }
0x205: {  	[tilespmem:$0x1FA00] =	vst v25;
	v25 =	vld [tilespmem:$0x10B0];
	v3 =	vadd.f32 v5, v3  }
0x206: {  	[tilespmem:$0x1FD60] =	vst v62;
	v62 =	vld [tilespmem:$0x1AE0]  }
0x207: {  	v5 =	vld [tilespmem:$0xFB0];
	v3 =	vadd.f32 v6, v3  }
0x208: {  	[tilespmem:$0x1FA40] =	vst v33;
	v33 =	vld [tilespmem:$0x11F0]  }
0x209: {  	[tilespmem:$0x1FA80] =	vst v40;
	v40 =	vld [tilespmem:$0x1330];
	v9 =	vadd.f32 v9, v3  }
0x20a: {  	[tilespmem:$0x1FAC0] =	vst v44;
	v44 =	vld [tilespmem:$0x1470];
	v14 =	vadd.f32 v14, v16  }
0x20b: {  	v9 =	vadd.f32 v11, v9;
	[tilespmem:$0x1FD90] =	vst v62;
	v62 =	vld [tilespmem:$0x1C20]  }
0x20c: {  	[tilespmem:$0x1FB00] =	vst v54;
	v54 =	vld [tilespmem:$0x15B0];
	v14 =	vadd.f32 v21, v14  }
0x20d: {  	[tilespmem:$0x1FB30] =	vst v61;
	v61 =	vld [tilespmem:$0x16F0];
	v9 =	vadd.f32 v13, v9  }
0x20e: {  	v21 =	vld [tilespmem:$0x1F930];
	v14 =	vadd.f32 v25, v14  }
0x20f: {  	v9 =	vadd.f32 v20, v9;
	v20 =	vld [tilespmem:$0x1D70]  }
0x210: {  	v14 =	vadd.f32 v33, v14;
	[tilespmem:$0x1FDC0] =	vst v62;
	v62 =	vld [tilespmem:$0x1D60]  }
0x211: {  	v25 =	vld [tilespmem:$0x1F960]  }
0x212: {  	v9 =	vadd.f32 v24, v9;
	v24 =	vld [tilespmem:$0x1EB0];
	v14 =	vadd.f32 v40, v14  }
0x213: {  	v33 =	vld [tilespmem:$0x1F9A0]  }
0x214: {  	v9 =	vadd.f32 v28, v9;
	v28 =	vld [tilespmem:$0x1240];
	v14 =	vadd.f32 v44, v14;
	[tilespmem:$0x1FE20] =	vst v20  }
0x215: {  	v20 =	vld [tilespmem:$0xFC0];
	[tilespmem:$0x1FE00] =	vst v62;
	v62 =	vadd.f32 v34, v31;
	v31 =	vadd.f32 v19, v15  }
0x216: {  	v44 =	vld [tilespmem:$0x1F9B0];
	v14 =	vadd.f32 v54, v14  }
0x217: {  	[tilespmem:$0x1FE60] =	vst v24;
	v24 =	vld [tilespmem:$0x1100];
	v8 =	vadd.f32 v23, v31  }
0x218: {  	[tilespmem:$0x1FE40] =	vst v32;
	v14 =	vadd.f32 v61, v14;
	v61 =	vld [tilespmem:$0x1FA20];
	v32 =	vadd.f32 v36, v62  }
0x219: {  	[tilespmem:$0x1FEB0] =	vst v28;
	v28 =	vld [tilespmem:$0x1F860];
	v8 =	vadd.f32 v29, v8  }
0x21a: {  	[tilespmem:$0x1FE90] =	vst v20;
	v20 =	vld [tilespmem:$0x1F840];
	v4 =	vadd.f32 v47, v32  }
0x21b: {  	v7 =	vadd.f32 v22, v7;
	v23 =	vld [tilespmem:$0x1F720];
	v8 =	vadd.f32 v38, v8  }
0x21c: {  	v4 =	vadd.f32 v56, v4;
	v56 =	vld [tilespmem:$0x1F710]  }
0x21d: {  	v32 =	vadd.f32 v26, v7;
	v26 =	vld [tilespmem:$0x1F760];
	v62 =	vadd.f32 v43, v8  }
0x21e: {  	v8 =	vld [tilespmem:$0x1F8D0]  }
0x21f: {  	v12 =	vadd.f32 v49, v62;
	v62 =	vadd.f32 v53, v32;
	v32 =	vld [tilespmem:$0x1F770]  }
0x220: {  	v49 =	vld [tilespmem:$0x1F780]  }
0x221: {  	v4 =	vadd.f32 v56, v4;
	v56 =	vld [tilespmem:$0x1F730]  }
0x222: {  	v13 =	vadd.f32 v39, v62;
	v39 =	vld [tilespmem:$0xD40]  }
0x223: {  	v12 =	vadd.f32 v59, v12;
	v59 =	vld [tilespmem:$0x1F790]  }
0x224: {  	v62 =	vadd.f32 v37, v9;
	v37 =	vld [tilespmem:$0x1380]  }
0x225: {  	v9 =	vld [tilespmem:$0x1F8E0];
	v31 =	vadd.f32 v23, v4  }
0x226: {  	v23 =	vld [tilespmem:$0x1F750];
	v13 =	vadd.f32 v51, v13  }
0x227: {  	v11 =	vadd.f32 v56, v31;
	v31 =	vld [tilespmem:$0x1FF0]  }
0x228: {  	v51 =	vadd.f32 v55, v13;
	v55 =	vld [tilespmem:$0x1F810]  }
0x229: {  	v13 =	vld [tilespmem:$0x1F8F0]  }
0x22a: {  	[tilespmem:$0x1FE70] =	vst v39;
	v39 =	vld [tilespmem:$0x1F7E0]  }
0x22b: {  	v12 =	vadd.f32 v23, v12;
	v23 =	vld [tilespmem:$0x1F7A0]  }
0x22c: {  	v11 =	vadd.f32 v18, v11;
	v18 =	vadd.f32 v42, v62;
	v42 =	vld [tilespmem:$0x14C0]  }
0x22d: {  	v62 =	vld [tilespmem:$0x1F830]  }
0x22e: {  	v11 =	vadd.f32 v26, v11;
	v26 =	vld [tilespmem:$0x1F7B0]  }
0x22f: {  	v12 =	vadd.f32 v32, v12;
	v32 =	vld [tilespmem:$0x1F7D0]  }
0x230: {  	v18 =	vadd.f32 v50, v18;
	v50 =	vld [tilespmem:$0x1F800]  }
0x231: {  	[tilespmem:$0x1FE80] =	vst v31;
	v31 =	vld [tilespmem:$0x1F7C0]  }
0x232: {  	v11 =	vadd.f32 v49, v11;
	v49 =	vld [tilespmem:$0x1F7F0]  }
0x233: {  	v18 =	vadd.f32 v58, v18;
	v58 =	vld [tilespmem:$0x1740]  }
0x234: {  	v12 =	vadd.f32 v59, v12;
	v59 =	vld [tilespmem:$0x1F820]  }
0x235: {  	[tilespmem:$0x1FED0] =	vst v42;
	v42 =	vld [tilespmem:$0x1F890]  }
0x236: {  	[tilespmem:$0x1FDE0] =	vst v17;
	v17 =	vadd.f32 v63, v51;
	v11 =	vadd.f32 v23, v11;
	v23 =	vld [tilespmem:$0x1F850]  }
0x237: {  	v12 =	vadd.f32 v26, v12;
	v26 =	vld [tilespmem:$0x19C0]  }
0x238: {  	v17 =	vadd.f32 v32, v17;
	v32 =	vld [tilespmem:$0x1F880]  }
0x239: {  	v11 =	vadd.f32 v31, v11;
	v31 =	vld [tilespmem:$0x1F870]  }
0x23a: {  	v12 =	vadd.f32 v39, v12;
	[tilespmem:$0x1FEF0] =	vst v58;
	v58 =	vld [tilespmem:$0x1F8B0]  }
0x23b: {  	v17 =	vadd.f32 v50, v17;
	v50 =	vadd.f32 v27, v30;
	v30 =	vld [tilespmem:$0x1F990]  }
0x23c: {  	v11 =	vadd.f32 v49, v11;
	v49 =	vld [tilespmem:$0x1F8A0]  }
0x23d: {  	v12 =	vadd.f32 v55, v12;
	v63 =	vadd.f32 v62, v17;
	v17 =	vld [tilespmem:$0x1880]  }
0x23e: {  	[tilespmem:$0x1FEA0] =	vst v24;
	v24 =	vadd.f32 v23, v18;
	v18 =	vld [tilespmem:$0x1F910];
	v4 =	vadd.f32 v59, v11  }
0x23f: {  	v23 =	vld [tilespmem:$0x1F940];
	[tilespmem:$0x1FF10] =	vst v26  }
0x240: {  	v26 =	vld [tilespmem:$0x1F970];
	[tilespmem:$0x1FF80] =	vst v4;
	v4 =	vadd.f32 v20, v12  }
0x241: {  	v45 =	vadd.f32 v45, v46;
	[tilespmem:$0x1FEC0] =	vst v37;
	v37 =	vadd.f32 v32, v31;
	v20 =	vld [tilespmem:$0x1F920]  }
0x242: {  	[tilespmem:$0x1FF90] =	vst v4;
	v4 =	vadd.f32 v28, v63;
	v63 =	vld [tilespmem:$0x1F8C0]  }
0x243: {  	v12 =	vadd.f32 v52, v45;
	v45 =	vld [tilespmem:$0x1F9C0];
	v11 =	vadd.f32 v49, v37  }
0x244: {  	v59 =	vadd.f32 v35, v50;
	v52 =	vld [tilespmem:$0x1F9F0]  }
0x245: {  	v49 =	vld [tilespmem:$0x1F9E0];
	v11 =	vadd.f32 v58, v11  }
0x246: {  	v16 =	vadd.f32 v41, v59;
	[tilespmem:$0x1FF00] =	vst v17;
	v17 =	vld [tilespmem:$0x1F900]  }
0x247: {  	v12 =	vadd.f32 v60, v12;
	v28 =	vld [tilespmem:$0x1F980];
	v11 =	vadd.f32 v63, v11  }
0x248: {  	v16 =	vadd.f32 v48, v16;
	v48 =	vld [tilespmem:$0x1F9D0]  }
0x249: {  	v60 =	vld [tilespmem:$0x1FA10];
	v12 =	vadd.f32 v8, v12;
	v11 =	vadd.f32 v9, v11  }
0x24a: {  	[tilespmem:$0x1FFA0] =	vst v4;
	v4 =	vadd.f32 v42, v24;
	v16 =	vadd.f32 v57, v16;
	v24 =	vld [tilespmem:$0x1F950]  }
0x24b: {  	v57 =	vld [tilespmem:$0x1FA00];
	v12 =	vadd.f32 v13, v12;
	v11 =	vadd.f32 v17, v11  }
0x24c: {  	v8 =	vld [tilespmem:$0x1FA40]  }
0x24d: {  	v13 =	vld [tilespmem:$0x1FA70];
	v12 =	vadd.f32 v18, v12;
	v11 =	vadd.f32 v20, v11  }
0x24e: {  	v16 =	vadd.f32 v21, v16;
	v21 =	vld [tilespmem:$0x1FAA0]  }
0x24f: {  	v63 =	vld [tilespmem:$0x1FA30];
	v12 =	vadd.f32 v23, v12;
	v11 =	vadd.f32 v24, v11  }
0x250: {  	v14 =	vadd.f32 v49, v14;
	v16 =	vadd.f32 v25, v16;
	v18 =	vld [tilespmem:$0x1FA80]  }
0x251: {  	v25 =	vld [tilespmem:$0x1FAD0];
	v27 =	vadd.f32 v26, v12;
	v11 =	vadd.f32 v28, v11  }
0x252: {  	v14 =	vadd.f32 v61, v14;
	v61 =	vld [tilespmem:$0x1FB10];
	v16 =	vadd.f32 v30, v16  }
0x253: {  	v9 =	vld [tilespmem:$0x1FA50];
	v17 =	vadd.f32 v33, v27;
	v11 =	vadd.f32 v44, v11  }
0x254: {  	v23 =	vld [tilespmem:$0x1FAB0];
	v16 =	vadd.f32 v45, v16  }
0x255: {  	v12 =	vld [tilespmem:$0x1FA60];
	v17 =	vadd.f32 v48, v17;
	v11 =	vadd.f32 v52, v11  }
0x256: {  	v20 =	vld [tilespmem:$0x1FA90];
	v16 =	vadd.f32 v57, v16  }
0x257: {  	v24 =	vld [tilespmem:$0x1FAC0];
	v17 =	vadd.f32 v60, v17;
	v11 =	vadd.f32 v63, v11  }
0x258: {  	v16 =	vadd.f32 v8, v16;
	v28 =	vld [tilespmem:$0x1FAF0]  }
0x259: {  	v26 =	vld [tilespmem:$0x1FAE0];
	v17 =	vadd.f32 v9, v17;
	v11 =	vadd.f32 v13, v11  }
0x25a: {  	v30 =	vld [tilespmem:$0x1FB00];
	v14 =	vadd.f32 v12, v14;
	v16 =	vadd.f32 v18, v16  }
0x25b: {  	v8 =	vld [tilespmem:$0x1FB30];
	v17 =	vadd.f32 v20, v17;
	v11 =	vadd.f32 v23, v11  }
0x25c: {  	v14 =	vadd.f32 v21, v14;
	v16 =	vadd.f32 v24, v16;
	v63 =	vld [tilespmem:$0x1FB20]  }
0x25d: {  	v15 =	vld [tilespmem:$0xD30];
	[tilespmem:$0x1FFB0] =	vst v4;
	v17 =	vadd.f32 v25, v17;
	v4 =	vadd.f32 v28, v11  }
0x25e: {  	v14 =	vadd.f32 v26, v14;
	v13 =	vld [tilespmem:$0x1FB60]  }
0x25f: {  	v36 =	vld [tilespmem:$0xE70];
	v33 =	vadd.f32 v30, v16;
	[tilespmem:$0x1FFC0] =	vst v4;
	v4 =	vadd.f32 v61, v17  }
0x260: {  	v9 =	vld [tilespmem:$0x1FB40]  }
0x261: {  	v16 =	vld [tilespmem:$0x1FB80];
	v14 =	vadd.f32 v63, v14;
	[tilespmem:$0x1FFD0] =	vst v4;
	v4 =	vadd.f32 v8, v33  }
0x262: {  	v11 =	vld [tilespmem:$0x1FB50]  }
0x263: {  	[tilespmem:$0x1FFE0] =	vst v4;
	v4 =	vadd.f32 v13, v14;
	v14 =	vld [tilespmem:$0x1FB70]  }
0x264: {  	v28 =	vld [tilespmem:$0x1FB90]  }
0x265: {  	v61 =	vld [tilespmem:$0x1FBC0]  }
0x266: {  	v30 =	vld [tilespmem:$0x1FBA0]  }
0x267: {  	v63 =	vld [tilespmem:$0x1FBD0]  }
0x268: {  	v33 =	vld [tilespmem:$0x1FBB0];
	v12 =	vadd.f32 v11, v9;
	v17 =	vadd.f32 v16, v14  }
0x269: {  	v8 =	vld [tilespmem:$0x1FBE0]  }
0x26a: {  	v11 =	vadd.f32 v28, v12;
	v20 =	vadd.f32 v61, v17;
	v17 =	vld [tilespmem:$0x1FBF0]  }
0x26b: {  	v19 =	vld [tilespmem:$0x10F0]  }
0x26c: {  	v15 =	vadd.f32 v36, v15;
	v11 =	vadd.f32 v63, v11;
	v63 =	vld [tilespmem:$0x1FC10]  }
0x26d: {  	v30 =	vadd.f32 v33, v30  }
0x26e: {  	v29 =	vld [tilespmem:$0x1230];
	v5 =	vadd.f32 v5, v15  }
0x26f: {  	v9 =	vadd.f32 v8, v30;
	v18 =	vadd.f32 v17, v20;
	v20 =	vld [tilespmem:$0x1FC00]  }
0x270: {  	v10 =	vld [tilespmem:$0x1370]  }
0x271: {  	v5 =	vadd.f32 v19, v5;
	v36 =	vadd.f32 v63, v9;
	v9 =	vld [tilespmem:$0x1FC30]  }
0x272: {  	v3 =	vld [tilespmem:$0x14B0]  }
0x273: {  	v5 =	vadd.f32 v29, v5;
	v13 =	vld [tilespmem:$0x1FC60]  }
0x274: {  	v8 =	vld [tilespmem:$0x1FC20];
	v21 =	vadd.f32 v20, v11  }
0x275: {  	v5 =	vadd.f32 v10, v5;
	v17 =	vld [tilespmem:$0x1FC90]  }
0x276: {  	v11 =	vld [tilespmem:$0x1FC40];
	v15 =	vadd.f32 v9, v21  }
0x277: {  	v5 =	vadd.f32 v3, v5;
	v3 =	vld [tilespmem:$0x1FCC0]  }
0x278: {  	v14 =	vld [tilespmem:$0x1FC70];
	v15 =	vadd.f32 v13, v15;
	_ =	sdelay $0x1  }
0x279: {  	v61 =	vadd.f32 v8, v18;
	v18 =	vld [tilespmem:$0x1FCA0];
	v15 =	vadd.f32 v17, v15  }
0x27a: {  	v12 =	vld [tilespmem:$0x1FC50];
	v36 =	vadd.f32 v11, v36  }
0x27b: {  	v15 =	vadd.f32 v3, v15;
	v3 =	vld [tilespmem:$0x1FCD0]  }
0x27c: {  	v16 =	vld [tilespmem:$0x1FC80];
	v36 =	vadd.f32 v14, v36;
	_ =	sdelay $0x1  }
0x27d: {  	v20 =	vld [tilespmem:$0x1FCB0];
	v36 =	vadd.f32 v18, v36  }
0x27e: {  	v61 =	vadd.f32 v12, v61  }
0x27f: {  	v36 =	vadd.f32 v3, v36;
	v3 =	vld [tilespmem:$0x1FCE0]  }
0x280: {  	v61 =	vadd.f32 v16, v61;
	_ =	sdelay $0x1  }
0x281: {  	v61 =	vadd.f32 v20, v61;
	_ =	sdelay $0x1  }
0x282: {  	v61 =	vadd.f32 v3, v61;
	v3 =	vld [tilespmem:$0x1FCF0];
	_ =	sdelay $0x4  }
0x283: {  	v15 =	vadd.f32 v3, v15;
	v3 =	vld [tilespmem:$0x1FD00];
	_ =	sdelay $0x4  }
0x284: {  	v36 =	vadd.f32 v3, v36;
	v3 =	vld [tilespmem:$0x1FD10];
	_ =	sdelay $0x3  }
0x285: {  	v46 =	vld [tilespmem:$0x1C40]  }
0x286: {  	v61 =	vadd.f32 v3, v61;
	v3 =	vld [tilespmem:$0x1FD20];
	_ =	sdelay $0x2  }
0x287: {  	v22 =	vld [tilespmem:$0x15F0]  }
0x288: {  	[tilespmem:$0x1FF30] =	vst v46;
	v46 =	vld [tilespmem:$0x1750]  }
0x289: {  	v15 =	vadd.f32 v3, v15;
	v3 =	vld [tilespmem:$0x1FD30]  }
0x28a: {  	v6 =	vld [tilespmem:$0x13B0]  }
0x28b: {  	v40 =	vld [tilespmem:$0x14D0]  }
0x28c: {  	v54 =	vld [tilespmem:$0x1B10]  }
0x28d: {  	v34 =	vld [tilespmem:$0x1FE0]  }
0x28e: {  	v36 =	vadd.f32 v3, v36;
	v3 =	vld [tilespmem:$0x1FD40]  }
0x28f: {  	v47 =	vld [tilespmem:$0x19B0]  }
0x290: {  	v7 =	vld [tilespmem:$0x14F0]  }
0x291: {  	v38 =	vld [tilespmem:$0x1730]  }
0x292: {  	v43 =	vld [tilespmem:$0x1870]  }
0x293: {  	v61 =	vadd.f32 v3, v61;
	v3 =	vld [tilespmem:$0x1FD50]  }
0x294: {  	v53 =	vld [tilespmem:$0x1AF0]  }
0x295: {  	v19 =	vld [tilespmem:$0xD70]  }
0x296: {  	v29 =	vld [tilespmem:$0xFF0]  }
0x297: {  	v10 =	vld [tilespmem:$0x1270]  }
0x298: {  	v15 =	vadd.f32 v3, v15;
	v3 =	vld [tilespmem:$0x1FD60]  }
0x299: {  	v51 =	vld [tilespmem:$0x1600]  }
0x29a: {  	v56 =	vld [tilespmem:$0xE80];
	v5 =	vadd.f32 v22, v5  }
0x29b: {  	v22 =	vld [tilespmem:$0x1770]  }
0x29c: {  	v5 =	vadd.f32 v38, v5;
	v38 =	vld [tilespmem:$0x19F0]  }
0x29d: {  	v36 =	vadd.f32 v3, v36;
	v3 =	vld [tilespmem:$0x1FD70]  }
0x29e: {  	[tilespmem:$0x1FEE0] =	vst v51;
	v51 =	vld [tilespmem:$0x1D80];
	v5 =	vadd.f32 v43, v5  }
0x29f: {  	v43 =	vld [tilespmem:$0x1C70]  }
0x2a0: {  	v5 =	vadd.f32 v47, v5;
	v47 =	vld [tilespmem:$0x1EF0]  }
0x2a1: {  	v39 =	vld [tilespmem:$0x1B00]  }
0x2a2: {  	v61 =	vadd.f32 v3, v61;
	v3 =	vld [tilespmem:$0x1FD80]  }
0x2a3: {  	v5 =	vadd.f32 v53, v5;
	v53 =	vld [tilespmem:$0xD80]  }
0x2a4: {  	[tilespmem:$0x1FF40] =	vst v51;
	v51 =	vld [tilespmem:$0x19D0]  }
0x2a5: {  	v55 =	vld [tilespmem:$0x1EC0]  }
0x2a6: {  	v62 =	vld [tilespmem:$0x2000]  }
0x2a7: {  	v15 =	vadd.f32 v3, v15;
	v3 =	vld [tilespmem:$0x1FD90]  }
0x2a8: {  	v35 =	vld [tilespmem:$0x1390]  }
0x2a9: {  	v50 =	vld [tilespmem:$0x1890]  }
0x2aa: {  	v31 =	vld [tilespmem:$0xD50]  }
0x2ab: {  	v32 =	vld [tilespmem:$0x1110]  }
0x2ac: {  	v36 =	vadd.f32 v3, v36;
	v3 =	vld [tilespmem:$0x1FDA0]  }
0x2ad: {  	[tilespmem:$0x1FF20] =	vst v39;
	v39 =	vld [tilespmem:$0xE90]  }
0x2ae: {  	v41 =	vld [tilespmem:$0x1250]  }
0x2af: {  	v59 =	vld [tilespmem:$0x2010]  }
0x2b0: {  	v37 =	vld [tilespmem:$0xFD0]  }
0x2b1: {  	v61 =	vadd.f32 v3, v61;
	v3 =	vld [tilespmem:$0x1FDB0]  }
0x2b2: {  	[tilespmem:$0x1FF50] =	vst v55;
	v55 =	vld [tilespmem:$0x1C50]  }
0x2b3: {  	[tilespmem:$0x1FF60] =	vst v62;
	v62 =	vld [tilespmem:$0x1ED0]  }
0x2b4: {  	v58 =	vld [tilespmem:$0x1D90]  }
0x2b5: {  	v42 =	vld [tilespmem:$0x1610]  }
0x2b6: {  	v15 =	vadd.f32 v3, v15;
	v3 =	vld [tilespmem:$0x1FDC0]  }
0x2b7: {  	[tilespmem:$0x1FF70] =	vst v59;
	v59 =	vld [tilespmem:$0x1120]  }
0x2b8: {  	v49 =	vld [tilespmem:$0x1620]  }
0x2b9: {  	v45 =	vld [tilespmem:$0x1760]  }
0x2ba: {  	v27 =	vld [tilespmem:$0xD60]  }
0x2bb: {  	v36 =	vadd.f32 v3, v36;
	v3 =	vld [tilespmem:$0x1FDD0]  }
0x2bc: {  	v57 =	vld [tilespmem:$0xFE0]  }
0x2bd: {  	v48 =	vld [tilespmem:$0xEA0]  }
0x2be: {  	v60 =	vld [tilespmem:$0x1260]  }
0x2bf: {  	v44 =	vld [tilespmem:$0x13A0]  }
0x2c0: {  	v61 =	vadd.f32 v3, v61;
	v3 =	vld [tilespmem:$0x1FDE0]  }
0x2c1: {  	v24 =	vld [tilespmem:$0x1B20]  }
0x2c2: {  	v52 =	vld [tilespmem:$0x14E0]  }
0x2c3: {  	v26 =	vld [tilespmem:$0x19E0];
	v48 =	vadd.f32 v48, v27  }
0x2c4: {  	v27 =	vld [tilespmem:$0x1A00]  }
0x2c5: {  	v48 =	vadd.f32 v57, v48;
	v5 =	vadd.f32 v3, v5;
	v3 =	vld [tilespmem:$0x1FDF0]  }
0x2c6: {  	v25 =	vld [tilespmem:$0x1EE0]  }
0x2c7: {  	v48 =	vadd.f32 v59, v48;
	v59 =	vld [tilespmem:$0x1FEE0]  }
0x2c8: {  	v23 =	vld [tilespmem:$0x18A0]  }
0x2c9: {  	v28 =	vld [tilespmem:$0x2020]  }
0x2ca: {  	v15 =	vadd.f32 v3, v15;
	v3 =	vld [tilespmem:$0x1FE00]  }
0x2cb: {  	[tilespmem:$0x1FFF0] =	vst v4;
	v4 =	vld [tilespmem:$0x1130]  }
0x2cc: {  	v33 =	vld [tilespmem:$0x1C60]  }
0x2cd: {  	v30 =	vld [tilespmem:$0x1DA0]  }
0x2ce: {  	v21 =	vld [tilespmem:$0x1FE20]  }
0x2cf: {  	v36 =	vadd.f32 v3, v36;
	v3 =	vld [tilespmem:$0x1FE10]  }
0x2d0: {  	v63 =	vld [tilespmem:$0xEB0]  }
0x2d1: {  	v8 =	vld [tilespmem:$0x1630]  }
0x2d2: {  	v12 =	vld [tilespmem:$0xEC0]  }
0x2d3: {  	v5 =	vadd.f32 v21, v5;
	v21 =	vld [tilespmem:$0x1FE40]  }
0x2d4: {  	v3 =	vadd.f32 v3, v61;
	v61 =	vld [tilespmem:$0x1FE30]  }
0x2d5: {  	v16 =	vld [tilespmem:$0x1140]  }
0x2d6: {  	v13 =	vld [tilespmem:$0x1000]  }
0x2d7: {  	v9 =	vld [tilespmem:$0x18B0]  }
0x2d8: {  	v12 =	vadd.f32 v12, v53;
	v53 =	vld [tilespmem:$0x12B0]  }
0x2d9: {  	v61 =	vadd.f32 v61, v15;
	v15 =	vadd.f32 v21, v36;
	v36 =	vld [tilespmem:$0x1FE50]  }
0x2da: {  	v18 =	vld [tilespmem:$0x1280]  }
0x2db: {  	v12 =	vadd.f32 v13, v12;
	v21 =	vld [tilespmem:$0x1FE70]  }
0x2dc: {  	v11 =	vld [tilespmem:$0x1B30]  }
0x2dd: {  	v20 =	vld [tilespmem:$0x13C0];
	v12 =	vadd.f32 v16, v12  }
0x2de: {  	v36 =	vadd.f32 v36, v3;
	v3 =	vld [tilespmem:$0x1FE60]  }
0x2df: {  	v17 =	vld [tilespmem:$0x2030];
	v12 =	vadd.f32 v18, v12  }
0x2e0: {  	v34 =	vadd.f32 v34, v15;
	v15 =	vadd.f32 v56, v21;
	v56 =	vld [tilespmem:$0x1FE80]  }
0x2e1: {  	v14 =	vld [tilespmem:$0x1DB0]  }
0x2e2: {  	v12 =	vadd.f32 v20, v12;
	v20 =	vld [tilespmem:$0x17A0]  }
0x2e3: {  	v21 =	vld [tilespmem:$0x1640];
	v3 =	vadd.f32 v3, v5  }
0x2e4: {  	v5 =	vld [tilespmem:$0x1500]  }
0x2e5: {  	v56 =	vadd.f32 v56, v3;
	v3 =	vadd.f32 v39, v31;
	v39 =	vld [tilespmem:$0x1780]  }
0x2e6: {  	v31 =	vld [tilespmem:$0x1FE90]  }
0x2e7: {  	v3 =	vadd.f32 v37, v3;
	v37 =	vadd.f32 v63, v19;
	v63 =	vld [tilespmem:$0x1FEA0]  }
0x2e8: {  	v19 =	vld [tilespmem:$0x1B40]  }
0x2e9: {  	v29 =	vadd.f32 v29, v37;
	v37 =	vld [tilespmem:$0x1FEB0]  }
0x2ea: {  	v5 =	vadd.f32 v5, v12;
	v3 =	vadd.f32 v32, v3;
	v32 =	vld [tilespmem:$0x1DC0]  }
0x2eb: {  	v31 =	vadd.f32 v31, v15;
	v15 =	vld [tilespmem:$0x18C0]  }
0x2ec: {  	v5 =	vadd.f32 v21, v5;
	v21 =	vld [tilespmem:$0x17B0]  }
0x2ed: {  	v4 =	vadd.f32 v4, v29;
	v29 =	vld [tilespmem:$0x1F00]  }
0x2ee: {  	v41 =	vadd.f32 v41, v3;
	v3 =	vld [tilespmem:$0x1FEC0]  }
0x2ef: {  	v63 =	vadd.f32 v63, v31;
	v31 =	vld [tilespmem:$0x1C80]  }
0x2f0: {  	v5 =	vadd.f32 v39, v5;
	v39 =	vld [tilespmem:$0x1FF90]  }
0x2f1: {  	v4 =	vadd.f32 v10, v4;
	v10 =	vld [tilespmem:$0xD90]  }
0x2f2: {  	v35 =	vadd.f32 v35, v41;
	v41 =	vld [tilespmem:$0x1150]  }
0x2f3: {  	v57 =	vadd.f32 v37, v63;
	v63 =	vld [tilespmem:$0x1FED0]  }
0x2f4: {  	v48 =	vadd.f32 v60, v48;
	v4 =	vadd.f32 v6, v4;
	v6 =	vld [tilespmem:$0x1010]  }
0x2f5: {  	v37 =	vadd.f32 v3, v57;
	v3 =	vld [tilespmem:$0x2040]  }
0x2f6: {  	v57 =	vadd.f32 v44, v48;
	v44 =	vld [tilespmem:$0xED0]  }
0x2f7: {  	v35 =	vadd.f32 v40, v35;
	v48 =	vld [tilespmem:$0x1FF00]  }
0x2f8: {  	v4 =	vadd.f32 v7, v4;
	v7 =	vld [tilespmem:$0x1290]  }
0x2f9: {  	v35 =	vadd.f32 v42, v35;
	v42 =	vld [tilespmem:$0x13D0]  }
0x2fa: {  	v60 =	vadd.f32 v52, v57;
	v52 =	vld [tilespmem:$0x1FF40]  }
0x2fb: {  	v57 =	vld [tilespmem:$0xEE0]  }
0x2fc: {  	v37 =	vadd.f32 v63, v37;
	v63 =	vld [tilespmem:$0x1FEF0]  }
0x2fd: {  	v4 =	vadd.f32 v8, v4;
	v8 =	vld [tilespmem:$0x1510]  }
0x2fe: {  	v35 =	vadd.f32 v46, v35;
	v46 =	vld [tilespmem:$0x1FFC0]  }
0x2ff: {  	v40 =	vadd.f32 v49, v60;
	v49 =	vld [tilespmem:$0x1FF10]  }
0x300: {  	v60 =	vld [tilespmem:$0xEF0]  }
0x301: {  	v4 =	vadd.f32 v22, v4;
	v22 =	vld [tilespmem:$0x1790]  }
0x302: {  	v35 =	vadd.f32 v50, v35;
	v50 =	vld [tilespmem:$0x1FF20]  }
0x303: {  	v37 =	vadd.f32 v59, v37;
	v59 =	vld [tilespmem:$0x1FF60]  }
0x304: {  	v10 =	vadd.f32 v44, v10;
	v44 =	vld [tilespmem:$0x1FFB0]  }
0x305: {  	v40 =	vadd.f32 v45, v40;
	v45 =	vld [tilespmem:$0x1650]  }
0x306: {  	v4 =	vadd.f32 v9, v4;
	v9 =	vld [tilespmem:$0x1A10]  }
0x307: {  	v35 =	vadd.f32 v51, v35;
	v51 =	vld [tilespmem:$0x1FF30]  }
0x308: {  	v23 =	vadd.f32 v23, v40;
	v40 =	vld [tilespmem:$0x18D0]  }
0x309: {  	v37 =	vadd.f32 v63, v37;
	v63 =	vld [tilespmem:$0x1020]  }
0x30a: {  	v6 =	vadd.f32 v6, v10;
	v4 =	vadd.f32 v38, v4;
	v38 =	vld [tilespmem:$0x1C90]  }
0x30b: {  	v35 =	vadd.f32 v54, v35;
	v54 =	vld [tilespmem:$0xDA0]  }
0x30c: {  	v6 =	vadd.f32 v41, v6;
	v41 =	vld [tilespmem:$0x1A20]  }
0x30d: {  	v23 =	vadd.f32 v26, v23;
	v26 =	vld [tilespmem:$0x1B50]  }
0x30e: {  	v37 =	vadd.f32 v48, v37;
	v48 =	vld [tilespmem:$0x1160]  }
0x30f: {  	v5 =	vadd.f32 v15, v5;
	v4 =	vadd.f32 v11, v4;
	v11 =	vld [tilespmem:$0x1F10]  }
0x310: {  	v35 =	vadd.f32 v55, v35;
	v55 =	vld [tilespmem:$0x1FF50];
	v6 =	vadd.f32 v7, v6  }
0x311: {  	v23 =	vadd.f32 v24, v23;
	v24 =	vld [tilespmem:$0x1DD0];
	v4 =	vadd.f32 v43, v4  }
0x312: {  	v37 =	vadd.f32 v49, v37;
	v35 =	vadd.f32 v58, v35;
	v58 =	vld [tilespmem:$0xDB0]  }
0x313: {  	v6 =	vadd.f32 v42, v6;
	v42 =	vld [tilespmem:$0x1FFA0];
	v4 =	vadd.f32 v14, v4  }
0x314: {  	v43 =	vld [tilespmem:$0x1A30];
	v37 =	vadd.f32 v50, v37  }
0x315: {  	v5 =	vadd.f32 v27, v5;
	v4 =	vadd.f32 v47, v4;
	v47 =	vld [tilespmem:$0x1030]  }
0x316: {  	v23 =	vadd.f32 v33, v23;
	v33 =	vld [tilespmem:$0x2050];
	v37 =	vadd.f32 v51, v37  }
0x317: {  	v5 =	vadd.f32 v19, v5;
	v49 =	vadd.f32 v57, v54;
	v50 =	vld [tilespmem:$0x1170]  }
0x318: {  	v37 =	vadd.f32 v52, v37;
	v51 =	vadd.f32 v60, v58;
	v52 =	vld [tilespmem:$0x12A0]  }
0x319: {  	v5 =	vadd.f32 v31, v5;
	v54 =	vld [tilespmem:$0x13E0];
	v13 =	vadd.f32 v63, v49  }
0x31a: {  	v35 =	vadd.f32 v62, v35;
	v62 =	vld [tilespmem:$0x1FF70];
	v10 =	vadd.f32 v47, v51  }
0x31b: {  	v13 =	vadd.f32 v48, v13;
	v37 =	vadd.f32 v55, v37;
	v55 =	vld [tilespmem:$0x13F0]  }
0x31c: {  	v5 =	vadd.f32 v32, v5;
	v58 =	vld [tilespmem:$0x1520];
	v57 =	vadd.f32 v50, v10  }
0x31d: {  	v37 =	vadd.f32 v59, v37;
	v59 =	vld [tilespmem:$0x1530];
	v13 =	vadd.f32 v52, v13  }
0x31e: {  	v6 =	vadd.f32 v8, v6;
	v60 =	vld [tilespmem:$0x1660];
	v7 =	vadd.f32 v53, v57  }
0x31f: {  	v63 =	vld [tilespmem:$0x1670];
	v35 =	vadd.f32 v62, v35;
	v62 =	vadd.f32 v54, v13  }
0x320: {  	v23 =	vadd.f32 v30, v23;
	v30 =	vld [tilespmem:$0x18F0];
	v7 =	vadd.f32 v55, v7  }
0x321: {  	v49 =	vld [tilespmem:$0x1CA0];
	v6 =	vadd.f32 v45, v6;
	v10 =	vadd.f32 v58, v62  }
0x322: {  	v23 =	vadd.f32 v25, v23;
	v25 =	vld [tilespmem:$0x18E0];
	v7 =	vadd.f32 v59, v7  }
0x323: {  	[tilespmem:$0x2100] =	vst v61;
	v5 =	vadd.f32 v29, v5;
	v45 =	vld [tilespmem:$0x1B60];
	v10 =	vadd.f32 v60, v10  }
0x324: {  	[tilespmem:$0x2120] =	vst v34;
	v48 =	vld [tilespmem:$0x1FFD0];
	v6 =	vadd.f32 v22, v6;
	v7 =	vadd.f32 v63, v7  }
0x325: {  	[tilespmem:$0x2110] =	vst v36;
	v23 =	vadd.f32 v28, v23;
	v28 =	vld [tilespmem:$0x1FF80];
	v8 =	vadd.f32 v20, v10  }
0x326: {  	[tilespmem:$0x2130] =	vst v56;
	v6 =	vadd.f32 v40, v6;
	v47 =	vld [tilespmem:$0x1B70];
	v7 =	vadd.f32 v21, v7  }
0x327: {  	[tilespmem:$0x2090] =	vst v39;
	v3 =	vadd.f32 v3, v5;
	v51 =	vld [tilespmem:$0x1CB0];
	v8 =	vadd.f32 v25, v8  }
0x328: {  	[tilespmem:$0x20C0] =	vst v46;
	v6 =	vadd.f32 v9, v6;
	v52 =	vld [tilespmem:$0x1FFF0];
	v7 =	vadd.f32 v30, v7  }
0x329: {  	[tilespmem:$0x20B0] =	vst v44;
	v4 =	vadd.f32 v17, v4;
	v50 =	vld [tilespmem:$0x1FFE0];
	v8 =	vadd.f32 v41, v8  }
0x32a: {  	[tilespmem:$0x2180] =	vst v3;
	v6 =	vadd.f32 v26, v6;
	v53 =	vld [tilespmem:$0x1DE0];
	v7 =	vadd.f32 v43, v7  }
0x32b: {  	[tilespmem:$0x20A0] =	vst v42;
	v54 =	vld [tilespmem:$0x1DF0];
	v8 =	vadd.f32 v45, v8  }
0x32c: {  	[tilespmem:$0x2170] =	vst v4;
	v6 =	vadd.f32 v38, v6;
	v55 =	vld [tilespmem:$0x1F20];
	v7 =	vadd.f32 v47, v7  }
0x32d: {  	[tilespmem:$0x2150] =	vst v35;
	v57 =	vld [tilespmem:$0x1F30];
	v8 =	vadd.f32 v49, v8  }
0x32e: {  	[tilespmem:$0x2160] =	vst v23;
	v58 =	vld [tilespmem:$0x2060];
	v6 =	vadd.f32 v24, v6;
	v7 =	vadd.f32 v51, v7  }
0x32f: {  	[tilespmem:$0x20D0] =	vst v48;
	v59 =	vld [tilespmem:$0x2070];
	v8 =	vadd.f32 v53, v8  }
0x330: {  	[tilespmem:$0x2140] =	vst v37;
	v6 =	vadd.f32 v11, v6;
	v7 =	vadd.f32 v54, v7  }
0x331: {  	[tilespmem:$0x2080] =	vst v28;
	v60 =	vadd.f32 v55, v8  }
0x332: {  	[tilespmem:$0x20F0] =	vst v52;
	v61 =	vadd.f32 v33, v6;
	v62 =	vadd.f32 v57, v7  }
0x333: {  	[tilespmem:$0x20E0] =	vst v50;
	v3 =	vadd.f32 v58, v60  }
0x334: {  	[tilespmem:$0x2190] =	vst v61;
	v63 =	vadd.f32 v59, v62  }
0x335: {  	[tilespmem:$0x21A0] =	vst v3  }
0x336: {  	[tilespmem:$0x21B0] =	vst v63  }
0x337: {  	[spmem:s4] =	stream.linear.scatter [tilespmem:s9], [sflag:$0x1], $0x140, $0x38;
	[tilespmem:$0x2340] =	vst v63  }
.Ltmp3:
0x338: {  	_ =	swait.ge [sflag:s7], $0x140;
	(pc) =	sbr.rel @p0 .LBB2_5-.Ltmp3, $3  }
0x339: {  	[sflag:s7] =	ssyncset.done $0x0  }
0x33a: {  	[sflag:s7] =	ssyncadd.s32 $0xFFFFFEC0  }
0x33b: {  	[bflag:$0x0] =	sbarrier.arrive $0xFFFF;
	_ =	sdelay $0x1  }
0x33c: {  	[tilespmem:s8], [sflag:$0x1] =	stream.linear.gather [spmem:s1], $0x1400, $0x38;
	[tilespmem:$0x2340] =	vst v63  }
0x33d: {  	_ =	swait.ge [sflag:s7], $0x1400  }
0x33e: {  	[sflag:s7] =	ssyncset.done $0x0  }
0x33f: {  	[sflag:s7] =	ssyncadd.s32 $0xFFFFEC00  }
0x340: {  	v32 =	vld [tilespmem:$0xC80]  }
0x341: {  	v31 =	vld [tilespmem:$0xDC0]  }
0x342: {  	v35 =	vld [tilespmem:$0xF00]  }
0x343: {  	v40 =	vld [tilespmem:$0x1040]  }
0x344: {  	v49 =	vld [tilespmem:$0x1180]  }
0x345: {  	v55 =	vld [tilespmem:$0x12C0]  }
0x346: {  	v3 =	vld [tilespmem:$0x1400]  }
0x347: {  	v17 =	vld [tilespmem:$0xC90]  }
0x348: {  	v14 =	vld [tilespmem:$0xDD0]  }
0x349: {  	v19 =	vld [tilespmem:$0xF10]  }
0x34a: {  	v23 =	vld [tilespmem:$0x1050]  }
0x34b: {  	v27 =	vld [tilespmem:$0x1190]  }
0x34c: {  	v43 =	vld [tilespmem:$0x12D0]  }
0x34d: {  	v47 =	vld [tilespmem:$0x1410]  }
0x34e: {  	v58 =	vld [tilespmem:$0x1550]  }
0x34f: {  	v57 =	vld [tilespmem:$0x1690]  }
0x350: {  	v8 =	vld [tilespmem:$0xCA0]  }
0x351: {  	v7 =	vld [tilespmem:$0xDE0]  }
0x352: {  	v10 =	vld [tilespmem:$0xF20]  }
0x353: {  	v12 =	vld [tilespmem:$0x1060]  }
0x354: {  	v18 =	vld [tilespmem:$0x11A0]  }
0x355: {  	v22 =	vld [tilespmem:$0x12E0]  }
0x356: {  	v26 =	vld [tilespmem:$0x1420]  }
0x357: {  	v34 =	vld [tilespmem:$0x1560]  }
0x358: {  	v39 =	vld [tilespmem:$0x16A0]  }
0x359: {  	v46 =	vld [tilespmem:$0x17E0]  }
0x35a: {  	v54 =	vld [tilespmem:$0x1920]  }
0x35b: {  	v63 =	vld [tilespmem:$0x1A60]  }
0x35c: {  	v4 =	vld [tilespmem:$0xCB0]  }
0x35d: {  	v5 =	vld [tilespmem:$0xF30]  }
0x35e: {  	v6 =	vld [tilespmem:$0x1070]  }
0x35f: {  	v9 =	vld [tilespmem:$0x11B0]  }
0x360: {  	v11 =	vld [tilespmem:$0x12F0]  }
0x361: {  	v13 =	vld [tilespmem:$0x1430]  }
0x362: {  	v20 =	vld [tilespmem:$0x1570]  }
0x363: {  	v24 =	vld [tilespmem:$0x16B0]  }
0x364: {  	v29 =	vld [tilespmem:$0x17F0]  }
0x365: {  	v37 =	vld [tilespmem:$0x1930]  }
0x366: {  	v42 =	vld [tilespmem:$0x1A70]  }
0x367: {  	v51 =	vld [tilespmem:$0x1BB0]  }
0x368: {  	v59 =	vld [tilespmem:$0x1CF0]  }
0x369: {  	v15 =	vld [tilespmem:$0x1E30]  }
0x36a: {  	v61 =	vld [tilespmem:$0x1F70]  }
0x36b: {  	v62 =	vld [tilespmem:$0xCC0]  }
0x36c: {  	v21 =	vld [tilespmem:$0xE00]  }
0x36d: {  	v25 =	vld [tilespmem:$0xF40]  }
0x36e: {  	v28 =	vld [tilespmem:$0x1080]  }
0x36f: {  	[tilespmem:$0x1F170] =	vst v3;
	v3 =	vld [tilespmem:$0x1540]  }
0x370: {  	[tilespmem:$0x1F2D0] =	vst v62;
	v62 =	vld [tilespmem:$0x1310]  }
0x371: {  	v30 =	vld [tilespmem:$0x11C0]  }
0x372: {  	v33 =	vld [tilespmem:$0x1300]  }
0x373: {  	v36 =	vld [tilespmem:$0x1440]  }
0x374: {  	[tilespmem:$0x1F180] =	vst v3;
	v3 =	vld [tilespmem:$0x1680]  }
0x375: {  	[tilespmem:$0x1F350] =	vst v62;
	v62 =	vld [tilespmem:$0x16E0]  }
0x376: {  	v38 =	vld [tilespmem:$0x1580]  }
0x377: {  	v41 =	vld [tilespmem:$0x16C0]  }
0x378: {  	v44 =	vld [tilespmem:$0x1800]  }
0x379: {  	[tilespmem:$0x1F190] =	vst v3;
	v3 =	vld [tilespmem:$0x17C0]  }
0x37a: {  	[tilespmem:$0x1F3F0] =	vst v62;
	v62 =	vld [tilespmem:$0x1830]  }
0x37b: {  	v45 =	vld [tilespmem:$0x1940]  }
0x37c: {  	v48 =	vld [tilespmem:$0x1A80]  }
0x37d: {  	v50 =	vld [tilespmem:$0x1BC0]  }
0x37e: {  	[tilespmem:$0x1F1A0] =	vst v3;
	v3 =	vld [tilespmem:$0x1900]  }
0x37f: {  	[tilespmem:$0x1F440] =	vst v62;
	v62 =	vld [tilespmem:$0x1970]  }
0x380: {  	v52 =	vld [tilespmem:$0x1D00]  }
0x381: {  	v53 =	vld [tilespmem:$0x1E40]  }
0x382: {  	v56 =	vld [tilespmem:$0x1F80]  }
0x383: {  	[tilespmem:$0x1F1C0] =	vst v3;
	v3 =	vld [tilespmem:$0x1A40]  }
0x384: {  	[tilespmem:$0x1F480] =	vst v62;
	v62 =	vld [tilespmem:$0x1AB0]  }
0x385: {  	v60 =	vld [tilespmem:$0x11D0]  }
0x386: {  	v16 =	vld [tilespmem:$0xCF0]  }
0x387: {  	[tilespmem:$0x1F450] =	vst v48;
	v48 =	vld [tilespmem:$0xCD0]  }
0x388: {  	[tilespmem:$0x1F1E0] =	vst v3;
	v3 =	vld [tilespmem:$0x1B80]  }
0x389: {  	[tilespmem:$0x1F4C0] =	vst v62;
	v62 =	vld [tilespmem:$0x1BF0]  }
0x38a: {  	[tilespmem:$0x1F410] =	vst v45;
	v45 =	vld [tilespmem:$0xE10]  }
0x38b: {  	[tilespmem:$0x1F4D0] =	vst v52;
	v52 =	vld [tilespmem:$0xF50]  }
0x38c: {  	[tilespmem:$0x1F2F0] =	vst v61;
	v61 =	vld [tilespmem:$0x1090]  }
0x38d: {  	[tilespmem:$0x1F200] =	vst v3;
	v3 =	vld [tilespmem:$0x1CC0]  }
0x38e: {  	[tilespmem:$0x1F500] =	vst v62;
	v62 =	vld [tilespmem:$0x1D30]  }
0x38f: {  	[tilespmem:$0x1F2E0] =	vst v21;
	v21 =	vld [tilespmem:$0x1450]  }
0x390: {  	[tilespmem:$0x1F300] =	vst v25;
	v25 =	vld [tilespmem:$0x1590]  }
0x391: {  	[tilespmem:$0x1F310] =	vst v28;
	v28 =	vld [tilespmem:$0x16D0]  }
0x392: {  	[tilespmem:$0x1F220] =	vst v3;
	v3 =	vld [tilespmem:$0x1E00]  }
0x393: {  	[tilespmem:$0x1F540] =	vst v62;
	v62 =	vld [tilespmem:$0x1E70]  }
0x394: {  	[tilespmem:$0x1F320] =	vst v30;
	v30 =	vld [tilespmem:$0x1810]  }
0x395: {  	[tilespmem:$0x1F340] =	vst v33;
	v33 =	vld [tilespmem:$0x1950]  }
0x396: {  	[tilespmem:$0x1F360] =	vst v36;
	v36 =	vld [tilespmem:$0x1A90]  }
0x397: {  	[tilespmem:$0x1F250] =	vst v3;
	v3 =	vld [tilespmem:$0x1F40]  }
0x398: {  	[tilespmem:$0x1F580] =	vst v62;
	v62 =	vld [tilespmem:$0x1FB0]  }
0x399: {  	[tilespmem:$0x1F380] =	vst v38;
	v38 =	vld [tilespmem:$0x1BD0]  }
0x39a: {  	[tilespmem:$0x1F3B0] =	vst v41;
	v41 =	vld [tilespmem:$0x1D10]  }
0x39b: {  	[tilespmem:$0x1F3E0] =	vst v44;
	v44 =	vld [tilespmem:$0x1E50]  }
0x39c: {  	[tilespmem:$0x1F280] =	vst v3;
	v3 =	vld [tilespmem:$0x17D0]  }
0x39d: {  	[tilespmem:$0x1F5C0] =	vst v62;
	v62 =	vld [tilespmem:$0xD00]  }
0x39e: {  	[tilespmem:$0x1F490] =	vst v50;
	v50 =	vld [tilespmem:$0x1F90]  }
0x39f: {  	[tilespmem:$0x1F550] =	vst v56;
	v56 =	vld [tilespmem:$0x1320]  }
0x3a0: {  	[tilespmem:$0x1F510] =	vst v53;
	v53 =	vld [tilespmem:$0x1460]  }
0x3a1: {  	[tilespmem:$0x1F1B0] =	vst v3;
	v3 =	vld [tilespmem:$0x1910]  }
0x3a2: {  	[tilespmem:$0x1F5A0] =	vst v62;
	v62 =	vld [tilespmem:$0xE40]  }
0x3a3: {  	[tilespmem:$0x1F330] =	vst v60;
	v60 =	vld [tilespmem:$0x15A0]  }
0x3a4: {  	[tilespmem:$0x1F2B0] =	vst v15;
	v15 =	vld [tilespmem:$0xE30]  }
0x3a5: {  	v31 =	vadd.f32 v31, v32;
	v32 =	vld [tilespmem:$0x1C00]  }
0x3a6: {  	[tilespmem:$0x1F1D0] =	vst v3;
	v3 =	vld [tilespmem:$0x1A50]  }
0x3a7: {  	v7 =	vadd.f32 v7, v8;
	[tilespmem:$0x1F5B0] =	vst v62;
	v62 =	vld [tilespmem:$0xF80]  }
0x3a8: {  	v14 =	vadd.f32 v14, v17;
	v8 =	vld [tilespmem:$0xE50]  }
0x3a9: {  	v7 =	vadd.f32 v10, v7;
	v10 =	vld [tilespmem:$0xD10]  }
0x3aa: {  	v35 =	vadd.f32 v35, v31;
	v31 =	vadd.f32 v19, v14;
	v19 =	vld [tilespmem:$0x1F170]  }
0x3ab: {  	[tilespmem:$0x1F1F0] =	vst v3;
	v3 =	vld [tilespmem:$0x1B90]  }
0x3ac: {  	[tilespmem:$0x1F5D0] =	vst v62;
	v62 =	vld [tilespmem:$0x10C0]  }
0x3ad: {  	v35 =	vadd.f32 v40, v35;
	v40 =	vld [tilespmem:$0x1FC0]  }
0x3ae: {  	v14 =	vadd.f32 v23, v31;
	v31 =	vld [tilespmem:$0x1350]  }
0x3af: {  	[tilespmem:$0x1F400] =	vst v30;
	v30 =	vld [tilespmem:$0xCE0]  }
0x3b0: {  	[tilespmem:$0x1F210] =	vst v3;
	v3 =	vld [tilespmem:$0x1CD0]  }
0x3b1: {  	[tilespmem:$0x1F5E0] =	vst v62;
	v62 =	vld [tilespmem:$0x1200]  }
0x3b2: {  	[tilespmem:$0x1F3D0] =	vst v28;
	v28 =	vld [tilespmem:$0xE20]  }
0x3b3: {  	[tilespmem:$0x1F470] =	vst v36;
	v36 =	vld [tilespmem:$0xF60]  }
0x3b4: {  	[tilespmem:$0x1F4F0] =	vst v41;
	v41 =	vld [tilespmem:$0x10A0]  }
0x3b5: {  	[tilespmem:$0x1F240] =	vst v3;
	v3 =	vld [tilespmem:$0x1E10]  }
0x3b6: {  	[tilespmem:$0x1F5F0] =	vst v62;
	v62 =	vld [tilespmem:$0x1340]  }
0x3b7: {  	[tilespmem:$0x1F570] =	vst v50;
	v50 =	vld [tilespmem:$0x11E0]  }
0x3b8: {  	[tilespmem:$0x1F370] =	vst v21;
	v21 =	vld [tilespmem:$0x1820]  }
0x3b9: {  	[tilespmem:$0x1F3A0] =	vst v25;
	v25 =	vld [tilespmem:$0x1960]  }
0x3ba: {  	[tilespmem:$0x1F270] =	vst v3;
	v3 =	vld [tilespmem:$0x1F50]  }
0x3bb: {  	[tilespmem:$0x1F600] =	vst v62;
	v62 =	vld [tilespmem:$0x1480]  }
0x3bc: {  	[tilespmem:$0x1F430] =	vst v33;
	v33 =	vld [tilespmem:$0x1AA0]  }
0x3bd: {  	[tilespmem:$0x1F4B0] =	vst v38;
	v38 =	vld [tilespmem:$0x1BE0]  }
0x3be: {  	[tilespmem:$0x1F530] =	vst v44;
	v44 =	vld [tilespmem:$0x1D20]  }
0x3bf: {  	[tilespmem:$0x1F2A0] =	vst v3;
	v3 =	vld [tilespmem:$0x1BA0]  }
0x3c0: {  	[tilespmem:$0x1F610] =	vst v62;
	v62 =	vld [tilespmem:$0x15C0]  }
0x3c1: {  	[tilespmem:$0x1F390] =	vst v53;
	v53 =	vld [tilespmem:$0x1E60]  }
0x3c2: {  	[tilespmem:$0x1F3C0] =	vst v60;
	v60 =	vld [tilespmem:$0x1FA0]  }
0x3c3: {  	[tilespmem:$0x1F690] =	vst v32;
	v32 =	vld [tilespmem:$0x1E80]  }
0x3c4: {  	[tilespmem:$0x1F230] =	vst v3;
	v3 =	vld [tilespmem:$0x1CE0]  }
0x3c5: {  	[tilespmem:$0x1F620] =	vst v62;
	v62 =	vld [tilespmem:$0x1700]  }
0x3c6: {  	v23 =	vld [tilespmem:$0x1F180]  }
0x3c7: {  	v17 =	vadd.f32 v27, v14;
	v14 =	vld [tilespmem:$0x1FD0]  }
0x3c8: {  	v8 =	vadd.f32 v8, v10;
	v10 =	vld [tilespmem:$0x19C0]  }
0x3c9: {  	[tilespmem:$0x1F260] =	vst v3;
	v3 =	vld [tilespmem:$0x1E20]  }
0x3ca: {  	[tilespmem:$0x1F630] =	vst v62;
	v62 =	vld [tilespmem:$0x1840]  }
0x3cb: {  	[tilespmem:$0x1F420] =	vst v21;
	v21 =	vld [tilespmem:$0xF70]  }
0x3cc: {  	[tilespmem:$0x1F460] =	vst v25;
	v25 =	vld [tilespmem:$0x10B0]  }
0x3cd: {  	[tilespmem:$0x1F4A0] =	vst v33;
	v33 =	vld [tilespmem:$0x11F0]  }
0x3ce: {  	[tilespmem:$0x1F290] =	vst v3;
	v3 =	vld [tilespmem:$0x1F60]  }
0x3cf: {  	[tilespmem:$0x1F640] =	vst v62;
	v62 =	vld [tilespmem:$0x1980]  }
0x3d0: {  	[tilespmem:$0x1F4E0] =	vst v38;
	v38 =	vld [tilespmem:$0x1330]  }
0x3d1: {  	[tilespmem:$0x1F520] =	vst v44;
	v44 =	vld [tilespmem:$0x1470]  }
0x3d2: {  	[tilespmem:$0x1F560] =	vst v53;
	v53 =	vld [tilespmem:$0x15B0]  }
0x3d3: {  	[tilespmem:$0x1F2C0] =	vst v3;
	v3 =	vld [tilespmem:$0xDF0]  }
0x3d4: {  	[tilespmem:$0x1F660] =	vst v62;
	v62 =	vld [tilespmem:$0x1AC0]  }
0x3d5: {  	[tilespmem:$0x1F590] =	vst v60;
	v60 =	vld [tilespmem:$0x16F0]  }
0x3d6: {  	[tilespmem:$0x1F6D0] =	vst v32;
	v32 =	vld [tilespmem:$0x15D0]  }
0x3d7: {  	v27 =	vld [tilespmem:$0x1F190]  }
0x3d8: {  	[tilespmem:$0x1F6F0] =	vst v40;
	v40 =	vld [tilespmem:$0x1F1B0]  }
0x3d9: {  	[tilespmem:$0x1F670] =	vst v62;
	v62 =	vld [tilespmem:$0x1D40];
	v3 =	vadd.f32 v3, v4  }
0x3da: {  	v4 =	vadd.f32 v49, v35;
	v35 =	vld [tilespmem:$0x1F1A0]  }
0x3db: {  	v49 =	vld [tilespmem:$0x1C10];
	v3 =	vadd.f32 v5, v3  }
0x3dc: {  	v4 =	vadd.f32 v55, v4;
	v55 =	vld [tilespmem:$0x1F1C0]  }
0x3dd: {  	v3 =	vadd.f32 v6, v3;
	v6 =	vld [tilespmem:$0x10D0]  }
0x3de: {  	v4 =	vadd.f32 v19, v4;
	v19 =	vld [tilespmem:$0x1F210]  }
0x3df: {  	[tilespmem:$0x1F6B0] =	vst v62;
	v62 =	vadd.f32 v12, v7;
	v7 =	vld [tilespmem:$0xF90]  }
0x3e0: {  	v12 =	vadd.f32 v43, v17;
	v43 =	vld [tilespmem:$0x1210]  }
0x3e1: {  	v17 =	vld [tilespmem:$0x1F1F0]  }
0x3e2: {  	[tilespmem:$0x1F6A0] =	vst v49;
	v49 =	vld [tilespmem:$0x1F2B0]  }
0x3e3: {  	v4 =	vadd.f32 v23, v4;
	v23 =	vld [tilespmem:$0x1990]  }
0x3e4: {  	v3 =	vadd.f32 v9, v3;
	v5 =	vadd.f32 v18, v62;
	v62 =	vld [tilespmem:$0x1F1D0]  }
0x3e5: {  	v18 =	vld [tilespmem:$0x1F200]  }
0x3e6: {  	v3 =	vadd.f32 v11, v3;
	v11 =	vld [tilespmem:$0xD20]  }
0x3e7: {  	v4 =	vadd.f32 v27, v4;
	v27 =	vld [tilespmem:$0x1F260]  }
0x3e8: {  	v5 =	vadd.f32 v22, v5;
	v22 =	vadd.f32 v47, v12;
	v47 =	vld [tilespmem:$0x1490]  }
0x3e9: {  	v12 =	vld [tilespmem:$0x1E90]  }
0x3ea: {  	v3 =	vadd.f32 v13, v3;
	v13 =	vld [tilespmem:$0x1F1E0]  }
0x3eb: {  	v4 =	vadd.f32 v35, v4;
	v35 =	vld [tilespmem:$0xFA0]  }
0x3ec: {  	v9 =	vadd.f32 v58, v22;
	v58 =	vld [tilespmem:$0x1710]  }
0x3ed: {  	v22 =	vld [tilespmem:$0x1F230]  }
0x3ee: {  	v5 =	vadd.f32 v26, v5;
	v26 =	vld [tilespmem:$0x1F250]  }
0x3ef: {  	v3 =	vadd.f32 v20, v3;
	v20 =	vld [tilespmem:$0x1F220]  }
0x3f0: {  	v4 =	vadd.f32 v55, v4;
	v55 =	vld [tilespmem:$0x1F2E0]  }
0x3f1: {  	v5 =	vadd.f32 v34, v5;
	v34 =	vld [tilespmem:$0x1850]  }
0x3f2: {  	v9 =	vadd.f32 v57, v9;
	v57 =	vld [tilespmem:$0x1D50]  }
0x3f3: {  	[tilespmem:$0x1F6E0] =	vst v12;
	v12 =	vld [tilespmem:$0xE60]  }
0x3f4: {  	v3 =	vadd.f32 v24, v3;
	v24 =	vld [tilespmem:$0x1F240]  }
0x3f5: {  	v5 =	vadd.f32 v39, v5;
	v39 =	vld [tilespmem:$0x1AD0]  }
0x3f6: {  	v9 =	vadd.f32 v40, v9;
	v40 =	vld [tilespmem:$0x1F290]  }
0x3f7: {  	v4 =	vadd.f32 v13, v4;
	v13 =	vld [tilespmem:$0x1FE0]  }
0x3f8: {  	v3 =	vadd.f32 v29, v3;
	v29 =	vld [tilespmem:$0x1F270]  }
0x3f9: {  	v5 =	vadd.f32 v46, v5;
	v46 =	vld [tilespmem:$0x1F2A0]  }
0x3fa: {  	v4 =	vadd.f32 v18, v4;
	v18 =	vld [tilespmem:$0x1F310]  }
0x3fb: {  	v9 =	vadd.f32 v62, v9;
	v62 =	vadd.f32 v28, v30;
	v28 =	vld [tilespmem:$0x1F330]  }
0x3fc: {  	v30 =	vld [tilespmem:$0x1F340]  }
0x3fd: {  	v3 =	vadd.f32 v37, v3;
	v37 =	vld [tilespmem:$0x10E0]  }
0x3fe: {  	[tilespmem:$0x1F650] =	vst v34;
	v34 =	vld [tilespmem:$0x1F280]  }
0x3ff: {  	[tilespmem:$0x1F6C0] =	vst v57;
	v57 =	vld [tilespmem:$0x1F2F0]  }
0x400: {  	v5 =	vadd.f32 v54, v5;
	v54 =	vld [tilespmem:$0x1F2D0]  }
0x401: {  	v9 =	vadd.f32 v17, v9;
	v17 =	vld [tilespmem:$0x1AE0]  }
0x402: {  	v11 =	vadd.f32 v12, v11;
	v12 =	vld [tilespmem:$0x1B00]  }
0x403: {  	v4 =	vadd.f32 v20, v4;
	[tilespmem:$0x1F680] =	vst v39;
	v39 =	vld [tilespmem:$0x1220]  }
0x404: {  	v3 =	vadd.f32 v42, v3;
	v42 =	vld [tilespmem:$0x14A0]  }
0x405: {  	v4 =	vadd.f32 v26, v4;
	v26 =	vld [tilespmem:$0x1360]  }
0x406: {  	v5 =	vadd.f32 v63, v5;
	v63 =	vadd.f32 v15, v16;
	v16 =	vld [tilespmem:$0x1C20]  }
0x407: {  	v9 =	vadd.f32 v19, v9;
	v15 =	vld [tilespmem:$0x1EA0]  }
0x408: {  	v3 =	vadd.f32 v51, v3;
	v51 =	vld [tilespmem:$0x1F2C0]  }
0x409: {  	v9 =	vadd.f32 v24, v9;
	v24 =	vadd.f32 v34, v4;
	v34 =	vld [tilespmem:$0x1720]  }
0x40a: {  	v5 =	vadd.f32 v22, v5;
	v22 =	vld [tilespmem:$0x19A0]  }
0x40b: {  	v3 =	vadd.f32 v59, v3;
	v59 =	vld [tilespmem:$0x1F300]  }
0x40c: {  	v5 =	vadd.f32 v27, v5;
	v27 =	vld [tilespmem:$0x15E0]  }
0x40d: {  	v9 =	vadd.f32 v29, v9;
	v3 =	vadd.f32 v49, v3;
	v49 =	vld [tilespmem:$0x1F3A0]  }
0x40e: {  	v4 =	vadd.f32 v40, v5;
	v40 =	vld [tilespmem:$0x1860]  }
0x40f: {  	v19 =	vadd.f32 v46, v9;
	v9 =	vadd.f32 v21, v63;
	v21 =	vld [tilespmem:$0x1F320]  }
0x410: {  	v5 =	vadd.f32 v36, v62;
	v36 =	vld [tilespmem:$0x1F350]  }
0x411: {  	v46 =	vld [tilespmem:$0x1F380]  }
0x412: {  	v62 =	vld [tilespmem:$0x1F460]  }
0x413: {  	v63 =	vld [tilespmem:$0x1F470]  }
0x414: {  	v20 =	vadd.f32 v57, v3;
	v3 =	vadd.f32 v45, v48;
	v45 =	vld [tilespmem:$0x1F370]  }
0x415: {  	v48 =	vld [tilespmem:$0x1F390]  }
0x416: {  	v57 =	vld [tilespmem:$0x1F420]  }
0x417: {  	v9 =	vadd.f32 v25, v9;
	v25 =	vld [tilespmem:$0xE70]  }
0x418: {  	v5 =	vadd.f32 v41, v5;
	v41 =	vld [tilespmem:$0x1F360]  }
0x419: {  	v29 =	vadd.f32 v51, v4;
	v51 =	vld [tilespmem:$0x1F3C0]  }
0x41a: {  	v4 =	vadd.f32 v55, v54;
	v54 =	vld [tilespmem:$0x1F3F0]  }
0x41b: {  	v55 =	vld [tilespmem:$0x1F400]  }
0x41c: {  	v3 =	vadd.f32 v52, v3;
	v52 =	vld [tilespmem:$0x1F3D0]  }
0x41d: {  	v9 =	vadd.f32 v33, v9;
	v33 =	vld [tilespmem:$0x1230]  }
0x41e: {  	v5 =	vadd.f32 v50, v5;
	v50 =	vld [tilespmem:$0x1F3B0]  }
0x41f: {  	v4 =	vadd.f32 v59, v4;
	v59 =	vld [tilespmem:$0x1F430]  }
0x420: {  	v3 =	vadd.f32 v61, v3;
	v61 =	vld [tilespmem:$0x1F450]  }
0x421: {  	v4 =	vadd.f32 v18, v4;
	v18 =	vld [tilespmem:$0x1D60]  }
0x422: {  	v9 =	vadd.f32 v38, v9;
	v38 =	vld [tilespmem:$0x14B0]  }
0x423: {  	v5 =	vadd.f32 v56, v5;
	v56 =	vld [tilespmem:$0x1F410]  }
0x424: {  	v3 =	vadd.f32 v28, v3;
	v28 =	vld [tilespmem:$0xFB0]  }
0x425: {  	v4 =	vadd.f32 v21, v4;
	v21 =	vld [tilespmem:$0xD30]  }
0x426: {  	v9 =	vadd.f32 v44, v9;
	v44 =	vld [tilespmem:$0x1730]  }
0x427: {  	v5 =	vadd.f32 v48, v5;
	v48 =	vld [tilespmem:$0x1AF0]  }
0x428: {  	v3 =	vadd.f32 v36, v3;
	v36 =	vld [tilespmem:$0x1370]  }
0x429: {  	v4 =	vadd.f32 v30, v4;
	v30 =	vld [tilespmem:$0x10F0]  }
0x42a: {  	v9 =	vadd.f32 v53, v9;
	v53 =	vld [tilespmem:$0x1F3E0]  }
0x42b: {  	v5 =	vadd.f32 v51, v5;
	v51 =	vld [tilespmem:$0x1F480]  }
0x42c: {  	v3 =	vadd.f32 v45, v3;
	v45 =	vld [tilespmem:$0x1870]  }
0x42d: {  	v4 =	vadd.f32 v41, v4;
	v41 =	vld [tilespmem:$0x15F0]  }
0x42e: {  	v9 =	vadd.f32 v60, v9;
	v60 =	vld [tilespmem:$0x1F440]  }
0x42f: {  	v5 =	vadd.f32 v54, v5;
	v54 =	vld [tilespmem:$0x1F4B0]  }
0x430: {  	v3 =	vadd.f32 v49, v3;
	v49 =	vld [tilespmem:$0x1C30]  }
0x431: {  	v7 =	vadd.f32 v7, v8;
	v8 =	vadd.f32 v25, v21;
	v25 =	vld [tilespmem:$0x1F5E0]  }
0x432: {  	v4 =	vadd.f32 v46, v4;
	v46 =	vld [tilespmem:$0x19B0]  }
0x433: {  	v5 =	vadd.f32 v57, v5;
	v57 =	vld [tilespmem:$0x1F4E0]  }
0x434: {  	v3 =	vadd.f32 v52, v3;
	v52 =	vld [tilespmem:$0x1F490]  }
0x435: {  	v6 =	vadd.f32 v6, v7;
	v7 =	vadd.f32 v28, v8;
	v8 =	vld [tilespmem:$0x1D80]  }
0x436: {  	v4 =	vadd.f32 v50, v4;
	v50 =	vld [tilespmem:$0x1D70]  }
0x437: {  	v5 =	vadd.f32 v62, v5;
	v62 =	vld [tilespmem:$0x1F520]  }
0x438: {  	v3 =	vadd.f32 v55, v3;
	v55 =	vld [tilespmem:$0x1F4C0]  }
0x439: {  	v9 =	vadd.f32 v60, v9;
	v60 =	vld [tilespmem:$0x1F500]  }
0x43a: {  	v30 =	vadd.f32 v30, v7;
	v7 =	vld [tilespmem:$0x2000]  }
0x43b: {  	v4 =	vadd.f32 v53, v4;
	v53 =	vld [tilespmem:$0x1F4A0]  }
0x43c: {  	v9 =	vadd.f32 v51, v9;
	v51 =	vld [tilespmem:$0x1EB0]  }
0x43d: {  	v3 =	vadd.f32 v59, v3;
	v59 =	vld [tilespmem:$0x1F4F0]  }
0x43e: {  	v30 =	vadd.f32 v33, v30;
	v33 =	vld [tilespmem:$0xFD0]  }
0x43f: {  	v4 =	vadd.f32 v56, v4;
	v56 =	vld [tilespmem:$0x1F4D0]  }
0x440: {  	v3 =	vadd.f32 v63, v3;
	v63 =	vld [tilespmem:$0x1F530]  }
0x441: {  	v30 =	vadd.f32 v36, v30;
	v36 =	vld [tilespmem:$0x14D0]  }
0x442: {  	v4 =	vadd.f32 v61, v4;
	v9 =	vadd.f32 v55, v9;
	v55 =	vld [tilespmem:$0xFC0]  }
0x443: {  	v61 =	vld [tilespmem:$0x1F510]  }
0x444: {  	v5 =	vadd.f32 v53, v5;
	v53 =	vld [tilespmem:$0xD40];
	v4 =	vadd.f32 v52, v4  }
0x445: {  	v3 =	vadd.f32 v54, v3;
	v54 =	vld [tilespmem:$0xE80]  }
0x446: {  	v30 =	vadd.f32 v38, v30;
	v38 =	vld [tilespmem:$0x1890];
	v4 =	vadd.f32 v56, v4  }
0x447: {  	v3 =	vadd.f32 v59, v3;
	v59 =	vld [tilespmem:$0x1F550]  }
0x448: {  	v4 =	vadd.f32 v61, v4;
	v61 =	vld [tilespmem:$0x1F570]  }
0x449: {  	v52 =	vld [tilespmem:$0x1FF0]  }
0x44a: {  	v9 =	vadd.f32 v60, v9;
	v60 =	vld [tilespmem:$0x1F560];
	v5 =	vadd.f32 v57, v5  }
0x44b: {  	v57 =	vld [tilespmem:$0x1F540];
	v3 =	vadd.f32 v63, v3  }
0x44c: {  	[tilespmem:$0x1F700] =	vst v14;
	v14 =	vadd.f32 v62, v5;
	v62 =	vld [tilespmem:$0x1F590]  }
0x44d: {  	v5 =	vadd.f32 v59, v4;
	v4 =	vadd.f32 v61, v3;
	v3 =	vld [tilespmem:$0x1F580]  }
0x44e: {  	v30 =	vadd.f32 v41, v30;
	v41 =	vld [tilespmem:$0xD60]  }
0x44f: {  	v56 =	vld [tilespmem:$0x1100]  }
0x450: {  	v63 =	vld [tilespmem:$0x1F5D0];
	v14 =	vadd.f32 v60, v14;
	v9 =	vadd.f32 v57, v9  }
0x451: {  	v61 =	vld [tilespmem:$0x1F5B0]  }
0x452: {  	v3 =	vadd.f32 v3, v9;
	v9 =	vadd.f32 v62, v14;
	v14 =	vld [tilespmem:$0x1F5A0]  }
0x453: {  	v30 =	vadd.f32 v44, v30;
	v44 =	vld [tilespmem:$0x1F690]  }
0x454: {  	v62 =	vld [tilespmem:$0x1F5C0]  }
0x455: {  	v60 =	vld [tilespmem:$0x14C0]  }
0x456: {  	v57 =	vld [tilespmem:$0x1240]  }
0x457: {  	v59 =	vld [tilespmem:$0x1380];
	v14 =	vadd.f32 v61, v14  }
0x458: {  	v61 =	vld [tilespmem:$0x1600]  }
0x459: {  	v3 =	vadd.f32 v62, v3;
	v62 =	vld [tilespmem:$0x1740];
	v63 =	vadd.f32 v63, v14  }
0x45a: {  	v14 =	vld [tilespmem:$0x1880]  }
0x45b: {  	v21 =	vadd.f32 v25, v63;
	v63 =	vadd.f32 v35, v11;
	v11 =	vld [tilespmem:$0x1C40]  }
0x45c: {  	v35 =	vld [tilespmem:$0x1F5F0]  }
0x45d: {  	v25 =	vadd.f32 v37, v63;
	v63 =	vadd.f32 v43, v6;
	v6 =	vld [tilespmem:$0x1EC0]  }
0x45e: {  	v37 =	vld [tilespmem:$0x1F610]  }
0x45f: {  	v43 =	vld [tilespmem:$0x1F640]  }
0x460: {  	v28 =	vadd.f32 v31, v63;
	v31 =	vld [tilespmem:$0xD50]  }
0x461: {  	v25 =	vadd.f32 v39, v25;
	v39 =	vld [tilespmem:$0x1F620]  }
0x462: {  	v63 =	vadd.f32 v45, v30;
	v30 =	vld [tilespmem:$0x19D0]  }
0x463: {  	v45 =	vld [tilespmem:$0x1F6A0]  }
0x464: {  	v21 =	vadd.f32 v35, v21;
	v35 =	vld [tilespmem:$0x1F600]  }
0x465: {  	v25 =	vadd.f32 v26, v25;
	v26 =	vld [tilespmem:$0xE90];
	v28 =	vadd.f32 v47, v28  }
0x466: {  	v47 =	vld [tilespmem:$0x1F650]  }
0x467: {  	v28 =	vadd.f32 v32, v28;
	v32 =	vld [tilespmem:$0x1250]  }
0x468: {  	v25 =	vadd.f32 v42, v25;
	v42 =	vld [tilespmem:$0x1F630]  }
0x469: {  	v21 =	vadd.f32 v35, v21;
	v35 =	vld [tilespmem:$0x1110]  }
0x46a: {  	v25 =	vadd.f32 v27, v25;
	v27 =	vld [tilespmem:$0x1390]  }
0x46b: {  	v28 =	vadd.f32 v58, v28;
	v58 =	vld [tilespmem:$0x1F660]  }
0x46c: {  	v25 =	vadd.f32 v34, v25;
	v34 =	vld [tilespmem:$0x1610]  }
0x46d: {  	v21 =	vadd.f32 v37, v21;
	v37 =	vld [tilespmem:$0x1750]  }
0x46e: {  	v28 =	vadd.f32 v47, v28;
	v47 =	vld [tilespmem:$0x1F6C0]  }
0x46f: {  	v21 =	vadd.f32 v39, v21;
	v39 =	vld [tilespmem:$0x1C50]  }
0x470: {  	v25 =	vadd.f32 v40, v25;
	v40 =	vld [tilespmem:$0x1ED0]  }
0x471: {  	v23 =	vadd.f32 v23, v28;
	v28 =	vadd.f32 v46, v63;
	v46 =	vld [tilespmem:$0x1F6B0]  }
0x472: {  	v63 =	vld [tilespmem:$0xFE0];
	v21 =	vadd.f32 v42, v21  }
0x473: {  	v26 =	vadd.f32 v26, v31;
	v42 =	vld [tilespmem:$0x1F670]  }
0x474: {  	v21 =	vadd.f32 v43, v21;
	v43 =	vld [tilespmem:$0x1F680]  }
0x475: {  	v26 =	vadd.f32 v33, v26;
	v22 =	vadd.f32 v22, v25;
	v25 =	vld [tilespmem:$0x1B10]  }
0x476: {  	v28 =	vadd.f32 v48, v28;
	v48 =	vld [tilespmem:$0x1F6D0];
	v21 =	vadd.f32 v58, v21  }
0x477: {  	v26 =	vadd.f32 v35, v26;
	v17 =	vadd.f32 v17, v22;
	v22 =	vld [tilespmem:$0x1D90]  }
0x478: {  	v28 =	vadd.f32 v49, v28;
	v49 =	vld [tilespmem:$0x1F6E0];
	v21 =	vadd.f32 v42, v21  }
0x479: {  	v16 =	vadd.f32 v16, v17;
	v17 =	vld [tilespmem:$0x2010];
	v23 =	vadd.f32 v43, v23  }
0x47a: {  	v28 =	vadd.f32 v50, v28;
	v50 =	vld [tilespmem:$0x1F6F0];
	v21 =	vadd.f32 v44, v21  }
0x47b: {  	v16 =	vadd.f32 v18, v16;
	v18 =	vld [tilespmem:$0xEA0];
	v23 =	vadd.f32 v45, v23  }
0x47c: {  	v26 =	vadd.f32 v32, v26;
	v42 =	vld [tilespmem:$0xD70];
	v21 =	vadd.f32 v46, v21  }
0x47d: {  	v15 =	vadd.f32 v15, v16;
	v16 =	vld [tilespmem:$0xEB0];
	v23 =	vadd.f32 v47, v23  }
0x47e: {  	v58 =	vld [tilespmem:$0x1F700];
	v28 =	vadd.f32 v51, v28;
	v21 =	vadd.f32 v48, v21  }
0x47f: {  	v48 =	vadd.f32 v54, v53;
	v23 =	vadd.f32 v49, v23;
	v49 =	vld [tilespmem:$0xFF0]  }
0x480: {  	v13 =	vadd.f32 v13, v15;
	v21 =	vadd.f32 v50, v21;
	v50 =	vld [tilespmem:$0x1120]  }
0x481: {  	v51 =	vld [tilespmem:$0x1130];
	v18 =	vadd.f32 v18, v41;
	v15 =	vadd.f32 v55, v48  }
0x482: {  	v28 =	vadd.f32 v52, v28;
	v52 =	vld [tilespmem:$0x1260];
	v16 =	vadd.f32 v16, v42  }
0x483: {  	v53 =	vld [tilespmem:$0x1270];
	v18 =	vadd.f32 v63, v18;
	v15 =	vadd.f32 v56, v15  }
0x484: {  	v26 =	vadd.f32 v27, v26;
	v54 =	vld [tilespmem:$0x13A0];
	v16 =	vadd.f32 v49, v16  }
0x485: {  	v55 =	vld [tilespmem:$0x13B0];
	v15 =	vadd.f32 v57, v15;
	v18 =	vadd.f32 v50, v18  }
0x486: {  	v26 =	vadd.f32 v36, v26;
	v56 =	vld [tilespmem:$0x14E0];
	v16 =	vadd.f32 v51, v16  }
0x487: {  	v57 =	vld [tilespmem:$0x14F0];
	v15 =	vadd.f32 v59, v15;
	v18 =	vadd.f32 v52, v18  }
0x488: {  	v23 =	vadd.f32 v58, v23;
	v58 =	vld [tilespmem:$0x1620];
	v16 =	vadd.f32 v53, v16  }
0x489: {  	v59 =	vld [tilespmem:$0x1630];
	v15 =	vadd.f32 v60, v15;
	v18 =	vadd.f32 v54, v18  }
0x48a: {  	v26 =	vadd.f32 v34, v26;
	v60 =	vld [tilespmem:$0x1760];
	v16 =	vadd.f32 v55, v16  }
0x48b: {  	v15 =	vadd.f32 v61, v15;
	v61 =	vld [tilespmem:$0x1770];
	v18 =	vadd.f32 v56, v18  }
0x48c: {  	v63 =	vld [tilespmem:$0x18A0];
	v16 =	vadd.f32 v57, v16  }
0x48d: {  	v36 =	vld [tilespmem:$0x18B0];
	v26 =	vadd.f32 v37, v26;
	v18 =	vadd.f32 v58, v18  }
0x48e: {  	v37 =	vld [tilespmem:$0x19E0];
	v15 =	vadd.f32 v62, v15;
	v16 =	vadd.f32 v59, v16  }
0x48f: {  	v26 =	vadd.f32 v38, v26;
	v42 =	vld [tilespmem:$0x19F0];
	v41 =	vadd.f32 v60, v18  }
0x490: {  	v43 =	vld [tilespmem:$0x1B20];
	v14 =	vadd.f32 v14, v15;
	v16 =	vadd.f32 v61, v16  }
0x491: {  	[tilespmem:$0x2080] =	vst v24;
	v45 =	vld [tilespmem:$0x1B30];
	v46 =	vadd.f32 v30, v26;
	v44 =	vadd.f32 v63, v41  }
0x492: {  	[tilespmem:$0x2090] =	vst v19;
	v47 =	vld [tilespmem:$0x1C60];
	v10 =	vadd.f32 v10, v14;
	v16 =	vadd.f32 v36, v16  }
0x493: {  	[tilespmem:$0x20B0] =	vst v20;
	v19 =	vadd.f32 v25, v46;
	v49 =	vld [tilespmem:$0x1C70];
	v48 =	vadd.f32 v37, v44  }
0x494: {  	[tilespmem:$0x20A0] =	vst v29;
	v50 =	vld [tilespmem:$0x1DA0];
	v10 =	vadd.f32 v12, v10;
	v16 =	vadd.f32 v42, v16  }
0x495: {  	[tilespmem:$0x20C0] =	vst v5;
	v53 =	vld [tilespmem:$0x1DB0];
	v54 =	vadd.f32 v39, v19;
	v52 =	vadd.f32 v43, v48  }
0x496: {  	[tilespmem:$0x20D0] =	vst v4;
	v56 =	vld [tilespmem:$0x1EE0];
	v51 =	vadd.f32 v11, v10;
	v55 =	vadd.f32 v45, v16  }
0x497: {  	[tilespmem:$0x20F0] =	vst v3;
	v3 =	vadd.f32 v22, v54;
	v58 =	vld [tilespmem:$0x1EF0];
	v57 =	vadd.f32 v47, v52  }
0x498: {  	[tilespmem:$0x20E0] =	vst v9;
	v60 =	vld [tilespmem:$0x2020];
	v5 =	vadd.f32 v8, v51;
	v59 =	vadd.f32 v49, v55  }
0x499: {  	[tilespmem:$0x2130] =	vst v28;
	v62 =	vld [tilespmem:$0x2030];
	v3 =	vadd.f32 v40, v3;
	v61 =	vadd.f32 v50, v57  }
0x49a: {  	[tilespmem:$0x2120] =	vst v13;
	v5 =	vadd.f32 v6, v5;
	v4 =	vadd.f32 v53, v59  }
0x49b: {  	[tilespmem:$0x2100] =	vst v21;
	v3 =	vadd.f32 v17, v3;
	v6 =	vadd.f32 v56, v61  }
0x49c: {  	[tilespmem:$0x2110] =	vst v23;
	v5 =	vadd.f32 v7, v5;
	v4 =	vadd.f32 v58, v4  }
0x49d: {  	[tilespmem:$0x2150] =	vst v3;
	v63 =	vadd.f32 v60, v6  }
0x49e: {  	[tilespmem:$0x2140] =	vst v5;
	v3 =	vadd.f32 v62, v4  }
0x49f: {  	[tilespmem:$0x2160] =	vst v63  }
.Ltmp4:
0x4a0: {  	[tilespmem:$0x2170] =	vst v3;
	(pc) =	sbr.rel .LBB2_5-.Ltmp4, $4  }
0x4a1: {  	[hbm4b:s5+s10] =	stream.strided.scatter [tilespmem:s9], [sflag:$0x1], $0x100, s11, s10, $0x38;
	[tilespmem:$0x2340] =	vst v63  }
0x4a2: {  	_ =	swait.ge [sflag:s7], $0x100  }
0x4a3: {  	[sflag:s7] =	ssyncset.done $0x0  }
0x4a4: {  	[sflag:s7] =	ssyncadd.s32 $0xFFFFFF00  }
.LBB2_6:
0x4a5: {  	_ =	sfence.sel $0x180000  }
0x4a6: {  	[bflag:$0x0] =	sbarrier.arrive $0xFFFF  }
0x4a7: {  	_ =	strace $0x90000047  }
0x4a8: {  	s0 =	sadd.s32 @!p0 $0x100000, s0;
	[bflag:$0x2] =	sbarrier.arrive $0xFFFF  }
0x4a9: {  	[sflag:s0] =	ssyncadd.tile.s32 @!p0 $0x1;
	_ =	shalt  }
.Lfunc_end2:
_tile_overlayer_lowered:
.L_overlay_start_2:
0x4aa: {  	(tag) =	ssettag $0x2  }
0x4ab: {  	s0 =	rddreg [dreg:$0x0];
	s2 =	stileid.u32  }
0x4ac: {  	s1 =	rddreg [dreg:$0x1];
	p0 =	sne.s32 s2, $0x0  }
0x4ad: {  	s3 =	rddreg [dreg:$0x2];
	[bflag:$0x3] =	sbarrier.arrive $0xFFFF;
	s2 =	simm.s32 @!p0 $0x1C01  }
0x4ae: {  	[timem:s3], [sflag:s2] =	dma.local @!p0 [hbm:s0], s1  }
0x4af: {  	s0 =	simm.s32 @!p0 $0x1  }
0x4b0: {  	_ =	swait.ge @!p0 [sflag:s0], s1  }
0x4b1: {  	s1 =	ssub.s32 @!p0 $0x0, s1;
	[sflag:s0] =	ssyncset.done @!p0 $0x0  }
0x4b2: {  	[sflag:s0] =	ssyncadd.s32 @!p0 s1  }
0x4b3: {  	[bflag:$0x3] =	sbarrier.arrive $0xFFFF  }
0x4b4: {  	_ =	shalt  }

</sc_bundles>
